<compile_context>
chip_gen: v7x
topology: tpu7x:2x2x1
jax: 0.10.2.dev20260603
libtpu: 0.0.44.dev20260713+nightly
codegen_flags: <defaults>
</compile_context>

<pallas_src>
import functools

import jax
import jax.numpy as jnp
from jax import lax
from jax.experimental import pallas as pl
from jax.experimental.pallas import tpu as pltpu
from jax.experimental.pallas import tpu_sc as plsc

_NC, _NS = 2, 16
_NW = _NC * _NS
_B = 16384
_RPW = _B // _NW
_SUB = 256


def _sc_gather(uidx, iidx, tidx, due, die, dte, wue, wie):
    mesh = plsc.VectorSubcoreMesh(core_axis_name="c", subcore_axis_name="s")

    @functools.partial(
        pl.kernel,
        out_type=[
            jax.ShapeDtypeStruct((_B, 32), jnp.float32),
            jax.ShapeDtypeStruct((_B, 32), jnp.float32),
            jax.ShapeDtypeStruct((_B, 8), jnp.float32),
            jax.ShapeDtypeStruct((_B, 1), jnp.float32),
            jax.ShapeDtypeStruct((_B, 1), jnp.float32),
        ],
        mesh=mesh,
        scratch_types=[
            pltpu.VMEM((_RPW,), jnp.int32),
            pltpu.VMEM((_RPW,), jnp.int32),
            pltpu.VMEM((_RPW,), jnp.int32),
            pltpu.VMEM((_SUB, 32), jnp.float32),
            pltpu.VMEM((_SUB, 8), jnp.float32),
            pltpu.VMEM((_SUB, 1), jnp.float32),
            pltpu.SemaphoreType.DMA,
        ],
    )
    def k(uidx_hbm, iidx_hbm, tidx_hbm, due_hbm, die_hbm, dte_hbm, wue_hbm,
          wie_hbm, u_out, i_out, t_out, wu_out, wi_out,
          uidx_sm, iidx_sm, tidx_sm, gb32, gb8, gb1, sem):
        wid = lax.axis_index("s") * _NC + lax.axis_index("c")
        base = wid * _RPW

        pltpu.sync_copy(uidx_hbm.at[pl.ds(base, _RPW)], uidx_sm)
        pltpu.sync_copy(iidx_hbm.at[pl.ds(base, _RPW)], iidx_sm)
        pltpu.sync_copy(tidx_hbm.at[pl.ds(base, _RPW)], tidx_sm)

        def gather_phase(idx_sm, table, gb, out):
            for s in range(_RPW // _SUB):
                def body(g, _, s=s):
                    off = pl.multiple_of(s * _SUB + g * 16, 16)
                    vec = idx_sm[pl.ds(off, 16)]
                    for l in range(16):
                        pos = g * 16 + l
                        pltpu.async_copy(
                            table.at[pl.ds(vec[l], 1), :],
                            gb.at[pl.ds(pos, 1), :],
                            sem,
                        )
                    return _
                lax.fori_loop(0, _SUB // 16, body, None)
                pltpu.make_async_copy(
                    table.at[pl.ds(0, _SUB), :], gb, sem
                ).wait()
                pltpu.sync_copy(gb, out.at[pl.ds(base + s * _SUB, _SUB), :])

        gather_phase(uidx_sm, due_hbm, gb32, u_out)
        gather_phase(iidx_sm, die_hbm, gb32, i_out)
        gather_phase(tidx_sm, dte_hbm, gb8, t_out)
        gather_phase(uidx_sm, wue_hbm, gb1, wu_out)
        gather_phase(iidx_sm, wie_hbm, gb1, wi_out)

    return k(uidx, iidx, tidx, due, die, dte, wue, wie)


def _bn(h, g, be):
    m = jnp.mean(h, axis=0, keepdims=True)
    v = jnp.mean((h - m) ** 2, axis=0, keepdims=True)
    return (h - m) * lax.rsqrt(v + 1e-5) * g + be


def _mlp_body(x, wb, w1, b1, g1, be1,
              w2, b2, g2, be2, w3, b3, g3, be3, w4, b4, out):
    f32 = jnp.float32
    xv = x[...]
    h = jnp.dot(xv, w1[...], preferred_element_type=f32) + b1[...]
    h = _bn(jnp.maximum(h, 0.0), g1[...], be1[...])
    h = jnp.maximum(jnp.dot(h, w2[...], preferred_element_type=f32) + b2[...], 0.0)
    h = _bn(h, g2[...], be2[...])
    h = jnp.maximum(jnp.dot(h, w3[...], preferred_element_type=f32) + b3[...], 0.0)
    h = _bn(h, g3[...], be3[...])
    deep = jnp.dot(h, w4[...], preferred_element_type=f32) + b4[...]
    z = deep + xv[:, 73:74] + xv[:, 74:75] + wb[...]
    out[...] = jax.nn.sigmoid(z)


def kernel(user_idx, item_idx, type_idx, price_norm, wide_user_emb,
           wide_item_emb, wide_bias, deep_user_emb, deep_item_emb,
           deep_type_emb, W1, b1, g1, be1, W2, b2, g2, be2, W3, b3, g3, be3,
           W4, b4):
    u, i, t, wu, wi = _sc_gather(user_idx.astype(jnp.int32),
                                 item_idx.astype(jnp.int32),
                                 type_idx.astype(jnp.int32),
                                 deep_user_emb, deep_item_emb, deep_type_emb,
                                 wide_user_emb, wide_item_emb)
    x = jnp.concatenate(
        [u, i, t, price_norm.reshape(_B, 1), wu, wi], axis=1)
    w1p = jnp.concatenate([W1, jnp.zeros((2, 128), jnp.float32)], axis=0)
    out = pl.pallas_call(
        _mlp_body,
        out_shape=jax.ShapeDtypeStruct((_B, 1), jnp.float32),
    )(x, wide_bias.reshape(1, 1), w1p,
      b1.reshape(1, -1), g1.reshape(1, -1), be1.reshape(1, -1),
      W2, b2.reshape(1, -1), g2.reshape(1, -1), be2.reshape(1, -1),
      W3, b3.reshape(1, -1), g3.reshape(1, -1), be3.reshape(1, -1),
      W4, b4.reshape(1, 1))
    return out[:, 0]

# --- scband reference (transcript-rebuilt; emitter-appended) ---
"""Pipeline reference for scband-wide-deep-model-82343112999567 (READ-ONLY COPY).

The authoritative reference and input builder live on the scoring server;
editing this copy changes nothing except your own understanding.
"""

import jax, jax.numpy as jnp
import numpy as np


def setup_inputs(seed: int = 0) -> dict:
    key = jax.random.key(seed)
    ks = jax.random.split(key, 16)
    n_users = 1000000; n_items = 1000000; n_types = 1000; B = 16384
    ud, idim, td = 32, 32, 8
    user_idx = jax.random.randint(ks[0], (B,), 0, n_users)
    item_idx = jax.random.randint(ks[1], (B,), 0, n_items)
    type_idx = jax.random.randint(ks[2], (B,), 0, n_types)
    price_norm = jax.random.uniform(ks[3], (B,), dtype=jnp.float32)
    wide_user_emb = (jax.random.normal(ks[4], (n_users + 1, 1), dtype=jnp.float32) * 0.01).at[0].set(0.0)
    wide_item_emb = (jax.random.normal(ks[5], (n_items + 1, 1), dtype=jnp.float32) * 0.01).at[0].set(0.0)
    wide_bias = jnp.zeros((1,), dtype=jnp.float32)
    deep_user_emb = (jax.random.normal(ks[6], (n_users + 1, ud), dtype=jnp.float32) * 0.01).at[0].set(0.0)
    deep_item_emb = (jax.random.normal(ks[7], (n_items + 1, idim), dtype=jnp.float32) * 0.01).at[0].set(0.0)
    deep_type_emb = (jax.random.normal(ks[8], (n_types + 1, td), dtype=jnp.float32) * 0.01).at[0].set(0.0)
    dims = [ud + idim + td + 1, 128, 64, 32]
    params = {}
    for li in range(3):
        fan_in = dims[li]; h = dims[li + 1]
        params['W%d' % (li + 1)] = jax.random.normal(ks[9 + li], (fan_in, h), dtype=jnp.float32) * float((2.0 / fan_in) ** 0.5)
        params['b%d' % (li + 1)] = jnp.zeros((h,), jnp.float32)
        params['g%d' % (li + 1)] = jnp.ones((h,), jnp.float32)
        params['be%d' % (li + 1)] = jnp.zeros((h,), jnp.float32)
    params['W4'] = jax.random.normal(ks[12], (32, 1), dtype=jnp.float32) * float((2.0 / 32) ** 0.5)
    params['b4'] = jnp.zeros((1,), jnp.float32)
    inp = {'user_idx': user_idx, 'item_idx': item_idx, 'type_idx': type_idx, 'price_norm': price_norm,
           'wide_user_emb': wide_user_emb, 'wide_item_emb': wide_item_emb, 'wide_bias': wide_bias,
           'deep_user_emb': deep_user_emb, 'deep_item_emb': deep_item_emb, 'deep_type_emb': deep_type_emb}
    inp.update(params)
    return inp


def _batchnorm(x, g, b):
    m = jnp.mean(x, axis=0)
    v = jnp.var(x, axis=0)
    return (x - m) / jnp.sqrt(v + 1e-5) * g + b


def reference(user_idx, item_idx, type_idx, price_norm, wide_user_emb, wide_item_emb, wide_bias,
              deep_user_emb, deep_item_emb, deep_type_emb,
              W1, b1, g1, be1, W2, b2, g2, be2, W3, b3, g3, be3, W4, b4):
    # wide part: 1-dim embeddings act as learned per-id weights
    wide_user = jnp.take(wide_user_emb, user_idx, axis=0)[:, 0]
    wide_item = jnp.take(wide_item_emb, item_idx, axis=0)[:, 0]
    wide_out = wide_user + wide_item + wide_bias[0]
    # deep part
    u_emb = jnp.take(deep_user_emb, user_idx, axis=0)
    i_emb = jnp.take(deep_item_emb, item_idx, axis=0)
    t_emb = jnp.take(deep_type_emb, type_idx, axis=0)
    deep_in = jnp.concatenate([u_emb, i_emb, t_emb, price_norm[:, None]], axis=-1)
    h = _batchnorm(jax.nn.relu(deep_in @ W1 + b1), g1, be1)
    h = _batchnorm(jax.nn.relu(h @ W2 + b2), g2, be2)
    h = _batchnorm(jax.nn.relu(h @ W3 + b3), g3, be3)
    deep_out = (h @ W4 + b4)[:, 0]
    return jax.nn.sigmoid(wide_out + deep_out)

if __name__ == "__main__":
    import jax
    _d = setup_inputs()
    print(jax.jit(kernel)(*tuple(_d.values())))

</pallas_src>

<mosaic_0001>
#map = affine_map<(d0, d1) -> (0)>
#map1 = affine_map<(d0, d1) -> (0, 0)>
module attributes {stable_mosaic.version = 14 : i64} {
  func.func @k(%arg0: i32, %arg1: i32, %arg2: memref<16384xi32, #tpu.memory_space<hbm>>, %arg3: memref<16384xi32, #tpu.memory_space<hbm>>, %arg4: memref<16384xi32, #tpu.memory_space<hbm>>, %arg5: memref<1000001x32xf32, #tpu.memory_space<hbm>>, %arg6: memref<1000001x32xf32, #tpu.memory_space<hbm>>, %arg7: memref<1001x8xf32, #tpu.memory_space<hbm>>, %arg8: memref<1000001x1xf32, #tpu.memory_space<hbm>>, %arg9: memref<1000001x1xf32, #tpu.memory_space<hbm>>, %arg10: memref<16384x32xf32, #tpu.memory_space<hbm>>, %arg11: memref<16384x32xf32, #tpu.memory_space<hbm>>, %arg12: memref<16384x8xf32, #tpu.memory_space<hbm>>, %arg13: memref<16384x1xf32, #tpu.memory_space<hbm>>, %arg14: memref<16384x1xf32, #tpu.memory_space<hbm>>, %arg15: memref<512xi32, #tpu.memory_space<vmem>>, %arg16: memref<512xi32, #tpu.memory_space<vmem>>, %arg17: memref<512xi32, #tpu.memory_space<vmem>>, %arg18: memref<256x32xf32, #tpu.memory_space<vmem>>, %arg19: memref<256x8xf32, #tpu.memory_space<vmem>>, %arg20: memref<256x1xf32, #tpu.memory_space<vmem>>, %arg21: memref<!tpu.dma_semaphore, #tpu.memory_space<semaphore_mem>>) attributes {dimension_semantics = [#tpu.dimension_semantics<core_parallel>, #tpu.dimension_semantics<subcore_parallel>], iteration_bounds = array<i64: 2, 16>, scalar_prefetch = 0 : i64, scratch_operands = 7 : i64, tpu.core_type = #tpu.core_type<sc_vector_subcore>, window_params = [{transform_indices = #map}, {transform_indices = #map}, {transform_indices = #map}, {transform_indices = #map1}, {transform_indices = #map1}, {transform_indices = #map1}, {transform_indices = #map1}, {transform_indices = #map1}, {transform_indices = #map1}, {transform_indices = #map1}, {transform_indices = #map1}, {transform_indices = #map1}, {transform_indices = #map1}]} {
    %mul3A = arith.constant 2 : i32
    %mul3A_0 = arith.muli %arg1, %mul3A : i32
    %add3A = arith.addi %mul3A_0, %arg0 : i32
    %mul3A_1 = arith.constant 512 : i32
    %mul3A_2 = arith.muli %add3A, %mul3A_1 : i32
    "tpu.region"() ({
      %run_scoped3A = tpu.sem_alloc : memref<!tpu.dma_semaphore, #tpu.memory_space<semaphore_mem>>
      %dma_start3A = tpu.memref_slice %arg2[%mul3A_2] : memref<16384xi32, #tpu.memory_space<hbm>> -> memref<512xi32, #tpu.memory_space<hbm>>
      %dma_start3A_131 = tpu.memref_slice %arg2[%mul3A_2] : memref<16384xi32, #tpu.memory_space<hbm>> -> memref<512xi32, #tpu.memory_space<hbm>>
      tpu.enqueue_dma source(%dma_start3A_131 : memref<512xi32, #tpu.memory_space<hbm>>) target(%arg15 : memref<512xi32, #tpu.memory_space<vmem>>) target_semaphore(%run_scoped3A : memref<!tpu.dma_semaphore, #tpu.memory_space<semaphore_mem>>)
      %dma_wait3A_132 = tpu.memref_slice %arg2[%mul3A_2] : memref<16384xi32, #tpu.memory_space<hbm>> -> memref<512xi32, #tpu.memory_space<hbm>>
      %dma_wait3A_133 = tpu.memref_slice %arg2[%mul3A_2] : memref<16384xi32, #tpu.memory_space<hbm>> -> memref<512xi32, #tpu.memory_space<hbm>>
      tpu.wait_dma2 semaphore(%run_scoped3A : memref<!tpu.dma_semaphore, #tpu.memory_space<semaphore_mem>>) src(%dma_wait3A_133 : memref<512xi32, #tpu.memory_space<hbm>>) dst(%arg15 : memref<512xi32, #tpu.memory_space<vmem>>)
      tpu.yield
    }) : () -> ()
    "tpu.region"() ({
      %run_scoped3A = tpu.sem_alloc : memref<!tpu.dma_semaphore, #tpu.memory_space<semaphore_mem>>
      %dma_start3A = tpu.memref_slice %arg3[%mul3A_2] : memref<16384xi32, #tpu.memory_space<hbm>> -> memref<512xi32, #tpu.memory_space<hbm>>
      %dma_start3A_131 = tpu.memref_slice %arg3[%mul3A_2] : memref<16384xi32, #tpu.memory_space<hbm>> -> memref<512xi32, #tpu.memory_space<hbm>>
      tpu.enqueue_dma source(%dma_start3A_131 : memref<512xi32, #tpu.memory_space<hbm>>) target(%arg16 : memref<512xi32, #tpu.memory_space<vmem>>) target_semaphore(%run_scoped3A : memref<!tpu.dma_semaphore, #tpu.memory_space<semaphore_mem>>)
      %dma_wait3A_132 = tpu.memref_slice %arg3[%mul3A_2] : memref<16384xi32, #tpu.memory_space<hbm>> -> memref<512xi32, #tpu.memory_space<hbm>>
      %dma_wait3A_133 = tpu.memref_slice %arg3[%mul3A_2] : memref<16384xi32, #tpu.memory_space<hbm>> -> memref<512xi32, #tpu.memory_space<hbm>>
      tpu.wait_dma2 semaphore(%run_scoped3A : memref<!tpu.dma_semaphore, #tpu.memory_space<semaphore_mem>>) src(%dma_wait3A_133 : memref<512xi32, #tpu.memory_space<hbm>>) dst(%arg16 : memref<512xi32, #tpu.memory_space<vmem>>)
      tpu.yield
    }) : () -> ()
    "tpu.region"() ({
      %run_scoped3A = tpu.sem_alloc : memref<!tpu.dma_semaphore, #tpu.memory_space<semaphore_mem>>
      %dma_start3A = tpu.memref_slice %arg4[%mul3A_2] : memref<16384xi32, #tpu.memory_space<hbm>> -> memref<512xi32, #tpu.memory_space<hbm>>
      %dma_start3A_131 = tpu.memref_slice %arg4[%mul3A_2] : memref<16384xi32, #tpu.memory_space<hbm>> -> memref<512xi32, #tpu.memory_space<hbm>>
      tpu.enqueue_dma source(%dma_start3A_131 : memref<512xi32, #tpu.memory_space<hbm>>) target(%arg17 : memref<512xi32, #tpu.memory_space<vmem>>) target_semaphore(%run_scoped3A : memref<!tpu.dma_semaphore, #tpu.memory_space<semaphore_mem>>)
      %dma_wait3A_132 = tpu.memref_slice %arg4[%mul3A_2] : memref<16384xi32, #tpu.memory_space<hbm>> -> memref<512xi32, #tpu.memory_space<hbm>>
      %dma_wait3A_133 = tpu.memref_slice %arg4[%mul3A_2] : memref<16384xi32, #tpu.memory_space<hbm>> -> memref<512xi32, #tpu.memory_space<hbm>>
      tpu.wait_dma2 semaphore(%run_scoped3A : memref<!tpu.dma_semaphore, #tpu.memory_space<semaphore_mem>>) src(%dma_wait3A_133 : memref<512xi32, #tpu.memory_space<hbm>>) dst(%arg17 : memref<512xi32, #tpu.memory_space<vmem>>)
      tpu.yield
    }) : () -> ()
    %scan3A = arith.constant 0 : i32
    %scan3A_3 = arith.constant 16 : i32
    %scan3A_4 = arith.addi %scan3A, %scan3A_3 : i32
    %scan3A_5 = arith.constant 1 : i32
    scf.for %scan3A_131 = %scan3A to %scan3A_4 step %scan3A_5  : i32 {
      %mul3A_132 = arith.constant 16 : i32
      %mul3A_133 = arith.muli %scan3A_131, %mul3A_132 : i32
      %add3A_134 = arith.constant 0 : i32
      %add3A_135 = arith.addi %add3A_134, %mul3A_133 : i32
      %multiple_of3A = tpu.assume_multiple %add3A_135, 16 : i32
      %get3A = arith.index_cast %multiple_of3A : i32 to index
      %get3A_136 = tpu.vector_load %arg15[%get3A] {strides = array<i32>} : memref<512xi32, #tpu.memory_space<vmem>>, vector<16xi32>,
      %get3A_137 = vector.shape_cast %get3A_136 : vector<16xi32> to vector<16xi32>
      %mul3A_138 = arith.constant 16 : i32
      %mul3A_139 = arith.muli %scan3A_131, %mul3A_138 : i32
      %add3A_140 = arith.constant 0 : i32
      %add3A_141 = arith.addi %mul3A_139, %add3A_140 : i32
      %slice3A = vector.extract_strided_slice %get3A_137 {offsets = [0], sizes = [1], strides = [1]} : vector<16xi32> to vector<1xi32>
      %squeeze3A = vector.extract %slice3A[0] : i32 from vector<1xi32>
      %dma_start3A = arith.constant 0 : i32
      %dma_start3A_142 = tpu.memref_slice %arg18[%add3A_141, %dma_start3A] : memref<256x32xf32, #tpu.memory_space<vmem>> -> memref<1x32xf32, #tpu.memory_space<vmem>>
      %dma_start3A_143 = arith.constant 0 : i32
      %dma_start3A_144 = tpu.memref_slice %arg5[%squeeze3A, %dma_start3A_143] : memref<1000001x32xf32, #tpu.memory_space<hbm>> -> memref<1x32xf32, #tpu.memory_space<hbm>>
      %dma_start3A_145 = arith.constant 0 : i32
      %dma_start3A_146 = tpu.memref_slice %arg18[%add3A_141, %dma_start3A_145] : memref<256x32xf32, #tpu.memory_space<vmem>> -> memref<1x32xf32, #tpu.memory_space<vmem>>
      %dma_start3A_147 = arith.constant 0 : i32
      %dma_start3A_148 = tpu.memref_slice %arg5[%squeeze3A, %dma_start3A_147] : memref<1000001x32xf32, #tpu.memory_space<hbm>> -> memref<1x32xf32, #tpu.memory_space<hbm>>
      tpu.enqueue_dma source(%dma_start3A_148 : memref<1x32xf32, #tpu.memory_space<hbm>>) target(%dma_start3A_146 : memref<1x32xf32, #tpu.memory_space<vmem>>) target_semaphore(%arg21 : memref<!tpu.dma_semaphore, #tpu.memory_space<semaphore_mem>>)
      %mul3A_149 = arith.constant 16 : i32
      %mul3A_150 = arith.muli %scan3A_131, %mul3A_149 : i32
      %add3A_151 = arith.constant 1 : i32
      %add3A_152 = arith.addi %mul3A_150, %add3A_151 : i32
      %slice3A_153 = vector.extract_strided_slice %get3A_137 {offsets = [1], sizes = [1], strides = [1]} : vector<16xi32> to vector<1xi32>
      %squeeze3A_154 = vector.extract %slice3A_153[0] : i32 from vector<1xi32>
      %dma_start3A_155 = arith.constant 0 : i32
      %dma_start3A_156 = tpu.memref_slice %arg18[%add3A_152, %dma_start3A_155] : memref<256x32xf32, #tpu.memory_space<vmem>> -> memref<1x32xf32, #tpu.memory_space<vmem>>
      %dma_start3A_157 = arith.constant 0 : i32
      %dma_start3A_158 = tpu.memref_slice %arg5[%squeeze3A_154, %dma_start3A_157] : memref<1000001x32xf32, #tpu.memory_space<hbm>> -> memref<1x32xf32, #tpu.memory_space<hbm>>
      %dma_start3A_159 = arith.constant 0 : i32
      %dma_start3A_160 = tpu.memref_slice %arg18[%add3A_152, %dma_start3A_159] : memref<256x32xf32, #tpu.memory_space<vmem>> -> memref<1x32xf32, #tpu.memory_space<vmem>>
      %dma_start3A_161 = arith.constant 0 : i32
      %dma_start3A_162 = tpu.memref_slice %arg5[%squeeze3A_154, %dma_start3A_161] : memref<1000001x32xf32, #tpu.memory_space<hbm>> -> memref<1x32xf32, #tpu.memory_space<hbm>>
      tpu.enqueue_dma source(%dma_start3A_162 : memref<1x32xf32, #tpu.memory_space<hbm>>) target(%dma_start3A_160 : memref<1x32xf32, #tpu.memory_space<vmem>>) target_semaphore(%arg21 : memref<!tpu.dma_semaphore, #tpu.memory_space<semaphore_mem>>)
      %mul3A_163 = arith.constant 16 : i32
      %mul3A_164 = arith.muli %scan3A_131, %mul3A_163 : i32
      %add3A_165 = arith.constant 2 : i32
      %add3A_166 = arith.addi %mul3A_164, %add3A_165 : i32
      %slice3A_167 = vector.extract_strided_slice %get3A_137 {offsets = [2], sizes = [1], strides = [1]} : vector<16xi32> to vector<1xi32>
      %squeeze3A_168 = vector.extract %slice3A_167[0] : i32 from vector<1xi32>
      %dma_start3A_169 = arith.constant 0 : i32
      %dma_start3A_170 = tpu.memref_slice %arg18[%add3A_166, %dma_start3A_169] : memref<256x32xf32, #tpu.memory_space<vmem>> -> memref<1x32xf32, #tpu.memory_space<vmem>>
      %dma_start3A_171 = arith.constant 0 : i32
      %dma_start3A_172 = tpu.memref_slice %arg5[%squeeze3A_168, %dma_start3A_171] : memref<1000001x32xf32, #tpu.memory_space<hbm>> -> memref<1x32xf32, #tpu.memory_space<hbm>>
      %dma_start3A_173 = arith.constant 0 : i32
      %dma_start3A_174 = tpu.memref_slice %arg18[%add3A_166, %dma_start3A_173] : memref<256x32xf32, #tpu.memory_space<vmem>> -> memref<1x32xf32, #tpu.memory_space<vmem>>
      %dma_start3A_175 = arith.constant 0 : i32
      %dma_start3A_176 = tpu.memref_slice %arg5[%squeeze3A_168, %dma_start3A_175] : memref<1000001x32xf32, #tpu.memory_space<hbm>> -> memref<1x32xf32, #tpu.memory_space<hbm>>
      tpu.enqueue_dma source(%dma_start3A_176 : memref<1x32xf32, #tpu.memory_space<hbm>>) target(%dma_start3A_174 : memref<1x32xf32, #tpu.memory_space<vmem>>) target_semaphore(%arg21 : memref<!tpu.dma_semaphore, #tpu.memory_space<semaphore_mem>>)
      %mul3A_177 = arith.constant 16 : i32
      %mul3A_178 = arith.muli %scan3A_131, %mul3A_177 : i32
      %add3A_179 = arith.constant 3 : i32
      %add3A_180 = arith.addi %mul3A_178, %add3A_179 : i32
      %slice3A_181 = vector.extract_strided_slice %get3A_137 {offsets = [3], sizes = [1], strides = [1]} : vector<16xi32> to vector<1xi32>
      %squeeze3A_182 = vector.extract %slice3A_181[0] : i32 from vector<1xi32>
      %dma_start3A_183 = arith.constant 0 : i32
      %dma_start3A_184 = tpu.memref_slice %arg18[%add3A_180, %dma_start3A_183] : memref<256x32xf32, #tpu.memory_space<vmem>> -> memref<1x32xf32, #tpu.memory_space<vmem>>
      %dma_start3A_185 = arith.constant 0 : i32
      %dma_start3A_186 = tpu.memref_slice %arg5[%squeeze3A_182, %dma_start3A_185] : memref<1000001x32xf32, #tpu.memory_space<hbm>> -> memref<1x32xf32, #tpu.memory_space<hbm>>
      %dma_start3A_187 = arith.constant 0 : i32
      %dma_start3A_188 = tpu.memref_slice %arg18[%add3A_180, %dma_start3A_187] : memref<256x32xf32, #tpu.memory_space<vmem>> -> memref<1x32xf32, #tpu.memory_space<vmem>>
      %dma_start3A_189 = arith.constant 0 : i32
      %dma_start3A_190 = tpu.memref_slice %arg5[%squeeze3A_182, %dma_start3A_189] : memref<1000001x32xf32, #tpu.memory_space<hbm>> -> memref<1x32xf32, #tpu.memory_space<hbm>>
      tpu.enqueue_dma source(%dma_start3A_190 : memref<1x32xf32, #tpu.memory_space<hbm>>) target(%dma_start3A_188 : memref<1x32xf32, #tpu.memory_space<vmem>>) target_semaphore(%arg21 : memref<!tpu.dma_semaphore, #tpu.memory_space<semaphore_mem>>)
      %mul3A_191 = arith.constant 16 : i32
      %mul3A_192 = arith.muli %scan3A_131, %mul3A_191 : i32
      %add3A_193 = arith.constant 4 : i32
      %add3A_194 = arith.addi %mul3A_192, %add3A_193 : i32
      %slice3A_195 = vector.extract_strided_slice %get3A_137 {offsets = [4], sizes = [1], strides = [1]} : vector<16xi32> to vector<1xi32>
      %squeeze3A_196 = vector.extract %slice3A_195[0] : i32 from vector<1xi32>
      %dma_start3A_197 = arith.constant 0 : i32
      %dma_start3A_198 = tpu.memref_slice %arg18[%add3A_194, %dma_start3A_197] : memref<256x32xf32, #tpu.memory_space<vmem>> -> memref<1x32xf32, #tpu.memory_space<vmem>>
      %dma_start3A_199 = arith.constant 0 : i32
      %dma_start3A_200 = tpu.memref_slice %arg5[%squeeze3A_196, %dma_start3A_199] : memref<1000001x32xf32, #tpu.memory_space<hbm>> -> memref<1x32xf32, #tpu.memory_space<hbm>>
      %dma_start3A_201 = arith.constant 0 : i32
      %dma_start3A_202 = tpu.memref_slice %arg18[%add3A_194, %dma_start3A_201] : memref<256x32xf32, #tpu.memory_space<vmem>> -> memref<1x32xf32, #tpu.memory_space<vmem>>
      %dma_start3A_203 = arith.constant 0 : i32
      %dma_start3A_204 = tpu.memref_slice %arg5[%squeeze3A_196, %dma_start3A_203] : memref<1000001x32xf32, #tpu.memory_space<hbm>> -> memref<1x32xf32, #tpu.memory_space<hbm>>
      tpu.enqueue_dma source(%dma_start3A_204 : memref<1x32xf32, #tpu.memory_space<hbm>>) target(%dma_start3A_202 : memref<1x32xf32, #tpu.memory_space<vmem>>) target_semaphore(%arg21 : memref<!tpu.dma_semaphore, #tpu.memory_space<semaphore_mem>>)
      %mul3A_205 = arith.constant 16 : i32
      %mul3A_206 = arith.muli %scan3A_131, %mul3A_205 : i32
      %add3A_207 = arith.constant 5 : i32
      %add3A_208 = arith.addi %mul3A_206, %add3A_207 : i32
      %slice3A_209 = vector.extract_strided_slice %get3A_137 {offsets = [5], sizes = [1], strides = [1]} : vector<16xi32> to vector<1xi32>
      %squeeze3A_210 = vector.extract %slice3A_209[0] : i32 from vector<1xi32>
      %dma_start3A_211 = arith.constant 0 : i32
      %dma_start3A_212 = tpu.memref_slice %arg18[%add3A_208, %dma_start3A_211] : memref<256x32xf32, #tpu.memory_space<vmem>> -> memref<1x32xf32, #tpu.memory_space<vmem>>
      %dma_start3A_213 = arith.constant 0 : i32
      %dma_start3A_214 = tpu.memref_slice %arg5[%squeeze3A_210, %dma_start3A_213] : memref<1000001x32xf32, #tpu.memory_space<hbm>> -> memref<1x32xf32, #tpu.memory_space<hbm>>
      %dma_start3A_215 = arith.constant 0 : i32
      %dma_start3A_216 = tpu.memref_slice %arg18[%add3A_208, %dma_start3A_215] : memref<256x32xf32, #tpu.memory_space<vmem>> -> memref<1x32xf32, #tpu.memory_space<vmem>>
      %dma_start3A_217 = arith.constant 0 : i32
      %dma_start3A_218 = tpu.memref_slice %arg5[%squeeze3A_210, %dma_start3A_217] : memref<1000001x32xf32, #tpu.memory_space<hbm>> -> memref<1x32xf32, #tpu.memory_space<hbm>>
      tpu.enqueue_dma source(%dma_start3A_218 : memref<1x32xf32, #tpu.memory_space<hbm>>) target(%dma_start3A_216 : memref<1x32xf32, #tpu.memory_space<vmem>>) target_semaphore(%arg21 : memref<!tpu.dma_semaphore, #tpu.memory_space<semaphore_mem>>)
      %mul3A_219 = arith.constant 16 : i32
      %mul3A_220 = arith.muli %scan3A_131, %mul3A_219 : i32
      %add3A_221 = arith.constant 6 : i32
      %add3A_222 = arith.addi %mul3A_220, %add3A_221 : i32
      %slice3A_223 = vector.extract_strided_slice %get3A_137 {offsets = [6], sizes = [1], strides = [1]} : vector<16xi32> to vector<1xi32>
      %squeeze3A_224 = vector.extract %slice3A_223[0] : i32 from vector<1xi32>
      %dma_start3A_225 = arith.constant 0 : i32
      %dma_start3A_226 = tpu.memref_slice %arg18[%add3A_222, %dma_start3A_225] : memref<256x32xf32, #tpu.memory_space<vmem>> -> memref<1x32xf32, #tpu.memory_space<vmem>>
      %dma_start3A_227 = arith.constant 0 : i32
      %dma_start3A_228 = tpu.memref_slice %arg5[%squeeze3A_224, %dma_start3A_227] : memref<1000001x32xf32, #tpu.memory_space<hbm>> -> memref<1x32xf32, #tpu.memory_space<hbm>>
      %dma_start3A_229 = arith.constant 0 : i32
      %dma_start3A_230 = tpu.memref_slice %arg18[%add3A_222, %dma_start3A_229] : memref<256x32xf32, #tpu.memory_space<vmem>> -> memref<1x32xf32, #tpu.memory_space<vmem>>
      %dma_start3A_231 = arith.constant 0 : i32
      %dma_start3A_232 = tpu.memref_slice %arg5[%squeeze3A_224, %dma_start3A_231] : memref<1000001x32xf32, #tpu.memory_space<hbm>> -> memref<1x32xf32, #tpu.memory_space<hbm>>
      tpu.enqueue_dma source(%dma_start3A_232 : memref<1x32xf32, #tpu.memory_space<hbm>>) target(%dma_start3A_230 : memref<1x32xf32, #tpu.memory_space<vmem>>) target_semaphore(%arg21 : memref<!tpu.dma_semaphore, #tpu.memory_space<semaphore_mem>>)
      %mul3A_233 = arith.constant 16 : i32
      %mul3A_234 = arith.muli %scan3A_131, %mul3A_233 : i32
      %add3A_235 = arith.constant 7 : i32
      %add3A_236 = arith.addi %mul3A_234, %add3A_235 : i32
      %slice3A_237 = vector.extract_strided_slice %get3A_137 {offsets = [7], sizes = [1], strides = [1]} : vector<16xi32> to vector<1xi32>
      %squeeze3A_238 = vector.extract %slice3A_237[0] : i32 from vector<1xi32>
      %dma_start3A_239 = arith.constant 0 : i32
      %dma_start3A_240 = tpu.memref_slice %arg18[%add3A_236, %dma_start3A_239] : memref<256x32xf32, #tpu.memory_space<vmem>> -> memref<1x32xf32, #tpu.memory_space<vmem>>
      %dma_start3A_241 = arith.constant 0 : i32
      %dma_start3A_242 = tpu.memref_slice %arg5[%squeeze3A_238, %dma_start3A_241] : memref<1000001x32xf32, #tpu.memory_space<hbm>> -> memref<1x32xf32, #tpu.memory_space<hbm>>
      %dma_start3A_243 = arith.constant 0 : i32
      %dma_start3A_244 = tpu.memref_slice %arg18[%add3A_236, %dma_start3A_243] : memref<256x32xf32, #tpu.memory_space<vmem>> -> memref<1x32xf32, #tpu.memory_space<vmem>>
      %dma_start3A_245 = arith.constant 0 : i32
      %dma_start3A_246 = tpu.memref_slice %arg5[%squeeze3A_238, %dma_start3A_245] : memref<1000001x32xf32, #tpu.memory_space<hbm>> -> memref<1x32xf32, #tpu.memory_space<hbm>>
      tpu.enqueue_dma source(%dma_start3A_246 : memref<1x32xf32, #tpu.memory_space<hbm>>) target(%dma_start3A_244 : memref<1x32xf32, #tpu.memory_space<vmem>>) target_semaphore(%arg21 : memref<!tpu.dma_semaphore, #tpu.memory_space<semaphore_mem>>)
      %mul3A_247 = arith.constant 16 : i32
      %mul3A_248 = arith.muli %scan3A_131, %mul3A_247 : i32
      %add3A_249 = arith.constant 8 : i32
      %add3A_250 = arith.addi %mul3A_248, %add3A_249 : i32
      %slice3A_251 = vector.extract_strided_slice %get3A_137 {offsets = [8], sizes = [1], strides = [1]} : vector<16xi32> to vector<1xi32>
      %squeeze3A_252 = vector.extract %slice3A_251[0] : i32 from vector<1xi32>
      %dma_start3A_253 = arith.constant 0 : i32
      %dma_start3A_254 = tpu.memref_slice %arg18[%add3A_250, %dma_start3A_253] : memref<256x32xf32, #tpu.memory_space<vmem>> -> memref<1x32xf32, #tpu.memory_space<vmem>>
      %dma_start3A_255 = arith.constant 0 : i32
      %dma_start3A_256 = tpu.memref_slice %arg5[%squeeze3A_252, %dma_start3A_255] : memref<1000001x32xf32, #tpu.memory_space<hbm>> -> memref<1x32xf32, #tpu.memory_space<hbm>>
      %dma_start3A_257 = arith.constant 0 : i32
      %dma_start3A_258 = tpu.memref_slice %arg18[%add3A_250, %dma_start3A_257] : memref<256x32xf32, #tpu.memory_space<vmem>> -> memref<1x32xf32, #tpu.memory_space<vmem>>
      %dma_start3A_259 = arith.constant 0 : i32
      %dma_start3A_260 = tpu.memref_slice %arg5[%squeeze3A_252, %dma_start3A_259] : memref<1000001x32xf32, #tpu.memory_space<hbm>> -> memref<1x32xf32, #tpu.memory_space<hbm>>
      tpu.enqueue_dma source(%dma_start3A_260 : memref<1x32xf32, #tpu.memory_space<hbm>>) target(%dma_start3A_258 : memref<1x32xf32, #tpu.memory_space<vmem>>) target_semaphore(%arg21 : memref<!tpu.dma_semaphore, #tpu.memory_space<semaphore_mem>>)
      %mul3A_261 = arith.constant 16 : i32
      %mul3A_262 = arith.muli %scan3A_131, %mul3A_261 : i32
      %add3A_263 = arith.constant 9 : i32
      %add3A_264 = arith.addi %mul3A_262, %add3A_263 : i32
      %slice3A_265 = vector.extract_strided_slice %get3A_137 {offsets = [9], sizes = [1], strides = [1]} : vector<16xi32> to vector<1xi32>
      %squeeze3A_266 = vector.extract %slice3A_265[0] : i32 from vector<1xi32>
      %dma_start3A_267 = arith.constant 0 : i32
      %dma_start3A_268 = tpu.memref_slice %arg18[%add3A_264, %dma_start3A_267] : memref<256x32xf32, #tpu.memory_space<vmem>> -> memref<1x32xf32, #tpu.memory_space<vmem>>
      %dma_start3A_269 = arith.constant 0 : i32
      %dma_start3A_270 = tpu.memref_slice %arg5[%squeeze3A_266, %dma_start3A_269] : memref<1000001x32xf32, #tpu.memory_space<hbm>> -> memref<1x32xf32, #tpu.memory_space<hbm>>
      %dma_start3A_271 = arith.constant 0 : i32
      %dma_start3A_272 = tpu.memref_slice %arg18[%add3A_264, %dma_start3A_271] : memref<256x32xf32, #tpu.memory_space<vmem>> -> memref<1x32xf32, #tpu.memory_space<vmem>>
      %dma_start3A_273 = arith.constant 0 : i32
      %dma_start3A_274 = tpu.memref_slice %arg5[%squeeze3A_266, %dma_start3A_273] : memref<1000001x32xf32, #tpu.memory_space<hbm>> -> memref<1x32xf32, #tpu.memory_space<hbm>>
      tpu.enqueue_dma source(%dma_start3A_274 : memref<1x32xf32, #tpu.memory_space<hbm>>) target(%dma_start3A_272 : memref<1x32xf32, #tpu.memory_space<vmem>>) target_semaphore(%arg21 : memref<!tpu.dma_semaphore, #tpu.memory_space<semaphore_mem>>)
      %mul3A_275 = arith.constant 16 : i32
      %mul3A_276 = arith.muli %scan3A_131, %mul3A_275 : i32
      %add3A_277 = arith.constant 10 : i32
      %add3A_278 = arith.addi %mul3A_276, %add3A_277 : i32
      %slice3A_279 = vector.extract_strided_slice %get3A_137 {offsets = [10], sizes = [1], strides = [1]} : vector<16xi32> to vector<1xi32>
      %squeeze3A_280 = vector.extract %slice3A_279[0] : i32 from vector<1xi32>
      %dma_start3A_281 = arith.constant 0 : i32
      %dma_start3A_282 = tpu.memref_slice %arg18[%add3A_278, %dma_start3A_281] : memref<256x32xf32, #tpu.memory_space<vmem>> -> memref<1x32xf32, #tpu.memory_space<vmem>>
      %dma_start3A_283 = arith.constant 0 : i32
      %dma_start3A_284 = tpu.memref_slice %arg5[%squeeze3A_280, %dma_start3A_283] : memref<1000001x32xf32, #tpu.memory_space<hbm>> -> memref<1x32xf32, #tpu.memory_space<hbm>>
      %dma_start3A_285 = arith.constant 0 : i32
      %dma_start3A_286 = tpu.memref_slice %arg18[%add3A_278, %dma_start3A_285] : memref<256x32xf32, #tpu.memory_space<vmem>> -> memref<1x32xf32, #tpu.memory_space<vmem>>
      %dma_start3A_287 = arith.constant 0 : i32
      %dma_start3A_288 = tpu.memref_slice %arg5[%squeeze3A_280, %dma_start3A_287] : memref<1000001x32xf32, #tpu.memory_space<hbm>> -> memref<1x32xf32, #tpu.memory_space<hbm>>
      tpu.enqueue_dma source(%dma_start3A_288 : memref<1x32xf32, #tpu.memory_space<hbm>>) target(%dma_start3A_286 : memref<1x32xf32, #tpu.memory_space<vmem>>) target_semaphore(%arg21 : memref<!tpu.dma_semaphore, #tpu.memory_space<semaphore_mem>>)
      %mul3A_289 = arith.constant 16 : i32
      %mul3A_290 = arith.muli %scan3A_131, %mul3A_289 : i32
      %add3A_291 = arith.constant 11 : i32
      %add3A_292 = arith.addi %mul3A_290, %add3A_291 : i32
      %slice3A_293 = vector.extract_strided_slice %get3A_137 {offsets = [11], sizes = [1], strides = [1]} : vector<16xi32> to vector<1xi32>
      %squeeze3A_294 = vector.extract %slice3A_293[0] : i32 from vector<1xi32>
      %dma_start3A_295 = arith.constant 0 : i32
      %dma_start3A_296 = tpu.memref_slice %arg18[%add3A_292, %dma_start3A_295] : memref<256x32xf32, #tpu.memory_space<vmem>> -> memref<1x32xf32, #tpu.memory_space<vmem>>
      %dma_start3A_297 = arith.constant 0 : i32
      %dma_start3A_298 = tpu.memref_slice %arg5[%squeeze3A_294, %dma_start3A_297] : memref<1000001x32xf32, #tpu.memory_space<hbm>> -> memref<1x32xf32, #tpu.memory_space<hbm>>
      %dma_start3A_299 = arith.constant 0 : i32
      %dma_start3A_300 = tpu.memref_slice %arg18[%add3A_292, %dma_start3A_299] : memref<256x32xf32, #tpu.memory_space<vmem>> -> memref<1x32xf32, #tpu.memory_space<vmem>>
      %dma_start3A_301 = arith.constant 0 : i32
      %dma_start3A_302 = tpu.memref_slice %arg5[%squeeze3A_294, %dma_start3A_301] : memref<1000001x32xf32, #tpu.memory_space<hbm>> -> memref<1x32xf32, #tpu.memory_space<hbm>>
      tpu.enqueue_dma source(%dma_start3A_302 : memref<1x32xf32, #tpu.memory_space<hbm>>) target(%dma_start3A_300 : memref<1x32xf32, #tpu.memory_space<vmem>>) target_semaphore(%arg21 : memref<!tpu.dma_semaphore, #tpu.memory_space<semaphore_mem>>)
      %mul3A_303 = arith.constant 16 : i32
      %mul3A_304 = arith.muli %scan3A_131, %mul3A_303 : i32
      %add3A_305 = arith.constant 12 : i32
      %add3A_306 = arith.addi %mul3A_304, %add3A_305 : i32
      %slice3A_307 = vector.extract_strided_slice %get3A_137 {offsets = [12], sizes = [1], strides = [1]} : vector<16xi32> to vector<1xi32>
      %squeeze3A_308 = vector.extract %slice3A_307[0] : i32 from vector<1xi32>
      %dma_start3A_309 = arith.constant 0 : i32
      %dma_start3A_310 = tpu.memref_slice %arg18[%add3A_306, %dma_start3A_309] : memref<256x32xf32, #tpu.memory_space<vmem>> -> memref<1x32xf32, #tpu.memory_space<vmem>>
      %dma_start3A_311 = arith.constant 0 : i32
      %dma_start3A_312 = tpu.memref_slice %arg5[%squeeze3A_308, %dma_start3A_311] : memref<1000001x32xf32, #tpu.memory_space<hbm>> -> memref<1x32xf32, #tpu.memory_space<hbm>>
      %dma_start3A_313 = arith.constant 0 : i32
      %dma_start3A_314 = tpu.memref_slice %arg18[%add3A_306, %dma_start3A_313] : memref<256x32xf32, #tpu.memory_space<vmem>> -> memref<1x32xf32, #tpu.memory_space<vmem>>
      %dma_start3A_315 = arith.constant 0 : i32
      %dma_start3A_316 = tpu.memref_slice %arg5[%squeeze3A_308, %dma_start3A_315] : memref<1000001x32xf32, #tpu.memory_space<hbm>> -> memref<1x32xf32, #tpu.memory_space<hbm>>
      tpu.enqueue_dma source(%dma_start3A_316 : memref<1x32xf32, #tpu.memory_space<hbm>>) target(%dma_start3A_314 : memref<1x32xf32, #tpu.memory_space<vmem>>) target_semaphore(%arg21 : memref<!tpu.dma_semaphore, #tpu.memory_space<semaphore_mem>>)
      %mul3A_317 = arith.constant 16 : i32
      %mul3A_318 = arith.muli %scan3A_131, %mul3A_317 : i32
      %add3A_319 = arith.constant 13 : i32
      %add3A_320 = arith.addi %mul3A_318, %add3A_319 : i32
      %slice3A_321 = vector.extract_strided_slice %get3A_137 {offsets = [13], sizes = [1], strides = [1]} : vector<16xi32> to vector<1xi32>
      %squeeze3A_322 = vector.extract %slice3A_321[0] : i32 from vector<1xi32>
      %dma_start3A_323 = arith.constant 0 : i32
      %dma_start3A_324 = tpu.memref_slice %arg18[%add3A_320, %dma_start3A_323] : memref<256x32xf32, #tpu.memory_space<vmem>> -> memref<1x32xf32, #tpu.memory_space<vmem>>
      %dma_start3A_325 = arith.constant 0 : i32
      %dma_start3A_326 = tpu.memref_slice %arg5[%squeeze3A_322, %dma_start3A_325] : memref<1000001x32xf32, #tpu.memory_space<hbm>> -> memref<1x32xf32, #tpu.memory_space<hbm>>
      %dma_start3A_327 = arith.constant 0 : i32
      %dma_start3A_328 = tpu.memref_slice %arg18[%add3A_320, %dma_start3A_327] : memref<256x32xf32, #tpu.memory_space<vmem>> -> memref<1x32xf32, #tpu.memory_space<vmem>>
      %dma_start3A_329 = arith.constant 0 : i32
      %dma_start3A_330 = tpu.memref_slice %arg5[%squeeze3A_322, %dma_start3A_329] : memref<1000001x32xf32, #tpu.memory_space<hbm>> -> memref<1x32xf32, #tpu.memory_space<hbm>>
      tpu.enqueue_dma source(%dma_start3A_330 : memref<1x32xf32, #tpu.memory_space<hbm>>) target(%dma_start3A_328 : memref<1x32xf32, #tpu.memory_space<vmem>>) target_semaphore(%arg21 : memref<!tpu.dma_semaphore, #tpu.memory_space<semaphore_mem>>)
      %mul3A_331 = arith.constant 16 : i32
      %mul3A_332 = arith.muli %scan3A_131, %mul3A_331 : i32
      %add3A_333 = arith.constant 14 : i32
      %add3A_334 = arith.addi %mul3A_332, %add3A_333 : i32
      %slice3A_335 = vector.extract_strided_slice %get3A_137 {offsets = [14], sizes = [1], strides = [1]} : vector<16xi32> to vector<1xi32>
      %squeeze3A_336 = vector.extract %slice3A_335[0] : i32 from vector<1xi32>
      %dma_start3A_337 = arith.constant 0 : i32
      %dma_start3A_338 = tpu.memref_slice %arg18[%add3A_334, %dma_start3A_337] : memref<256x32xf32, #tpu.memory_space<vmem>> -> memref<1x32xf32, #tpu.memory_space<vmem>>
      %dma_start3A_339 = arith.constant 0 : i32
      %dma_start3A_340 = tpu.memref_slice %arg5[%squeeze3A_336, %dma_start3A_339] : memref<1000001x32xf32, #tpu.memory_space<hbm>> -> memref<1x32xf32, #tpu.memory_space<hbm>>
      %dma_start3A_341 = arith.constant 0 : i32
      %dma_start3A_342 = tpu.memref_slice %arg18[%add3A_334, %dma_start3A_341] : memref<256x32xf32, #tpu.memory_space<vmem>> -> memref<1x32xf32, #tpu.memory_space<vmem>>
      %dma_start3A_343 = arith.constant 0 : i32
      %dma_start3A_344 = tpu.memref_slice %arg5[%squeeze3A_336, %dma_start3A_343] : memref<1000001x32xf32, #tpu.memory_space<hbm>> -> memref<1x32xf32, #tpu.memory_space<hbm>>
      tpu.enqueue_dma source(%dma_start3A_344 : memref<1x32xf32, #tpu.memory_space<hbm>>) target(%dma_start3A_342 : memref<1x32xf32, #tpu.memory_space<vmem>>) target_semaphore(%arg21 : memref<!tpu.dma_semaphore, #tpu.memory_space<semaphore_mem>>)
      %mul3A_345 = arith.constant 16 : i32
      %mul3A_346 = arith.muli %scan3A_131, %mul3A_345 : i32
      %add3A_347 = arith.constant 15 : i32
      %add3A_348 = arith.addi %mul3A_346, %add3A_347 : i32
      %slice3A_349 = vector.extract_strided_slice %get3A_137 {offsets = [15], sizes = [1], strides = [1]} : vector<16xi32> to vector<1xi32>
      %squeeze3A_350 = vector.extract %slice3A_349[0] : i32 from vector<1xi32>
      %dma_start3A_351 = arith.constant 0 : i32
      %dma_start3A_352 = tpu.memref_slice %arg18[%add3A_348, %dma_start3A_351] : memref<256x32xf32, #tpu.memory_space<vmem>> -> memref<1x32xf32, #tpu.memory_space<vmem>>
      %dma_start3A_353 = arith.constant 0 : i32
      %dma_start3A_354 = tpu.memref_slice %arg5[%squeeze3A_350, %dma_start3A_353] : memref<1000001x32xf32, #tpu.memory_space<hbm>> -> memref<1x32xf32, #tpu.memory_space<hbm>>
      %dma_start3A_355 = arith.constant 0 : i32
      %dma_start3A_356 = tpu.memref_slice %arg18[%add3A_348, %dma_start3A_355] : memref<256x32xf32, #tpu.memory_space<vmem>> -> memref<1x32xf32, #tpu.memory_space<vmem>>
      %dma_start3A_357 = arith.constant 0 : i32
      %dma_start3A_358 = tpu.memref_slice %arg5[%squeeze3A_350, %dma_start3A_357] : memref<1000001x32xf32, #tpu.memory_space<hbm>> -> memref<1x32xf32, #tpu.memory_space<hbm>>
      tpu.enqueue_dma source(%dma_start3A_358 : memref<1x32xf32, #tpu.memory_space<hbm>>) target(%dma_start3A_356 : memref<1x32xf32, #tpu.memory_space<vmem>>) target_semaphore(%arg21 : memref<!tpu.dma_semaphore, #tpu.memory_space<semaphore_mem>>)
    }
    %scan3A_6 = arith.constant 16 : i32
    %dma_wait3A = arith.constant 0 : i32
    %dma_wait3A_7 = arith.constant 0 : i32
    %dma_wait3A_8 = tpu.memref_slice %arg5[%dma_wait3A, %dma_wait3A_7] : memref<1000001x32xf32, #tpu.memory_space<hbm>> -> memref<256x32xf32, #tpu.memory_space<hbm>>
    %dma_wait3A_9 = arith.constant 0 : i32
    %dma_wait3A_10 = arith.constant 0 : i32
    %dma_wait3A_11 = tpu.memref_slice %arg5[%dma_wait3A_9, %dma_wait3A_10] : memref<1000001x32xf32, #tpu.memory_space<hbm>> -> memref<256x32xf32, #tpu.memory_space<hbm>>
    tpu.wait_dma2 semaphore(%arg21 : memref<!tpu.dma_semaphore, #tpu.memory_space<semaphore_mem>>) src(%dma_wait3A_11 : memref<256x32xf32, #tpu.memory_space<hbm>>) dst(%arg18 : memref<256x32xf32, #tpu.memory_space<vmem>>)
    %add3A_12 = arith.constant 0 : i32
    %add3A_13 = arith.addi %mul3A_2, %add3A_12 : i32
    "tpu.region"() ({
      %run_scoped3A = tpu.sem_alloc : memref<!tpu.dma_semaphore, #tpu.memory_space<semaphore_mem>>
      %dma_start3A = arith.constant 0 : i32
      %dma_start3A_131 = tpu.memref_slice %arg10[%add3A_13, %dma_start3A] : memref<16384x32xf32, #tpu.memory_space<hbm>> -> memref<256x32xf32, #tpu.memory_space<hbm>>
      %dma_start3A_132 = arith.constant 0 : i32
      %dma_start3A_133 = tpu.memref_slice %arg10[%add3A_13, %dma_start3A_132] : memref<16384x32xf32, #tpu.memory_space<hbm>> -> memref<256x32xf32, #tpu.memory_space<hbm>>
      tpu.enqueue_dma source(%arg18 : memref<256x32xf32, #tpu.memory_space<vmem>>) target(%dma_start3A_133 : memref<256x32xf32, #tpu.memory_space<hbm>>) target_semaphore(%run_scoped3A : memref<!tpu.dma_semaphore, #tpu.memory_space<semaphore_mem>>)
      %dma_wait3A_134 = arith.constant 0 : i32
      %dma_wait3A_135 = tpu.memref_slice %arg10[%add3A_13, %dma_wait3A_134] : memref<16384x32xf32, #tpu.memory_space<hbm>> -> memref<256x32xf32, #tpu.memory_space<hbm>>
      %dma_wait3A_136 = arith.constant 0 : i32
      %dma_wait3A_137 = tpu.memref_slice %arg10[%add3A_13, %dma_wait3A_136] : memref<16384x32xf32, #tpu.memory_space<hbm>> -> memref<256x32xf32, #tpu.memory_space<hbm>>
      tpu.wait_dma2 semaphore(%run_scoped3A : memref<!tpu.dma_semaphore, #tpu.memory_space<semaphore_mem>>) src(%arg18 : memref<256x32xf32, #tpu.memory_space<vmem>>) dst(%dma_wait3A_137 : memref<256x32xf32, #tpu.memory_space<hbm>>)
      tpu.yield
    }) : () -> ()
    %scan3A_14 = arith.constant 0 : i32
    %scan3A_15 = arith.constant 16 : i32
    %scan3A_16 = arith.addi %scan3A_14, %scan3A_15 : i32
    %scan3A_17 = arith.constant 1 : i32
    scf.for %scan3A_131 = %scan3A_14 to %scan3A_16 step %scan3A_17  : i32 {
      %mul3A_132 = arith.constant 16 : i32
      %mul3A_133 = arith.muli %scan3A_131, %mul3A_132 : i32
      %add3A_134 = arith.constant 256 : i32
      %add3A_135 = arith.addi %add3A_134, %mul3A_133 : i32
      %multiple_of3A = tpu.assume_multiple %add3A_135, 16 : i32
      %get3A = arith.index_cast %multiple_of3A : i32 to index
      %get3A_136 = tpu.vector_load %arg15[%get3A] {strides = array<i32>} : memref<512xi32, #tpu.memory_space<vmem>>, vector<16xi32>,
      %get3A_137 = vector.shape_cast %get3A_136 : vector<16xi32> to vector<16xi32>
      %mul3A_138 = arith.constant 16 : i32
      %mul3A_139 = arith.muli %scan3A_131, %mul3A_138 : i32
      %add3A_140 = arith.constant 0 : i32
      %add3A_141 = arith.addi %mul3A_139, %add3A_140 : i32
      %slice3A = vector.extract_strided_slice %get3A_137 {offsets = [0], sizes = [1], strides = [1]} : vector<16xi32> to vector<1xi32>
      %squeeze3A = vector.extract %slice3A[0] : i32 from vector<1xi32>
      %dma_start3A = arith.constant 0 : i32
      %dma_start3A_142 = tpu.memref_slice %arg18[%add3A_141, %dma_start3A] : memref<256x32xf32, #tpu.memory_space<vmem>> -> memref<1x32xf32, #tpu.memory_space<vmem>>
      %dma_start3A_143 = arith.constant 0 : i32
      %dma_start3A_144 = tpu.memref_slice %arg5[%squeeze3A, %dma_start3A_143] : memref<1000001x32xf32, #tpu.memory_space<hbm>> -> memref<1x32xf32, #tpu.memory_space<hbm>>
      %dma_start3A_145 = arith.constant 0 : i32
      %dma_start3A_146 = tpu.memref_slice %arg18[%add3A_141, %dma_start3A_145] : memref<256x32xf32, #tpu.memory_space<vmem>> -> memref<1x32xf32, #tpu.memory_space<vmem>>
      %dma_start3A_147 = arith.constant 0 : i32
      %dma_start3A_148 = tpu.memref_slice %arg5[%squeeze3A, %dma_start3A_147] : memref<1000001x32xf32, #tpu.memory_space<hbm>> -> memref<1x32xf32, #tpu.memory_space<hbm>>
      tpu.enqueue_dma source(%dma_start3A_148 : memref<1x32xf32, #tpu.memory_space<hbm>>) target(%dma_start3A_146 : memref<1x32xf32, #tpu.memory_space<vmem>>) target_semaphore(%arg21 : memref<!tpu.dma_semaphore, #tpu.memory_space<semaphore_mem>>)
      %mul3A_149 = arith.constant 16 : i32
      %mul3A_150 = arith.muli %scan3A_131, %mul3A_149 : i32
      %add3A_151 = arith.constant 1 : i32
      %add3A_152 = arith.addi %mul3A_150, %add3A_151 : i32
      %slice3A_153 = vector.extract_strided_slice %get3A_137 {offsets = [1], sizes = [1], strides = [1]} : vector<16xi32> to vector<1xi32>
      %squeeze3A_154 = vector.extract %slice3A_153[0] : i32 from vector<1xi32>
      %dma_start3A_155 = arith.constant 0 : i32
      %dma_start3A_156 = tpu.memref_slice %arg18[%add3A_152, %dma_start3A_155] : memref<256x32xf32, #tpu.memory_space<vmem>> -> memref<1x32xf32, #tpu.memory_space<vmem>>
      %dma_start3A_157 = arith.constant 0 : i32
      %dma_start3A_158 = tpu.memref_slice %arg5[%squeeze3A_154, %dma_start3A_157] : memref<1000001x32xf32, #tpu.memory_space<hbm>> -> memref<1x32xf32, #tpu.memory_space<hbm>>
      %dma_start3A_159 = arith.constant 0 : i32
      %dma_start3A_160 = tpu.memref_slice %arg18[%add3A_152, %dma_start3A_159] : memref<256x32xf32, #tpu.memory_space<vmem>> -> memref<1x32xf32, #tpu.memory_space<vmem>>
      %dma_start3A_161 = arith.constant 0 : i32
      %dma_start3A_162 = tpu.memref_slice %arg5[%squeeze3A_154, %dma_start3A_161] : memref<1000001x32xf32, #tpu.memory_space<hbm>> -> memref<1x32xf32, #tpu.memory_space<hbm>>
      tpu.enqueue_dma source(%dma_start3A_162 : memref<1x32xf32, #tpu.memory_space<hbm>>) target(%dma_start3A_160 : memref<1x32xf32, #tpu.memory_space<vmem>>) target_semaphore(%arg21 : memref<!tpu.dma_semaphore, #tpu.memory_space<semaphore_mem>>)
      %mul3A_163 = arith.constant 16 : i32
      %mul3A_164 = arith.muli %scan3A_131, %mul3A_163 : i32
      %add3A_165 = arith.constant 2 : i32
      %add3A_166 = arith.addi %mul3A_164, %add3A_165 : i32
      %slice3A_167 = vector.extract_strided_slice %get3A_137 {offsets = [2], sizes = [1], strides = [1]} : vector<16xi32> to vector<1xi32>
      %squeeze3A_168 = vector.extract %slice3A_167[0] : i32 from vector<1xi32>
      %dma_start3A_169 = arith.constant 0 : i32
      %dma_start3A_170 = tpu.memref_slice %arg18[%add3A_166, %dma_start3A_169] : memref<256x32xf32, #tpu.memory_space<vmem>> -> memref<1x32xf32, #tpu.memory_space<vmem>>
      %dma_start3A_171 = arith.constant 0 : i32
      %dma_start3A_172 = tpu.memref_slice %arg5[%squeeze3A_168, %dma_start3A_171] : memref<1000001x32xf32, #tpu.memory_space<hbm>> -> memref<1x32xf32, #tpu.memory_space<hbm>>
      %dma_start3A_173 = arith.constant 0 : i32
      %dma_start3A_174 = tpu.memref_slice %arg18[%add3A_166, %dma_start3A_173] : memref<256x32xf32, #tpu.memory_space<vmem>> -> memref<1x32xf32, #tpu.memory_space<vmem>>
      %dma_start3A_175 = arith.constant 0 : i32
      %dma_start3A_176 = tpu.memref_slice %arg5[%squeeze3A_168, %dma_start3A_175] : memref<1000001x32xf32, #tpu.memory_space<hbm>> -> memref<1x32xf32, #tpu.memory_space<hbm>>
      tpu.enqueue_dma source(%dma_start3A_176 : memref<1x32xf32, #tpu.memory_space<hbm>>) target(%dma_start3A_174 : memref<1x32xf32, #tpu.memory_space<vmem>>) target_semaphore(%arg21 : memref<!tpu.dma_semaphore, #tpu.memory_space<semaphore_mem>>)
      %mul3A_177 = arith.constant 16 : i32
      %mul3A_178 = arith.muli %scan3A_131, %mul3A_177 : i32
      %add3A_179 = arith.constant 3 : i32
      %add3A_180 = arith.addi %mul3A_178, %add3A_179 : i32
      %slice3A_181 = vector.extract_strided_slice %get3A_137 {offsets = [3], sizes = [1], strides = [1]} : vector<16xi32> to vector<1xi32>
      %squeeze3A_182 = vector.extract %slice3A_181[0] : i32 from vector<1xi32>
      %dma_start3A_183 = arith.constant 0 : i32
      %dma_start3A_184 = tpu.memref_slice %arg18[%add3A_180, %dma_start3A_183] : memref<256x32xf32, #tpu.memory_space<vmem>> -> memref<1x32xf32, #tpu.memory_space<vmem>>
      %dma_start3A_185 = arith.constant 0 : i32
      %dma_start3A_186 = tpu.memref_slice %arg5[%squeeze3A_182, %dma_start3A_185] : memref<1000001x32xf32, #tpu.memory_space<hbm>> -> memref<1x32xf32, #tpu.memory_space<hbm>>
      %dma_start3A_187 = arith.constant 0 : i32
      %dma_start3A_188 = tpu.memref_slice %arg18[%add3A_180, %dma_start3A_187] : memref<256x32xf32, #tpu.memory_space<vmem>> -> memref<1x32xf32, #tpu.memory_space<vmem>>
      %dma_start3A_189 = arith.constant 0 : i32
      %dma_start3A_190 = tpu.memref_slice %arg5[%squeeze3A_182, %dma_start3A_189] : memref<1000001x32xf32, #tpu.memory_space<hbm>> -> memref<1x32xf32, #tpu.memory_space<hbm>>
      tpu.enqueue_dma source(%dma_start3A_190 : memref<1x32xf32, #tpu.memory_space<hbm>>) target(%dma_start3A_188 : memref<1x32xf32, #tpu.memory_space<vmem>>) target_semaphore(%arg21 : memref<!tpu.dma_semaphore, #tpu.memory_space<semaphore_mem>>)
      %mul3A_191 = arith.constant 16 : i32
      %mul3A_192 = arith.muli %scan3A_131, %mul3A_191 : i32
      %add3A_193 = arith.constant 4 : i32
      %add3A_194 = arith.addi %mul3A_192, %add3A_193 : i32
      %slice3A_195 = vector.extract_strided_slice %get3A_137 {offsets = [4], sizes = [1], strides = [1]} : vector<16xi32> to vector<1xi32>
      %squeeze3A_196 = vector.extract %slice3A_195[0] : i32 from vector<1xi32>
      %dma_start3A_197 = arith.constant 0 : i32
      %dma_start3A_198 = tpu.memref_slice %arg18[%add3A_194, %dma_start3A_197] : memref<256x32xf32, #tpu.memory_space<vmem>> -> memref<1x32xf32, #tpu.memory_space<vmem>>
      %dma_start3A_199 = arith.constant 0 : i32
      %dma_start3A_200 = tpu.memref_slice %arg5[%squeeze3A_196, %dma_start3A_199] : memref<1000001x32xf32, #tpu.memory_space<hbm>> -> memref<1x32xf32, #tpu.memory_space<hbm>>
      %dma_start3A_201 = arith.constant 0 : i32
      %dma_start3A_202 = tpu.memref_slice %arg18[%add3A_194, %dma_start3A_201] : memref<256x32xf32, #tpu.memory_space<vmem>> -> memref<1x32xf32, #tpu.memory_space<vmem>>
      %dma_start3A_203 = arith.constant 0 : i32
      %dma_start3A_204 = tpu.memref_slice %arg5[%squeeze3A_196, %dma_start3A_203] : memref<1000001x32xf32, #tpu.memory_space<hbm>> -> memref<1x32xf32, #tpu.memory_space<hbm>>
      tpu.enqueue_dma source(%dma_start3A_204 : memref<1x32xf32, #tpu.memory_space<hbm>>) target(%dma_start3A_202 : memref<1x32xf32, #tpu.memory_space<vmem>>) target_semaphore(%arg21 : memref<!tpu.dma_semaphore, #tpu.memory_space<semaphore_mem>>)
      %mul3A_205 = arith.constant 16 : i32
      %mul3A_206 = arith.muli %scan3A_131, %mul3A_205 : i32
      %add3A_207 = arith.constant 5 : i32
      %add3A_208 = arith.addi %mul3A_206, %add3A_207 : i32
      %slice3A_209 = vector.extract_strided_slice %get3A_137 {offsets = [5], sizes = [1], strides = [1]} : vector<16xi32> to vector<1xi32>
      %squeeze3A_210 = vector.extract %slice3A_209[0] : i32 from vector<1xi32>
      %dma_start3A_211 = arith.constant 0 : i32
      %dma_start3A_212 = tpu.memref_slice %arg18[%add3A_208, %dma_start3A_211] : memref<256x32xf32, #tpu.memory_space<vmem>> -> memref<1x32xf32, #tpu.memory_space<vmem>>
      %dma_start3A_213 = arith.constant 0 : i32
      %dma_start3A_214 = tpu.memref_slice %arg5[%squeeze3A_210, %dma_start3A_213] : memref<1000001x32xf32, #tpu.memory_space<hbm>> -> memref<1x32xf32, #tpu.memory_space<hbm>>
      %dma_start3A_215 = arith.constant 0 : i32
      %dma_start3A_216 = tpu.memref_slice %arg18[%add3A_208, %dma_start3A_215] : memref<256x32xf32, #tpu.memory_space<vmem>> -> memref<1x32xf32, #tpu.memory_space<vmem>>
      %dma_start3A_217 = arith.constant 0 : i32
      %dma_start3A_218 = tpu.memref_slice %arg5[%squeeze3A_210, %dma_start3A_217] : memref<1000001x32xf32, #tpu.memory_space<hbm>> -> memref<1x32xf32, #tpu.memory_space<hbm>>
      tpu.enqueue_dma source(%dma_start3A_218 : memref<1x32xf32, #tpu.memory_space<hbm>>) target(%dma_start3A_216 : memref<1x32xf32, #tpu.memory_space<vmem>>) target_semaphore(%arg21 : memref<!tpu.dma_semaphore, #tpu.memory_space<semaphore_mem>>)
      %mul3A_219 = arith.constant 16 : i32
      %mul3A_220 = arith.muli %scan3A_131, %mul3A_219 : i32
      %add3A_221 = arith.constant 6 : i32
      %add3A_222 = arith.addi %mul3A_220, %add3A_221 : i32
      %slice3A_223 = vector.extract_strided_slice %get3A_137 {offsets = [6], sizes = [1], strides = [1]} : vector<16xi32> to vector<1xi32>
      %squeeze3A_224 = vector.extract %slice3A_223[0] : i32 from vector<1xi32>
      %dma_start3A_225 = arith.constant 0 : i32
      %dma_start3A_226 = tpu.memref_slice %arg18[%add3A_222, %dma_start3A_225] : memref<256x32xf32, #tpu.memory_space<vmem>> -> memref<1x32xf32, #tpu.memory_space<vmem>>
      %dma_start3A_227 = arith.constant 0 : i32
      %dma_start3A_228 = tpu.memref_slice %arg5[%squeeze3A_224, %dma_start3A_227] : memref<1000001x32xf32, #tpu.memory_space<hbm>> -> memref<1x32xf32, #tpu.memory_space<hbm>>
      %dma_start3A_229 = arith.constant 0 : i32
      %dma_start3A_230 = tpu.memref_slice %arg18[%add3A_222, %dma_start3A_229] : memref<256x32xf32, #tpu.memory_space<vmem>> -> memref<1x32xf32, #tpu.memory_space<vmem>>
      %dma_start3A_231 = arith.constant 0 : i32
      %dma_start3A_232 = tpu.memref_slice %arg5[%squeeze3A_224, %dma_start3A_231] : memref<1000001x32xf32, #tpu.memory_space<hbm>> -> memref<1x32xf32, #tpu.memory_space<hbm>>
      tpu.enqueue_dma source(%dma_start3A_232 : memref<1x32xf32, #tpu.memory_space<hbm>>) target(%dma_start3A_230 : memref<1x32xf32, #tpu.memory_space<vmem>>) target_semaphore(%arg21 : memref<!tpu.dma_semaphore, #tpu.memory_space<semaphore_mem>>)
      %mul3A_233 = arith.constant 16 : i32
      %mul3A_234 = arith.muli %scan3A_131, %mul3A_233 : i32
      %add3A_235 = arith.constant 7 : i32
      %add3A_236 = arith.addi %mul3A_234, %add3A_235 : i32
      %slice3A_237 = vector.extract_strided_slice %get3A_137 {offsets = [7], sizes = [1], strides = [1]} : vector<16xi32> to vector<1xi32>
      %squeeze3A_238 = vector.extract %slice3A_237[0] : i32 from vector<1xi32>
      %dma_start3A_239 = arith.constant 0 : i32
      %dma_start3A_240 = tpu.memref_slice %arg18[%add3A_236, %dma_start3A_239] : memref<256x32xf32, #tpu.memory_space<vmem>> -> memref<1x32xf32, #tpu.memory_space<vmem>>
      %dma_start3A_241 = arith.constant 0 : i32
      %dma_start3A_242 = tpu.memref_slice %arg5[%squeeze3A_238, %dma_start3A_241] : memref<1000001x32xf32, #tpu.memory_space<hbm>> -> memref<1x32xf32, #tpu.memory_space<hbm>>
      %dma_start3A_243 = arith.constant 0 : i32
      %dma_start3A_244 = tpu.memref_slice %arg18[%add3A_236, %dma_start3A_243] : memref<256x32xf32, #tpu.memory_space<vmem>> -> memref<1x32xf32, #tpu.memory_space<vmem>>
      %dma_start3A_245 = arith.constant 0 : i32
      %dma_start3A_246 = tpu.memref_slice %arg5[%squeeze3A_238, %dma_start3A_245] : memref<1000001x32xf32, #tpu.memory_space<hbm>> -> memref<1x32xf32, #tpu.memory_space<hbm>>
      tpu.enqueue_dma source(%dma_start3A_246 : memref<1x32xf32, #tpu.memory_space<hbm>>) target(%dma_start3A_244 : memref<1x32xf32, #tpu.memory_space<vmem>>) target_semaphore(%arg21 : memref<!tpu.dma_semaphore, #tpu.memory_space<semaphore_mem>>)
      %mul3A_247 = arith.constant 16 : i32
      %mul3A_248 = arith.muli %scan3A_131, %mul3A_247 : i32
      %add3A_249 = arith.constant 8 : i32
      %add3A_250 = arith.addi %mul3A_248, %add3A_249 : i32
      %slice3A_251 = vector.extract_strided_slice %get3A_137 {offsets = [8], sizes = [1], strides = [1]} : vector<16xi32> to vector<1xi32>
      %squeeze3A_252 = vector.extract %slice3A_251[0] : i32 from vector<1xi32>
      %dma_start3A_253 = arith.constant 0 : i32
      %dma_start3A_254 = tpu.memref_slice %arg18[%add3A_250, %dma_start3A_253] : memref<256x32xf32, #tpu.memory_space<vmem>> -> memref<1x32xf32, #tpu.memory_space<vmem>>
      %dma_start3A_255 = arith.constant 0 : i32
      %dma_start3A_256 = tpu.memref_slice %arg5[%squeeze3A_252, %dma_start3A_255] : memref<1000001x32xf32, #tpu.memory_space<hbm>> -> memref<1x32xf32, #tpu.memory_space<hbm>>
      %dma_start3A_257 = arith.constant 0 : i32
      %dma_start3A_258 = tpu.memref_slice %arg18[%add3A_250, %dma_start3A_257] : memref<256x32xf32, #tpu.memory_space<vmem>> -> memref<1x32xf32, #tpu.memory_space<vmem>>
      %dma_start3A_259 = arith.constant 0 : i32
      %dma_start3A_260 = tpu.memref_slice %arg5[%squeeze3A_252, %dma_start3A_259] : memref<1000001x32xf32, #tpu.memory_space<hbm>> -> memref<1x32xf32, #tpu.memory_space<hbm>>
      tpu.enqueue_dma source(%dma_start3A_260 : memref<1x32xf32, #tpu.memory_space<hbm>>) target(%dma_start3A_258 : memref<1x32xf32, #tpu.memory_space<vmem>>) target_semaphore(%arg21 : memref<!tpu.dma_semaphore, #tpu.memory_space<semaphore_mem>>)
      %mul3A_261 = arith.constant 16 : i32
      %mul3A_262 = arith.muli %scan3A_131, %mul3A_261 : i32
      %add3A_263 = arith.constant 9 : i32
      %add3A_264 = arith.addi %mul3A_262, %add3A_263 : i32
      %slice3A_265 = vector.extract_strided_slice %get3A_137 {offsets = [9], sizes = [1], strides = [1]} : vector<16xi32> to vector<1xi32>
      %squeeze3A_266 = vector.extract %slice3A_265[0] : i32 from vector<1xi32>
      %dma_start3A_267 = arith.constant 0 : i32
      %dma_start3A_268 = tpu.memref_slice %arg18[%add3A_264, %dma_start3A_267] : memref<256x32xf32, #tpu.memory_space<vmem>> -> memref<1x32xf32, #tpu.memory_space<vmem>>
      %dma_start3A_269 = arith.constant 0 : i32
      %dma_start3A_270 = tpu.memref_slice %arg5[%squeeze3A_266, %dma_start3A_269] : memref<1000001x32xf32, #tpu.memory_space<hbm>> -> memref<1x32xf32, #tpu.memory_space<hbm>>
      %dma_start3A_271 = arith.constant 0 : i32
      %dma_start3A_272 = tpu.memref_slice %arg18[%add3A_264, %dma_start3A_271] : memref<256x32xf32, #tpu.memory_space<vmem>> -> memref<1x32xf32, #tpu.memory_space<vmem>>
      %dma_start3A_273 = arith.constant 0 : i32
      %dma_start3A_274 = tpu.memref_slice %arg5[%squeeze3A_266, %dma_start3A_273] : memref<1000001x32xf32, #tpu.memory_space<hbm>> -> memref<1x32xf32, #tpu.memory_space<hbm>>
      tpu.enqueue_dma source(%dma_start3A_274 : memref<1x32xf32, #tpu.memory_space<hbm>>) target(%dma_start3A_272 : memref<1x32xf32, #tpu.memory_space<vmem>>) target_semaphore(%arg21 : memref<!tpu.dma_semaphore, #tpu.memory_space<semaphore_mem>>)
      %mul3A_275 = arith.constant 16 : i32
      %mul3A_276 = arith.muli %scan3A_131, %mul3A_275 : i32
      %add3A_277 = arith.constant 10 : i32
      %add3A_278 = arith.addi %mul3A_276, %add3A_277 : i32
      %slice3A_279 = vector.extract_strided_slice %get3A_137 {offsets = [10], sizes = [1], strides = [1]} : vector<16xi32> to vector<1xi32>
      %squeeze3A_280 = vector.extract %slice3A_279[0] : i32 from vector<1xi32>
      %dma_start3A_281 = arith.constant 0 : i32
      %dma_start3A_282 = tpu.memref_slice %arg18[%add3A_278, %dma_start3A_281] : memref<256x32xf32, #tpu.memory_space<vmem>> -> memref<1x32xf32, #tpu.memory_space<vmem>>
      %dma_start3A_283 = arith.constant 0 : i32
      %dma_start3A_284 = tpu.memref_slice %arg5[%squeeze3A_280, %dma_start3A_283] : memref<1000001x32xf32, #tpu.memory_space<hbm>> -> memref<1x32xf32, #tpu.memory_space<hbm>>
      %dma_start3A_285 = arith.constant 0 : i32
      %dma_start3A_286 = tpu.memref_slice %arg18[%add3A_278, %dma_start3A_285] : memref<256x32xf32, #tpu.memory_space<vmem>> -> memref<1x32xf32, #tpu.memory_space<vmem>>
      %dma_start3A_287 = arith.constant 0 : i32
      %dma_start3A_288 = tpu.memref_slice %arg5[%squeeze3A_280, %dma_start3A_287] : memref<1000001x32xf32, #tpu.memory_space<hbm>> -> memref<1x32xf32, #tpu.memory_space<hbm>>
      tpu.enqueue_dma source(%dma_start3A_288 : memref<1x32xf32, #tpu.memory_space<hbm>>) target(%dma_start3A_286 : memref<1x32xf32, #tpu.memory_space<vmem>>) target_semaphore(%arg21 : memref<!tpu.dma_semaphore, #tpu.memory_space<semaphore_mem>>)
      %mul3A_289 = arith.constant 16 : i32
      %mul3A_290 = arith.muli %scan3A_131, %mul3A_289 : i32
      %add3A_291 = arith.constant 11 : i32
      %add3A_292 = arith.addi %mul3A_290, %add3A_291 : i32
      %slice3A_293 = vector.extract_strided_slice %get3A_137 {offsets = [11], sizes = [1], strides = [1]} : vector<16xi32> to vector<1xi32>
      %squeeze3A_294 = vector.extract %slice3A_293[0] : i32 from vector<1xi32>
      %dma_start3A_295 = arith.constant 0 : i32
      %dma_start3A_296 = tpu.memref_slice %arg18[%add3A_292, %dma_start3A_295] : memref<256x32xf32, #tpu.memory_space<vmem>> -> memref<1x32xf32, #tpu.memory_space<vmem>>
      %dma_start3A_297 = arith.constant 0 : i32
      %dma_start3A_298 = tpu.memref_slice %arg5[%squeeze3A_294, %dma_start3A_297] : memref<1000001x32xf32, #tpu.memory_space<hbm>> -> memref<1x32xf32, #tpu.memory_space<hbm>>
      %dma_start3A_299 = arith.constant 0 : i32
      %dma_start3A_300 = tpu.memref_slice %arg18[%add3A_292, %dma_start3A_299] : memref<256x32xf32, #tpu.memory_space<vmem>> -> memref<1x32xf32, #tpu.memory_space<vmem>>
      %dma_start3A_301 = arith.constant 0 : i32
      %dma_start3A_302 = tpu.memref_slice %arg5[%squeeze3A_294, %dma_start3A_301] : memref<1000001x32xf32, #tpu.memory_space<hbm>> -> memref<1x32xf32, #tpu.memory_space<hbm>>
      tpu.enqueue_dma source(%dma_start3A_302 : memref<1x32xf32, #tpu.memory_space<hbm>>) target(%dma_start3A_300 : memref<1x32xf32, #tpu.memory_space<vmem>>) target_semaphore(%arg21 : memref<!tpu.dma_semaphore, #tpu.memory_space<semaphore_mem>>)
      %mul3A_303 = arith.constant 16 : i32
      %mul3A_304 = arith.muli %scan3A_131, %mul3A_303 : i32
      %add3A_305 = arith.constant 12 : i32
      %add3A_306 = arith.addi %mul3A_304, %add3A_305 : i32
      %slice3A_307 = vector.extract_strided_slice %get3A_137 {offsets = [12], sizes = [1], strides = [1]} : vector<16xi32> to vector<1xi32>
      %squeeze3A_308 = vector.extract %slice3A_307[0] : i32 from vector<1xi32>
      %dma_start3A_309 = arith.constant 0 : i32
      %dma_start3A_310 = tpu.memref_slice %arg18[%add3A_306, %dma_start3A_309] : memref<256x32xf32, #tpu.memory_space<vmem>> -> memref<1x32xf32, #tpu.memory_space<vmem>>
      %dma_start3A_311 = arith.constant 0 : i32
      %dma_start3A_312 = tpu.memref_slice %arg5[%squeeze3A_308, %dma_start3A_311] : memref<1000001x32xf32, #tpu.memory_space<hbm>> -> memref<1x32xf32, #tpu.memory_space<hbm>>
      %dma_start3A_313 = arith.constant 0 : i32
      %dma_start3A_314 = tpu.memref_slice %arg18[%add3A_306, %dma_start3A_313] : memref<256x32xf32, #tpu.memory_space<vmem>> -> memref<1x32xf32, #tpu.memory_space<vmem>>
      %dma_start3A_315 = arith.constant 0 : i32
      %dma_start3A_316 = tpu.memref_slice %arg5[%squeeze3A_308, %dma_start3A_315] : memref<1000001x32xf32, #tpu.memory_space<hbm>> -> memref<1x32xf32, #tpu.memory_space<hbm>>
      tpu.enqueue_dma source(%dma_start3A_316 : memref<1x32xf32, #tpu.memory_space<hbm>>) target(%dma_start3A_314 : memref<1x32xf32, #tpu.memory_space<vmem>>) target_semaphore(%arg21 : memref<!tpu.dma_semaphore, #tpu.memory_space<semaphore_mem>>)
      %mul3A_317 = arith.constant 16 : i32
      %mul3A_318 = arith.muli %scan3A_131, %mul3A_317 : i32
      %add3A_319 = arith.constant 13 : i32
      %add3A_320 = arith.addi %mul3A_318, %add3A_319 : i32
      %slice3A_321 = vector.extract_strided_slice %get3A_137 {offsets = [13], sizes = [1], strides = [1]} : vector<16xi32> to vector<1xi32>
      %squeeze3A_322 = vector.extract %slice3A_321[0] : i32 from vector<1xi32>
      %dma_start3A_323 = arith.constant 0 : i32
      %dma_start3A_324 = tpu.memref_slice %arg18[%add3A_320, %dma_start3A_323] : memref<256x32xf32, #tpu.memory_space<vmem>> -> memref<1x32xf32, #tpu.memory_space<vmem>>
      %dma_start3A_325 = arith.constant 0 : i32
      %dma_start3A_326 = tpu.memref_slice %arg5[%squeeze3A_322, %dma_start3A_325] : memref<1000001x32xf32, #tpu.memory_space<hbm>> -> memref<1x32xf32, #tpu.memory_space<hbm>>
      %dma_start3A_327 = arith.constant 0 : i32
      %dma_start3A_328 = tpu.memref_slice %arg18[%add3A_320, %dma_start3A_327] : memref<256x32xf32, #tpu.memory_space<vmem>> -> memref<1x32xf32, #tpu.memory_space<vmem>>
      %dma_start3A_329 = arith.constant 0 : i32
      %dma_start3A_330 = tpu.memref_slice %arg5[%squeeze3A_322, %dma_start3A_329] : memref<1000001x32xf32, #tpu.memory_space<hbm>> -> memref<1x32xf32, #tpu.memory_space<hbm>>
      tpu.enqueue_dma source(%dma_start3A_330 : memref<1x32xf32, #tpu.memory_space<hbm>>) target(%dma_start3A_328 : memref<1x32xf32, #tpu.memory_space<vmem>>) target_semaphore(%arg21 : memref<!tpu.dma_semaphore, #tpu.memory_space<semaphore_mem>>)
      %mul3A_331 = arith.constant 16 : i32
      %mul3A_332 = arith.muli %scan3A_131, %mul3A_331 : i32
      %add3A_333 = arith.constant 14 : i32
      %add3A_334 = arith.addi %mul3A_332, %add3A_333 : i32
      %slice3A_335 = vector.extract_strided_slice %get3A_137 {offsets = [14], sizes = [1], strides = [1]} : vector<16xi32> to vector<1xi32>
      %squeeze3A_336 = vector.extract %slice3A_335[0] : i32 from vector<1xi32>
      %dma_start3A_337 = arith.constant 0 : i32
      %dma_start3A_338 = tpu.memref_slice %arg18[%add3A_334, %dma_start3A_337] : memref<256x32xf32, #tpu.memory_space<vmem>> -> memref<1x32xf32, #tpu.memory_space<vmem>>
      %dma_start3A_339 = arith.constant 0 : i32
      %dma_start3A_340 = tpu.memref_slice %arg5[%squeeze3A_336, %dma_start3A_339] : memref<1000001x32xf32, #tpu.memory_space<hbm>> -> memref<1x32xf32, #tpu.memory_space<hbm>>
      %dma_start3A_341 = arith.constant 0 : i32
      %dma_start3A_342 = tpu.memref_slice %arg18[%add3A_334, %dma_start3A_341] : memref<256x32xf32, #tpu.memory_space<vmem>> -> memref<1x32xf32, #tpu.memory_space<vmem>>
      %dma_start3A_343 = arith.constant 0 : i32
      %dma_start3A_344 = tpu.memref_slice %arg5[%squeeze3A_336, %dma_start3A_343] : memref<1000001x32xf32, #tpu.memory_space<hbm>> -> memref<1x32xf32, #tpu.memory_space<hbm>>
      tpu.enqueue_dma source(%dma_start3A_344 : memref<1x32xf32, #tpu.memory_space<hbm>>) target(%dma_start3A_342 : memref<1x32xf32, #tpu.memory_space<vmem>>) target_semaphore(%arg21 : memref<!tpu.dma_semaphore, #tpu.memory_space<semaphore_mem>>)
      %mul3A_345 = arith.constant 16 : i32
      %mul3A_346 = arith.muli %scan3A_131, %mul3A_345 : i32
      %add3A_347 = arith.constant 15 : i32
      %add3A_348 = arith.addi %mul3A_346, %add3A_347 : i32
      %slice3A_349 = vector.extract_strided_slice %get3A_137 {offsets = [15], sizes = [1], strides = [1]} : vector<16xi32> to vector<1xi32>
      %squeeze3A_350 = vector.extract %slice3A_349[0] : i32 from vector<1xi32>
      %dma_start3A_351 = arith.constant 0 : i32
      %dma_start3A_352 = tpu.memref_slice %arg18[%add3A_348, %dma_start3A_351] : memref<256x32xf32, #tpu.memory_space<vmem>> -> memref<1x32xf32, #tpu.memory_space<vmem>>
      %dma_start3A_353 = arith.constant 0 : i32
      %dma_start3A_354 = tpu.memref_slice %arg5[%squeeze3A_350, %dma_start3A_353] : memref<1000001x32xf32, #tpu.memory_space<hbm>> -> memref<1x32xf32, #tpu.memory_space<hbm>>
      %dma_start3A_355 = arith.constant 0 : i32
      %dma_start3A_356 = tpu.memref_slice %arg18[%add3A_348, %dma_start3A_355] : memref<256x32xf32, #tpu.memory_space<vmem>> -> memref<1x32xf32, #tpu.memory_space<vmem>>
      %dma_start3A_357 = arith.constant 0 : i32
      %dma_start3A_358 = tpu.memref_slice %arg5[%squeeze3A_350, %dma_start3A_357] : memref<1000001x32xf32, #tpu.memory_space<hbm>> -> memref<1x32xf32, #tpu.memory_space<hbm>>
      tpu.enqueue_dma source(%dma_start3A_358 : memref<1x32xf32, #tpu.memory_space<hbm>>) target(%dma_start3A_356 : memref<1x32xf32, #tpu.memory_space<vmem>>) target_semaphore(%arg21 : memref<!tpu.dma_semaphore, #tpu.memory_space<semaphore_mem>>)
    }
    %scan3A_18 = arith.constant 16 : i32
    %dma_wait3A_19 = arith.constant 0 : i32
    %dma_wait3A_20 = arith.constant 0 : i32
    %dma_wait3A_21 = tpu.memref_slice %arg5[%dma_wait3A_19, %dma_wait3A_20] : memref<1000001x32xf32, #tpu.memory_space<hbm>> -> memref<256x32xf32, #tpu.memory_space<hbm>>
    %dma_wait3A_22 = arith.constant 0 : i32
    %dma_wait3A_23 = arith.constant 0 : i32
    %dma_wait3A_24 = tpu.memref_slice %arg5[%dma_wait3A_22, %dma_wait3A_23] : memref<1000001x32xf32, #tpu.memory_space<hbm>> -> memref<256x32xf32, #tpu.memory_space<hbm>>
    tpu.wait_dma2 semaphore(%arg21 : memref<!tpu.dma_semaphore, #tpu.memory_space<semaphore_mem>>) src(%dma_wait3A_24 : memref<256x32xf32, #tpu.memory_space<hbm>>) dst(%arg18 : memref<256x32xf32, #tpu.memory_space<vmem>>)
    %add3A_25 = arith.constant 256 : i32
    %add3A_26 = arith.addi %mul3A_2, %add3A_25 : i32
    "tpu.region"() ({
      %run_scoped3A = tpu.sem_alloc : memref<!tpu.dma_semaphore, #tpu.memory_space<semaphore_mem>>
      %dma_start3A = arith.constant 0 : i32
      %dma_start3A_131 = tpu.memref_slice %arg10[%add3A_26, %dma_start3A] : memref<16384x32xf32, #tpu.memory_space<hbm>> -> memref<256x32xf32, #tpu.memory_space<hbm>>
      %dma_start3A_132 = arith.constant 0 : i32
      %dma_start3A_133 = tpu.memref_slice %arg10[%add3A_26, %dma_start3A_132] : memref<16384x32xf32, #tpu.memory_space<hbm>> -> memref<256x32xf32, #tpu.memory_space<hbm>>
      tpu.enqueue_dma source(%arg18 : memref<256x32xf32, #tpu.memory_space<vmem>>) target(%dma_start3A_133 : memref<256x32xf32, #tpu.memory_space<hbm>>) target_semaphore(%run_scoped3A : memref<!tpu.dma_semaphore, #tpu.memory_space<semaphore_mem>>)
      %dma_wait3A_134 = arith.constant 0 : i32
      %dma_wait3A_135 = tpu.memref_slice %arg10[%add3A_26, %dma_wait3A_134] : memref<16384x32xf32, #tpu.memory_space<hbm>> -> memref<256x32xf32, #tpu.memory_space<hbm>>
      %dma_wait3A_136 = arith.constant 0 : i32
      %dma_wait3A_137 = tpu.memref_slice %arg10[%add3A_26, %dma_wait3A_136] : memref<16384x32xf32, #tpu.memory_space<hbm>> -> memref<256x32xf32, #tpu.memory_space<hbm>>
      tpu.wait_dma2 semaphore(%run_scoped3A : memref<!tpu.dma_semaphore, #tpu.memory_space<semaphore_mem>>) src(%arg18 : memref<256x32xf32, #tpu.memory_space<vmem>>) dst(%dma_wait3A_137 : memref<256x32xf32, #tpu.memory_space<hbm>>)
      tpu.yield
    }) : () -> ()
    %scan3A_27 = arith.constant 0 : i32
    %scan3A_28 = arith.constant 16 : i32
    %scan3A_29 = arith.addi %scan3A_27, %scan3A_28 : i32
    %scan3A_30 = arith.constant 1 : i32
    scf.for %scan3A_131 = %scan3A_27 to %scan3A_29 step %scan3A_30  : i32 {
      %mul3A_132 = arith.constant 16 : i32
      %mul3A_133 = arith.muli %scan3A_131, %mul3A_132 : i32
      %add3A_134 = arith.constant 0 : i32
      %add3A_135 = arith.addi %add3A_134, %mul3A_133 : i32
      %multiple_of3A = tpu.assume_multiple %add3A_135, 16 : i32
      %get3A = arith.index_cast %multiple_of3A : i32 to index
      %get3A_136 = tpu.vector_load %arg16[%get3A] {strides = array<i32>} : memref<512xi32, #tpu.memory_space<vmem>>, vector<16xi32>,
      %get3A_137 = vector.shape_cast %get3A_136 : vector<16xi32> to vector<16xi32>
      %mul3A_138 = arith.constant 16 : i32
      %mul3A_139 = arith.muli %scan3A_131, %mul3A_138 : i32
      %add3A_140 = arith.constant 0 : i32
      %add3A_141 = arith.addi %mul3A_139, %add3A_140 : i32
      %slice3A = vector.extract_strided_slice %get3A_137 {offsets = [0], sizes = [1], strides = [1]} : vector<16xi32> to vector<1xi32>
      %squeeze3A = vector.extract %slice3A[0] : i32 from vector<1xi32>
      %dma_start3A = arith.constant 0 : i32
      %dma_start3A_142 = tpu.memref_slice %arg18[%add3A_141, %dma_start3A] : memref<256x32xf32, #tpu.memory_space<vmem>> -> memref<1x32xf32, #tpu.memory_space<vmem>>
      %dma_start3A_143 = arith.constant 0 : i32
      %dma_start3A_144 = tpu.memref_slice %arg6[%squeeze3A, %dma_start3A_143] : memref<1000001x32xf32, #tpu.memory_space<hbm>> -> memref<1x32xf32, #tpu.memory_space<hbm>>
      %dma_start3A_145 = arith.constant 0 : i32
      %dma_start3A_146 = tpu.memref_slice %arg18[%add3A_141, %dma_start3A_145] : memref<256x32xf32, #tpu.memory_space<vmem>> -> memref<1x32xf32, #tpu.memory_space<vmem>>
      %dma_start3A_147 = arith.constant 0 : i32
      %dma_start3A_148 = tpu.memref_slice %arg6[%squeeze3A, %dma_start3A_147] : memref<1000001x32xf32, #tpu.memory_space<hbm>> -> memref<1x32xf32, #tpu.memory_space<hbm>>
      tpu.enqueue_dma source(%dma_start3A_148 : memref<1x32xf32, #tpu.memory_space<hbm>>) target(%dma_start3A_146 : memref<1x32xf32, #tpu.memory_space<vmem>>) target_semaphore(%arg21 : memref<!tpu.dma_semaphore, #tpu.memory_space<semaphore_mem>>)
      %mul3A_149 = arith.constant 16 : i32
      %mul3A_150 = arith.muli %scan3A_131, %mul3A_149 : i32
      %add3A_151 = arith.constant 1 : i32
      %add3A_152 = arith.addi %mul3A_150, %add3A_151 : i32
      %slice3A_153 = vector.extract_strided_slice %get3A_137 {offsets = [1], sizes = [1], strides = [1]} : vector<16xi32> to vector<1xi32>
      %squeeze3A_154 = vector.extract %slice3A_153[0] : i32 from vector<1xi32>
      %dma_start3A_155 = arith.constant 0 : i32
      %dma_start3A_156 = tpu.memref_slice %arg18[%add3A_152, %dma_start3A_155] : memref<256x32xf32, #tpu.memory_space<vmem>> -> memref<1x32xf32, #tpu.memory_space<vmem>>
      %dma_start3A_157 = arith.constant 0 : i32
      %dma_start3A_158 = tpu.memref_slice %arg6[%squeeze3A_154, %dma_start3A_157] : memref<1000001x32xf32, #tpu.memory_space<hbm>> -> memref<1x32xf32, #tpu.memory_space<hbm>>
      %dma_start3A_159 = arith.constant 0 : i32
      %dma_start3A_160 = tpu.memref_slice %arg18[%add3A_152, %dma_start3A_159] : memref<256x32xf32, #tpu.memory_space<vmem>> -> memref<1x32xf32, #tpu.memory_space<vmem>>
      %dma_start3A_161 = arith.constant 0 : i32
      %dma_start3A_162 = tpu.memref_slice %arg6[%squeeze3A_154, %dma_start3A_161] : memref<1000001x32xf32, #tpu.memory_space<hbm>> -> memref<1x32xf32, #tpu.memory_space<hbm>>
      tpu.enqueue_dma source(%dma_start3A_162 : memref<1x32xf32, #tpu.memory_space<hbm>>) target(%dma_start3A_160 : memref<1x32xf32, #tpu.memory_space<vmem>>) target_semaphore(%arg21 : memref<!tpu.dma_semaphore, #tpu.memory_space<semaphore_mem>>)
      %mul3A_163 = arith.constant 16 : i32
      %mul3A_164 = arith.muli %scan3A_131, %mul3A_163 : i32
      %add3A_165 = arith.constant 2 : i32
      %add3A_166 = arith.addi %mul3A_164, %add3A_165 : i32
      %slice3A_167 = vector.extract_strided_slice %get3A_137 {offsets = [2], sizes = [1], strides = [1]} : vector<16xi32> to vector<1xi32>
      %squeeze3A_168 = vector.extract %slice3A_167[0] : i32 from vector<1xi32>
      %dma_start3A_169 = arith.constant 0 : i32
      %dma_start3A_170 = tpu.memref_slice %arg18[%add3A_166, %dma_start3A_169] : memref<256x32xf32, #tpu.memory_space<vmem>> -> memref<1x32xf32, #tpu.memory_space<vmem>>
      %dma_start3A_171 = arith.constant 0 : i32
      %dma_start3A_172 = tpu.memref_slice %arg6[%squeeze3A_168, %dma_start3A_171] : memref<1000001x32xf32, #tpu.memory_space<hbm>> -> memref<1x32xf32, #tpu.memory_space<hbm>>
      %dma_start3A_173 = arith.constant 0 : i32
      %dma_start3A_174 = tpu.memref_slice %arg18[%add3A_166, %dma_start3A_173] : memref<256x32xf32, #tpu.memory_space<vmem>> -> memref<1x32xf32, #tpu.memory_space<vmem>>
      %dma_start3A_175 = arith.constant 0 : i32
      %dma_start3A_176 = tpu.memref_slice %arg6[%squeeze3A_168, %dma_start3A_175] : memref<1000001x32xf32, #tpu.memory_space<hbm>> -> memref<1x32xf32, #tpu.memory_space<hbm>>
      tpu.enqueue_dma source(%dma_start3A_176 : memref<1x32xf32, #tpu.memory_space<hbm>>) target(%dma_start3A_174 : memref<1x32xf32, #tpu.memory_space<vmem>>) target_semaphore(%arg21 : memref<!tpu.dma_semaphore, #tpu.memory_space<semaphore_mem>>)
      %mul3A_177 = arith.constant 16 : i32
      %mul3A_178 = arith.muli %scan3A_131, %mul3A_177 : i32
      %add3A_179 = arith.constant 3 : i32
      %add3A_180 = arith.addi %mul3A_178, %add3A_179 : i32
      %slice3A_181 = vector.extract_strided_slice %get3A_137 {offsets = [3], sizes = [1], strides = [1]} : vector<16xi32> to vector<1xi32>
      %squeeze3A_182 = vector.extract %slice3A_181[0] : i32 from vector<1xi32>
      %dma_start3A_183 = arith.constant 0 : i32
      %dma_start3A_184 = tpu.memref_slice %arg18[%add3A_180, %dma_start3A_183] : memref<256x32xf32, #tpu.memory_space<vmem>> -> memref<1x32xf32, #tpu.memory_space<vmem>>
      %dma_start3A_185 = arith.constant 0 : i32
      %dma_start3A_186 = tpu.memref_slice %arg6[%squeeze3A_182, %dma_start3A_185] : memref<1000001x32xf32, #tpu.memory_space<hbm>> -> memref<1x32xf32, #tpu.memory_space<hbm>>
      %dma_start3A_187 = arith.constant 0 : i32
      %dma_start3A_188 = tpu.memref_slice %arg18[%add3A_180, %dma_start3A_187] : memref<256x32xf32, #tpu.memory_space<vmem>> -> memref<1x32xf32, #tpu.memory_space<vmem>>
      %dma_start3A_189 = arith.constant 0 : i32
      %dma_start3A_190 = tpu.memref_slice %arg6[%squeeze3A_182, %dma_start3A_189] : memref<1000001x32xf32, #tpu.memory_space<hbm>> -> memref<1x32xf32, #tpu.memory_space<hbm>>
      tpu.enqueue_dma source(%dma_start3A_190 : memref<1x32xf32, #tpu.memory_space<hbm>>) target(%dma_start3A_188 : memref<1x32xf32, #tpu.memory_space<vmem>>) target_semaphore(%arg21 : memref<!tpu.dma_semaphore, #tpu.memory_space<semaphore_mem>>)
      %mul3A_191 = arith.constant 16 : i32
      %mul3A_192 = arith.muli %scan3A_131, %mul3A_191 : i32
      %add3A_193 = arith.constant 4 : i32
      %add3A_194 = arith.addi %mul3A_192, %add3A_193 : i32
      %slice3A_195 = vector.extract_strided_slice %get3A_137 {offsets = [4], sizes = [1], strides = [1]} : vector<16xi32> to vector<1xi32>
      %squeeze3A_196 = vector.extract %slice3A_195[0] : i32 from vector<1xi32>
      %dma_start3A_197 = arith.constant 0 : i32
      %dma_start3A_198 = tpu.memref_slice %arg18[%add3A_194, %dma_start3A_197] : memref<256x32xf32, #tpu.memory_space<vmem>> -> memref<1x32xf32, #tpu.memory_space<vmem>>
      %dma_start3A_199 = arith.constant 0 : i32
      %dma_start3A_200 = tpu.memref_slice %arg6[%squeeze3A_196, %dma_start3A_199] : memref<1000001x32xf32, #tpu.memory_space<hbm>> -> memref<1x32xf32, #tpu.memory_space<hbm>>
      %dma_start3A_201 = arith.constant 0 : i32
      %dma_start3A_202 = tpu.memref_slice %arg18[%add3A_194, %dma_start3A_201] : memref<256x32xf32, #tpu.memory_space<vmem>> -> memref<1x32xf32, #tpu.memory_space<vmem>>
      %dma_start3A_203 = arith.constant 0 : i32
      %dma_start3A_204 = tpu.memref_slice %arg6[%squeeze3A_196, %dma_start3A_203] : memref<1000001x32xf32, #tpu.memory_space<hbm>> -> memref<1x32xf32, #tpu.memory_space<hbm>>
      tpu.enqueue_dma source(%dma_start3A_204 : memref<1x32xf32, #tpu.memory_space<hbm>>) target(%dma_start3A_202 : memref<1x32xf32, #tpu.memory_space<vmem>>) target_semaphore(%arg21 : memref<!tpu.dma_semaphore, #tpu.memory_space<semaphore_mem>>)
      %mul3A_205 = arith.constant 16 : i32
      %mul3A_206 = arith.muli %scan3A_131, %mul3A_205 : i32
      %add3A_207 = arith.constant 5 : i32
      %add3A_208 = arith.addi %mul3A_206, %add3A_207 : i32
      %slice3A_209 = vector.extract_strided_slice %get3A_137 {offsets = [5], sizes = [1], strides = [1]} : vector<16xi32> to vector<1xi32>
      %squeeze3A_210 = vector.extract %slice3A_209[0] : i32 from vector<1xi32>
      %dma_start3A_211 = arith.constant 0 : i32
      %dma_start3A_212 = tpu.memref_slice %arg18[%add3A_208, %dma_start3A_211] : memref<256x32xf32, #tpu.memory_space<vmem>> -> memref<1x32xf32, #tpu.memory_space<vmem>>
      %dma_start3A_213 = arith.constant 0 : i32
      %dma_start3A_214 = tpu.memref_slice %arg6[%squeeze3A_210, %dma_start3A_213] : memref<1000001x32xf32, #tpu.memory_space<hbm>> -> memref<1x32xf32, #tpu.memory_space<hbm>>
      %dma_start3A_215 = arith.constant 0 : i32
      %dma_start3A_216 = tpu.memref_slice %arg18[%add3A_208, %dma_start3A_215] : memref<256x32xf32, #tpu.memory_space<vmem>> -> memref<1x32xf32, #tpu.memory_space<vmem>>
      %dma_start3A_217 = arith.constant 0 : i32
      %dma_start3A_218 = tpu.memref_slice %arg6[%squeeze3A_210, %dma_start3A_217] : memref<1000001x32xf32, #tpu.memory_space<hbm>> -> memref<1x32xf32, #tpu.memory_space<hbm>>
      tpu.enqueue_dma source(%dma_start3A_218 : memref<1x32xf32, #tpu.memory_space<hbm>>) target(%dma_start3A_216 : memref<1x32xf32, #tpu.memory_space<vmem>>) target_semaphore(%arg21 : memref<!tpu.dma_semaphore, #tpu.memory_space<semaphore_mem>>)
      %mul3A_219 = arith.constant 16 : i32
      %mul3A_220 = arith.muli %scan3A_131, %mul3A_219 : i32
      %add3A_221 = arith.constant 6 : i32
      %add3A_222 = arith.addi %mul3A_220, %add3A_221 : i32
      %slice3A_223 = vector.extract_strided_slice %get3A_137 {offsets = [6], sizes = [1], strides = [1]} : vector<16xi32> to vector<1xi32>
      %squeeze3A_224 = vector.extract %slice3A_223[0] : i32 from vector<1xi32>
      %dma_start3A_225 = arith.constant 0 : i32
      %dma_start3A_226 = tpu.memref_slice %arg18[%add3A_222, %dma_start3A_225] : memref<256x32xf32, #tpu.memory_space<vmem>> -> memref<1x32xf32, #tpu.memory_space<vmem>>
      %dma_start3A_227 = arith.constant 0 : i32
      %dma_start3A_228 = tpu.memref_slice %arg6[%squeeze3A_224, %dma_start3A_227] : memref<1000001x32xf32, #tpu.memory_space<hbm>> -> memref<1x32xf32, #tpu.memory_space<hbm>>
      %dma_start3A_229 = arith.constant 0 : i32
      %dma_start3A_230 = tpu.memref_slice %arg18[%add3A_222, %dma_start3A_229] : memref<256x32xf32, #tpu.memory_space<vmem>> -> memref<1x32xf32, #tpu.memory_space<vmem>>
      %dma_start3A_231 = arith.constant 0 : i32
      %dma_start3A_232 = tpu.memref_slice %arg6[%squeeze3A_224, %dma_start3A_231] : memref<1000001x32xf32, #tpu.memory_space<hbm>> -> memref<1x32xf32, #tpu.memory_space<hbm>>
      tpu.enqueue_dma source(%dma_start3A_232 : memref<1x32xf32, #tpu.memory_space<hbm>>) target(%dma_start3A_230 : memref<1x32xf32, #tpu.memory_space<vmem>>) target_semaphore(%arg21 : memref<!tpu.dma_semaphore, #tpu.memory_space<semaphore_mem>>)
      %mul3A_233 = arith.constant 16 : i32
      %mul3A_234 = arith.muli %scan3A_131, %mul3A_233 : i32
      %add3A_235 = arith.constant 7 : i32
      %add3A_236 = arith.addi %mul3A_234, %add3A_235 : i32
      %slice3A_237 = vector.extract_strided_slice %get3A_137 {offsets = [7], sizes = [1], strides = [1]} : vector<16xi32> to vector<1xi32>
      %squeeze3A_238 = vector.extract %slice3A_237[0] : i32 from vector<1xi32>
      %dma_start3A_239 = arith.constant 0 : i32
      %dma_start3A_240 = tpu.memref_slice %arg18[%add3A_236, %dma_start3A_239] : memref<256x32xf32, #tpu.memory_space<vmem>> -> memref<1x32xf32, #tpu.memory_space<vmem>>
      %dma_start3A_241 = arith.constant 0 : i32
      %dma_start3A_242 = tpu.memref_slice %arg6[%squeeze3A_238, %dma_start3A_241] : memref<1000001x32xf32, #tpu.memory_space<hbm>> -> memref<1x32xf32, #tpu.memory_space<hbm>>
      %dma_start3A_243 = arith.constant 0 : i32
      %dma_start3A_244 = tpu.memref_slice %arg18[%add3A_236, %dma_start3A_243] : memref<256x32xf32, #tpu.memory_space<vmem>> -> memref<1x32xf32, #tpu.memory_space<vmem>>
      %dma_start3A_245 = arith.constant 0 : i32
      %dma_start3A_246 = tpu.memref_slice %arg6[%squeeze3A_238, %dma_start3A_245] : memref<1000001x32xf32, #tpu.memory_space<hbm>> -> memref<1x32xf32, #tpu.memory_space<hbm>>
      tpu.enqueue_dma source(%dma_start3A_246 : memref<1x32xf32, #tpu.memory_space<hbm>>) target(%dma_start3A_244 : memref<1x32xf32, #tpu.memory_space<vmem>>) target_semaphore(%arg21 : memref<!tpu.dma_semaphore, #tpu.memory_space<semaphore_mem>>)
      %mul3A_247 = arith.constant 16 : i32
      %mul3A_248 = arith.muli %scan3A_131, %mul3A_247 : i32
      %add3A_249 = arith.constant 8 : i32
      %add3A_250 = arith.addi %mul3A_248, %add3A_249 : i32
      %slice3A_251 = vector.extract_strided_slice %get3A_137 {offsets = [8], sizes = [1], strides = [1]} : vector<16xi32> to vector<1xi32>
      %squeeze3A_252 = vector.extract %slice3A_251[0] : i32 from vector<1xi32>
      %dma_start3A_253 = arith.constant 0 : i32
      %dma_start3A_254 = tpu.memref_slice %arg18[%add3A_250, %dma_start3A_253] : memref<256x32xf32, #tpu.memory_space<vmem>> -> memref<1x32xf32, #tpu.memory_space<vmem>>
      %dma_start3A_255 = arith.constant 0 : i32
      %dma_start3A_256 = tpu.memref_slice %arg6[%squeeze3A_252, %dma_start3A_255] : memref<1000001x32xf32, #tpu.memory_space<hbm>> -> memref<1x32xf32, #tpu.memory_space<hbm>>
      %dma_start3A_257 = arith.constant 0 : i32
      %dma_start3A_258 = tpu.memref_slice %arg18[%add3A_250, %dma_start3A_257] : memref<256x32xf32, #tpu.memory_space<vmem>> -> memref<1x32xf32, #tpu.memory_space<vmem>>
      %dma_start3A_259 = arith.constant 0 : i32
      %dma_start3A_260 = tpu.memref_slice %arg6[%squeeze3A_252, %dma_start3A_259] : memref<1000001x32xf32, #tpu.memory_space<hbm>> -> memref<1x32xf32, #tpu.memory_space<hbm>>
      tpu.enqueue_dma source(%dma_start3A_260 : memref<1x32xf32, #tpu.memory_space<hbm>>) target(%dma_start3A_258 : memref<1x32xf32, #tpu.memory_space<vmem>>) target_semaphore(%arg21 : memref<!tpu.dma_semaphore, #tpu.memory_space<semaphore_mem>>)
      %mul3A_261 = arith.constant 16 : i32
      %mul3A_262 = arith.muli %scan3A_131, %mul3A_261 : i32
      %add3A_263 = arith.constant 9 : i32
      %add3A_264 = arith.addi %mul3A_262, %add3A_263 : i32
      %slice3A_265 = vector.extract_strided_slice %get3A_137 {offsets = [9], sizes = [1], strides = [1]} : vector<16xi32> to vector<1xi32>
      %squeeze3A_266 = vector.extract %slice3A_265[0] : i32 from vector<1xi32>
      %dma_start3A_267 = arith.constant 0 : i32
      %dma_start3A_268 = tpu.memref_slice %arg18[%add3A_264, %dma_start3A_267] : memref<256x32xf32, #tpu.memory_space<vmem>> -> memref<1x32xf32, #tpu.memory_space<vmem>>
      %dma_start3A_269 = arith.constant 0 : i32
      %dma_start3A_270 = tpu.memref_slice %arg6[%squeeze3A_266, %dma_start3A_269] : memref<1000001x32xf32, #tpu.memory_space<hbm>> -> memref<1x32xf32, #tpu.memory_space<hbm>>
      %dma_start3A_271 = arith.constant 0 : i32
      %dma_start3A_272 = tpu.memref_slice %arg18[%add3A_264, %dma_start3A_271] : memref<256x32xf32, #tpu.memory_space<vmem>> -> memref<1x32xf32, #tpu.memory_space<vmem>>
      %dma_start3A_273 = arith.constant 0 : i32
      %dma_start3A_274 = tpu.memref_slice %arg6[%squeeze3A_266, %dma_start3A_273] : memref<1000001x32xf32, #tpu.memory_space<hbm>> -> memref<1x32xf32, #tpu.memory_space<hbm>>
      tpu.enqueue_dma source(%dma_start3A_274 : memref<1x32xf32, #tpu.memory_space<hbm>>) target(%dma_start3A_272 : memref<1x32xf32, #tpu.memory_space<vmem>>) target_semaphore(%arg21 : memref<!tpu.dma_semaphore, #tpu.memory_space<semaphore_mem>>)
      %mul3A_275 = arith.constant 16 : i32
      %mul3A_276 = arith.muli %scan3A_131, %mul3A_275 : i32
      %add3A_277 = arith.constant 10 : i32
      %add3A_278 = arith.addi %mul3A_276, %add3A_277 : i32
      %slice3A_279 = vector.extract_strided_slice %get3A_137 {offsets = [10], sizes = [1], strides = [1]} : vector<16xi32> to vector<1xi32>
      %squeeze3A_280 = vector.extract %slice3A_279[0] : i32 from vector<1xi32>
      %dma_start3A_281 = arith.constant 0 : i32
      %dma_start3A_282 = tpu.memref_slice %arg18[%add3A_278, %dma_start3A_281] : memref<256x32xf32, #tpu.memory_space<vmem>> -> memref<1x32xf32, #tpu.memory_space<vmem>>
      %dma_start3A_283 = arith.constant 0 : i32
      %dma_start3A_284 = tpu.memref_slice %arg6[%squeeze3A_280, %dma_start3A_283] : memref<1000001x32xf32, #tpu.memory_space<hbm>> -> memref<1x32xf32, #tpu.memory_space<hbm>>
      %dma_start3A_285 = arith.constant 0 : i32
      %dma_start3A_286 = tpu.memref_slice %arg18[%add3A_278, %dma_start3A_285] : memref<256x32xf32, #tpu.memory_space<vmem>> -> memref<1x32xf32, #tpu.memory_space<vmem>>
      %dma_start3A_287 = arith.constant 0 : i32
      %dma_start3A_288 = tpu.memref_slice %arg6[%squeeze3A_280, %dma_start3A_287] : memref<1000001x32xf32, #tpu.memory_space<hbm>> -> memref<1x32xf32, #tpu.memory_space<hbm>>
      tpu.enqueue_dma source(%dma_start3A_288 : memref<1x32xf32, #tpu.memory_space<hbm>>) target(%dma_start3A_286 : memref<1x32xf32, #tpu.memory_space<vmem>>) target_semaphore(%arg21 : memref<!tpu.dma_semaphore, #tpu.memory_space<semaphore_mem>>)
      %mul3A_289 = arith.constant 16 : i32
      %mul3A_290 = arith.muli %scan3A_131, %mul3A_289 : i32
      %add3A_291 = arith.constant 11 : i32
      %add3A_292 = arith.addi %mul3A_290, %add3A_291 : i32
      %slice3A_293 = vector.extract_strided_slice %get3A_137 {offsets = [11], sizes = [1], strides = [1]} : vector<16xi32> to vector<1xi32>
      %squeeze3A_294 = vector.extract %slice3A_293[0] : i32 from vector<1xi32>
      %dma_start3A_295 = arith.constant 0 : i32
      %dma_start3A_296 = tpu.memref_slice %arg18[%add3A_292, %dma_start3A_295] : memref<256x32xf32, #tpu.memory_space<vmem>> -> memref<1x32xf32, #tpu.memory_space<vmem>>
      %dma_start3A_297 = arith.constant 0 : i32
      %dma_start3A_298 = tpu.memref_slice %arg6[%squeeze3A_294, %dma_start3A_297] : memref<1000001x32xf32, #tpu.memory_space<hbm>> -> memref<1x32xf32, #tpu.memory_space<hbm>>
      %dma_start3A_299 = arith.constant 0 : i32
      %dma_start3A_300 = tpu.memref_slice %arg18[%add3A_292, %dma_start3A_299] : memref<256x32xf32, #tpu.memory_space<vmem>> -> memref<1x32xf32, #tpu.memory_space<vmem>>
      %dma_start3A_301 = arith.constant 0 : i32
      %dma_start3A_302 = tpu.memref_slice %arg6[%squeeze3A_294, %dma_start3A_301] : memref<1000001x32xf32, #tpu.memory_space<hbm>> -> memref<1x32xf32, #tpu.memory_space<hbm>>
      tpu.enqueue_dma source(%dma_start3A_302 : memref<1x32xf32, #tpu.memory_space<hbm>>) target(%dma_start3A_300 : memref<1x32xf32, #tpu.memory_space<vmem>>) target_semaphore(%arg21 : memref<!tpu.dma_semaphore, #tpu.memory_space<semaphore_mem>>)
      %mul3A_303 = arith.constant 16 : i32
      %mul3A_304 = arith.muli %scan3A_131, %mul3A_303 : i32
      %add3A_305 = arith.constant 12 : i32
      %add3A_306 = arith.addi %mul3A_304, %add3A_305 : i32
      %slice3A_307 = vector.extract_strided_slice %get3A_137 {offsets = [12], sizes = [1], strides = [1]} : vector<16xi32> to vector<1xi32>
      %squeeze3A_308 = vector.extract %slice3A_307[0] : i32 from vector<1xi32>
      %dma_start3A_309 = arith.constant 0 : i32
      %dma_start3A_310 = tpu.memref_slice %arg18[%add3A_306, %dma_start3A_309] : memref<256x32xf32, #tpu.memory_space<vmem>> -> memref<1x32xf32, #tpu.memory_space<vmem>>
      %dma_start3A_311 = arith.constant 0 : i32
      %dma_start3A_312 = tpu.memref_slice %arg6[%squeeze3A_308, %dma_start3A_311] : memref<1000001x32xf32, #tpu.memory_space<hbm>> -> memref<1x32xf32, #tpu.memory_space<hbm>>
      %dma_start3A_313 = arith.constant 0 : i32
      %dma_start3A_314 = tpu.memref_slice %arg18[%add3A_306, %dma_start3A_313] : memref<256x32xf32, #tpu.memory_space<vmem>> -> memref<1x32xf32, #tpu.memory_space<vmem>>
      %dma_start3A_315 = arith.constant 0 : i32
      %dma_start3A_316 = tpu.memref_slice %arg6[%squeeze3A_308, %dma_start3A_315] : memref<1000001x32xf32, #tpu.memory_space<hbm>> -> memref<1x32xf32, #tpu.memory_space<hbm>>
      tpu.enqueue_dma source(%dma_start3A_316 : memref<1x32xf32, #tpu.memory_space<hbm>>) target(%dma_start3A_314 : memref<1x32xf32, #tpu.memory_space<vmem>>) target_semaphore(%arg21 : memref<!tpu.dma_semaphore, #tpu.memory_space<semaphore_mem>>)
      %mul3A_317 = arith.constant 16 : i32
      %mul3A_318 = arith.muli %scan3A_131, %mul3A_317 : i32
      %add3A_319 = arith.constant 13 : i32
      %add3A_320 = arith.addi %mul3A_318, %add3A_319 : i32
      %slice3A_321 = vector.extract_strided_slice %get3A_137 {offsets = [13], sizes = [1], strides = [1]} : vector<16xi32> to vector<1xi32>
      %squeeze3A_322 = vector.extract %slice3A_321[0] : i32 from vector<1xi32>
      %dma_start3A_323 = arith.constant 0 : i32
      %dma_start3A_324 = tpu.memref_slice %arg18[%add3A_320, %dma_start3A_323] : memref<256x32xf32, #tpu.memory_space<vmem>> -> memref<1x32xf32, #tpu.memory_space<vmem>>
      %dma_start3A_325 = arith.constant 0 : i32
      %dma_start3A_326 = tpu.memref_slice %arg6[%squeeze3A_322, %dma_start3A_325] : memref<1000001x32xf32, #tpu.memory_space<hbm>> -> memref<1x32xf32, #tpu.memory_space<hbm>>
      %dma_start3A_327 = arith.constant 0 : i32
      %dma_start3A_328 = tpu.memref_slice %arg18[%add3A_320, %dma_start3A_327] : memref<256x32xf32, #tpu.memory_space<vmem>> -> memref<1x32xf32, #tpu.memory_space<vmem>>
      %dma_start3A_329 = arith.constant 0 : i32
      %dma_start3A_330 = tpu.memref_slice %arg6[%squeeze3A_322, %dma_start3A_329] : memref<1000001x32xf32, #tpu.memory_space<hbm>> -> memref<1x32xf32, #tpu.memory_space<hbm>>
      tpu.enqueue_dma source(%dma_start3A_330 : memref<1x32xf32, #tpu.memory_space<hbm>>) target(%dma_start3A_328 : memref<1x32xf32, #tpu.memory_space<vmem>>) target_semaphore(%arg21 : memref<!tpu.dma_semaphore, #tpu.memory_space<semaphore_mem>>)
      %mul3A_331 = arith.constant 16 : i32
      %mul3A_332 = arith.muli %scan3A_131, %mul3A_331 : i32
      %add3A_333 = arith.constant 14 : i32
      %add3A_334 = arith.addi %mul3A_332, %add3A_333 : i32
      %slice3A_335 = vector.extract_strided_slice %get3A_137 {offsets = [14], sizes = [1], strides = [1]} : vector<16xi32> to vector<1xi32>
      %squeeze3A_336 = vector.extract %slice3A_335[0] : i32 from vector<1xi32>
      %dma_start3A_337 = arith.constant 0 : i32
      %dma_start3A_338 = tpu.memref_slice %arg18[%add3A_334, %dma_start3A_337] : memref<256x32xf32, #tpu.memory_space<vmem>> -> memref<1x32xf32, #tpu.memory_space<vmem>>
      %dma_start3A_339 = arith.constant 0 : i32
      %dma_start3A_340 = tpu.memref_slice %arg6[%squeeze3A_336, %dma_start3A_339] : memref<1000001x32xf32, #tpu.memory_space<hbm>> -> memref<1x32xf32, #tpu.memory_space<hbm>>
      %dma_start3A_341 = arith.constant 0 : i32
      %dma_start3A_342 = tpu.memref_slice %arg18[%add3A_334, %dma_start3A_341] : memref<256x32xf32, #tpu.memory_space<vmem>> -> memref<1x32xf32, #tpu.memory_space<vmem>>
      %dma_start3A_343 = arith.constant 0 : i32
      %dma_start3A_344 = tpu.memref_slice %arg6[%squeeze3A_336, %dma_start3A_343] : memref<1000001x32xf32, #tpu.memory_space<hbm>> -> memref<1x32xf32, #tpu.memory_space<hbm>>
      tpu.enqueue_dma source(%dma_start3A_344 : memref<1x32xf32, #tpu.memory_space<hbm>>) target(%dma_start3A_342 : memref<1x32xf32, #tpu.memory_space<vmem>>) target_semaphore(%arg21 : memref<!tpu.dma_semaphore, #tpu.memory_space<semaphore_mem>>)
      %mul3A_345 = arith.constant 16 : i32
      %mul3A_346 = arith.muli %scan3A_131, %mul3A_345 : i32
      %add3A_347 = arith.constant 15 : i32
      %add3A_348 = arith.addi %mul3A_346, %add3A_347 : i32
      %slice3A_349 = vector.extract_strided_slice %get3A_137 {offsets = [15], sizes = [1], strides = [1]} : vector<16xi32> to vector<1xi32>
      %squeeze3A_350 = vector.extract %slice3A_349[0] : i32 from vector<1xi32>
      %dma_start3A_351 = arith.constant 0 : i32
      %dma_start3A_352 = tpu.memref_slice %arg18[%add3A_348, %dma_start3A_351] : memref<256x32xf32, #tpu.memory_space<vmem>> -> memref<1x32xf32, #tpu.memory_space<vmem>>
      %dma_start3A_353 = arith.constant 0 : i32
      %dma_start3A_354 = tpu.memref_slice %arg6[%squeeze3A_350, %dma_start3A_353] : memref<1000001x32xf32, #tpu.memory_space<hbm>> -> memref<1x32xf32, #tpu.memory_space<hbm>>
      %dma_start3A_355 = arith.constant 0 : i32
      %dma_start3A_356 = tpu.memref_slice %arg18[%add3A_348, %dma_start3A_355] : memref<256x32xf32, #tpu.memory_space<vmem>> -> memref<1x32xf32, #tpu.memory_space<vmem>>
      %dma_start3A_357 = arith.constant 0 : i32
      %dma_start3A_358 = tpu.memref_slice %arg6[%squeeze3A_350, %dma_start3A_357] : memref<1000001x32xf32, #tpu.memory_space<hbm>> -> memref<1x32xf32, #tpu.memory_space<hbm>>
      tpu.enqueue_dma source(%dma_start3A_358 : memref<1x32xf32, #tpu.memory_space<hbm>>) target(%dma_start3A_356 : memref<1x32xf32, #tpu.memory_space<vmem>>) target_semaphore(%arg21 : memref<!tpu.dma_semaphore, #tpu.memory_space<semaphore_mem>>)
    }
    %scan3A_31 = arith.constant 16 : i32
    %dma_wait3A_32 = arith.constant 0 : i32
    %dma_wait3A_33 = arith.constant 0 : i32
    %dma_wait3A_34 = tpu.memref_slice %arg6[%dma_wait3A_32, %dma_wait3A_33] : memref<1000001x32xf32, #tpu.memory_space<hbm>> -> memref<256x32xf32, #tpu.memory_space<hbm>>
    %dma_wait3A_35 = arith.constant 0 : i32
    %dma_wait3A_36 = arith.constant 0 : i32
    %dma_wait3A_37 = tpu.memref_slice %arg6[%dma_wait3A_35, %dma_wait3A_36] : memref<1000001x32xf32, #tpu.memory_space<hbm>> -> memref<256x32xf32, #tpu.memory_space<hbm>>
    tpu.wait_dma2 semaphore(%arg21 : memref<!tpu.dma_semaphore, #tpu.memory_space<semaphore_mem>>) src(%dma_wait3A_37 : memref<256x32xf32, #tpu.memory_space<hbm>>) dst(%arg18 : memref<256x32xf32, #tpu.memory_space<vmem>>)
    %add3A_38 = arith.constant 0 : i32
    %add3A_39 = arith.addi %mul3A_2, %add3A_38 : i32
    "tpu.region"() ({
      %run_scoped3A = tpu.sem_alloc : memref<!tpu.dma_semaphore, #tpu.memory_space<semaphore_mem>>
      %dma_start3A = arith.constant 0 : i32
      %dma_start3A_131 = tpu.memref_slice %arg11[%add3A_39, %dma_start3A] : memref<16384x32xf32, #tpu.memory_space<hbm>> -> memref<256x32xf32, #tpu.memory_space<hbm>>
      %dma_start3A_132 = arith.constant 0 : i32
      %dma_start3A_133 = tpu.memref_slice %arg11[%add3A_39, %dma_start3A_132] : memref<16384x32xf32, #tpu.memory_space<hbm>> -> memref<256x32xf32, #tpu.memory_space<hbm>>
      tpu.enqueue_dma source(%arg18 : memref<256x32xf32, #tpu.memory_space<vmem>>) target(%dma_start3A_133 : memref<256x32xf32, #tpu.memory_space<hbm>>) target_semaphore(%run_scoped3A : memref<!tpu.dma_semaphore, #tpu.memory_space<semaphore_mem>>)
      %dma_wait3A_134 = arith.constant 0 : i32
      %dma_wait3A_135 = tpu.memref_slice %arg11[%add3A_39, %dma_wait3A_134] : memref<16384x32xf32, #tpu.memory_space<hbm>> -> memref<256x32xf32, #tpu.memory_space<hbm>>
      %dma_wait3A_136 = arith.constant 0 : i32
      %dma_wait3A_137 = tpu.memref_slice %arg11[%add3A_39, %dma_wait3A_136] : memref<16384x32xf32, #tpu.memory_space<hbm>> -> memref<256x32xf32, #tpu.memory_space<hbm>>
      tpu.wait_dma2 semaphore(%run_scoped3A : memref<!tpu.dma_semaphore, #tpu.memory_space<semaphore_mem>>) src(%arg18 : memref<256x32xf32, #tpu.memory_space<vmem>>) dst(%dma_wait3A_137 : memref<256x32xf32, #tpu.memory_space<hbm>>)
      tpu.yield
    }) : () -> ()
    %scan3A_40 = arith.constant 0 : i32
    %scan3A_41 = arith.constant 16 : i32
    %scan3A_42 = arith.addi %scan3A_40, %scan3A_41 : i32
    %scan3A_43 = arith.constant 1 : i32
    scf.for %scan3A_131 = %scan3A_40 to %scan3A_42 step %scan3A_43  : i32 {
      %mul3A_132 = arith.constant 16 : i32
      %mul3A_133 = arith.muli %scan3A_131, %mul3A_132 : i32
      %add3A_134 = arith.constant 256 : i32
      %add3A_135 = arith.addi %add3A_134, %mul3A_133 : i32
      %multiple_of3A = tpu.assume_multiple %add3A_135, 16 : i32
      %get3A = arith.index_cast %multiple_of3A : i32 to index
      %get3A_136 = tpu.vector_load %arg16[%get3A] {strides = array<i32>} : memref<512xi32, #tpu.memory_space<vmem>>, vector<16xi32>,
      %get3A_137 = vector.shape_cast %get3A_136 : vector<16xi32> to vector<16xi32>
      %mul3A_138 = arith.constant 16 : i32
      %mul3A_139 = arith.muli %scan3A_131, %mul3A_138 : i32
      %add3A_140 = arith.constant 0 : i32
      %add3A_141 = arith.addi %mul3A_139, %add3A_140 : i32
      %slice3A = vector.extract_strided_slice %get3A_137 {offsets = [0], sizes = [1], strides = [1]} : vector<16xi32> to vector<1xi32>
      %squeeze3A = vector.extract %slice3A[0] : i32 from vector<1xi32>
      %dma_start3A = arith.constant 0 : i32
      %dma_start3A_142 = tpu.memref_slice %arg18[%add3A_141, %dma_start3A] : memref<256x32xf32, #tpu.memory_space<vmem>> -> memref<1x32xf32, #tpu.memory_space<vmem>>
      %dma_start3A_143 = arith.constant 0 : i32
      %dma_start3A_144 = tpu.memref_slice %arg6[%squeeze3A, %dma_start3A_143] : memref<1000001x32xf32, #tpu.memory_space<hbm>> -> memref<1x32xf32, #tpu.memory_space<hbm>>
      %dma_start3A_145 = arith.constant 0 : i32
      %dma_start3A_146 = tpu.memref_slice %arg18[%add3A_141, %dma_start3A_145] : memref<256x32xf32, #tpu.memory_space<vmem>> -> memref<1x32xf32, #tpu.memory_space<vmem>>
      %dma_start3A_147 = arith.constant 0 : i32
      %dma_start3A_148 = tpu.memref_slice %arg6[%squeeze3A, %dma_start3A_147] : memref<1000001x32xf32, #tpu.memory_space<hbm>> -> memref<1x32xf32, #tpu.memory_space<hbm>>
      tpu.enqueue_dma source(%dma_start3A_148 : memref<1x32xf32, #tpu.memory_space<hbm>>) target(%dma_start3A_146 : memref<1x32xf32, #tpu.memory_space<vmem>>) target_semaphore(%arg21 : memref<!tpu.dma_semaphore, #tpu.memory_space<semaphore_mem>>)
      %mul3A_149 = arith.constant 16 : i32
      %mul3A_150 = arith.muli %scan3A_131, %mul3A_149 : i32
      %add3A_151 = arith.constant 1 : i32
      %add3A_152 = arith.addi %mul3A_150, %add3A_151 : i32
      %slice3A_153 = vector.extract_strided_slice %get3A_137 {offsets = [1], sizes = [1], strides = [1]} : vector<16xi32> to vector<1xi32>
      %squeeze3A_154 = vector.extract %slice3A_153[0] : i32 from vector<1xi32>
      %dma_start3A_155 = arith.constant 0 : i32
      %dma_start3A_156 = tpu.memref_slice %arg18[%add3A_152, %dma_start3A_155] : memref<256x32xf32, #tpu.memory_space<vmem>> -> memref<1x32xf32, #tpu.memory_space<vmem>>
      %dma_start3A_157 = arith.constant 0 : i32
      %dma_start3A_158 = tpu.memref_slice %arg6[%squeeze3A_154, %dma_start3A_157] : memref<1000001x32xf32, #tpu.memory_space<hbm>> -> memref<1x32xf32, #tpu.memory_space<hbm>>
      %dma_start3A_159 = arith.constant 0 : i32
      %dma_start3A_160 = tpu.memref_slice %arg18[%add3A_152, %dma_start3A_159] : memref<256x32xf32, #tpu.memory_space<vmem>> -> memref<1x32xf32, #tpu.memory_space<vmem>>
      %dma_start3A_161 = arith.constant 0 : i32
      %dma_start3A_162 = tpu.memref_slice %arg6[%squeeze3A_154, %dma_start3A_161] : memref<1000001x32xf32, #tpu.memory_space<hbm>> -> memref<1x32xf32, #tpu.memory_space<hbm>>
      tpu.enqueue_dma source(%dma_start3A_162 : memref<1x32xf32, #tpu.memory_space<hbm>>) target(%dma_start3A_160 : memref<1x32xf32, #tpu.memory_space<vmem>>) target_semaphore(%arg21 : memref<!tpu.dma_semaphore, #tpu.memory_space<semaphore_mem>>)
      %mul3A_163 = arith.constant 16 : i32
      %mul3A_164 = arith.muli %scan3A_131, %mul3A_163 : i32
      %add3A_165 = arith.constant 2 : i32
      %add3A_166 = arith.addi %mul3A_164, %add3A_165 : i32
      %slice3A_167 = vector.extract_strided_slice %get3A_137 {offsets = [2], sizes = [1], strides = [1]} : vector<16xi32> to vector<1xi32>
      %squeeze3A_168 = vector.extract %slice3A_167[0] : i32 from vector<1xi32>
      %dma_start3A_169 = arith.constant 0 : i32
      %dma_start3A_170 = tpu.memref_slice %arg18[%add3A_166, %dma_start3A_169] : memref<256x32xf32, #tpu.memory_space<vmem>> -> memref<1x32xf32, #tpu.memory_space<vmem>>
      %dma_start3A_171 = arith.constant 0 : i32
      %dma_start3A_172 = tpu.memref_slice %arg6[%squeeze3A_168, %dma_start3A_171] : memref<1000001x32xf32, #tpu.memory_space<hbm>> -> memref<1x32xf32, #tpu.memory_space<hbm>>
      %dma_start3A_173 = arith.constant 0 : i32
      %dma_start3A_174 = tpu.memref_slice %arg18[%add3A_166, %dma_start3A_173] : memref<256x32xf32, #tpu.memory_space<vmem>> -> memref<1x32xf32, #tpu.memory_space<vmem>>
      %dma_start3A_175 = arith.constant 0 : i32
      %dma_start3A_176 = tpu.memref_slice %arg6[%squeeze3A_168, %dma_start3A_175] : memref<1000001x32xf32, #tpu.memory_space<hbm>> -> memref<1x32xf32, #tpu.memory_space<hbm>>
      tpu.enqueue_dma source(%dma_start3A_176 : memref<1x32xf32, #tpu.memory_space<hbm>>) target(%dma_start3A_174 : memref<1x32xf32, #tpu.memory_space<vmem>>) target_semaphore(%arg21 : memref<!tpu.dma_semaphore, #tpu.memory_space<semaphore_mem>>)
      %mul3A_177 = arith.constant 16 : i32
      %mul3A_178 = arith.muli %scan3A_131, %mul3A_177 : i32
      %add3A_179 = arith.constant 3 : i32
      %add3A_180 = arith.addi %mul3A_178, %add3A_179 : i32
      %slice3A_181 = vector.extract_strided_slice %get3A_137 {offsets = [3], sizes = [1], strides = [1]} : vector<16xi32> to vector<1xi32>
      %squeeze3A_182 = vector.extract %slice3A_181[0] : i32 from vector<1xi32>
      %dma_start3A_183 = arith.constant 0 : i32
      %dma_start3A_184 = tpu.memref_slice %arg18[%add3A_180, %dma_start3A_183] : memref<256x32xf32, #tpu.memory_space<vmem>> -> memref<1x32xf32, #tpu.memory_space<vmem>>
      %dma_start3A_185 = arith.constant 0 : i32
      %dma_start3A_186 = tpu.memref_slice %arg6[%squeeze3A_182, %dma_start3A_185] : memref<1000001x32xf32, #tpu.memory_space<hbm>> -> memref<1x32xf32, #tpu.memory_space<hbm>>
      %dma_start3A_187 = arith.constant 0 : i32
      %dma_start3A_188 = tpu.memref_slice %arg18[%add3A_180, %dma_start3A_187] : memref<256x32xf32, #tpu.memory_space<vmem>> -> memref<1x32xf32, #tpu.memory_space<vmem>>
      %dma_start3A_189 = arith.constant 0 : i32
      %dma_start3A_190 = tpu.memref_slice %arg6[%squeeze3A_182, %dma_start3A_189] : memref<1000001x32xf32, #tpu.memory_space<hbm>> -> memref<1x32xf32, #tpu.memory_space<hbm>>
      tpu.enqueue_dma source(%dma_start3A_190 : memref<1x32xf32, #tpu.memory_space<hbm>>) target(%dma_start3A_188 : memref<1x32xf32, #tpu.memory_space<vmem>>) target_semaphore(%arg21 : memref<!tpu.dma_semaphore, #tpu.memory_space<semaphore_mem>>)
      %mul3A_191 = arith.constant 16 : i32
      %mul3A_192 = arith.muli %scan3A_131, %mul3A_191 : i32
      %add3A_193 = arith.constant 4 : i32
      %add3A_194 = arith.addi %mul3A_192, %add3A_193 : i32
      %slice3A_195 = vector.extract_strided_slice %get3A_137 {offsets = [4], sizes = [1], strides = [1]} : vector<16xi32> to vector<1xi32>
      %squeeze3A_196 = vector.extract %slice3A_195[0] : i32 from vector<1xi32>
      %dma_start3A_197 = arith.constant 0 : i32
      %dma_start3A_198 = tpu.memref_slice %arg18[%add3A_194, %dma_start3A_197] : memref<256x32xf32, #tpu.memory_space<vmem>> -> memref<1x32xf32, #tpu.memory_space<vmem>>
      %dma_start3A_199 = arith.constant 0 : i32
      %dma_start3A_200 = tpu.memref_slice %arg6[%squeeze3A_196, %dma_start3A_199] : memref<1000001x32xf32, #tpu.memory_space<hbm>> -> memref<1x32xf32, #tpu.memory_space<hbm>>
      %dma_start3A_201 = arith.constant 0 : i32
      %dma_start3A_202 = tpu.memref_slice %arg18[%add3A_194, %dma_start3A_201] : memref<256x32xf32, #tpu.memory_space<vmem>> -> memref<1x32xf32, #tpu.memory_space<vmem>>
      %dma_start3A_203 = arith.constant 0 : i32
      %dma_start3A_204 = tpu.memref_slice %arg6[%squeeze3A_196, %dma_start3A_203] : memref<1000001x32xf32, #tpu.memory_space<hbm>> -> memref<1x32xf32, #tpu.memory_space<hbm>>
      tpu.enqueue_dma source(%dma_start3A_204 : memref<1x32xf32, #tpu.memory_space<hbm>>) target(%dma_start3A_202 : memref<1x32xf32, #tpu.memory_space<vmem>>) target_semaphore(%arg21 : memref<!tpu.dma_semaphore, #tpu.memory_space<semaphore_mem>>)
      %mul3A_205 = arith.constant 16 : i32
      %mul3A_206 = arith.muli %scan3A_131, %mul3A_205 : i32
      %add3A_207 = arith.constant 5 : i32
      %add3A_208 = arith.addi %mul3A_206, %add3A_207 : i32
      %slice3A_209 = vector.extract_strided_slice %get3A_137 {offsets = [5], sizes = [1], strides = [1]} : vector<16xi32> to vector<1xi32>
      %squeeze3A_210 = vector.extract %slice3A_209[0] : i32 from vector<1xi32>
      %dma_start3A_211 = arith.constant 0 : i32
      %dma_start3A_212 = tpu.memref_slice %arg18[%add3A_208, %dma_start3A_211] : memref<256x32xf32, #tpu.memory_space<vmem>> -> memref<1x32xf32, #tpu.memory_space<vmem>>
      %dma_start3A_213 = arith.constant 0 : i32
      %dma_start3A_214 = tpu.memref_slice %arg6[%squeeze3A_210, %dma_start3A_213] : memref<1000001x32xf32, #tpu.memory_space<hbm>> -> memref<1x32xf32, #tpu.memory_space<hbm>>
      %dma_start3A_215 = arith.constant 0 : i32
      %dma_start3A_216 = tpu.memref_slice %arg18[%add3A_208, %dma_start3A_215] : memref<256x32xf32, #tpu.memory_space<vmem>> -> memref<1x32xf32, #tpu.memory_space<vmem>>
      %dma_start3A_217 = arith.constant 0 : i32
      %dma_start3A_218 = tpu.memref_slice %arg6[%squeeze3A_210, %dma_start3A_217] : memref<1000001x32xf32, #tpu.memory_space<hbm>> -> memref<1x32xf32, #tpu.memory_space<hbm>>
      tpu.enqueue_dma source(%dma_start3A_218 : memref<1x32xf32, #tpu.memory_space<hbm>>) target(%dma_start3A_216 : memref<1x32xf32, #tpu.memory_space<vmem>>) target_semaphore(%arg21 : memref<!tpu.dma_semaphore, #tpu.memory_space<semaphore_mem>>)
      %mul3A_219 = arith.constant 16 : i32
      %mul3A_220 = arith.muli %scan3A_131, %mul3A_219 : i32
      %add3A_221 = arith.constant 6 : i32
      %add3A_222 = arith.addi %mul3A_220, %add3A_221 : i32
      %slice3A_223 = vector.extract_strided_slice %get3A_137 {offsets = [6], sizes = [1], strides = [1]} : vector<16xi32> to vector<1xi32>
      %squeeze3A_224 = vector.extract %slice3A_223[0] : i32 from vector<1xi32>
      %dma_start3A_225 = arith.constant 0 : i32
      %dma_start3A_226 = tpu.memref_slice %arg18[%add3A_222, %dma_start3A_225] : memref<256x32xf32, #tpu.memory_space<vmem>> -> memref<1x32xf32, #tpu.memory_space<vmem>>
      %dma_start3A_227 = arith.constant 0 : i32
      %dma_start3A_228 = tpu.memref_slice %arg6[%squeeze3A_224, %dma_start3A_227] : memref<1000001x32xf32, #tpu.memory_space<hbm>> -> memref<1x32xf32, #tpu.memory_space<hbm>>
      %dma_start3A_229 = arith.constant 0 : i32
      %dma_start3A_230 = tpu.memref_slice %arg18[%add3A_222, %dma_start3A_229] : memref<256x32xf32, #tpu.memory_space<vmem>> -> memref<1x32xf32, #tpu.memory_space<vmem>>
      %dma_start3A_231 = arith.constant 0 : i32
      %dma_start3A_232 = tpu.memref_slice %arg6[%squeeze3A_224, %dma_start3A_231] : memref<1000001x32xf32, #tpu.memory_space<hbm>> -> memref<1x32xf32, #tpu.memory_space<hbm>>
      tpu.enqueue_dma source(%dma_start3A_232 : memref<1x32xf32, #tpu.memory_space<hbm>>) target(%dma_start3A_230 : memref<1x32xf32, #tpu.memory_space<vmem>>) target_semaphore(%arg21 : memref<!tpu.dma_semaphore, #tpu.memory_space<semaphore_mem>>)
      %mul3A_233 = arith.constant 16 : i32
      %mul3A_234 = arith.muli %scan3A_131, %mul3A_233 : i32
      %add3A_235 = arith.constant 7 : i32
      %add3A_236 = arith.addi %mul3A_234, %add3A_235 : i32
      %slice3A_237 = vector.extract_strided_slice %get3A_137 {offsets = [7], sizes = [1], strides = [1]} : vector<16xi32> to vector<1xi32>
      %squeeze3A_238 = vector.extract %slice3A_237[0] : i32 from vector<1xi32>
      %dma_start3A_239 = arith.constant 0 : i32
      %dma_start3A_240 = tpu.memref_slice %arg18[%add3A_236, %dma_start3A_239] : memref<256x32xf32, #tpu.memory_space<vmem>> -> memref<1x32xf32, #tpu.memory_space<vmem>>
      %dma_start3A_241 = arith.constant 0 : i32
      %dma_start3A_242 = tpu.memref_slice %arg6[%squeeze3A_238, %dma_start3A_241] : memref<1000001x32xf32, #tpu.memory_space<hbm>> -> memref<1x32xf32, #tpu.memory_space<hbm>>
      %dma_start3A_243 = arith.constant 0 : i32
      %dma_start3A_244 = tpu.memref_slice %arg18[%add3A_236, %dma_start3A_243] : memref<256x32xf32, #tpu.memory_space<vmem>> -> memref<1x32xf32, #tpu.memory_space<vmem>>
      %dma_start3A_245 = arith.constant 0 : i32
      %dma_start3A_246 = tpu.memref_slice %arg6[%squeeze3A_238, %dma_start3A_245] : memref<1000001x32xf32, #tpu.memory_space<hbm>> -> memref<1x32xf32, #tpu.memory_space<hbm>>
      tpu.enqueue_dma source(%dma_start3A_246 : memref<1x32xf32, #tpu.memory_space<hbm>>) target(%dma_start3A_244 : memref<1x32xf32, #tpu.memory_space<vmem>>) target_semaphore(%arg21 : memref<!tpu.dma_semaphore, #tpu.memory_space<semaphore_mem>>)
      %mul3A_247 = arith.constant 16 : i32
      %mul3A_248 = arith.muli %scan3A_131, %mul3A_247 : i32
      %add3A_249 = arith.constant 8 : i32
      %add3A_250 = arith.addi %mul3A_248, %add3A_249 : i32
      %slice3A_251 = vector.extract_strided_slice %get3A_137 {offsets = [8], sizes = [1], strides = [1]} : vector<16xi32> to vector<1xi32>
      %squeeze3A_252 = vector.extract %slice3A_251[0] : i32 from vector<1xi32>
      %dma_start3A_253 = arith.constant 0 : i32
      %dma_start3A_254 = tpu.memref_slice %arg18[%add3A_250, %dma_start3A_253] : memref<256x32xf32, #tpu.memory_space<vmem>> -> memref<1x32xf32, #tpu.memory_space<vmem>>
      %dma_start3A_255 = arith.constant 0 : i32
      %dma_start3A_256 = tpu.memref_slice %arg6[%squeeze3A_252, %dma_start3A_255] : memref<1000001x32xf32, #tpu.memory_space<hbm>> -> memref<1x32xf32, #tpu.memory_space<hbm>>
      %dma_start3A_257 = arith.constant 0 : i32
      %dma_start3A_258 = tpu.memref_slice %arg18[%add3A_250, %dma_start3A_257] : memref<256x32xf32, #tpu.memory_space<vmem>> -> memref<1x32xf32, #tpu.memory_space<vmem>>
      %dma_start3A_259 = arith.constant 0 : i32
      %dma_start3A_260 = tpu.memref_slice %arg6[%squeeze3A_252, %dma_start3A_259] : memref<1000001x32xf32, #tpu.memory_space<hbm>> -> memref<1x32xf32, #tpu.memory_space<hbm>>
      tpu.enqueue_dma source(%dma_start3A_260 : memref<1x32xf32, #tpu.memory_space<hbm>>) target(%dma_start3A_258 : memref<1x32xf32, #tpu.memory_space<vmem>>) target_semaphore(%arg21 : memref<!tpu.dma_semaphore, #tpu.memory_space<semaphore_mem>>)
      %mul3A_261 = arith.constant 16 : i32
      %mul3A_262 = arith.muli %scan3A_131, %mul3A_261 : i32
      %add3A_263 = arith.constant 9 : i32
      %add3A_264 = arith.addi %mul3A_262, %add3A_263 : i32
      %slice3A_265 = vector.extract_strided_slice %get3A_137 {offsets = [9], sizes = [1], strides = [1]} : vector<16xi32> to vector<1xi32>
      %squeeze3A_266 = vector.extract %slice3A_265[0] : i32 from vector<1xi32>
      %dma_start3A_267 = arith.constant 0 : i32
      %dma_start3A_268 = tpu.memref_slice %arg18[%add3A_264, %dma_start3A_267] : memref<256x32xf32, #tpu.memory_space<vmem>> -> memref<1x32xf32, #tpu.memory_space<vmem>>
      %dma_start3A_269 = arith.constant 0 : i32
      %dma_start3A_270 = tpu.memref_slice %arg6[%squeeze3A_266, %dma_start3A_269] : memref<1000001x32xf32, #tpu.memory_space<hbm>> -> memref<1x32xf32, #tpu.memory_space<hbm>>
      %dma_start3A_271 = arith.constant 0 : i32
      %dma_start3A_272 = tpu.memref_slice %arg18[%add3A_264, %dma_start3A_271] : memref<256x32xf32, #tpu.memory_space<vmem>> -> memref<1x32xf32, #tpu.memory_space<vmem>>
      %dma_start3A_273 = arith.constant 0 : i32
      %dma_start3A_274 = tpu.memref_slice %arg6[%squeeze3A_266, %dma_start3A_273] : memref<1000001x32xf32, #tpu.memory_space<hbm>> -> memref<1x32xf32, #tpu.memory_space<hbm>>
      tpu.enqueue_dma source(%dma_start3A_274 : memref<1x32xf32, #tpu.memory_space<hbm>>) target(%dma_start3A_272 : memref<1x32xf32, #tpu.memory_space<vmem>>) target_semaphore(%arg21 : memref<!tpu.dma_semaphore, #tpu.memory_space<semaphore_mem>>)
      %mul3A_275 = arith.constant 16 : i32
      %mul3A_276 = arith.muli %scan3A_131, %mul3A_275 : i32
      %add3A_277 = arith.constant 10 : i32
      %add3A_278 = arith.addi %mul3A_276, %add3A_277 : i32
      %slice3A_279 = vector.extract_strided_slice %get3A_137 {offsets = [10], sizes = [1], strides = [1]} : vector<16xi32> to vector<1xi32>
      %squeeze3A_280 = vector.extract %slice3A_279[0] : i32 from vector<1xi32>
      %dma_start3A_281 = arith.constant 0 : i32
      %dma_start3A_282 = tpu.memref_slice %arg18[%add3A_278, %dma_start3A_281] : memref<256x32xf32, #tpu.memory_space<vmem>> -> memref<1x32xf32, #tpu.memory_space<vmem>>
      %dma_start3A_283 = arith.constant 0 : i32
      %dma_start3A_284 = tpu.memref_slice %arg6[%squeeze3A_280, %dma_start3A_283] : memref<1000001x32xf32, #tpu.memory_space<hbm>> -> memref<1x32xf32, #tpu.memory_space<hbm>>
      %dma_start3A_285 = arith.constant 0 : i32
      %dma_start3A_286 = tpu.memref_slice %arg18[%add3A_278, %dma_start3A_285] : memref<256x32xf32, #tpu.memory_space<vmem>> -> memref<1x32xf32, #tpu.memory_space<vmem>>
      %dma_start3A_287 = arith.constant 0 : i32
      %dma_start3A_288 = tpu.memref_slice %arg6[%squeeze3A_280, %dma_start3A_287] : memref<1000001x32xf32, #tpu.memory_space<hbm>> -> memref<1x32xf32, #tpu.memory_space<hbm>>
      tpu.enqueue_dma source(%dma_start3A_288 : memref<1x32xf32, #tpu.memory_space<hbm>>) target(%dma_start3A_286 : memref<1x32xf32, #tpu.memory_space<vmem>>) target_semaphore(%arg21 : memref<!tpu.dma_semaphore, #tpu.memory_space<semaphore_mem>>)
      %mul3A_289 = arith.constant 16 : i32
      %mul3A_290 = arith.muli %scan3A_131, %mul3A_289 : i32
      %add3A_291 = arith.constant 11 : i32
      %add3A_292 = arith.addi %mul3A_290, %add3A_291 : i32
      %slice3A_293 = vector.extract_strided_slice %get3A_137 {offsets = [11], sizes = [1], strides = [1]} : vector<16xi32> to vector<1xi32>
      %squeeze3A_294 = vector.extract %slice3A_293[0] : i32 from vector<1xi32>
      %dma_start3A_295 = arith.constant 0 : i32
      %dma_start3A_296 = tpu.memref_slice %arg18[%add3A_292, %dma_start3A_295] : memref<256x32xf32, #tpu.memory_space<vmem>> -> memref<1x32xf32, #tpu.memory_space<vmem>>
      %dma_start3A_297 = arith.constant 0 : i32
      %dma_start3A_298 = tpu.memref_slice %arg6[%squeeze3A_294, %dma_start3A_297] : memref<1000001x32xf32, #tpu.memory_space<hbm>> -> memref<1x32xf32, #tpu.memory_space<hbm>>
      %dma_start3A_299 = arith.constant 0 : i32
      %dma_start3A_300 = tpu.memref_slice %arg18[%add3A_292, %dma_start3A_299] : memref<256x32xf32, #tpu.memory_space<vmem>> -> memref<1x32xf32, #tpu.memory_space<vmem>>
      %dma_start3A_301 = arith.constant 0 : i32
      %dma_start3A_302 = tpu.memref_slice %arg6[%squeeze3A_294, %dma_start3A_301] : memref<1000001x32xf32, #tpu.memory_space<hbm>> -> memref<1x32xf32, #tpu.memory_space<hbm>>
      tpu.enqueue_dma source(%dma_start3A_302 : memref<1x32xf32, #tpu.memory_space<hbm>>) target(%dma_start3A_300 : memref<1x32xf32, #tpu.memory_space<vmem>>) target_semaphore(%arg21 : memref<!tpu.dma_semaphore, #tpu.memory_space<semaphore_mem>>)
      %mul3A_303 = arith.constant 16 : i32
      %mul3A_304 = arith.muli %scan3A_131, %mul3A_303 : i32
      %add3A_305 = arith.constant 12 : i32
      %add3A_306 = arith.addi %mul3A_304, %add3A_305 : i32
      %slice3A_307 = vector.extract_strided_slice %get3A_137 {offsets = [12], sizes = [1], strides = [1]} : vector<16xi32> to vector<1xi32>
      %squeeze3A_308 = vector.extract %slice3A_307[0] : i32 from vector<1xi32>
      %dma_start3A_309 = arith.constant 0 : i32
      %dma_start3A_310 = tpu.memref_slice %arg18[%add3A_306, %dma_start3A_309] : memref<256x32xf32, #tpu.memory_space<vmem>> -> memref<1x32xf32, #tpu.memory_space<vmem>>
      %dma_start3A_311 = arith.constant 0 : i32
      %dma_start3A_312 = tpu.memref_slice %arg6[%squeeze3A_308, %dma_start3A_311] : memref<1000001x32xf32, #tpu.memory_space<hbm>> -> memref<1x32xf32, #tpu.memory_space<hbm>>
      %dma_start3A_313 = arith.constant 0 : i32
      %dma_start3A_314 = tpu.memref_slice %arg18[%add3A_306, %dma_start3A_313] : memref<256x32xf32, #tpu.memory_space<vmem>> -> memref<1x32xf32, #tpu.memory_space<vmem>>
      %dma_start3A_315 = arith.constant 0 : i32
      %dma_start3A_316 = tpu.memref_slice %arg6[%squeeze3A_308, %dma_start3A_315] : memref<1000001x32xf32, #tpu.memory_space<hbm>> -> memref<1x32xf32, #tpu.memory_space<hbm>>
      tpu.enqueue_dma source(%dma_start3A_316 : memref<1x32xf32, #tpu.memory_space<hbm>>) target(%dma_start3A_314 : memref<1x32xf32, #tpu.memory_space<vmem>>) target_semaphore(%arg21 : memref<!tpu.dma_semaphore, #tpu.memory_space<semaphore_mem>>)
      %mul3A_317 = arith.constant 16 : i32
      %mul3A_318 = arith.muli %scan3A_131, %mul3A_317 : i32
      %add3A_319 = arith.constant 13 : i32
      %add3A_320 = arith.addi %mul3A_318, %add3A_319 : i32
      %slice3A_321 = vector.extract_strided_slice %get3A_137 {offsets = [13], sizes = [1], strides = [1]} : vector<16xi32> to vector<1xi32>
      %squeeze3A_322 = vector.extract %slice3A_321[0] : i32 from vector<1xi32>
      %dma_start3A_323 = arith.constant 0 : i32
      %dma_start3A_324 = tpu.memref_slice %arg18[%add3A_320, %dma_start3A_323] : memref<256x32xf32, #tpu.memory_space<vmem>> -> memref<1x32xf32, #tpu.memory_space<vmem>>
      %dma_start3A_325 = arith.constant 0 : i32
      %dma_start3A_326 = tpu.memref_slice %arg6[%squeeze3A_322, %dma_start3A_325] : memref<1000001x32xf32, #tpu.memory_space<hbm>> -> memref<1x32xf32, #tpu.memory_space<hbm>>
      %dma_start3A_327 = arith.constant 0 : i32
      %dma_start3A_328 = tpu.memref_slice %arg18[%add3A_320, %dma_start3A_327] : memref<256x32xf32, #tpu.memory_space<vmem>> -> memref<1x32xf32, #tpu.memory_space<vmem>>
      %dma_start3A_329 = arith.constant 0 : i32
      %dma_start3A_330 = tpu.memref_slice %arg6[%squeeze3A_322, %dma_start3A_329] : memref<1000001x32xf32, #tpu.memory_space<hbm>> -> memref<1x32xf32, #tpu.memory_space<hbm>>
      tpu.enqueue_dma source(%dma_start3A_330 : memref<1x32xf32, #tpu.memory_space<hbm>>) target(%dma_start3A_328 : memref<1x32xf32, #tpu.memory_space<vmem>>) target_semaphore(%arg21 : memref<!tpu.dma_semaphore, #tpu.memory_space<semaphore_mem>>)
      %mul3A_331 = arith.constant 16 : i32
      %mul3A_332 = arith.muli %scan3A_131, %mul3A_331 : i32
      %add3A_333 = arith.constant 14 : i32
      %add3A_334 = arith.addi %mul3A_332, %add3A_333 : i32
      %slice3A_335 = vector.extract_strided_slice %get3A_137 {offsets = [14], sizes = [1], strides = [1]} : vector<16xi32> to vector<1xi32>
      %squeeze3A_336 = vector.extract %slice3A_335[0] : i32 from vector<1xi32>
      %dma_start3A_337 = arith.constant 0 : i32
      %dma_start3A_338 = tpu.memref_slice %arg18[%add3A_334, %dma_start3A_337] : memref<256x32xf32, #tpu.memory_space<vmem>> -> memref<1x32xf32, #tpu.memory_space<vmem>>
      %dma_start3A_339 = arith.constant 0 : i32
      %dma_start3A_340 = tpu.memref_slice %arg6[%squeeze3A_336, %dma_start3A_339] : memref<1000001x32xf32, #tpu.memory_space<hbm>> -> memref<1x32xf32, #tpu.memory_space<hbm>>
      %dma_start3A_341 = arith.constant 0 : i32
      %dma_start3A_342 = tpu.memref_slice %arg18[%add3A_334, %dma_start3A_341] : memref<256x32xf32, #tpu.memory_space<vmem>> -> memref<1x32xf32, #tpu.memory_space<vmem>>
      %dma_start3A_343 = arith.constant 0 : i32
      %dma_start3A_344 = tpu.memref_slice %arg6[%squeeze3A_336, %dma_start3A_343] : memref<1000001x32xf32, #tpu.memory_space<hbm>> -> memref<1x32xf32, #tpu.memory_space<hbm>>
      tpu.enqueue_dma source(%dma_start3A_344 : memref<1x32xf32, #tpu.memory_space<hbm>>) target(%dma_start3A_342 : memref<1x32xf32, #tpu.memory_space<vmem>>) target_semaphore(%arg21 : memref<!tpu.dma_semaphore, #tpu.memory_space<semaphore_mem>>)
      %mul3A_345 = arith.constant 16 : i32
      %mul3A_346 = arith.muli %scan3A_131, %mul3A_345 : i32
      %add3A_347 = arith.constant 15 : i32
      %add3A_348 = arith.addi %mul3A_346, %add3A_347 : i32
      %slice3A_349 = vector.extract_strided_slice %get3A_137 {offsets = [15], sizes = [1], strides = [1]} : vector<16xi32> to vector<1xi32>
      %squeeze3A_350 = vector.extract %slice3A_349[0] : i32 from vector<1xi32>
      %dma_start3A_351 = arith.constant 0 : i32
      %dma_start3A_352 = tpu.memref_slice %arg18[%add3A_348, %dma_start3A_351] : memref<256x32xf32, #tpu.memory_space<vmem>> -> memref<1x32xf32, #tpu.memory_space<vmem>>
      %dma_start3A_353 = arith.constant 0 : i32
      %dma_start3A_354 = tpu.memref_slice %arg6[%squeeze3A_350, %dma_start3A_353] : memref<1000001x32xf32, #tpu.memory_space<hbm>> -> memref<1x32xf32, #tpu.memory_space<hbm>>
      %dma_start3A_355 = arith.constant 0 : i32
      %dma_start3A_356 = tpu.memref_slice %arg18[%add3A_348, %dma_start3A_355] : memref<256x32xf32, #tpu.memory_space<vmem>> -> memref<1x32xf32, #tpu.memory_space<vmem>>
      %dma_start3A_357 = arith.constant 0 : i32
      %dma_start3A_358 = tpu.memref_slice %arg6[%squeeze3A_350, %dma_start3A_357] : memref<1000001x32xf32, #tpu.memory_space<hbm>> -> memref<1x32xf32, #tpu.memory_space<hbm>>
      tpu.enqueue_dma source(%dma_start3A_358 : memref<1x32xf32, #tpu.memory_space<hbm>>) target(%dma_start3A_356 : memref<1x32xf32, #tpu.memory_space<vmem>>) target_semaphore(%arg21 : memref<!tpu.dma_semaphore, #tpu.memory_space<semaphore_mem>>)
    }
    %scan3A_44 = arith.constant 16 : i32
    %dma_wait3A_45 = arith.constant 0 : i32
    %dma_wait3A_46 = arith.constant 0 : i32
    %dma_wait3A_47 = tpu.memref_slice %arg6[%dma_wait3A_45, %dma_wait3A_46] : memref<1000001x32xf32, #tpu.memory_space<hbm>> -> memref<256x32xf32, #tpu.memory_space<hbm>>
    %dma_wait3A_48 = arith.constant 0 : i32
    %dma_wait3A_49 = arith.constant 0 : i32
    %dma_wait3A_50 = tpu.memref_slice %arg6[%dma_wait3A_48, %dma_wait3A_49] : memref<1000001x32xf32, #tpu.memory_space<hbm>> -> memref<256x32xf32, #tpu.memory_space<hbm>>
    tpu.wait_dma2 semaphore(%arg21 : memref<!tpu.dma_semaphore, #tpu.memory_space<semaphore_mem>>) src(%dma_wait3A_50 : memref<256x32xf32, #tpu.memory_space<hbm>>) dst(%arg18 : memref<256x32xf32, #tpu.memory_space<vmem>>)
    %add3A_51 = arith.constant 256 : i32
    %add3A_52 = arith.addi %mul3A_2, %add3A_51 : i32
    "tpu.region"() ({
      %run_scoped3A = tpu.sem_alloc : memref<!tpu.dma_semaphore, #tpu.memory_space<semaphore_mem>>
      %dma_start3A = arith.constant 0 : i32
      %dma_start3A_131 = tpu.memref_slice %arg11[%add3A_52, %dma_start3A] : memref<16384x32xf32, #tpu.memory_space<hbm>> -> memref<256x32xf32, #tpu.memory_space<hbm>>
      %dma_start3A_132 = arith.constant 0 : i32
      %dma_start3A_133 = tpu.memref_slice %arg11[%add3A_52, %dma_start3A_132] : memref<16384x32xf32, #tpu.memory_space<hbm>> -> memref<256x32xf32, #tpu.memory_space<hbm>>
      tpu.enqueue_dma source(%arg18 : memref<256x32xf32, #tpu.memory_space<vmem>>) target(%dma_start3A_133 : memref<256x32xf32, #tpu.memory_space<hbm>>) target_semaphore(%run_scoped3A : memref<!tpu.dma_semaphore, #tpu.memory_space<semaphore_mem>>)
      %dma_wait3A_134 = arith.constant 0 : i32
      %dma_wait3A_135 = tpu.memref_slice %arg11[%add3A_52, %dma_wait3A_134] : memref<16384x32xf32, #tpu.memory_space<hbm>> -> memref<256x32xf32, #tpu.memory_space<hbm>>
      %dma_wait3A_136 = arith.constant 0 : i32
      %dma_wait3A_137 = tpu.memref_slice %arg11[%add3A_52, %dma_wait3A_136] : memref<16384x32xf32, #tpu.memory_space<hbm>> -> memref<256x32xf32, #tpu.memory_space<hbm>>
      tpu.wait_dma2 semaphore(%run_scoped3A : memref<!tpu.dma_semaphore, #tpu.memory_space<semaphore_mem>>) src(%arg18 : memref<256x32xf32, #tpu.memory_space<vmem>>) dst(%dma_wait3A_137 : memref<256x32xf32, #tpu.memory_space<hbm>>)
      tpu.yield
    }) : () -> ()
    %scan3A_53 = arith.constant 0 : i32
    %scan3A_54 = arith.constant 16 : i32
    %scan3A_55 = arith.addi %scan3A_53, %scan3A_54 : i32
    %scan3A_56 = arith.constant 1 : i32
    scf.for %scan3A_131 = %scan3A_53 to %scan3A_55 step %scan3A_56  : i32 {
      %mul3A_132 = arith.constant 16 : i32
      %mul3A_133 = arith.muli %scan3A_131, %mul3A_132 : i32
      %add3A_134 = arith.constant 0 : i32
      %add3A_135 = arith.addi %add3A_134, %mul3A_133 : i32
      %multiple_of3A = tpu.assume_multiple %add3A_135, 16 : i32
      %get3A = arith.index_cast %multiple_of3A : i32 to index
      %get3A_136 = tpu.vector_load %arg17[%get3A] {strides = array<i32>} : memref<512xi32, #tpu.memory_space<vmem>>, vector<16xi32>,
      %get3A_137 = vector.shape_cast %get3A_136 : vector<16xi32> to vector<16xi32>
      %mul3A_138 = arith.constant 16 : i32
      %mul3A_139 = arith.muli %scan3A_131, %mul3A_138 : i32
      %add3A_140 = arith.constant 0 : i32
      %add3A_141 = arith.addi %mul3A_139, %add3A_140 : i32
      %slice3A = vector.extract_strided_slice %get3A_137 {offsets = [0], sizes = [1], strides = [1]} : vector<16xi32> to vector<1xi32>
      %squeeze3A = vector.extract %slice3A[0] : i32 from vector<1xi32>
      %dma_start3A = arith.constant 0 : i32
      %dma_start3A_142 = tpu.memref_slice %arg19[%add3A_141, %dma_start3A] : memref<256x8xf32, #tpu.memory_space<vmem>> -> memref<1x8xf32, #tpu.memory_space<vmem>>
      %dma_start3A_143 = arith.constant 0 : i32
      %dma_start3A_144 = tpu.memref_slice %arg7[%squeeze3A, %dma_start3A_143] : memref<1001x8xf32, #tpu.memory_space<hbm>> -> memref<1x8xf32, #tpu.memory_space<hbm>>
      %dma_start3A_145 = arith.constant 0 : i32
      %dma_start3A_146 = tpu.memref_slice %arg19[%add3A_141, %dma_start3A_145] : memref<256x8xf32, #tpu.memory_space<vmem>> -> memref<1x8xf32, #tpu.memory_space<vmem>>
      %dma_start3A_147 = arith.constant 0 : i32
      %dma_start3A_148 = tpu.memref_slice %arg7[%squeeze3A, %dma_start3A_147] : memref<1001x8xf32, #tpu.memory_space<hbm>> -> memref<1x8xf32, #tpu.memory_space<hbm>>
      tpu.enqueue_dma source(%dma_start3A_148 : memref<1x8xf32, #tpu.memory_space<hbm>>) target(%dma_start3A_146 : memref<1x8xf32, #tpu.memory_space<vmem>>) target_semaphore(%arg21 : memref<!tpu.dma_semaphore, #tpu.memory_space<semaphore_mem>>)
      %mul3A_149 = arith.constant 16 : i32
      %mul3A_150 = arith.muli %scan3A_131, %mul3A_149 : i32
      %add3A_151 = arith.constant 1 : i32
      %add3A_152 = arith.addi %mul3A_150, %add3A_151 : i32
      %slice3A_153 = vector.extract_strided_slice %get3A_137 {offsets = [1], sizes = [1], strides = [1]} : vector<16xi32> to vector<1xi32>
      %squeeze3A_154 = vector.extract %slice3A_153[0] : i32 from vector<1xi32>
      %dma_start3A_155 = arith.constant 0 : i32
      %dma_start3A_156 = tpu.memref_slice %arg19[%add3A_152, %dma_start3A_155] : memref<256x8xf32, #tpu.memory_space<vmem>> -> memref<1x8xf32, #tpu.memory_space<vmem>>
      %dma_start3A_157 = arith.constant 0 : i32
      %dma_start3A_158 = tpu.memref_slice %arg7[%squeeze3A_154, %dma_start3A_157] : memref<1001x8xf32, #tpu.memory_space<hbm>> -> memref<1x8xf32, #tpu.memory_space<hbm>>
      %dma_start3A_159 = arith.constant 0 : i32
      %dma_start3A_160 = tpu.memref_slice %arg19[%add3A_152, %dma_start3A_159] : memref<256x8xf32, #tpu.memory_space<vmem>> -> memref<1x8xf32, #tpu.memory_space<vmem>>
      %dma_start3A_161 = arith.constant 0 : i32
      %dma_start3A_162 = tpu.memref_slice %arg7[%squeeze3A_154, %dma_start3A_161] : memref<1001x8xf32, #tpu.memory_space<hbm>> -> memref<1x8xf32, #tpu.memory_space<hbm>>
      tpu.enqueue_dma source(%dma_start3A_162 : memref<1x8xf32, #tpu.memory_space<hbm>>) target(%dma_start3A_160 : memref<1x8xf32, #tpu.memory_space<vmem>>) target_semaphore(%arg21 : memref<!tpu.dma_semaphore, #tpu.memory_space<semaphore_mem>>)
      %mul3A_163 = arith.constant 16 : i32
      %mul3A_164 = arith.muli %scan3A_131, %mul3A_163 : i32
      %add3A_165 = arith.constant 2 : i32
      %add3A_166 = arith.addi %mul3A_164, %add3A_165 : i32
      %slice3A_167 = vector.extract_strided_slice %get3A_137 {offsets = [2], sizes = [1], strides = [1]} : vector<16xi32> to vector<1xi32>
      %squeeze3A_168 = vector.extract %slice3A_167[0] : i32 from vector<1xi32>
      %dma_start3A_169 = arith.constant 0 : i32
      %dma_start3A_170 = tpu.memref_slice %arg19[%add3A_166, %dma_start3A_169] : memref<256x8xf32, #tpu.memory_space<vmem>> -> memref<1x8xf32, #tpu.memory_space<vmem>>
      %dma_start3A_171 = arith.constant 0 : i32
      %dma_start3A_172 = tpu.memref_slice %arg7[%squeeze3A_168, %dma_start3A_171] : memref<1001x8xf32, #tpu.memory_space<hbm>> -> memref<1x8xf32, #tpu.memory_space<hbm>>
      %dma_start3A_173 = arith.constant 0 : i32
      %dma_start3A_174 = tpu.memref_slice %arg19[%add3A_166, %dma_start3A_173] : memref<256x8xf32, #tpu.memory_space<vmem>> -> memref<1x8xf32, #tpu.memory_space<vmem>>
      %dma_start3A_175 = arith.constant 0 : i32
      %dma_start3A_176 = tpu.memref_slice %arg7[%squeeze3A_168, %dma_start3A_175] : memref<1001x8xf32, #tpu.memory_space<hbm>> -> memref<1x8xf32, #tpu.memory_space<hbm>>
      tpu.enqueue_dma source(%dma_start3A_176 : memref<1x8xf32, #tpu.memory_space<hbm>>) target(%dma_start3A_174 : memref<1x8xf32, #tpu.memory_space<vmem>>) target_semaphore(%arg21 : memref<!tpu.dma_semaphore, #tpu.memory_space<semaphore_mem>>)
      %mul3A_177 = arith.constant 16 : i32
      %mul3A_178 = arith.muli %scan3A_131, %mul3A_177 : i32
      %add3A_179 = arith.constant 3 : i32
      %add3A_180 = arith.addi %mul3A_178, %add3A_179 : i32
      %slice3A_181 = vector.extract_strided_slice %get3A_137 {offsets = [3], sizes = [1], strides = [1]} : vector<16xi32> to vector<1xi32>
      %squeeze3A_182 = vector.extract %slice3A_181[0] : i32 from vector<1xi32>
      %dma_start3A_183 = arith.constant 0 : i32
      %dma_start3A_184 = tpu.memref_slice %arg19[%add3A_180, %dma_start3A_183] : memref<256x8xf32, #tpu.memory_space<vmem>> -> memref<1x8xf32, #tpu.memory_space<vmem>>
      %dma_start3A_185 = arith.constant 0 : i32
      %dma_start3A_186 = tpu.memref_slice %arg7[%squeeze3A_182, %dma_start3A_185] : memref<1001x8xf32, #tpu.memory_space<hbm>> -> memref<1x8xf32, #tpu.memory_space<hbm>>
      %dma_start3A_187 = arith.constant 0 : i32
      %dma_start3A_188 = tpu.memref_slice %arg19[%add3A_180, %dma_start3A_187] : memref<256x8xf32, #tpu.memory_space<vmem>> -> memref<1x8xf32, #tpu.memory_space<vmem>>
      %dma_start3A_189 = arith.constant 0 : i32
      %dma_start3A_190 = tpu.memref_slice %arg7[%squeeze3A_182, %dma_start3A_189] : memref<1001x8xf32, #tpu.memory_space<hbm>> -> memref<1x8xf32, #tpu.memory_space<hbm>>
      tpu.enqueue_dma source(%dma_start3A_190 : memref<1x8xf32, #tpu.memory_space<hbm>>) target(%dma_start3A_188 : memref<1x8xf32, #tpu.memory_space<vmem>>) target_semaphore(%arg21 : memref<!tpu.dma_semaphore, #tpu.memory_space<semaphore_mem>>)
      %mul3A_191 = arith.constant 16 : i32
      %mul3A_192 = arith.muli %scan3A_131, %mul3A_191 : i32
      %add3A_193 = arith.constant 4 : i32
      %add3A_194 = arith.addi %mul3A_192, %add3A_193 : i32
      %slice3A_195 = vector.extract_strided_slice %get3A_137 {offsets = [4], sizes = [1], strides = [1]} : vector<16xi32> to vector<1xi32>
      %squeeze3A_196 = vector.extract %slice3A_195[0] : i32 from vector<1xi32>
      %dma_start3A_197 = arith.constant 0 : i32
      %dma_start3A_198 = tpu.memref_slice %arg19[%add3A_194, %dma_start3A_197] : memref<256x8xf32, #tpu.memory_space<vmem>> -> memref<1x8xf32, #tpu.memory_space<vmem>>
      %dma_start3A_199 = arith.constant 0 : i32
      %dma_start3A_200 = tpu.memref_slice %arg7[%squeeze3A_196, %dma_start3A_199] : memref<1001x8xf32, #tpu.memory_space<hbm>> -> memref<1x8xf32, #tpu.memory_space<hbm>>
      %dma_start3A_201 = arith.constant 0 : i32
      %dma_start3A_202 = tpu.memref_slice %arg19[%add3A_194, %dma_start3A_201] : memref<256x8xf32, #tpu.memory_space<vmem>> -> memref<1x8xf32, #tpu.memory_space<vmem>>
      %dma_start3A_203 = arith.constant 0 : i32
      %dma_start3A_204 = tpu.memref_slice %arg7[%squeeze3A_196, %dma_start3A_203] : memref<1001x8xf32, #tpu.memory_space<hbm>> -> memref<1x8xf32, #tpu.memory_space<hbm>>
      tpu.enqueue_dma source(%dma_start3A_204 : memref<1x8xf32, #tpu.memory_space<hbm>>) target(%dma_start3A_202 : memref<1x8xf32, #tpu.memory_space<vmem>>) target_semaphore(%arg21 : memref<!tpu.dma_semaphore, #tpu.memory_space<semaphore_mem>>)
      %mul3A_205 = arith.constant 16 : i32
      %mul3A_206 = arith.muli %scan3A_131, %mul3A_205 : i32
      %add3A_207 = arith.constant 5 : i32
      %add3A_208 = arith.addi %mul3A_206, %add3A_207 : i32
      %slice3A_209 = vector.extract_strided_slice %get3A_137 {offsets = [5], sizes = [1], strides = [1]} : vector<16xi32> to vector<1xi32>
      %squeeze3A_210 = vector.extract %slice3A_209[0] : i32 from vector<1xi32>
      %dma_start3A_211 = arith.constant 0 : i32
      %dma_start3A_212 = tpu.memref_slice %arg19[%add3A_208, %dma_start3A_211] : memref<256x8xf32, #tpu.memory_space<vmem>> -> memref<1x8xf32, #tpu.memory_space<vmem>>
      %dma_start3A_213 = arith.constant 0 : i32
      %dma_start3A_214 = tpu.memref_slice %arg7[%squeeze3A_210, %dma_start3A_213] : memref<1001x8xf32, #tpu.memory_space<hbm>> -> memref<1x8xf32, #tpu.memory_space<hbm>>
      %dma_start3A_215 = arith.constant 0 : i32
      %dma_start3A_216 = tpu.memref_slice %arg19[%add3A_208, %dma_start3A_215] : memref<256x8xf32, #tpu.memory_space<vmem>> -> memref<1x8xf32, #tpu.memory_space<vmem>>
      %dma_start3A_217 = arith.constant 0 : i32
      %dma_start3A_218 = tpu.memref_slice %arg7[%squeeze3A_210, %dma_start3A_217] : memref<1001x8xf32, #tpu.memory_space<hbm>> -> memref<1x8xf32, #tpu.memory_space<hbm>>
      tpu.enqueue_dma source(%dma_start3A_218 : memref<1x8xf32, #tpu.memory_space<hbm>>) target(%dma_start3A_216 : memref<1x8xf32, #tpu.memory_space<vmem>>) target_semaphore(%arg21 : memref<!tpu.dma_semaphore, #tpu.memory_space<semaphore_mem>>)
      %mul3A_219 = arith.constant 16 : i32
      %mul3A_220 = arith.muli %scan3A_131, %mul3A_219 : i32
      %add3A_221 = arith.constant 6 : i32
      %add3A_222 = arith.addi %mul3A_220, %add3A_221 : i32
      %slice3A_223 = vector.extract_strided_slice %get3A_137 {offsets = [6], sizes = [1], strides = [1]} : vector<16xi32> to vector<1xi32>
      %squeeze3A_224 = vector.extract %slice3A_223[0] : i32 from vector<1xi32>
      %dma_start3A_225 = arith.constant 0 : i32
      %dma_start3A_226 = tpu.memref_slice %arg19[%add3A_222, %dma_start3A_225] : memref<256x8xf32, #tpu.memory_space<vmem>> -> memref<1x8xf32, #tpu.memory_space<vmem>>
      %dma_start3A_227 = arith.constant 0 : i32
      %dma_start3A_228 = tpu.memref_slice %arg7[%squeeze3A_224, %dma_start3A_227] : memref<1001x8xf32, #tpu.memory_space<hbm>> -> memref<1x8xf32, #tpu.memory_space<hbm>>
      %dma_start3A_229 = arith.constant 0 : i32
      %dma_start3A_230 = tpu.memref_slice %arg19[%add3A_222, %dma_start3A_229] : memref<256x8xf32, #tpu.memory_space<vmem>> -> memref<1x8xf32, #tpu.memory_space<vmem>>
      %dma_start3A_231 = arith.constant 0 : i32
      %dma_start3A_232 = tpu.memref_slice %arg7[%squeeze3A_224, %dma_start3A_231] : memref<1001x8xf32, #tpu.memory_space<hbm>> -> memref<1x8xf32, #tpu.memory_space<hbm>>
      tpu.enqueue_dma source(%dma_start3A_232 : memref<1x8xf32, #tpu.memory_space<hbm>>) target(%dma_start3A_230 : memref<1x8xf32, #tpu.memory_space<vmem>>) target_semaphore(%arg21 : memref<!tpu.dma_semaphore, #tpu.memory_space<semaphore_mem>>)
      %mul3A_233 = arith.constant 16 : i32
      %mul3A_234 = arith.muli %scan3A_131, %mul3A_233 : i32
      %add3A_235 = arith.constant 7 : i32
      %add3A_236 = arith.addi %mul3A_234, %add3A_235 : i32
      %slice3A_237 = vector.extract_strided_slice %get3A_137 {offsets = [7], sizes = [1], strides = [1]} : vector<16xi32> to vector<1xi32>
      %squeeze3A_238 = vector.extract %slice3A_237[0] : i32 from vector<1xi32>
      %dma_start3A_239 = arith.constant 0 : i32
      %dma_start3A_240 = tpu.memref_slice %arg19[%add3A_236, %dma_start3A_239] : memref<256x8xf32, #tpu.memory_space<vmem>> -> memref<1x8xf32, #tpu.memory_space<vmem>>
      %dma_start3A_241 = arith.constant 0 : i32
      %dma_start3A_242 = tpu.memref_slice %arg7[%squeeze3A_238, %dma_start3A_241] : memref<1001x8xf32, #tpu.memory_space<hbm>> -> memref<1x8xf32, #tpu.memory_space<hbm>>
      %dma_start3A_243 = arith.constant 0 : i32
      %dma_start3A_244 = tpu.memref_slice %arg19[%add3A_236, %dma_start3A_243] : memref<256x8xf32, #tpu.memory_space<vmem>> -> memref<1x8xf32, #tpu.memory_space<vmem>>
      %dma_start3A_245 = arith.constant 0 : i32
      %dma_start3A_246 = tpu.memref_slice %arg7[%squeeze3A_238, %dma_start3A_245] : memref<1001x8xf32, #tpu.memory_space<hbm>> -> memref<1x8xf32, #tpu.memory_space<hbm>>
      tpu.enqueue_dma source(%dma_start3A_246 : memref<1x8xf32, #tpu.memory_space<hbm>>) target(%dma_start3A_244 : memref<1x8xf32, #tpu.memory_space<vmem>>) target_semaphore(%arg21 : memref<!tpu.dma_semaphore, #tpu.memory_space<semaphore_mem>>)
      %mul3A_247 = arith.constant 16 : i32
      %mul3A_248 = arith.muli %scan3A_131, %mul3A_247 : i32
      %add3A_249 = arith.constant 8 : i32
      %add3A_250 = arith.addi %mul3A_248, %add3A_249 : i32
      %slice3A_251 = vector.extract_strided_slice %get3A_137 {offsets = [8], sizes = [1], strides = [1]} : vector<16xi32> to vector<1xi32>
      %squeeze3A_252 = vector.extract %slice3A_251[0] : i32 from vector<1xi32>
      %dma_start3A_253 = arith.constant 0 : i32
      %dma_start3A_254 = tpu.memref_slice %arg19[%add3A_250, %dma_start3A_253] : memref<256x8xf32, #tpu.memory_space<vmem>> -> memref<1x8xf32, #tpu.memory_space<vmem>>
      %dma_start3A_255 = arith.constant 0 : i32
      %dma_start3A_256 = tpu.memref_slice %arg7[%squeeze3A_252, %dma_start3A_255] : memref<1001x8xf32, #tpu.memory_space<hbm>> -> memref<1x8xf32, #tpu.memory_space<hbm>>
      %dma_start3A_257 = arith.constant 0 : i32
      %dma_start3A_258 = tpu.memref_slice %arg19[%add3A_250, %dma_start3A_257] : memref<256x8xf32, #tpu.memory_space<vmem>> -> memref<1x8xf32, #tpu.memory_space<vmem>>
      %dma_start3A_259 = arith.constant 0 : i32
      %dma_start3A_260 = tpu.memref_slice %arg7[%squeeze3A_252, %dma_start3A_259] : memref<1001x8xf32, #tpu.memory_space<hbm>> -> memref<1x8xf32, #tpu.memory_space<hbm>>
      tpu.enqueue_dma source(%dma_start3A_260 : memref<1x8xf32, #tpu.memory_space<hbm>>) target(%dma_start3A_258 : memref<1x8xf32, #tpu.memory_space<vmem>>) target_semaphore(%arg21 : memref<!tpu.dma_semaphore, #tpu.memory_space<semaphore_mem>>)
      %mul3A_261 = arith.constant 16 : i32
      %mul3A_262 = arith.muli %scan3A_131, %mul3A_261 : i32
      %add3A_263 = arith.constant 9 : i32
      %add3A_264 = arith.addi %mul3A_262, %add3A_263 : i32
      %slice3A_265 = vector.extract_strided_slice %get3A_137 {offsets = [9], sizes = [1], strides = [1]} : vector<16xi32> to vector<1xi32>
      %squeeze3A_266 = vector.extract %slice3A_265[0] : i32 from vector<1xi32>
      %dma_start3A_267 = arith.constant 0 : i32
      %dma_start3A_268 = tpu.memref_slice %arg19[%add3A_264, %dma_start3A_267] : memref<256x8xf32, #tpu.memory_space<vmem>> -> memref<1x8xf32, #tpu.memory_space<vmem>>
      %dma_start3A_269 = arith.constant 0 : i32
      %dma_start3A_270 = tpu.memref_slice %arg7[%squeeze3A_266, %dma_start3A_269] : memref<1001x8xf32, #tpu.memory_space<hbm>> -> memref<1x8xf32, #tpu.memory_space<hbm>>
      %dma_start3A_271 = arith.constant 0 : i32
      %dma_start3A_272 = tpu.memref_slice %arg19[%add3A_264, %dma_start3A_271] : memref<256x8xf32, #tpu.memory_space<vmem>> -> memref<1x8xf32, #tpu.memory_space<vmem>>
      %dma_start3A_273 = arith.constant 0 : i32
      %dma_start3A_274 = tpu.memref_slice %arg7[%squeeze3A_266, %dma_start3A_273] : memref<1001x8xf32, #tpu.memory_space<hbm>> -> memref<1x8xf32, #tpu.memory_space<hbm>>
      tpu.enqueue_dma source(%dma_start3A_274 : memref<1x8xf32, #tpu.memory_space<hbm>>) target(%dma_start3A_272 : memref<1x8xf32, #tpu.memory_space<vmem>>) target_semaphore(%arg21 : memref<!tpu.dma_semaphore, #tpu.memory_space<semaphore_mem>>)
      %mul3A_275 = arith.constant 16 : i32
      %mul3A_276 = arith.muli %scan3A_131, %mul3A_275 : i32
      %add3A_277 = arith.constant 10 : i32
      %add3A_278 = arith.addi %mul3A_276, %add3A_277 : i32
      %slice3A_279 = vector.extract_strided_slice %get3A_137 {offsets = [10], sizes = [1], strides = [1]} : vector<16xi32> to vector<1xi32>
      %squeeze3A_280 = vector.extract %slice3A_279[0] : i32 from vector<1xi32>
      %dma_start3A_281 = arith.constant 0 : i32
      %dma_start3A_282 = tpu.memref_slice %arg19[%add3A_278, %dma_start3A_281] : memref<256x8xf32, #tpu.memory_space<vmem>> -> memref<1x8xf32, #tpu.memory_space<vmem>>
      %dma_start3A_283 = arith.constant 0 : i32
      %dma_start3A_284 = tpu.memref_slice %arg7[%squeeze3A_280, %dma_start3A_283] : memref<1001x8xf32, #tpu.memory_space<hbm>> -> memref<1x8xf32, #tpu.memory_space<hbm>>
      %dma_start3A_285 = arith.constant 0 : i32
      %dma_start3A_286 = tpu.memref_slice %arg19[%add3A_278, %dma_start3A_285] : memref<256x8xf32, #tpu.memory_space<vmem>> -> memref<1x8xf32, #tpu.memory_space<vmem>>
      %dma_start3A_287 = arith.constant 0 : i32
      %dma_start3A_288 = tpu.memref_slice %arg7[%squeeze3A_280, %dma_start3A_287] : memref<1001x8xf32, #tpu.memory_space<hbm>> -> memref<1x8xf32, #tpu.memory_space<hbm>>
      tpu.enqueue_dma source(%dma_start3A_288 : memref<1x8xf32, #tpu.memory_space<hbm>>) target(%dma_start3A_286 : memref<1x8xf32, #tpu.memory_space<vmem>>) target_semaphore(%arg21 : memref<!tpu.dma_semaphore, #tpu.memory_space<semaphore_mem>>)
      %mul3A_289 = arith.constant 16 : i32
      %mul3A_290 = arith.muli %scan3A_131, %mul3A_289 : i32
      %add3A_291 = arith.constant 11 : i32
      %add3A_292 = arith.addi %mul3A_290, %add3A_291 : i32
      %slice3A_293 = vector.extract_strided_slice %get3A_137 {offsets = [11], sizes = [1], strides = [1]} : vector<16xi32> to vector<1xi32>
      %squeeze3A_294 = vector.extract %slice3A_293[0] : i32 from vector<1xi32>
      %dma_start3A_295 = arith.constant 0 : i32
      %dma_start3A_296 = tpu.memref_slice %arg19[%add3A_292, %dma_start3A_295] : memref<256x8xf32, #tpu.memory_space<vmem>> -> memref<1x8xf32, #tpu.memory_space<vmem>>
      %dma_start3A_297 = arith.constant 0 : i32
      %dma_start3A_298 = tpu.memref_slice %arg7[%squeeze3A_294, %dma_start3A_297] : memref<1001x8xf32, #tpu.memory_space<hbm>> -> memref<1x8xf32, #tpu.memory_space<hbm>>
      %dma_start3A_299 = arith.constant 0 : i32
      %dma_start3A_300 = tpu.memref_slice %arg19[%add3A_292, %dma_start3A_299] : memref<256x8xf32, #tpu.memory_space<vmem>> -> memref<1x8xf32, #tpu.memory_space<vmem>>
      %dma_start3A_301 = arith.constant 0 : i32
      %dma_start3A_302 = tpu.memref_slice %arg7[%squeeze3A_294, %dma_start3A_301] : memref<1001x8xf32, #tpu.memory_space<hbm>> -> memref<1x8xf32, #tpu.memory_space<hbm>>
      tpu.enqueue_dma source(%dma_start3A_302 : memref<1x8xf32, #tpu.memory_space<hbm>>) target(%dma_start3A_300 : memref<1x8xf32, #tpu.memory_space<vmem>>) target_semaphore(%arg21 : memref<!tpu.dma_semaphore, #tpu.memory_space<semaphore_mem>>)
      %mul3A_303 = arith.constant 16 : i32
      %mul3A_304 = arith.muli %scan3A_131, %mul3A_303 : i32
      %add3A_305 = arith.constant 12 : i32
      %add3A_306 = arith.addi %mul3A_304, %add3A_305 : i32
      %slice3A_307 = vector.extract_strided_slice %get3A_137 {offsets = [12], sizes = [1], strides = [1]} : vector<16xi32> to vector<1xi32>
      %squeeze3A_308 = vector.extract %slice3A_307[0] : i32 from vector<1xi32>
      %dma_start3A_309 = arith.constant 0 : i32
      %dma_start3A_310 = tpu.memref_slice %arg19[%add3A_306, %dma_start3A_309] : memref<256x8xf32, #tpu.memory_space<vmem>> -> memref<1x8xf32, #tpu.memory_space<vmem>>
      %dma_start3A_311 = arith.constant 0 : i32
      %dma_start3A_312 = tpu.memref_slice %arg7[%squeeze3A_308, %dma_start3A_311] : memref<1001x8xf32, #tpu.memory_space<hbm>> -> memref<1x8xf32, #tpu.memory_space<hbm>>
      %dma_start3A_313 = arith.constant 0 : i32
      %dma_start3A_314 = tpu.memref_slice %arg19[%add3A_306, %dma_start3A_313] : memref<256x8xf32, #tpu.memory_space<vmem>> -> memref<1x8xf32, #tpu.memory_space<vmem>>
      %dma_start3A_315 = arith.constant 0 : i32
      %dma_start3A_316 = tpu.memref_slice %arg7[%squeeze3A_308, %dma_start3A_315] : memref<1001x8xf32, #tpu.memory_space<hbm>> -> memref<1x8xf32, #tpu.memory_space<hbm>>
      tpu.enqueue_dma source(%dma_start3A_316 : memref<1x8xf32, #tpu.memory_space<hbm>>) target(%dma_start3A_314 : memref<1x8xf32, #tpu.memory_space<vmem>>) target_semaphore(%arg21 : memref<!tpu.dma_semaphore, #tpu.memory_space<semaphore_mem>>)
      %mul3A_317 = arith.constant 16 : i32
      %mul3A_318 = arith.muli %scan3A_131, %mul3A_317 : i32
      %add3A_319 = arith.constant 13 : i32
      %add3A_320 = arith.addi %mul3A_318, %add3A_319 : i32
      %slice3A_321 = vector.extract_strided_slice %get3A_137 {offsets = [13], sizes = [1], strides = [1]} : vector<16xi32> to vector<1xi32>
      %squeeze3A_322 = vector.extract %slice3A_321[0] : i32 from vector<1xi32>
      %dma_start3A_323 = arith.constant 0 : i32
      %dma_start3A_324 = tpu.memref_slice %arg19[%add3A_320, %dma_start3A_323] : memref<256x8xf32, #tpu.memory_space<vmem>> -> memref<1x8xf32, #tpu.memory_space<vmem>>
      %dma_start3A_325 = arith.constant 0 : i32
      %dma_start3A_326 = tpu.memref_slice %arg7[%squeeze3A_322, %dma_start3A_325] : memref<1001x8xf32, #tpu.memory_space<hbm>> -> memref<1x8xf32, #tpu.memory_space<hbm>>
      %dma_start3A_327 = arith.constant 0 : i32
      %dma_start3A_328 = tpu.memref_slice %arg19[%add3A_320, %dma_start3A_327] : memref<256x8xf32, #tpu.memory_space<vmem>> -> memref<1x8xf32, #tpu.memory_space<vmem>>
      %dma_start3A_329 = arith.constant 0 : i32
      %dma_start3A_330 = tpu.memref_slice %arg7[%squeeze3A_322, %dma_start3A_329] : memref<1001x8xf32, #tpu.memory_space<hbm>> -> memref<1x8xf32, #tpu.memory_space<hbm>>
      tpu.enqueue_dma source(%dma_start3A_330 : memref<1x8xf32, #tpu.memory_space<hbm>>) target(%dma_start3A_328 : memref<1x8xf32, #tpu.memory_space<vmem>>) target_semaphore(%arg21 : memref<!tpu.dma_semaphore, #tpu.memory_space<semaphore_mem>>)
      %mul3A_331 = arith.constant 16 : i32
      %mul3A_332 = arith.muli %scan3A_131, %mul3A_331 : i32
      %add3A_333 = arith.constant 14 : i32
      %add3A_334 = arith.addi %mul3A_332, %add3A_333 : i32
      %slice3A_335 = vector.extract_strided_slice %get3A_137 {offsets = [14], sizes = [1], strides = [1]} : vector<16xi32> to vector<1xi32>
      %squeeze3A_336 = vector.extract %slice3A_335[0] : i32 from vector<1xi32>
      %dma_start3A_337 = arith.constant 0 : i32
      %dma_start3A_338 = tpu.memref_slice %arg19[%add3A_334, %dma_start3A_337] : memref<256x8xf32, #tpu.memory_space<vmem>> -> memref<1x8xf32, #tpu.memory_space<vmem>>
      %dma_start3A_339 = arith.constant 0 : i32
      %dma_start3A_340 = tpu.memref_slice %arg7[%squeeze3A_336, %dma_start3A_339] : memref<1001x8xf32, #tpu.memory_space<hbm>> -> memref<1x8xf32, #tpu.memory_space<hbm>>
      %dma_start3A_341 = arith.constant 0 : i32
      %dma_start3A_342 = tpu.memref_slice %arg19[%add3A_334, %dma_start3A_341] : memref<256x8xf32, #tpu.memory_space<vmem>> -> memref<1x8xf32, #tpu.memory_space<vmem>>
      %dma_start3A_343 = arith.constant 0 : i32
      %dma_start3A_344 = tpu.memref_slice %arg7[%squeeze3A_336, %dma_start3A_343] : memref<1001x8xf32, #tpu.memory_space<hbm>> -> memref<1x8xf32, #tpu.memory_space<hbm>>
      tpu.enqueue_dma source(%dma_start3A_344 : memref<1x8xf32, #tpu.memory_space<hbm>>) target(%dma_start3A_342 : memref<1x8xf32, #tpu.memory_space<vmem>>) target_semaphore(%arg21 : memref<!tpu.dma_semaphore, #tpu.memory_space<semaphore_mem>>)
      %mul3A_345 = arith.constant 16 : i32
      %mul3A_346 = arith.muli %scan3A_131, %mul3A_345 : i32
      %add3A_347 = arith.constant 15 : i32
      %add3A_348 = arith.addi %mul3A_346, %add3A_347 : i32
      %slice3A_349 = vector.extract_strided_slice %get3A_137 {offsets = [15], sizes = [1], strides = [1]} : vector<16xi32> to vector<1xi32>
      %squeeze3A_350 = vector.extract %slice3A_349[0] : i32 from vector<1xi32>
      %dma_start3A_351 = arith.constant 0 : i32
      %dma_start3A_352 = tpu.memref_slice %arg19[%add3A_348, %dma_start3A_351] : memref<256x8xf32, #tpu.memory_space<vmem>> -> memref<1x8xf32, #tpu.memory_space<vmem>>
      %dma_start3A_353 = arith.constant 0 : i32
      %dma_start3A_354 = tpu.memref_slice %arg7[%squeeze3A_350, %dma_start3A_353] : memref<1001x8xf32, #tpu.memory_space<hbm>> -> memref<1x8xf32, #tpu.memory_space<hbm>>
      %dma_start3A_355 = arith.constant 0 : i32
      %dma_start3A_356 = tpu.memref_slice %arg19[%add3A_348, %dma_start3A_355] : memref<256x8xf32, #tpu.memory_space<vmem>> -> memref<1x8xf32, #tpu.memory_space<vmem>>
      %dma_start3A_357 = arith.constant 0 : i32
      %dma_start3A_358 = tpu.memref_slice %arg7[%squeeze3A_350, %dma_start3A_357] : memref<1001x8xf32, #tpu.memory_space<hbm>> -> memref<1x8xf32, #tpu.memory_space<hbm>>
      tpu.enqueue_dma source(%dma_start3A_358 : memref<1x8xf32, #tpu.memory_space<hbm>>) target(%dma_start3A_356 : memref<1x8xf32, #tpu.memory_space<vmem>>) target_semaphore(%arg21 : memref<!tpu.dma_semaphore, #tpu.memory_space<semaphore_mem>>)
    }
    %scan3A_57 = arith.constant 16 : i32
    %dma_wait3A_58 = arith.constant 0 : i32
    %dma_wait3A_59 = arith.constant 0 : i32
    %dma_wait3A_60 = tpu.memref_slice %arg7[%dma_wait3A_58, %dma_wait3A_59] : memref<1001x8xf32, #tpu.memory_space<hbm>> -> memref<256x8xf32, #tpu.memory_space<hbm>>
    %dma_wait3A_61 = arith.constant 0 : i32
    %dma_wait3A_62 = arith.constant 0 : i32
    %dma_wait3A_63 = tpu.memref_slice %arg7[%dma_wait3A_61, %dma_wait3A_62] : memref<1001x8xf32, #tpu.memory_space<hbm>> -> memref<256x8xf32, #tpu.memory_space<hbm>>
    tpu.wait_dma2 semaphore(%arg21 : memref<!tpu.dma_semaphore, #tpu.memory_space<semaphore_mem>>) src(%dma_wait3A_63 : memref<256x8xf32, #tpu.memory_space<hbm>>) dst(%arg19 : memref<256x8xf32, #tpu.memory_space<vmem>>)
    %add3A_64 = arith.constant 0 : i32
    %add3A_65 = arith.addi %mul3A_2, %add3A_64 : i32
    "tpu.region"() ({
      %run_scoped3A = tpu.sem_alloc : memref<!tpu.dma_semaphore, #tpu.memory_space<semaphore_mem>>
      %dma_start3A = arith.constant 0 : i32
      %dma_start3A_131 = tpu.memref_slice %arg12[%add3A_65, %dma_start3A] : memref<16384x8xf32, #tpu.memory_space<hbm>> -> memref<256x8xf32, #tpu.memory_space<hbm>>
      %dma_start3A_132 = arith.constant 0 : i32
      %dma_start3A_133 = tpu.memref_slice %arg12[%add3A_65, %dma_start3A_132] : memref<16384x8xf32, #tpu.memory_space<hbm>> -> memref<256x8xf32, #tpu.memory_space<hbm>>
      tpu.enqueue_dma source(%arg19 : memref<256x8xf32, #tpu.memory_space<vmem>>) target(%dma_start3A_133 : memref<256x8xf32, #tpu.memory_space<hbm>>) target_semaphore(%run_scoped3A : memref<!tpu.dma_semaphore, #tpu.memory_space<semaphore_mem>>)
      %dma_wait3A_134 = arith.constant 0 : i32
      %dma_wait3A_135 = tpu.memref_slice %arg12[%add3A_65, %dma_wait3A_134] : memref<16384x8xf32, #tpu.memory_space<hbm>> -> memref<256x8xf32, #tpu.memory_space<hbm>>
      %dma_wait3A_136 = arith.constant 0 : i32
      %dma_wait3A_137 = tpu.memref_slice %arg12[%add3A_65, %dma_wait3A_136] : memref<16384x8xf32, #tpu.memory_space<hbm>> -> memref<256x8xf32, #tpu.memory_space<hbm>>
      tpu.wait_dma2 semaphore(%run_scoped3A : memref<!tpu.dma_semaphore, #tpu.memory_space<semaphore_mem>>) src(%arg19 : memref<256x8xf32, #tpu.memory_space<vmem>>) dst(%dma_wait3A_137 : memref<256x8xf32, #tpu.memory_space<hbm>>)
      tpu.yield
    }) : () -> ()
    %scan3A_66 = arith.constant 0 : i32
    %scan3A_67 = arith.constant 16 : i32
    %scan3A_68 = arith.addi %scan3A_66, %scan3A_67 : i32
    %scan3A_69 = arith.constant 1 : i32
    scf.for %scan3A_131 = %scan3A_66 to %scan3A_68 step %scan3A_69  : i32 {
      %mul3A_132 = arith.constant 16 : i32
      %mul3A_133 = arith.muli %scan3A_131, %mul3A_132 : i32
      %add3A_134 = arith.constant 256 : i32
      %add3A_135 = arith.addi %add3A_134, %mul3A_133 : i32
      %multiple_of3A = tpu.assume_multiple %add3A_135, 16 : i32
      %get3A = arith.index_cast %multiple_of3A : i32 to index
      %get3A_136 = tpu.vector_load %arg17[%get3A] {strides = array<i32>} : memref<512xi32, #tpu.memory_space<vmem>>, vector<16xi32>,
      %get3A_137 = vector.shape_cast %get3A_136 : vector<16xi32> to vector<16xi32>
      %mul3A_138 = arith.constant 16 : i32
      %mul3A_139 = arith.muli %scan3A_131, %mul3A_138 : i32
      %add3A_140 = arith.constant 0 : i32
      %add3A_141 = arith.addi %mul3A_139, %add3A_140 : i32
      %slice3A = vector.extract_strided_slice %get3A_137 {offsets = [0], sizes = [1], strides = [1]} : vector<16xi32> to vector<1xi32>
      %squeeze3A = vector.extract %slice3A[0] : i32 from vector<1xi32>
      %dma_start3A = arith.constant 0 : i32
      %dma_start3A_142 = tpu.memref_slice %arg19[%add3A_141, %dma_start3A] : memref<256x8xf32, #tpu.memory_space<vmem>> -> memref<1x8xf32, #tpu.memory_space<vmem>>
      %dma_start3A_143 = arith.constant 0 : i32
      %dma_start3A_144 = tpu.memref_slice %arg7[%squeeze3A, %dma_start3A_143] : memref<1001x8xf32, #tpu.memory_space<hbm>> -> memref<1x8xf32, #tpu.memory_space<hbm>>
      %dma_start3A_145 = arith.constant 0 : i32
      %dma_start3A_146 = tpu.memref_slice %arg19[%add3A_141, %dma_start3A_145] : memref<256x8xf32, #tpu.memory_space<vmem>> -> memref<1x8xf32, #tpu.memory_space<vmem>>
      %dma_start3A_147 = arith.constant 0 : i32
      %dma_start3A_148 = tpu.memref_slice %arg7[%squeeze3A, %dma_start3A_147] : memref<1001x8xf32, #tpu.memory_space<hbm>> -> memref<1x8xf32, #tpu.memory_space<hbm>>
      tpu.enqueue_dma source(%dma_start3A_148 : memref<1x8xf32, #tpu.memory_space<hbm>>) target(%dma_start3A_146 : memref<1x8xf32, #tpu.memory_space<vmem>>) target_semaphore(%arg21 : memref<!tpu.dma_semaphore, #tpu.memory_space<semaphore_mem>>)
      %mul3A_149 = arith.constant 16 : i32
      %mul3A_150 = arith.muli %scan3A_131, %mul3A_149 : i32
      %add3A_151 = arith.constant 1 : i32
      %add3A_152 = arith.addi %mul3A_150, %add3A_151 : i32
      %slice3A_153 = vector.extract_strided_slice %get3A_137 {offsets = [1], sizes = [1], strides = [1]} : vector<16xi32> to vector<1xi32>
      %squeeze3A_154 = vector.extract %slice3A_153[0] : i32 from vector<1xi32>
      %dma_start3A_155 = arith.constant 0 : i32
      %dma_start3A_156 = tpu.memref_slice %arg19[%add3A_152, %dma_start3A_155] : memref<256x8xf32, #tpu.memory_space<vmem>> -> memref<1x8xf32, #tpu.memory_space<vmem>>
      %dma_start3A_157 = arith.constant 0 : i32
      %dma_start3A_158 = tpu.memref_slice %arg7[%squeeze3A_154, %dma_start3A_157] : memref<1001x8xf32, #tpu.memory_space<hbm>> -> memref<1x8xf32, #tpu.memory_space<hbm>>
      %dma_start3A_159 = arith.constant 0 : i32
      %dma_start3A_160 = tpu.memref_slice %arg19[%add3A_152, %dma_start3A_159] : memref<256x8xf32, #tpu.memory_space<vmem>> -> memref<1x8xf32, #tpu.memory_space<vmem>>
      %dma_start3A_161 = arith.constant 0 : i32
      %dma_start3A_162 = tpu.memref_slice %arg7[%squeeze3A_154, %dma_start3A_161] : memref<1001x8xf32, #tpu.memory_space<hbm>> -> memref<1x8xf32, #tpu.memory_space<hbm>>
      tpu.enqueue_dma source(%dma_start3A_162 : memref<1x8xf32, #tpu.memory_space<hbm>>) target(%dma_start3A_160 : memref<1x8xf32, #tpu.memory_space<vmem>>) target_semaphore(%arg21 : memref<!tpu.dma_semaphore, #tpu.memory_space<semaphore_mem>>)
      %mul3A_163 = arith.constant 16 : i32
      %mul3A_164 = arith.muli %scan3A_131, %mul3A_163 : i32
      %add3A_165 = arith.constant 2 : i32
      %add3A_166 = arith.addi %mul3A_164, %add3A_165 : i32
      %slice3A_167 = vector.extract_strided_slice %get3A_137 {offsets = [2], sizes = [1], strides = [1]} : vector<16xi32> to vector<1xi32>
      %squeeze3A_168 = vector.extract %slice3A_167[0] : i32 from vector<1xi32>
      %dma_start3A_169 = arith.constant 0 : i32
      %dma_start3A_170 = tpu.memref_slice %arg19[%add3A_166, %dma_start3A_169] : memref<256x8xf32, #tpu.memory_space<vmem>> -> memref<1x8xf32, #tpu.memory_space<vmem>>
      %dma_start3A_171 = arith.constant 0 : i32
      %dma_start3A_172 = tpu.memref_slice %arg7[%squeeze3A_168, %dma_start3A_171] : memref<1001x8xf32, #tpu.memory_space<hbm>> -> memref<1x8xf32, #tpu.memory_space<hbm>>
      %dma_start3A_173 = arith.constant 0 : i32
      %dma_start3A_174 = tpu.memref_slice %arg19[%add3A_166, %dma_start3A_173] : memref<256x8xf32, #tpu.memory_space<vmem>> -> memref<1x8xf32, #tpu.memory_space<vmem>>
      %dma_start3A_175 = arith.constant 0 : i32
      %dma_start3A_176 = tpu.memref_slice %arg7[%squeeze3A_168, %dma_start3A_175] : memref<1001x8xf32, #tpu.memory_space<hbm>> -> memref<1x8xf32, #tpu.memory_space<hbm>>
      tpu.enqueue_dma source(%dma_start3A_176 : memref<1x8xf32, #tpu.memory_space<hbm>>) target(%dma_start3A_174 : memref<1x8xf32, #tpu.memory_space<vmem>>) target_semaphore(%arg21 : memref<!tpu.dma_semaphore, #tpu.memory_space<semaphore_mem>>)
      %mul3A_177 = arith.constant 16 : i32
      %mul3A_178 = arith.muli %scan3A_131, %mul3A_177 : i32
      %add3A_179 = arith.constant 3 : i32
      %add3A_180 = arith.addi %mul3A_178, %add3A_179 : i32
      %slice3A_181 = vector.extract_strided_slice %get3A_137 {offsets = [3], sizes = [1], strides = [1]} : vector<16xi32> to vector<1xi32>
      %squeeze3A_182 = vector.extract %slice3A_181[0] : i32 from vector<1xi32>
      %dma_start3A_183 = arith.constant 0 : i32
      %dma_start3A_184 = tpu.memref_slice %arg19[%add3A_180, %dma_start3A_183] : memref<256x8xf32, #tpu.memory_space<vmem>> -> memref<1x8xf32, #tpu.memory_space<vmem>>
      %dma_start3A_185 = arith.constant 0 : i32
      %dma_start3A_186 = tpu.memref_slice %arg7[%squeeze3A_182, %dma_start3A_185] : memref<1001x8xf32, #tpu.memory_space<hbm>> -> memref<1x8xf32, #tpu.memory_space<hbm>>
      %dma_start3A_187 = arith.constant 0 : i32
      %dma_start3A_188 = tpu.memref_slice %arg19[%add3A_180, %dma_start3A_187] : memref<256x8xf32, #tpu.memory_space<vmem>> -> memref<1x8xf32, #tpu.memory_space<vmem>>
      %dma_start3A_189 = arith.constant 0 : i32
      %dma_start3A_190 = tpu.memref_slice %arg7[%squeeze3A_182, %dma_start3A_189] : memref<1001x8xf32, #tpu.memory_space<hbm>> -> memref<1x8xf32, #tpu.memory_space<hbm>>
      tpu.enqueue_dma source(%dma_start3A_190 : memref<1x8xf32, #tpu.memory_space<hbm>>) target(%dma_start3A_188 : memref<1x8xf32, #tpu.memory_space<vmem>>) target_semaphore(%arg21 : memref<!tpu.dma_semaphore, #tpu.memory_space<semaphore_mem>>)
      %mul3A_191 = arith.constant 16 : i32
      %mul3A_192 = arith.muli %scan3A_131, %mul3A_191 : i32
      %add3A_193 = arith.constant 4 : i32
      %add3A_194 = arith.addi %mul3A_192, %add3A_193 : i32
      %slice3A_195 = vector.extract_strided_slice %get3A_137 {offsets = [4], sizes = [1], strides = [1]} : vector<16xi32> to vector<1xi32>
      %squeeze3A_196 = vector.extract %slice3A_195[0] : i32 from vector<1xi32>
      %dma_start3A_197 = arith.constant 0 : i32
      %dma_start3A_198 = tpu.memref_slice %arg19[%add3A_194, %dma_start3A_197] : memref<256x8xf32, #tpu.memory_space<vmem>> -> memref<1x8xf32, #tpu.memory_space<vmem>>
      %dma_start3A_199 = arith.constant 0 : i32
      %dma_start3A_200 = tpu.memref_slice %arg7[%squeeze3A_196, %dma_start3A_199] : memref<1001x8xf32, #tpu.memory_space<hbm>> -> memref<1x8xf32, #tpu.memory_space<hbm>>
      %dma_start3A_201 = arith.constant 0 : i32
      %dma_start3A_202 = tpu.memref_slice %arg19[%add3A_194, %dma_start3A_201] : memref<256x8xf32, #tpu.memory_space<vmem>> -> memref<1x8xf32, #tpu.memory_space<vmem>>
      %dma_start3A_203 = arith.constant 0 : i32
      %dma_start3A_204 = tpu.memref_slice %arg7[%squeeze3A_196, %dma_start3A_203] : memref<1001x8xf32, #tpu.memory_space<hbm>> -> memref<1x8xf32, #tpu.memory_space<hbm>>
      tpu.enqueue_dma source(%dma_start3A_204 : memref<1x8xf32, #tpu.memory_space<hbm>>) target(%dma_start3A_202 : memref<1x8xf32, #tpu.memory_space<vmem>>) target_semaphore(%arg21 : memref<!tpu.dma_semaphore, #tpu.memory_space<semaphore_mem>>)
      %mul3A_205 = arith.constant 16 : i32
      %mul3A_206 = arith.muli %scan3A_131, %mul3A_205 : i32
      %add3A_207 = arith.constant 5 : i32
      %add3A_208 = arith.addi %mul3A_206, %add3A_207 : i32
      %slice3A_209 = vector.extract_strided_slice %get3A_137 {offsets = [5], sizes = [1], strides = [1]} : vector<16xi32> to vector<1xi32>
      %squeeze3A_210 = vector.extract %slice3A_209[0] : i32 from vector<1xi32>
      %dma_start3A_211 = arith.constant 0 : i32
      %dma_start3A_212 = tpu.memref_slice %arg19[%add3A_208, %dma_start3A_211] : memref<256x8xf32, #tpu.memory_space<vmem>> -> memref<1x8xf32, #tpu.memory_space<vmem>>
      %dma_start3A_213 = arith.constant 0 : i32
      %dma_start3A_214 = tpu.memref_slice %arg7[%squeeze3A_210, %dma_start3A_213] : memref<1001x8xf32, #tpu.memory_space<hbm>> -> memref<1x8xf32, #tpu.memory_space<hbm>>
      %dma_start3A_215 = arith.constant 0 : i32
      %dma_start3A_216 = tpu.memref_slice %arg19[%add3A_208, %dma_start3A_215] : memref<256x8xf32, #tpu.memory_space<vmem>> -> memref<1x8xf32, #tpu.memory_space<vmem>>
      %dma_start3A_217 = arith.constant 0 : i32
      %dma_start3A_218 = tpu.memref_slice %arg7[%squeeze3A_210, %dma_start3A_217] : memref<1001x8xf32, #tpu.memory_space<hbm>> -> memref<1x8xf32, #tpu.memory_space<hbm>>
      tpu.enqueue_dma source(%dma_start3A_218 : memref<1x8xf32, #tpu.memory_space<hbm>>) target(%dma_start3A_216 : memref<1x8xf32, #tpu.memory_space<vmem>>) target_semaphore(%arg21 : memref<!tpu.dma_semaphore, #tpu.memory_space<semaphore_mem>>)
      %mul3A_219 = arith.constant 16 : i32
      %mul3A_220 = arith.muli %scan3A_131, %mul3A_219 : i32
      %add3A_221 = arith.constant 6 : i32
      %add3A_222 = arith.addi %mul3A_220, %add3A_221 : i32
      %slice3A_223 = vector.extract_strided_slice %get3A_137 {offsets = [6], sizes = [1], strides = [1]} : vector<16xi32> to vector<1xi32>
      %squeeze3A_224 = vector.extract %slice3A_223[0] : i32 from vector<1xi32>
      %dma_start3A_225 = arith.constant 0 : i32
      %dma_start3A_226 = tpu.memref_slice %arg19[%add3A_222, %dma_start3A_225] : memref<256x8xf32, #tpu.memory_space<vmem>> -> memref<1x8xf32, #tpu.memory_space<vmem>>
      %dma_start3A_227 = arith.constant 0 : i32
      %dma_start3A_228 = tpu.memref_slice %arg7[%squeeze3A_224, %dma_start3A_227] : memref<1001x8xf32, #tpu.memory_space<hbm>> -> memref<1x8xf32, #tpu.memory_space<hbm>>
      %dma_start3A_229 = arith.constant 0 : i32
      %dma_start3A_230 = tpu.memref_slice %arg19[%add3A_222, %dma_start3A_229] : memref<256x8xf32, #tpu.memory_space<vmem>> -> memref<1x8xf32, #tpu.memory_space<vmem>>
      %dma_start3A_231 = arith.constant 0 : i32
      %dma_start3A_232 = tpu.memref_slice %arg7[%squeeze3A_224, %dma_start3A_231] : memref<1001x8xf32, #tpu.memory_space<hbm>> -> memref<1x8xf32, #tpu.memory_space<hbm>>
      tpu.enqueue_dma source(%dma_start3A_232 : memref<1x8xf32, #tpu.memory_space<hbm>>) target(%dma_start3A_230 : memref<1x8xf32, #tpu.memory_space<vmem>>) target_semaphore(%arg21 : memref<!tpu.dma_semaphore, #tpu.memory_space<semaphore_mem>>)
      %mul3A_233 = arith.constant 16 : i32
      %mul3A_234 = arith.muli %scan3A_131, %mul3A_233 : i32
      %add3A_235 = arith.constant 7 : i32
      %add3A_236 = arith.addi %mul3A_234, %add3A_235 : i32
      %slice3A_237 = vector.extract_strided_slice %get3A_137 {offsets = [7], sizes = [1], strides = [1]} : vector<16xi32> to vector<1xi32>
      %squeeze3A_238 = vector.extract %slice3A_237[0] : i32 from vector<1xi32>
      %dma_start3A_239 = arith.constant 0 : i32
      %dma_start3A_240 = tpu.memref_slice %arg19[%add3A_236, %dma_start3A_239] : memref<256x8xf32, #tpu.memory_space<vmem>> -> memref<1x8xf32, #tpu.memory_space<vmem>>
      %dma_start3A_241 = arith.constant 0 : i32
      %dma_start3A_242 = tpu.memref_slice %arg7[%squeeze3A_238, %dma_start3A_241] : memref<1001x8xf32, #tpu.memory_space<hbm>> -> memref<1x8xf32, #tpu.memory_space<hbm>>
      %dma_start3A_243 = arith.constant 0 : i32
      %dma_start3A_244 = tpu.memref_slice %arg19[%add3A_236, %dma_start3A_243] : memref<256x8xf32, #tpu.memory_space<vmem>> -> memref<1x8xf32, #tpu.memory_space<vmem>>
      %dma_start3A_245 = arith.constant 0 : i32
      %dma_start3A_246 = tpu.memref_slice %arg7[%squeeze3A_238, %dma_start3A_245] : memref<1001x8xf32, #tpu.memory_space<hbm>> -> memref<1x8xf32, #tpu.memory_space<hbm>>
      tpu.enqueue_dma source(%dma_start3A_246 : memref<1x8xf32, #tpu.memory_space<hbm>>) target(%dma_start3A_244 : memref<1x8xf32, #tpu.memory_space<vmem>>) target_semaphore(%arg21 : memref<!tpu.dma_semaphore, #tpu.memory_space<semaphore_mem>>)
      %mul3A_247 = arith.constant 16 : i32
      %mul3A_248 = arith.muli %scan3A_131, %mul3A_247 : i32
      %add3A_249 = arith.constant 8 : i32
      %add3A_250 = arith.addi %mul3A_248, %add3A_249 : i32
      %slice3A_251 = vector.extract_strided_slice %get3A_137 {offsets = [8], sizes = [1], strides = [1]} : vector<16xi32> to vector<1xi32>
      %squeeze3A_252 = vector.extract %slice3A_251[0] : i32 from vector<1xi32>
      %dma_start3A_253 = arith.constant 0 : i32
      %dma_start3A_254 = tpu.memref_slice %arg19[%add3A_250, %dma_start3A_253] : memref<256x8xf32, #tpu.memory_space<vmem>> -> memref<1x8xf32, #tpu.memory_space<vmem>>
      %dma_start3A_255 = arith.constant 0 : i32
      %dma_start3A_256 = tpu.memref_slice %arg7[%squeeze3A_252, %dma_start3A_255] : memref<1001x8xf32, #tpu.memory_space<hbm>> -> memref<1x8xf32, #tpu.memory_space<hbm>>
      %dma_start3A_257 = arith.constant 0 : i32
      %dma_start3A_258 = tpu.memref_slice %arg19[%add3A_250, %dma_start3A_257] : memref<256x8xf32, #tpu.memory_space<vmem>> -> memref<1x8xf32, #tpu.memory_space<vmem>>
      %dma_start3A_259 = arith.constant 0 : i32
      %dma_start3A_260 = tpu.memref_slice %arg7[%squeeze3A_252, %dma_start3A_259] : memref<1001x8xf32, #tpu.memory_space<hbm>> -> memref<1x8xf32, #tpu.memory_space<hbm>>
      tpu.enqueue_dma source(%dma_start3A_260 : memref<1x8xf32, #tpu.memory_space<hbm>>) target(%dma_start3A_258 : memref<1x8xf32, #tpu.memory_space<vmem>>) target_semaphore(%arg21 : memref<!tpu.dma_semaphore, #tpu.memory_space<semaphore_mem>>)
      %mul3A_261 = arith.constant 16 : i32
      %mul3A_262 = arith.muli %scan3A_131, %mul3A_261 : i32
      %add3A_263 = arith.constant 9 : i32
      %add3A_264 = arith.addi %mul3A_262, %add3A_263 : i32
      %slice3A_265 = vector.extract_strided_slice %get3A_137 {offsets = [9], sizes = [1], strides = [1]} : vector<16xi32> to vector<1xi32>
      %squeeze3A_266 = vector.extract %slice3A_265[0] : i32 from vector<1xi32>
      %dma_start3A_267 = arith.constant 0 : i32
      %dma_start3A_268 = tpu.memref_slice %arg19[%add3A_264, %dma_start3A_267] : memref<256x8xf32, #tpu.memory_space<vmem>> -> memref<1x8xf32, #tpu.memory_space<vmem>>
      %dma_start3A_269 = arith.constant 0 : i32
      %dma_start3A_270 = tpu.memref_slice %arg7[%squeeze3A_266, %dma_start3A_269] : memref<1001x8xf32, #tpu.memory_space<hbm>> -> memref<1x8xf32, #tpu.memory_space<hbm>>
      %dma_start3A_271 = arith.constant 0 : i32
      %dma_start3A_272 = tpu.memref_slice %arg19[%add3A_264, %dma_start3A_271] : memref<256x8xf32, #tpu.memory_space<vmem>> -> memref<1x8xf32, #tpu.memory_space<vmem>>
      %dma_start3A_273 = arith.constant 0 : i32
      %dma_start3A_274 = tpu.memref_slice %arg7[%squeeze3A_266, %dma_start3A_273] : memref<1001x8xf32, #tpu.memory_space<hbm>> -> memref<1x8xf32, #tpu.memory_space<hbm>>
      tpu.enqueue_dma source(%dma_start3A_274 : memref<1x8xf32, #tpu.memory_space<hbm>>) target(%dma_start3A_272 : memref<1x8xf32, #tpu.memory_space<vmem>>) target_semaphore(%arg21 : memref<!tpu.dma_semaphore, #tpu.memory_space<semaphore_mem>>)
      %mul3A_275 = arith.constant 16 : i32
      %mul3A_276 = arith.muli %scan3A_131, %mul3A_275 : i32
      %add3A_277 = arith.constant 10 : i32
      %add3A_278 = arith.addi %mul3A_276, %add3A_277 : i32
      %slice3A_279 = vector.extract_strided_slice %get3A_137 {offsets = [10], sizes = [1], strides = [1]} : vector<16xi32> to vector<1xi32>
      %squeeze3A_280 = vector.extract %slice3A_279[0] : i32 from vector<1xi32>
      %dma_start3A_281 = arith.constant 0 : i32
      %dma_start3A_282 = tpu.memref_slice %arg19[%add3A_278, %dma_start3A_281] : memref<256x8xf32, #tpu.memory_space<vmem>> -> memref<1x8xf32, #tpu.memory_space<vmem>>
      %dma_start3A_283 = arith.constant 0 : i32
      %dma_start3A_284 = tpu.memref_slice %arg7[%squeeze3A_280, %dma_start3A_283] : memref<1001x8xf32, #tpu.memory_space<hbm>> -> memref<1x8xf32, #tpu.memory_space<hbm>>
      %dma_start3A_285 = arith.constant 0 : i32
      %dma_start3A_286 = tpu.memref_slice %arg19[%add3A_278, %dma_start3A_285] : memref<256x8xf32, #tpu.memory_space<vmem>> -> memref<1x8xf32, #tpu.memory_space<vmem>>
      %dma_start3A_287 = arith.constant 0 : i32
      %dma_start3A_288 = tpu.memref_slice %arg7[%squeeze3A_280, %dma_start3A_287] : memref<1001x8xf32, #tpu.memory_space<hbm>> -> memref<1x8xf32, #tpu.memory_space<hbm>>
      tpu.enqueue_dma source(%dma_start3A_288 : memref<1x8xf32, #tpu.memory_space<hbm>>) target(%dma_start3A_286 : memref<1x8xf32, #tpu.memory_space<vmem>>) target_semaphore(%arg21 : memref<!tpu.dma_semaphore, #tpu.memory_space<semaphore_mem>>)
      %mul3A_289 = arith.constant 16 : i32
      %mul3A_290 = arith.muli %scan3A_131, %mul3A_289 : i32
      %add3A_291 = arith.constant 11 : i32
      %add3A_292 = arith.addi %mul3A_290, %add3A_291 : i32
      %slice3A_293 = vector.extract_strided_slice %get3A_137 {offsets = [11], sizes = [1], strides = [1]} : vector<16xi32> to vector<1xi32>
      %squeeze3A_294 = vector.extract %slice3A_293[0] : i32 from vector<1xi32>
      %dma_start3A_295 = arith.constant 0 : i32
      %dma_start3A_296 = tpu.memref_slice %arg19[%add3A_292, %dma_start3A_295] : memref<256x8xf32, #tpu.memory_space<vmem>> -> memref<1x8xf32, #tpu.memory_space<vmem>>
      %dma_start3A_297 = arith.constant 0 : i32
      %dma_start3A_298 = tpu.memref_slice %arg7[%squeeze3A_294, %dma_start3A_297] : memref<1001x8xf32, #tpu.memory_space<hbm>> -> memref<1x8xf32, #tpu.memory_space<hbm>>
      %dma_start3A_299 = arith.constant 0 : i32
      %dma_start3A_300 = tpu.memref_slice %arg19[%add3A_292, %dma_start3A_299] : memref<256x8xf32, #tpu.memory_space<vmem>> -> memref<1x8xf32, #tpu.memory_space<vmem>>
      %dma_start3A_301 = arith.constant 0 : i32
      %dma_start3A_302 = tpu.memref_slice %arg7[%squeeze3A_294, %dma_start3A_301] : memref<1001x8xf32, #tpu.memory_space<hbm>> -> memref<1x8xf32, #tpu.memory_space<hbm>>
      tpu.enqueue_dma source(%dma_start3A_302 : memref<1x8xf32, #tpu.memory_space<hbm>>) target(%dma_start3A_300 : memref<1x8xf32, #tpu.memory_space<vmem>>) target_semaphore(%arg21 : memref<!tpu.dma_semaphore, #tpu.memory_space<semaphore_mem>>)
      %mul3A_303 = arith.constant 16 : i32
      %mul3A_304 = arith.muli %scan3A_131, %mul3A_303 : i32
      %add3A_305 = arith.constant 12 : i32
      %add3A_306 = arith.addi %mul3A_304, %add3A_305 : i32
      %slice3A_307 = vector.extract_strided_slice %get3A_137 {offsets = [12], sizes = [1], strides = [1]} : vector<16xi32> to vector<1xi32>
      %squeeze3A_308 = vector.extract %slice3A_307[0] : i32 from vector<1xi32>
      %dma_start3A_309 = arith.constant 0 : i32
      %dma_start3A_310 = tpu.memref_slice %arg19[%add3A_306, %dma_start3A_309] : memref<256x8xf32, #tpu.memory_space<vmem>> -> memref<1x8xf32, #tpu.memory_space<vmem>>
      %dma_start3A_311 = arith.constant 0 : i32
      %dma_start3A_312 = tpu.memref_slice %arg7[%squeeze3A_308, %dma_start3A_311] : memref<1001x8xf32, #tpu.memory_space<hbm>> -> memref<1x8xf32, #tpu.memory_space<hbm>>
      %dma_start3A_313 = arith.constant 0 : i32
      %dma_start3A_314 = tpu.memref_slice %arg19[%add3A_306, %dma_start3A_313] : memref<256x8xf32, #tpu.memory_space<vmem>> -> memref<1x8xf32, #tpu.memory_space<vmem>>
      %dma_start3A_315 = arith.constant 0 : i32
      %dma_start3A_316 = tpu.memref_slice %arg7[%squeeze3A_308, %dma_start3A_315] : memref<1001x8xf32, #tpu.memory_space<hbm>> -> memref<1x8xf32, #tpu.memory_space<hbm>>
      tpu.enqueue_dma source(%dma_start3A_316 : memref<1x8xf32, #tpu.memory_space<hbm>>) target(%dma_start3A_314 : memref<1x8xf32, #tpu.memory_space<vmem>>) target_semaphore(%arg21 : memref<!tpu.dma_semaphore, #tpu.memory_space<semaphore_mem>>)
      %mul3A_317 = arith.constant 16 : i32
      %mul3A_318 = arith.muli %scan3A_131, %mul3A_317 : i32
      %add3A_319 = arith.constant 13 : i32
      %add3A_320 = arith.addi %mul3A_318, %add3A_319 : i32
      %slice3A_321 = vector.extract_strided_slice %get3A_137 {offsets = [13], sizes = [1], strides = [1]} : vector<16xi32> to vector<1xi32>
      %squeeze3A_322 = vector.extract %slice3A_321[0] : i32 from vector<1xi32>
      %dma_start3A_323 = arith.constant 0 : i32
      %dma_start3A_324 = tpu.memref_slice %arg19[%add3A_320, %dma_start3A_323] : memref<256x8xf32, #tpu.memory_space<vmem>> -> memref<1x8xf32, #tpu.memory_space<vmem>>
      %dma_start3A_325 = arith.constant 0 : i32
      %dma_start3A_326 = tpu.memref_slice %arg7[%squeeze3A_322, %dma_start3A_325] : memref<1001x8xf32, #tpu.memory_space<hbm>> -> memref<1x8xf32, #tpu.memory_space<hbm>>
      %dma_start3A_327 = arith.constant 0 : i32
      %dma_start3A_328 = tpu.memref_slice %arg19[%add3A_320, %dma_start3A_327] : memref<256x8xf32, #tpu.memory_space<vmem>> -> memref<1x8xf32, #tpu.memory_space<vmem>>
      %dma_start3A_329 = arith.constant 0 : i32
      %dma_start3A_330 = tpu.memref_slice %arg7[%squeeze3A_322, %dma_start3A_329] : memref<1001x8xf32, #tpu.memory_space<hbm>> -> memref<1x8xf32, #tpu.memory_space<hbm>>
      tpu.enqueue_dma source(%dma_start3A_330 : memref<1x8xf32, #tpu.memory_space<hbm>>) target(%dma_start3A_328 : memref<1x8xf32, #tpu.memory_space<vmem>>) target_semaphore(%arg21 : memref<!tpu.dma_semaphore, #tpu.memory_space<semaphore_mem>>)
      %mul3A_331 = arith.constant 16 : i32
      %mul3A_332 = arith.muli %scan3A_131, %mul3A_331 : i32
      %add3A_333 = arith.constant 14 : i32
      %add3A_334 = arith.addi %mul3A_332, %add3A_333 : i32
      %slice3A_335 = vector.extract_strided_slice %get3A_137 {offsets = [14], sizes = [1], strides = [1]} : vector<16xi32> to vector<1xi32>
      %squeeze3A_336 = vector.extract %slice3A_335[0] : i32 from vector<1xi32>
      %dma_start3A_337 = arith.constant 0 : i32
      %dma_start3A_338 = tpu.memref_slice %arg19[%add3A_334, %dma_start3A_337] : memref<256x8xf32, #tpu.memory_space<vmem>> -> memref<1x8xf32, #tpu.memory_space<vmem>>
      %dma_start3A_339 = arith.constant 0 : i32
      %dma_start3A_340 = tpu.memref_slice %arg7[%squeeze3A_336, %dma_start3A_339] : memref<1001x8xf32, #tpu.memory_space<hbm>> -> memref<1x8xf32, #tpu.memory_space<hbm>>
      %dma_start3A_341 = arith.constant 0 : i32
      %dma_start3A_342 = tpu.memref_slice %arg19[%add3A_334, %dma_start3A_341] : memref<256x8xf32, #tpu.memory_space<vmem>> -> memref<1x8xf32, #tpu.memory_space<vmem>>
      %dma_start3A_343 = arith.constant 0 : i32
      %dma_start3A_344 = tpu.memref_slice %arg7[%squeeze3A_336, %dma_start3A_343] : memref<1001x8xf32, #tpu.memory_space<hbm>> -> memref<1x8xf32, #tpu.memory_space<hbm>>
      tpu.enqueue_dma source(%dma_start3A_344 : memref<1x8xf32, #tpu.memory_space<hbm>>) target(%dma_start3A_342 : memref<1x8xf32, #tpu.memory_space<vmem>>) target_semaphore(%arg21 : memref<!tpu.dma_semaphore, #tpu.memory_space<semaphore_mem>>)
      %mul3A_345 = arith.constant 16 : i32
      %mul3A_346 = arith.muli %scan3A_131, %mul3A_345 : i32
      %add3A_347 = arith.constant 15 : i32
      %add3A_348 = arith.addi %mul3A_346, %add3A_347 : i32
      %slice3A_349 = vector.extract_strided_slice %get3A_137 {offsets = [15], sizes = [1], strides = [1]} : vector<16xi32> to vector<1xi32>
      %squeeze3A_350 = vector.extract %slice3A_349[0] : i32 from vector<1xi32>
      %dma_start3A_351 = arith.constant 0 : i32
      %dma_start3A_352 = tpu.memref_slice %arg19[%add3A_348, %dma_start3A_351] : memref<256x8xf32, #tpu.memory_space<vmem>> -> memref<1x8xf32, #tpu.memory_space<vmem>>
      %dma_start3A_353 = arith.constant 0 : i32
      %dma_start3A_354 = tpu.memref_slice %arg7[%squeeze3A_350, %dma_start3A_353] : memref<1001x8xf32, #tpu.memory_space<hbm>> -> memref<1x8xf32, #tpu.memory_space<hbm>>
      %dma_start3A_355 = arith.constant 0 : i32
      %dma_start3A_356 = tpu.memref_slice %arg19[%add3A_348, %dma_start3A_355] : memref<256x8xf32, #tpu.memory_space<vmem>> -> memref<1x8xf32, #tpu.memory_space<vmem>>
      %dma_start3A_357 = arith.constant 0 : i32
      %dma_start3A_358 = tpu.memref_slice %arg7[%squeeze3A_350, %dma_start3A_357] : memref<1001x8xf32, #tpu.memory_space<hbm>> -> memref<1x8xf32, #tpu.memory_space<hbm>>
      tpu.enqueue_dma source(%dma_start3A_358 : memref<1x8xf32, #tpu.memory_space<hbm>>) target(%dma_start3A_356 : memref<1x8xf32, #tpu.memory_space<vmem>>) target_semaphore(%arg21 : memref<!tpu.dma_semaphore, #tpu.memory_space<semaphore_mem>>)
    }
    %scan3A_70 = arith.constant 16 : i32
    %dma_wait3A_71 = arith.constant 0 : i32
    %dma_wait3A_72 = arith.constant 0 : i32
    %dma_wait3A_73 = tpu.memref_slice %arg7[%dma_wait3A_71, %dma_wait3A_72] : memref<1001x8xf32, #tpu.memory_space<hbm>> -> memref<256x8xf32, #tpu.memory_space<hbm>>
    %dma_wait3A_74 = arith.constant 0 : i32
    %dma_wait3A_75 = arith.constant 0 : i32
    %dma_wait3A_76 = tpu.memref_slice %arg7[%dma_wait3A_74, %dma_wait3A_75] : memref<1001x8xf32, #tpu.memory_space<hbm>> -> memref<256x8xf32, #tpu.memory_space<hbm>>
    tpu.wait_dma2 semaphore(%arg21 : memref<!tpu.dma_semaphore, #tpu.memory_space<semaphore_mem>>) src(%dma_wait3A_76 : memref<256x8xf32, #tpu.memory_space<hbm>>) dst(%arg19 : memref<256x8xf32, #tpu.memory_space<vmem>>)
    %add3A_77 = arith.constant 256 : i32
    %add3A_78 = arith.addi %mul3A_2, %add3A_77 : i32
    "tpu.region"() ({
      %run_scoped3A = tpu.sem_alloc : memref<!tpu.dma_semaphore, #tpu.memory_space<semaphore_mem>>
      %dma_start3A = arith.constant 0 : i32
      %dma_start3A_131 = tpu.memref_slice %arg12[%add3A_78, %dma_start3A] : memref<16384x8xf32, #tpu.memory_space<hbm>> -> memref<256x8xf32, #tpu.memory_space<hbm>>
      %dma_start3A_132 = arith.constant 0 : i32
      %dma_start3A_133 = tpu.memref_slice %arg12[%add3A_78, %dma_start3A_132] : memref<16384x8xf32, #tpu.memory_space<hbm>> -> memref<256x8xf32, #tpu.memory_space<hbm>>
      tpu.enqueue_dma source(%arg19 : memref<256x8xf32, #tpu.memory_space<vmem>>) target(%dma_start3A_133 : memref<256x8xf32, #tpu.memory_space<hbm>>) target_semaphore(%run_scoped3A : memref<!tpu.dma_semaphore, #tpu.memory_space<semaphore_mem>>)
      %dma_wait3A_134 = arith.constant 0 : i32
      %dma_wait3A_135 = tpu.memref_slice %arg12[%add3A_78, %dma_wait3A_134] : memref<16384x8xf32, #tpu.memory_space<hbm>> -> memref<256x8xf32, #tpu.memory_space<hbm>>
      %dma_wait3A_136 = arith.constant 0 : i32
      %dma_wait3A_137 = tpu.memref_slice %arg12[%add3A_78, %dma_wait3A_136] : memref<16384x8xf32, #tpu.memory_space<hbm>> -> memref<256x8xf32, #tpu.memory_space<hbm>>
      tpu.wait_dma2 semaphore(%run_scoped3A : memref<!tpu.dma_semaphore, #tpu.memory_space<semaphore_mem>>) src(%arg19 : memref<256x8xf32, #tpu.memory_space<vmem>>) dst(%dma_wait3A_137 : memref<256x8xf32, #tpu.memory_space<hbm>>)
      tpu.yield
    }) : () -> ()
    %scan3A_79 = arith.constant 0 : i32
    %scan3A_80 = arith.constant 16 : i32
    %scan3A_81 = arith.addi %scan3A_79, %scan3A_80 : i32
    %scan3A_82 = arith.constant 1 : i32
    scf.for %scan3A_131 = %scan3A_79 to %scan3A_81 step %scan3A_82  : i32 {
      %mul3A_132 = arith.constant 16 : i32
      %mul3A_133 = arith.muli %scan3A_131, %mul3A_132 : i32
      %add3A_134 = arith.constant 0 : i32
      %add3A_135 = arith.addi %add3A_134, %mul3A_133 : i32
      %multiple_of3A = tpu.assume_multiple %add3A_135, 16 : i32
      %get3A = arith.index_cast %multiple_of3A : i32 to index
      %get3A_136 = tpu.vector_load %arg15[%get3A] {strides = array<i32>} : memref<512xi32, #tpu.memory_space<vmem>>, vector<16xi32>,
      %get3A_137 = vector.shape_cast %get3A_136 : vector<16xi32> to vector<16xi32>
      %mul3A_138 = arith.constant 16 : i32
      %mul3A_139 = arith.muli %scan3A_131, %mul3A_138 : i32
      %add3A_140 = arith.constant 0 : i32
      %add3A_141 = arith.addi %mul3A_139, %add3A_140 : i32
      %slice3A = vector.extract_strided_slice %get3A_137 {offsets = [0], sizes = [1], strides = [1]} : vector<16xi32> to vector<1xi32>
      %squeeze3A = vector.extract %slice3A[0] : i32 from vector<1xi32>
      %dma_start3A = arith.constant 0 : i32
      %dma_start3A_142 = tpu.memref_slice %arg20[%add3A_141, %dma_start3A] : memref<256x1xf32, #tpu.memory_space<vmem>> -> memref<1x1xf32, #tpu.memory_space<vmem>>
      %dma_start3A_143 = arith.constant 0 : i32
      %dma_start3A_144 = tpu.memref_slice %arg8[%squeeze3A, %dma_start3A_143] : memref<1000001x1xf32, #tpu.memory_space<hbm>> -> memref<1x1xf32, #tpu.memory_space<hbm>>
      %dma_start3A_145 = arith.constant 0 : i32
      %dma_start3A_146 = tpu.memref_slice %arg20[%add3A_141, %dma_start3A_145] : memref<256x1xf32, #tpu.memory_space<vmem>> -> memref<1x1xf32, #tpu.memory_space<vmem>>
      %dma_start3A_147 = arith.constant 0 : i32
      %dma_start3A_148 = tpu.memref_slice %arg8[%squeeze3A, %dma_start3A_147] : memref<1000001x1xf32, #tpu.memory_space<hbm>> -> memref<1x1xf32, #tpu.memory_space<hbm>>
      tpu.enqueue_dma source(%dma_start3A_148 : memref<1x1xf32, #tpu.memory_space<hbm>>) target(%dma_start3A_146 : memref<1x1xf32, #tpu.memory_space<vmem>>) target_semaphore(%arg21 : memref<!tpu.dma_semaphore, #tpu.memory_space<semaphore_mem>>)
      %mul3A_149 = arith.constant 16 : i32
      %mul3A_150 = arith.muli %scan3A_131, %mul3A_149 : i32
      %add3A_151 = arith.constant 1 : i32
      %add3A_152 = arith.addi %mul3A_150, %add3A_151 : i32
      %slice3A_153 = vector.extract_strided_slice %get3A_137 {offsets = [1], sizes = [1], strides = [1]} : vector<16xi32> to vector<1xi32>
      %squeeze3A_154 = vector.extract %slice3A_153[0] : i32 from vector<1xi32>
      %dma_start3A_155 = arith.constant 0 : i32
      %dma_start3A_156 = tpu.memref_slice %arg20[%add3A_152, %dma_start3A_155] : memref<256x1xf32, #tpu.memory_space<vmem>> -> memref<1x1xf32, #tpu.memory_space<vmem>>
      %dma_start3A_157 = arith.constant 0 : i32
      %dma_start3A_158 = tpu.memref_slice %arg8[%squeeze3A_154, %dma_start3A_157] : memref<1000001x1xf32, #tpu.memory_space<hbm>> -> memref<1x1xf32, #tpu.memory_space<hbm>>
      %dma_start3A_159 = arith.constant 0 : i32
      %dma_start3A_160 = tpu.memref_slice %arg20[%add3A_152, %dma_start3A_159] : memref<256x1xf32, #tpu.memory_space<vmem>> -> memref<1x1xf32, #tpu.memory_space<vmem>>
      %dma_start3A_161 = arith.constant 0 : i32
      %dma_start3A_162 = tpu.memref_slice %arg8[%squeeze3A_154, %dma_start3A_161] : memref<1000001x1xf32, #tpu.memory_space<hbm>> -> memref<1x1xf32, #tpu.memory_space<hbm>>
      tpu.enqueue_dma source(%dma_start3A_162 : memref<1x1xf32, #tpu.memory_space<hbm>>) target(%dma_start3A_160 : memref<1x1xf32, #tpu.memory_space<vmem>>) target_semaphore(%arg21 : memref<!tpu.dma_semaphore, #tpu.memory_space<semaphore_mem>>)
      %mul3A_163 = arith.constant 16 : i32
      %mul3A_164 = arith.muli %scan3A_131, %mul3A_163 : i32
      %add3A_165 = arith.constant 2 : i32
      %add3A_166 = arith.addi %mul3A_164, %add3A_165 : i32
      %slice3A_167 = vector.extract_strided_slice %get3A_137 {offsets = [2], sizes = [1], strides = [1]} : vector<16xi32> to vector<1xi32>
      %squeeze3A_168 = vector.extract %slice3A_167[0] : i32 from vector<1xi32>
      %dma_start3A_169 = arith.constant 0 : i32
      %dma_start3A_170 = tpu.memref_slice %arg20[%add3A_166, %dma_start3A_169] : memref<256x1xf32, #tpu.memory_space<vmem>> -> memref<1x1xf32, #tpu.memory_space<vmem>>
      %dma_start3A_171 = arith.constant 0 : i32
      %dma_start3A_172 = tpu.memref_slice %arg8[%squeeze3A_168, %dma_start3A_171] : memref<1000001x1xf32, #tpu.memory_space<hbm>> -> memref<1x1xf32, #tpu.memory_space<hbm>>
      %dma_start3A_173 = arith.constant 0 : i32
      %dma_start3A_174 = tpu.memref_slice %arg20[%add3A_166, %dma_start3A_173] : memref<256x1xf32, #tpu.memory_space<vmem>> -> memref<1x1xf32, #tpu.memory_space<vmem>>
      %dma_start3A_175 = arith.constant 0 : i32
      %dma_start3A_176 = tpu.memref_slice %arg8[%squeeze3A_168, %dma_start3A_175] : memref<1000001x1xf32, #tpu.memory_space<hbm>> -> memref<1x1xf32, #tpu.memory_space<hbm>>
      tpu.enqueue_dma source(%dma_start3A_176 : memref<1x1xf32, #tpu.memory_space<hbm>>) target(%dma_start3A_174 : memref<1x1xf32, #tpu.memory_space<vmem>>) target_semaphore(%arg21 : memref<!tpu.dma_semaphore, #tpu.memory_space<semaphore_mem>>)
      %mul3A_177 = arith.constant 16 : i32
      %mul3A_178 = arith.muli %scan3A_131, %mul3A_177 : i32
      %add3A_179 = arith.constant 3 : i32
      %add3A_180 = arith.addi %mul3A_178, %add3A_179 : i32
      %slice3A_181 = vector.extract_strided_slice %get3A_137 {offsets = [3], sizes = [1], strides = [1]} : vector<16xi32> to vector<1xi32>
      %squeeze3A_182 = vector.extract %slice3A_181[0] : i32 from vector<1xi32>
      %dma_start3A_183 = arith.constant 0 : i32
      %dma_start3A_184 = tpu.memref_slice %arg20[%add3A_180, %dma_start3A_183] : memref<256x1xf32, #tpu.memory_space<vmem>> -> memref<1x1xf32, #tpu.memory_space<vmem>>
      %dma_start3A_185 = arith.constant 0 : i32
      %dma_start3A_186 = tpu.memref_slice %arg8[%squeeze3A_182, %dma_start3A_185] : memref<1000001x1xf32, #tpu.memory_space<hbm>> -> memref<1x1xf32, #tpu.memory_space<hbm>>
      %dma_start3A_187 = arith.constant 0 : i32
      %dma_start3A_188 = tpu.memref_slice %arg20[%add3A_180, %dma_start3A_187] : memref<256x1xf32, #tpu.memory_space<vmem>> -> memref<1x1xf32, #tpu.memory_space<vmem>>
      %dma_start3A_189 = arith.constant 0 : i32
      %dma_start3A_190 = tpu.memref_slice %arg8[%squeeze3A_182, %dma_start3A_189] : memref<1000001x1xf32, #tpu.memory_space<hbm>> -> memref<1x1xf32, #tpu.memory_space<hbm>>
      tpu.enqueue_dma source(%dma_start3A_190 : memref<1x1xf32, #tpu.memory_space<hbm>>) target(%dma_start3A_188 : memref<1x1xf32, #tpu.memory_space<vmem>>) target_semaphore(%arg21 : memref<!tpu.dma_semaphore, #tpu.memory_space<semaphore_mem>>)
      %mul3A_191 = arith.constant 16 : i32
      %mul3A_192 = arith.muli %scan3A_131, %mul3A_191 : i32
      %add3A_193 = arith.constant 4 : i32
      %add3A_194 = arith.addi %mul3A_192, %add3A_193 : i32
      %slice3A_195 = vector.extract_strided_slice %get3A_137 {offsets = [4], sizes = [1], strides = [1]} : vector<16xi32> to vector<1xi32>
      %squeeze3A_196 = vector.extract %slice3A_195[0] : i32 from vector<1xi32>
      %dma_start3A_197 = arith.constant 0 : i32
      %dma_start3A_198 = tpu.memref_slice %arg20[%add3A_194, %dma_start3A_197] : memref<256x1xf32, #tpu.memory_space<vmem>> -> memref<1x1xf32, #tpu.memory_space<vmem>>
      %dma_start3A_199 = arith.constant 0 : i32
      %dma_start3A_200 = tpu.memref_slice %arg8[%squeeze3A_196, %dma_start3A_199] : memref<1000001x1xf32, #tpu.memory_space<hbm>> -> memref<1x1xf32, #tpu.memory_space<hbm>>
      %dma_start3A_201 = arith.constant 0 : i32
      %dma_start3A_202 = tpu.memref_slice %arg20[%add3A_194, %dma_start3A_201] : memref<256x1xf32, #tpu.memory_space<vmem>> -> memref<1x1xf32, #tpu.memory_space<vmem>>
      %dma_start3A_203 = arith.constant 0 : i32
      %dma_start3A_204 = tpu.memref_slice %arg8[%squeeze3A_196, %dma_start3A_203] : memref<1000001x1xf32, #tpu.memory_space<hbm>> -> memref<1x1xf32, #tpu.memory_space<hbm>>
      tpu.enqueue_dma source(%dma_start3A_204 : memref<1x1xf32, #tpu.memory_space<hbm>>) target(%dma_start3A_202 : memref<1x1xf32, #tpu.memory_space<vmem>>) target_semaphore(%arg21 : memref<!tpu.dma_semaphore, #tpu.memory_space<semaphore_mem>>)
      %mul3A_205 = arith.constant 16 : i32
      %mul3A_206 = arith.muli %scan3A_131, %mul3A_205 : i32
      %add3A_207 = arith.constant 5 : i32
      %add3A_208 = arith.addi %mul3A_206, %add3A_207 : i32
      %slice3A_209 = vector.extract_strided_slice %get3A_137 {offsets = [5], sizes = [1], strides = [1]} : vector<16xi32> to vector<1xi32>
      %squeeze3A_210 = vector.extract %slice3A_209[0] : i32 from vector<1xi32>
      %dma_start3A_211 = arith.constant 0 : i32
      %dma_start3A_212 = tpu.memref_slice %arg20[%add3A_208, %dma_start3A_211] : memref<256x1xf32, #tpu.memory_space<vmem>> -> memref<1x1xf32, #tpu.memory_space<vmem>>
      %dma_start3A_213 = arith.constant 0 : i32
      %dma_start3A_214 = tpu.memref_slice %arg8[%squeeze3A_210, %dma_start3A_213] : memref<1000001x1xf32, #tpu.memory_space<hbm>> -> memref<1x1xf32, #tpu.memory_space<hbm>>
      %dma_start3A_215 = arith.constant 0 : i32
      %dma_start3A_216 = tpu.memref_slice %arg20[%add3A_208, %dma_start3A_215] : memref<256x1xf32, #tpu.memory_space<vmem>> -> memref<1x1xf32, #tpu.memory_space<vmem>>
      %dma_start3A_217 = arith.constant 0 : i32
      %dma_start3A_218 = tpu.memref_slice %arg8[%squeeze3A_210, %dma_start3A_217] : memref<1000001x1xf32, #tpu.memory_space<hbm>> -> memref<1x1xf32, #tpu.memory_space<hbm>>
      tpu.enqueue_dma source(%dma_start3A_218 : memref<1x1xf32, #tpu.memory_space<hbm>>) target(%dma_start3A_216 : memref<1x1xf32, #tpu.memory_space<vmem>>) target_semaphore(%arg21 : memref<!tpu.dma_semaphore, #tpu.memory_space<semaphore_mem>>)
      %mul3A_219 = arith.constant 16 : i32
      %mul3A_220 = arith.muli %scan3A_131, %mul3A_219 : i32
      %add3A_221 = arith.constant 6 : i32
      %add3A_222 = arith.addi %mul3A_220, %add3A_221 : i32
      %slice3A_223 = vector.extract_strided_slice %get3A_137 {offsets = [6], sizes = [1], strides = [1]} : vector<16xi32> to vector<1xi32>
      %squeeze3A_224 = vector.extract %slice3A_223[0] : i32 from vector<1xi32>
      %dma_start3A_225 = arith.constant 0 : i32
      %dma_start3A_226 = tpu.memref_slice %arg20[%add3A_222, %dma_start3A_225] : memref<256x1xf32, #tpu.memory_space<vmem>> -> memref<1x1xf32, #tpu.memory_space<vmem>>
      %dma_start3A_227 = arith.constant 0 : i32
      %dma_start3A_228 = tpu.memref_slice %arg8[%squeeze3A_224, %dma_start3A_227] : memref<1000001x1xf32, #tpu.memory_space<hbm>> -> memref<1x1xf32, #tpu.memory_space<hbm>>
      %dma_start3A_229 = arith.constant 0 : i32
      %dma_start3A_230 = tpu.memref_slice %arg20[%add3A_222, %dma_start3A_229] : memref<256x1xf32, #tpu.memory_space<vmem>> -> memref<1x1xf32, #tpu.memory_space<vmem>>
      %dma_start3A_231 = arith.constant 0 : i32
      %dma_start3A_232 = tpu.memref_slice %arg8[%squeeze3A_224, %dma_start3A_231] : memref<1000001x1xf32, #tpu.memory_space<hbm>> -> memref<1x1xf32, #tpu.memory_space<hbm>>
      tpu.enqueue_dma source(%dma_start3A_232 : memref<1x1xf32, #tpu.memory_space<hbm>>) target(%dma_start3A_230 : memref<1x1xf32, #tpu.memory_space<vmem>>) target_semaphore(%arg21 : memref<!tpu.dma_semaphore, #tpu.memory_space<semaphore_mem>>)
      %mul3A_233 = arith.constant 16 : i32
      %mul3A_234 = arith.muli %scan3A_131, %mul3A_233 : i32
      %add3A_235 = arith.constant 7 : i32
      %add3A_236 = arith.addi %mul3A_234, %add3A_235 : i32
      %slice3A_237 = vector.extract_strided_slice %get3A_137 {offsets = [7], sizes = [1], strides = [1]} : vector<16xi32> to vector<1xi32>
      %squeeze3A_238 = vector.extract %slice3A_237[0] : i32 from vector<1xi32>
      %dma_start3A_239 = arith.constant 0 : i32
      %dma_start3A_240 = tpu.memref_slice %arg20[%add3A_236, %dma_start3A_239] : memref<256x1xf32, #tpu.memory_space<vmem>> -> memref<1x1xf32, #tpu.memory_space<vmem>>
      %dma_start3A_241 = arith.constant 0 : i32
      %dma_start3A_242 = tpu.memref_slice %arg8[%squeeze3A_238, %dma_start3A_241] : memref<1000001x1xf32, #tpu.memory_space<hbm>> -> memref<1x1xf32, #tpu.memory_space<hbm>>
      %dma_start3A_243 = arith.constant 0 : i32
      %dma_start3A_244 = tpu.memref_slice %arg20[%add3A_236, %dma_start3A_243] : memref<256x1xf32, #tpu.memory_space<vmem>> -> memref<1x1xf32, #tpu.memory_space<vmem>>
      %dma_start3A_245 = arith.constant 0 : i32
      %dma_start3A_246 = tpu.memref_slice %arg8[%squeeze3A_238, %dma_start3A_245] : memref<1000001x1xf32, #tpu.memory_space<hbm>> -> memref<1x1xf32, #tpu.memory_space<hbm>>
      tpu.enqueue_dma source(%dma_start3A_246 : memref<1x1xf32, #tpu.memory_space<hbm>>) target(%dma_start3A_244 : memref<1x1xf32, #tpu.memory_space<vmem>>) target_semaphore(%arg21 : memref<!tpu.dma_semaphore, #tpu.memory_space<semaphore_mem>>)
      %mul3A_247 = arith.constant 16 : i32
      %mul3A_248 = arith.muli %scan3A_131, %mul3A_247 : i32
      %add3A_249 = arith.constant 8 : i32
      %add3A_250 = arith.addi %mul3A_248, %add3A_249 : i32
      %slice3A_251 = vector.extract_strided_slice %get3A_137 {offsets = [8], sizes = [1], strides = [1]} : vector<16xi32> to vector<1xi32>
      %squeeze3A_252 = vector.extract %slice3A_251[0] : i32 from vector<1xi32>
      %dma_start3A_253 = arith.constant 0 : i32
      %dma_start3A_254 = tpu.memref_slice %arg20[%add3A_250, %dma_start3A_253] : memref<256x1xf32, #tpu.memory_space<vmem>> -> memref<1x1xf32, #tpu.memory_space<vmem>>
      %dma_start3A_255 = arith.constant 0 : i32
      %dma_start3A_256 = tpu.memref_slice %arg8[%squeeze3A_252, %dma_start3A_255] : memref<1000001x1xf32, #tpu.memory_space<hbm>> -> memref<1x1xf32, #tpu.memory_space<hbm>>
      %dma_start3A_257 = arith.constant 0 : i32
      %dma_start3A_258 = tpu.memref_slice %arg20[%add3A_250, %dma_start3A_257] : memref<256x1xf32, #tpu.memory_space<vmem>> -> memref<1x1xf32, #tpu.memory_space<vmem>>
      %dma_start3A_259 = arith.constant 0 : i32
      %dma_start3A_260 = tpu.memref_slice %arg8[%squeeze3A_252, %dma_start3A_259] : memref<1000001x1xf32, #tpu.memory_space<hbm>> -> memref<1x1xf32, #tpu.memory_space<hbm>>
      tpu.enqueue_dma source(%dma_start3A_260 : memref<1x1xf32, #tpu.memory_space<hbm>>) target(%dma_start3A_258 : memref<1x1xf32, #tpu.memory_space<vmem>>) target_semaphore(%arg21 : memref<!tpu.dma_semaphore, #tpu.memory_space<semaphore_mem>>)
      %mul3A_261 = arith.constant 16 : i32
      %mul3A_262 = arith.muli %scan3A_131, %mul3A_261 : i32
      %add3A_263 = arith.constant 9 : i32
      %add3A_264 = arith.addi %mul3A_262, %add3A_263 : i32
      %slice3A_265 = vector.extract_strided_slice %get3A_137 {offsets = [9], sizes = [1], strides = [1]} : vector<16xi32> to vector<1xi32>
      %squeeze3A_266 = vector.extract %slice3A_265[0] : i32 from vector<1xi32>
      %dma_start3A_267 = arith.constant 0 : i32
      %dma_start3A_268 = tpu.memref_slice %arg20[%add3A_264, %dma_start3A_267] : memref<256x1xf32, #tpu.memory_space<vmem>> -> memref<1x1xf32, #tpu.memory_space<vmem>>
      %dma_start3A_269 = arith.constant 0 : i32
      %dma_start3A_270 = tpu.memref_slice %arg8[%squeeze3A_266, %dma_start3A_269] : memref<1000001x1xf32, #tpu.memory_space<hbm>> -> memref<1x1xf32, #tpu.memory_space<hbm>>
      %dma_start3A_271 = arith.constant 0 : i32
      %dma_start3A_272 = tpu.memref_slice %arg20[%add3A_264, %dma_start3A_271] : memref<256x1xf32, #tpu.memory_space<vmem>> -> memref<1x1xf32, #tpu.memory_space<vmem>>
      %dma_start3A_273 = arith.constant 0 : i32
      %dma_start3A_274 = tpu.memref_slice %arg8[%squeeze3A_266, %dma_start3A_273] : memref<1000001x1xf32, #tpu.memory_space<hbm>> -> memref<1x1xf32, #tpu.memory_space<hbm>>
      tpu.enqueue_dma source(%dma_start3A_274 : memref<1x1xf32, #tpu.memory_space<hbm>>) target(%dma_start3A_272 : memref<1x1xf32, #tpu.memory_space<vmem>>) target_semaphore(%arg21 : memref<!tpu.dma_semaphore, #tpu.memory_space<semaphore_mem>>)
      %mul3A_275 = arith.constant 16 : i32
      %mul3A_276 = arith.muli %scan3A_131, %mul3A_275 : i32
      %add3A_277 = arith.constant 10 : i32
      %add3A_278 = arith.addi %mul3A_276, %add3A_277 : i32
      %slice3A_279 = vector.extract_strided_slice %get3A_137 {offsets = [10], sizes = [1], strides = [1]} : vector<16xi32> to vector<1xi32>
      %squeeze3A_280 = vector.extract %slice3A_279[0] : i32 from vector<1xi32>
      %dma_start3A_281 = arith.constant 0 : i32
      %dma_start3A_282 = tpu.memref_slice %arg20[%add3A_278, %dma_start3A_281] : memref<256x1xf32, #tpu.memory_space<vmem>> -> memref<1x1xf32, #tpu.memory_space<vmem>>
      %dma_start3A_283 = arith.constant 0 : i32
      %dma_start3A_284 = tpu.memref_slice %arg8[%squeeze3A_280, %dma_start3A_283] : memref<1000001x1xf32, #tpu.memory_space<hbm>> -> memref<1x1xf32, #tpu.memory_space<hbm>>
      %dma_start3A_285 = arith.constant 0 : i32
      %dma_start3A_286 = tpu.memref_slice %arg20[%add3A_278, %dma_start3A_285] : memref<256x1xf32, #tpu.memory_space<vmem>> -> memref<1x1xf32, #tpu.memory_space<vmem>>
      %dma_start3A_287 = arith.constant 0 : i32
      %dma_start3A_288 = tpu.memref_slice %arg8[%squeeze3A_280, %dma_start3A_287] : memref<1000001x1xf32, #tpu.memory_space<hbm>> -> memref<1x1xf32, #tpu.memory_space<hbm>>
      tpu.enqueue_dma source(%dma_start3A_288 : memref<1x1xf32, #tpu.memory_space<hbm>>) target(%dma_start3A_286 : memref<1x1xf32, #tpu.memory_space<vmem>>) target_semaphore(%arg21 : memref<!tpu.dma_semaphore, #tpu.memory_space<semaphore_mem>>)
      %mul3A_289 = arith.constant 16 : i32
      %mul3A_290 = arith.muli %scan3A_131, %mul3A_289 : i32
      %add3A_291 = arith.constant 11 : i32
      %add3A_292 = arith.addi %mul3A_290, %add3A_291 : i32
      %slice3A_293 = vector.extract_strided_slice %get3A_137 {offsets = [11], sizes = [1], strides = [1]} : vector<16xi32> to vector<1xi32>
      %squeeze3A_294 = vector.extract %slice3A_293[0] : i32 from vector<1xi32>
      %dma_start3A_295 = arith.constant 0 : i32
      %dma_start3A_296 = tpu.memref_slice %arg20[%add3A_292, %dma_start3A_295] : memref<256x1xf32, #tpu.memory_space<vmem>> -> memref<1x1xf32, #tpu.memory_space<vmem>>
      %dma_start3A_297 = arith.constant 0 : i32
      %dma_start3A_298 = tpu.memref_slice %arg8[%squeeze3A_294, %dma_start3A_297] : memref<1000001x1xf32, #tpu.memory_space<hbm>> -> memref<1x1xf32, #tpu.memory_space<hbm>>
      %dma_start3A_299 = arith.constant 0 : i32
      %dma_start3A_300 = tpu.memref_slice %arg20[%add3A_292, %dma_start3A_299] : memref<256x1xf32, #tpu.memory_space<vmem>> -> memref<1x1xf32, #tpu.memory_space<vmem>>
      %dma_start3A_301 = arith.constant 0 : i32
      %dma_start3A_302 = tpu.memref_slice %arg8[%squeeze3A_294, %dma_start3A_301] : memref<1000001x1xf32, #tpu.memory_space<hbm>> -> memref<1x1xf32, #tpu.memory_space<hbm>>
      tpu.enqueue_dma source(%dma_start3A_302 : memref<1x1xf32, #tpu.memory_space<hbm>>) target(%dma_start3A_300 : memref<1x1xf32, #tpu.memory_space<vmem>>) target_semaphore(%arg21 : memref<!tpu.dma_semaphore, #tpu.memory_space<semaphore_mem>>)
      %mul3A_303 = arith.constant 16 : i32
      %mul3A_304 = arith.muli %scan3A_131, %mul3A_303 : i32
      %add3A_305 = arith.constant 12 : i32
      %add3A_306 = arith.addi %mul3A_304, %add3A_305 : i32
      %slice3A_307 = vector.extract_strided_slice %get3A_137 {offsets = [12], sizes = [1], strides = [1]} : vector<16xi32> to vector<1xi32>
      %squeeze3A_308 = vector.extract %slice3A_307[0] : i32 from vector<1xi32>
      %dma_start3A_309 = arith.constant 0 : i32
      %dma_start3A_310 = tpu.memref_slice %arg20[%add3A_306, %dma_start3A_309] : memref<256x1xf32, #tpu.memory_space<vmem>> -> memref<1x1xf32, #tpu.memory_space<vmem>>
      %dma_start3A_311 = arith.constant 0 : i32
      %dma_start3A_312 = tpu.memref_slice %arg8[%squeeze3A_308, %dma_start3A_311] : memref<1000001x1xf32, #tpu.memory_space<hbm>> -> memref<1x1xf32, #tpu.memory_space<hbm>>
      %dma_start3A_313 = arith.constant 0 : i32
      %dma_start3A_314 = tpu.memref_slice %arg20[%add3A_306, %dma_start3A_313] : memref<256x1xf32, #tpu.memory_space<vmem>> -> memref<1x1xf32, #tpu.memory_space<vmem>>
      %dma_start3A_315 = arith.constant 0 : i32
      %dma_start3A_316 = tpu.memref_slice %arg8[%squeeze3A_308, %dma_start3A_315] : memref<1000001x1xf32, #tpu.memory_space<hbm>> -> memref<1x1xf32, #tpu.memory_space<hbm>>
      tpu.enqueue_dma source(%dma_start3A_316 : memref<1x1xf32, #tpu.memory_space<hbm>>) target(%dma_start3A_314 : memref<1x1xf32, #tpu.memory_space<vmem>>) target_semaphore(%arg21 : memref<!tpu.dma_semaphore, #tpu.memory_space<semaphore_mem>>)
      %mul3A_317 = arith.constant 16 : i32
      %mul3A_318 = arith.muli %scan3A_131, %mul3A_317 : i32
      %add3A_319 = arith.constant 13 : i32
      %add3A_320 = arith.addi %mul3A_318, %add3A_319 : i32
      %slice3A_321 = vector.extract_strided_slice %get3A_137 {offsets = [13], sizes = [1], strides = [1]} : vector<16xi32> to vector<1xi32>
      %squeeze3A_322 = vector.extract %slice3A_321[0] : i32 from vector<1xi32>
      %dma_start3A_323 = arith.constant 0 : i32
      %dma_start3A_324 = tpu.memref_slice %arg20[%add3A_320, %dma_start3A_323] : memref<256x1xf32, #tpu.memory_space<vmem>> -> memref<1x1xf32, #tpu.memory_space<vmem>>
      %dma_start3A_325 = arith.constant 0 : i32
      %dma_start3A_326 = tpu.memref_slice %arg8[%squeeze3A_322, %dma_start3A_325] : memref<1000001x1xf32, #tpu.memory_space<hbm>> -> memref<1x1xf32, #tpu.memory_space<hbm>>
      %dma_start3A_327 = arith.constant 0 : i32
      %dma_start3A_328 = tpu.memref_slice %arg20[%add3A_320, %dma_start3A_327] : memref<256x1xf32, #tpu.memory_space<vmem>> -> memref<1x1xf32, #tpu.memory_space<vmem>>
      %dma_start3A_329 = arith.constant 0 : i32
      %dma_start3A_330 = tpu.memref_slice %arg8[%squeeze3A_322, %dma_start3A_329] : memref<1000001x1xf32, #tpu.memory_space<hbm>> -> memref<1x1xf32, #tpu.memory_space<hbm>>
      tpu.enqueue_dma source(%dma_start3A_330 : memref<1x1xf32, #tpu.memory_space<hbm>>) target(%dma_start3A_328 : memref<1x1xf32, #tpu.memory_space<vmem>>) target_semaphore(%arg21 : memref<!tpu.dma_semaphore, #tpu.memory_space<semaphore_mem>>)
      %mul3A_331 = arith.constant 16 : i32
      %mul3A_332 = arith.muli %scan3A_131, %mul3A_331 : i32
      %add3A_333 = arith.constant 14 : i32
      %add3A_334 = arith.addi %mul3A_332, %add3A_333 : i32
      %slice3A_335 = vector.extract_strided_slice %get3A_137 {offsets = [14], sizes = [1], strides = [1]} : vector<16xi32> to vector<1xi32>
      %squeeze3A_336 = vector.extract %slice3A_335[0] : i32 from vector<1xi32>
      %dma_start3A_337 = arith.constant 0 : i32
      %dma_start3A_338 = tpu.memref_slice %arg20[%add3A_334, %dma_start3A_337] : memref<256x1xf32, #tpu.memory_space<vmem>> -> memref<1x1xf32, #tpu.memory_space<vmem>>
      %dma_start3A_339 = arith.constant 0 : i32
      %dma_start3A_340 = tpu.memref_slice %arg8[%squeeze3A_336, %dma_start3A_339] : memref<1000001x1xf32, #tpu.memory_space<hbm>> -> memref<1x1xf32, #tpu.memory_space<hbm>>
      %dma_start3A_341 = arith.constant 0 : i32
      %dma_start3A_342 = tpu.memref_slice %arg20[%add3A_334, %dma_start3A_341] : memref<256x1xf32, #tpu.memory_space<vmem>> -> memref<1x1xf32, #tpu.memory_space<vmem>>
      %dma_start3A_343 = arith.constant 0 : i32
      %dma_start3A_344 = tpu.memref_slice %arg8[%squeeze3A_336, %dma_start3A_343] : memref<1000001x1xf32, #tpu.memory_space<hbm>> -> memref<1x1xf32, #tpu.memory_space<hbm>>
      tpu.enqueue_dma source(%dma_start3A_344 : memref<1x1xf32, #tpu.memory_space<hbm>>) target(%dma_start3A_342 : memref<1x1xf32, #tpu.memory_space<vmem>>) target_semaphore(%arg21 : memref<!tpu.dma_semaphore, #tpu.memory_space<semaphore_mem>>)
      %mul3A_345 = arith.constant 16 : i32
      %mul3A_346 = arith.muli %scan3A_131, %mul3A_345 : i32
      %add3A_347 = arith.constant 15 : i32
      %add3A_348 = arith.addi %mul3A_346, %add3A_347 : i32
      %slice3A_349 = vector.extract_strided_slice %get3A_137 {offsets = [15], sizes = [1], strides = [1]} : vector<16xi32> to vector<1xi32>
      %squeeze3A_350 = vector.extract %slice3A_349[0] : i32 from vector<1xi32>
      %dma_start3A_351 = arith.constant 0 : i32
      %dma_start3A_352 = tpu.memref_slice %arg20[%add3A_348, %dma_start3A_351] : memref<256x1xf32, #tpu.memory_space<vmem>> -> memref<1x1xf32, #tpu.memory_space<vmem>>
      %dma_start3A_353 = arith.constant 0 : i32
      %dma_start3A_354 = tpu.memref_slice %arg8[%squeeze3A_350, %dma_start3A_353] : memref<1000001x1xf32, #tpu.memory_space<hbm>> -> memref<1x1xf32, #tpu.memory_space<hbm>>
      %dma_start3A_355 = arith.constant 0 : i32
      %dma_start3A_356 = tpu.memref_slice %arg20[%add3A_348, %dma_start3A_355] : memref<256x1xf32, #tpu.memory_space<vmem>> -> memref<1x1xf32, #tpu.memory_space<vmem>>
      %dma_start3A_357 = arith.constant 0 : i32
      %dma_start3A_358 = tpu.memref_slice %arg8[%squeeze3A_350, %dma_start3A_357] : memref<1000001x1xf32, #tpu.memory_space<hbm>> -> memref<1x1xf32, #tpu.memory_space<hbm>>
      tpu.enqueue_dma source(%dma_start3A_358 : memref<1x1xf32, #tpu.memory_space<hbm>>) target(%dma_start3A_356 : memref<1x1xf32, #tpu.memory_space<vmem>>) target_semaphore(%arg21 : memref<!tpu.dma_semaphore, #tpu.memory_space<semaphore_mem>>)
    }
    %scan3A_83 = arith.constant 16 : i32
    %dma_wait3A_84 = arith.constant 0 : i32
    %dma_wait3A_85 = arith.constant 0 : i32
    %dma_wait3A_86 = tpu.memref_slice %arg8[%dma_wait3A_84, %dma_wait3A_85] : memref<1000001x1xf32, #tpu.memory_space<hbm>> -> memref<256x1xf32, #tpu.memory_space<hbm>>
    %dma_wait3A_87 = arith.constant 0 : i32
    %dma_wait3A_88 = arith.constant 0 : i32
    %dma_wait3A_89 = tpu.memref_slice %arg8[%dma_wait3A_87, %dma_wait3A_88] : memref<1000001x1xf32, #tpu.memory_space<hbm>> -> memref<256x1xf32, #tpu.memory_space<hbm>>
    tpu.wait_dma2 semaphore(%arg21 : memref<!tpu.dma_semaphore, #tpu.memory_space<semaphore_mem>>) src(%dma_wait3A_89 : memref<256x1xf32, #tpu.memory_space<hbm>>) dst(%arg20 : memref<256x1xf32, #tpu.memory_space<vmem>>)
    %add3A_90 = arith.constant 0 : i32
    %add3A_91 = arith.addi %mul3A_2, %add3A_90 : i32
    "tpu.region"() ({
      %run_scoped3A = tpu.sem_alloc : memref<!tpu.dma_semaphore, #tpu.memory_space<semaphore_mem>>
      %dma_start3A = arith.constant 0 : i32
      %dma_start3A_131 = tpu.memref_slice %arg13[%add3A_91, %dma_start3A] : memref<16384x1xf32, #tpu.memory_space<hbm>> -> memref<256x1xf32, #tpu.memory_space<hbm>>
      %dma_start3A_132 = arith.constant 0 : i32
      %dma_start3A_133 = tpu.memref_slice %arg13[%add3A_91, %dma_start3A_132] : memref<16384x1xf32, #tpu.memory_space<hbm>> -> memref<256x1xf32, #tpu.memory_space<hbm>>
      tpu.enqueue_dma source(%arg20 : memref<256x1xf32, #tpu.memory_space<vmem>>) target(%dma_start3A_133 : memref<256x1xf32, #tpu.memory_space<hbm>>) target_semaphore(%run_scoped3A : memref<!tpu.dma_semaphore, #tpu.memory_space<semaphore_mem>>)
      %dma_wait3A_134 = arith.constant 0 : i32
      %dma_wait3A_135 = tpu.memref_slice %arg13[%add3A_91, %dma_wait3A_134] : memref<16384x1xf32, #tpu.memory_space<hbm>> -> memref<256x1xf32, #tpu.memory_space<hbm>>
      %dma_wait3A_136 = arith.constant 0 : i32
      %dma_wait3A_137 = tpu.memref_slice %arg13[%add3A_91, %dma_wait3A_136] : memref<16384x1xf32, #tpu.memory_space<hbm>> -> memref<256x1xf32, #tpu.memory_space<hbm>>
      tpu.wait_dma2 semaphore(%run_scoped3A : memref<!tpu.dma_semaphore, #tpu.memory_space<semaphore_mem>>) src(%arg20 : memref<256x1xf32, #tpu.memory_space<vmem>>) dst(%dma_wait3A_137 : memref<256x1xf32, #tpu.memory_space<hbm>>)
      tpu.yield
    }) : () -> ()
    %scan3A_92 = arith.constant 0 : i32
    %scan3A_93 = arith.constant 16 : i32
    %scan3A_94 = arith.addi %scan3A_92, %scan3A_93 : i32
    %scan3A_95 = arith.constant 1 : i32
    scf.for %scan3A_131 = %scan3A_92 to %scan3A_94 step %scan3A_95  : i32 {
      %mul3A_132 = arith.constant 16 : i32
      %mul3A_133 = arith.muli %scan3A_131, %mul3A_132 : i32
      %add3A_134 = arith.constant 256 : i32
      %add3A_135 = arith.addi %add3A_134, %mul3A_133 : i32
      %multiple_of3A = tpu.assume_multiple %add3A_135, 16 : i32
      %get3A = arith.index_cast %multiple_of3A : i32 to index
      %get3A_136 = tpu.vector_load %arg15[%get3A] {strides = array<i32>} : memref<512xi32, #tpu.memory_space<vmem>>, vector<16xi32>,
      %get3A_137 = vector.shape_cast %get3A_136 : vector<16xi32> to vector<16xi32>
      %mul3A_138 = arith.constant 16 : i32
      %mul3A_139 = arith.muli %scan3A_131, %mul3A_138 : i32
      %add3A_140 = arith.constant 0 : i32
      %add3A_141 = arith.addi %mul3A_139, %add3A_140 : i32
      %slice3A = vector.extract_strided_slice %get3A_137 {offsets = [0], sizes = [1], strides = [1]} : vector<16xi32> to vector<1xi32>
      %squeeze3A = vector.extract %slice3A[0] : i32 from vector<1xi32>
      %dma_start3A = arith.constant 0 : i32
      %dma_start3A_142 = tpu.memref_slice %arg20[%add3A_141, %dma_start3A] : memref<256x1xf32, #tpu.memory_space<vmem>> -> memref<1x1xf32, #tpu.memory_space<vmem>>
      %dma_start3A_143 = arith.constant 0 : i32
      %dma_start3A_144 = tpu.memref_slice %arg8[%squeeze3A, %dma_start3A_143] : memref<1000001x1xf32, #tpu.memory_space<hbm>> -> memref<1x1xf32, #tpu.memory_space<hbm>>
      %dma_start3A_145 = arith.constant 0 : i32
      %dma_start3A_146 = tpu.memref_slice %arg20[%add3A_141, %dma_start3A_145] : memref<256x1xf32, #tpu.memory_space<vmem>> -> memref<1x1xf32, #tpu.memory_space<vmem>>
      %dma_start3A_147 = arith.constant 0 : i32
      %dma_start3A_148 = tpu.memref_slice %arg8[%squeeze3A, %dma_start3A_147] : memref<1000001x1xf32, #tpu.memory_space<hbm>> -> memref<1x1xf32, #tpu.memory_space<hbm>>
      tpu.enqueue_dma source(%dma_start3A_148 : memref<1x1xf32, #tpu.memory_space<hbm>>) target(%dma_start3A_146 : memref<1x1xf32, #tpu.memory_space<vmem>>) target_semaphore(%arg21 : memref<!tpu.dma_semaphore, #tpu.memory_space<semaphore_mem>>)
      %mul3A_149 = arith.constant 16 : i32
      %mul3A_150 = arith.muli %scan3A_131, %mul3A_149 : i32
      %add3A_151 = arith.constant 1 : i32
      %add3A_152 = arith.addi %mul3A_150, %add3A_151 : i32
      %slice3A_153 = vector.extract_strided_slice %get3A_137 {offsets = [1], sizes = [1], strides = [1]} : vector<16xi32> to vector<1xi32>
      %squeeze3A_154 = vector.extract %slice3A_153[0] : i32 from vector<1xi32>
      %dma_start3A_155 = arith.constant 0 : i32
      %dma_start3A_156 = tpu.memref_slice %arg20[%add3A_152, %dma_start3A_155] : memref<256x1xf32, #tpu.memory_space<vmem>> -> memref<1x1xf32, #tpu.memory_space<vmem>>
      %dma_start3A_157 = arith.constant 0 : i32
      %dma_start3A_158 = tpu.memref_slice %arg8[%squeeze3A_154, %dma_start3A_157] : memref<1000001x1xf32, #tpu.memory_space<hbm>> -> memref<1x1xf32, #tpu.memory_space<hbm>>
      %dma_start3A_159 = arith.constant 0 : i32
      %dma_start3A_160 = tpu.memref_slice %arg20[%add3A_152, %dma_start3A_159] : memref<256x1xf32, #tpu.memory_space<vmem>> -> memref<1x1xf32, #tpu.memory_space<vmem>>
      %dma_start3A_161 = arith.constant 0 : i32
      %dma_start3A_162 = tpu.memref_slice %arg8[%squeeze3A_154, %dma_start3A_161] : memref<1000001x1xf32, #tpu.memory_space<hbm>> -> memref<1x1xf32, #tpu.memory_space<hbm>>
      tpu.enqueue_dma source(%dma_start3A_162 : memref<1x1xf32, #tpu.memory_space<hbm>>) target(%dma_start3A_160 : memref<1x1xf32, #tpu.memory_space<vmem>>) target_semaphore(%arg21 : memref<!tpu.dma_semaphore, #tpu.memory_space<semaphore_mem>>)
      %mul3A_163 = arith.constant 16 : i32
      %mul3A_164 = arith.muli %scan3A_131, %mul3A_163 : i32
      %add3A_165 = arith.constant 2 : i32
      %add3A_166 = arith.addi %mul3A_164, %add3A_165 : i32
      %slice3A_167 = vector.extract_strided_slice %get3A_137 {offsets = [2], sizes = [1], strides = [1]} : vector<16xi32> to vector<1xi32>
      %squeeze3A_168 = vector.extract %slice3A_167[0] : i32 from vector<1xi32>
      %dma_start3A_169 = arith.constant 0 : i32
      %dma_start3A_170 = tpu.memref_slice %arg20[%add3A_166, %dma_start3A_169] : memref<256x1xf32, #tpu.memory_space<vmem>> -> memref<1x1xf32, #tpu.memory_space<vmem>>
      %dma_start3A_171 = arith.constant 0 : i32
      %dma_start3A_172 = tpu.memref_slice %arg8[%squeeze3A_168, %dma_start3A_171] : memref<1000001x1xf32, #tpu.memory_space<hbm>> -> memref<1x1xf32, #tpu.memory_space<hbm>>
      %dma_start3A_173 = arith.constant 0 : i32
      %dma_start3A_174 = tpu.memref_slice %arg20[%add3A_166, %dma_start3A_173] : memref<256x1xf32, #tpu.memory_space<vmem>> -> memref<1x1xf32, #tpu.memory_space<vmem>>
      %dma_start3A_175 = arith.constant 0 : i32
      %dma_start3A_176 = tpu.memref_slice %arg8[%squeeze3A_168, %dma_start3A_175] : memref<1000001x1xf32, #tpu.memory_space<hbm>> -> memref<1x1xf32, #tpu.memory_space<hbm>>
      tpu.enqueue_dma source(%dma_start3A_176 : memref<1x1xf32, #tpu.memory_space<hbm>>) target(%dma_start3A_174 : memref<1x1xf32, #tpu.memory_space<vmem>>) target_semaphore(%arg21 : memref<!tpu.dma_semaphore, #tpu.memory_space<semaphore_mem>>)
      %mul3A_177 = arith.constant 16 : i32
      %mul3A_178 = arith.muli %scan3A_131, %mul3A_177 : i32
      %add3A_179 = arith.constant 3 : i32
      %add3A_180 = arith.addi %mul3A_178, %add3A_179 : i32
      %slice3A_181 = vector.extract_strided_slice %get3A_137 {offsets = [3], sizes = [1], strides = [1]} : vector<16xi32> to vector<1xi32>
      %squeeze3A_182 = vector.extract %slice3A_181[0] : i32 from vector<1xi32>
      %dma_start3A_183 = arith.constant 0 : i32
      %dma_start3A_184 = tpu.memref_slice %arg20[%add3A_180, %dma_start3A_183] : memref<256x1xf32, #tpu.memory_space<vmem>> -> memref<1x1xf32, #tpu.memory_space<vmem>>
      %dma_start3A_185 = arith.constant 0 : i32
      %dma_start3A_186 = tpu.memref_slice %arg8[%squeeze3A_182, %dma_start3A_185] : memref<1000001x1xf32, #tpu.memory_space<hbm>> -> memref<1x1xf32, #tpu.memory_space<hbm>>
      %dma_start3A_187 = arith.constant 0 : i32
      %dma_start3A_188 = tpu.memref_slice %arg20[%add3A_180, %dma_start3A_187] : memref<256x1xf32, #tpu.memory_space<vmem>> -> memref<1x1xf32, #tpu.memory_space<vmem>>
      %dma_start3A_189 = arith.constant 0 : i32
      %dma_start3A_190 = tpu.memref_slice %arg8[%squeeze3A_182, %dma_start3A_189] : memref<1000001x1xf32, #tpu.memory_space<hbm>> -> memref<1x1xf32, #tpu.memory_space<hbm>>
      tpu.enqueue_dma source(%dma_start3A_190 : memref<1x1xf32, #tpu.memory_space<hbm>>) target(%dma_start3A_188 : memref<1x1xf32, #tpu.memory_space<vmem>>) target_semaphore(%arg21 : memref<!tpu.dma_semaphore, #tpu.memory_space<semaphore_mem>>)
      %mul3A_191 = arith.constant 16 : i32
      %mul3A_192 = arith.muli %scan3A_131, %mul3A_191 : i32
      %add3A_193 = arith.constant 4 : i32
      %add3A_194 = arith.addi %mul3A_192, %add3A_193 : i32
      %slice3A_195 = vector.extract_strided_slice %get3A_137 {offsets = [4], sizes = [1], strides = [1]} : vector<16xi32> to vector<1xi32>
      %squeeze3A_196 = vector.extract %slice3A_195[0] : i32 from vector<1xi32>
      %dma_start3A_197 = arith.constant 0 : i32
      %dma_start3A_198 = tpu.memref_slice %arg20[%add3A_194, %dma_start3A_197] : memref<256x1xf32, #tpu.memory_space<vmem>> -> memref<1x1xf32, #tpu.memory_space<vmem>>
      %dma_start3A_199 = arith.constant 0 : i32
      %dma_start3A_200 = tpu.memref_slice %arg8[%squeeze3A_196, %dma_start3A_199] : memref<1000001x1xf32, #tpu.memory_space<hbm>> -> memref<1x1xf32, #tpu.memory_space<hbm>>
      %dma_start3A_201 = arith.constant 0 : i32
      %dma_start3A_202 = tpu.memref_slice %arg20[%add3A_194, %dma_start3A_201] : memref<256x1xf32, #tpu.memory_space<vmem>> -> memref<1x1xf32, #tpu.memory_space<vmem>>
      %dma_start3A_203 = arith.constant 0 : i32
      %dma_start3A_204 = tpu.memref_slice %arg8[%squeeze3A_196, %dma_start3A_203] : memref<1000001x1xf32, #tpu.memory_space<hbm>> -> memref<1x1xf32, #tpu.memory_space<hbm>>
      tpu.enqueue_dma source(%dma_start3A_204 : memref<1x1xf32, #tpu.memory_space<hbm>>) target(%dma_start3A_202 : memref<1x1xf32, #tpu.memory_space<vmem>>) target_semaphore(%arg21 : memref<!tpu.dma_semaphore, #tpu.memory_space<semaphore_mem>>)
      %mul3A_205 = arith.constant 16 : i32
      %mul3A_206 = arith.muli %scan3A_131, %mul3A_205 : i32
      %add3A_207 = arith.constant 5 : i32
      %add3A_208 = arith.addi %mul3A_206, %add3A_207 : i32
      %slice3A_209 = vector.extract_strided_slice %get3A_137 {offsets = [5], sizes = [1], strides = [1]} : vector<16xi32> to vector<1xi32>
      %squeeze3A_210 = vector.extract %slice3A_209[0] : i32 from vector<1xi32>
      %dma_start3A_211 = arith.constant 0 : i32
      %dma_start3A_212 = tpu.memref_slice %arg20[%add3A_208, %dma_start3A_211] : memref<256x1xf32, #tpu.memory_space<vmem>> -> memref<1x1xf32, #tpu.memory_space<vmem>>
      %dma_start3A_213 = arith.constant 0 : i32
      %dma_start3A_214 = tpu.memref_slice %arg8[%squeeze3A_210, %dma_start3A_213] : memref<1000001x1xf32, #tpu.memory_space<hbm>> -> memref<1x1xf32, #tpu.memory_space<hbm>>
      %dma_start3A_215 = arith.constant 0 : i32
      %dma_start3A_216 = tpu.memref_slice %arg20[%add3A_208, %dma_start3A_215] : memref<256x1xf32, #tpu.memory_space<vmem>> -> memref<1x1xf32, #tpu.memory_space<vmem>>
      %dma_start3A_217 = arith.constant 0 : i32
      %dma_start3A_218 = tpu.memref_slice %arg8[%squeeze3A_210, %dma_start3A_217] : memref<1000001x1xf32, #tpu.memory_space<hbm>> -> memref<1x1xf32, #tpu.memory_space<hbm>>
      tpu.enqueue_dma source(%dma_start3A_218 : memref<1x1xf32, #tpu.memory_space<hbm>>) target(%dma_start3A_216 : memref<1x1xf32, #tpu.memory_space<vmem>>) target_semaphore(%arg21 : memref<!tpu.dma_semaphore, #tpu.memory_space<semaphore_mem>>)
      %mul3A_219 = arith.constant 16 : i32
      %mul3A_220 = arith.muli %scan3A_131, %mul3A_219 : i32
      %add3A_221 = arith.constant 6 : i32
      %add3A_222 = arith.addi %mul3A_220, %add3A_221 : i32
      %slice3A_223 = vector.extract_strided_slice %get3A_137 {offsets = [6], sizes = [1], strides = [1]} : vector<16xi32> to vector<1xi32>
      %squeeze3A_224 = vector.extract %slice3A_223[0] : i32 from vector<1xi32>
      %dma_start3A_225 = arith.constant 0 : i32
      %dma_start3A_226 = tpu.memref_slice %arg20[%add3A_222, %dma_start3A_225] : memref<256x1xf32, #tpu.memory_space<vmem>> -> memref<1x1xf32, #tpu.memory_space<vmem>>
      %dma_start3A_227 = arith.constant 0 : i32
      %dma_start3A_228 = tpu.memref_slice %arg8[%squeeze3A_224, %dma_start3A_227] : memref<1000001x1xf32, #tpu.memory_space<hbm>> -> memref<1x1xf32, #tpu.memory_space<hbm>>
      %dma_start3A_229 = arith.constant 0 : i32
      %dma_start3A_230 = tpu.memref_slice %arg20[%add3A_222, %dma_start3A_229] : memref<256x1xf32, #tpu.memory_space<vmem>> -> memref<1x1xf32, #tpu.memory_space<vmem>>
      %dma_start3A_231 = arith.constant 0 : i32
      %dma_start3A_232 = tpu.memref_slice %arg8[%squeeze3A_224, %dma_start3A_231] : memref<1000001x1xf32, #tpu.memory_space<hbm>> -> memref<1x1xf32, #tpu.memory_space<hbm>>
      tpu.enqueue_dma source(%dma_start3A_232 : memref<1x1xf32, #tpu.memory_space<hbm>>) target(%dma_start3A_230 : memref<1x1xf32, #tpu.memory_space<vmem>>) target_semaphore(%arg21 : memref<!tpu.dma_semaphore, #tpu.memory_space<semaphore_mem>>)
      %mul3A_233 = arith.constant 16 : i32
      %mul3A_234 = arith.muli %scan3A_131, %mul3A_233 : i32
      %add3A_235 = arith.constant 7 : i32
      %add3A_236 = arith.addi %mul3A_234, %add3A_235 : i32
      %slice3A_237 = vector.extract_strided_slice %get3A_137 {offsets = [7], sizes = [1], strides = [1]} : vector<16xi32> to vector<1xi32>
      %squeeze3A_238 = vector.extract %slice3A_237[0] : i32 from vector<1xi32>
      %dma_start3A_239 = arith.constant 0 : i32
      %dma_start3A_240 = tpu.memref_slice %arg20[%add3A_236, %dma_start3A_239] : memref<256x1xf32, #tpu.memory_space<vmem>> -> memref<1x1xf32, #tpu.memory_space<vmem>>
      %dma_start3A_241 = arith.constant 0 : i32
      %dma_start3A_242 = tpu.memref_slice %arg8[%squeeze3A_238, %dma_start3A_241] : memref<1000001x1xf32, #tpu.memory_space<hbm>> -> memref<1x1xf32, #tpu.memory_space<hbm>>
      %dma_start3A_243 = arith.constant 0 : i32
      %dma_start3A_244 = tpu.memref_slice %arg20[%add3A_236, %dma_start3A_243] : memref<256x1xf32, #tpu.memory_space<vmem>> -> memref<1x1xf32, #tpu.memory_space<vmem>>
      %dma_start3A_245 = arith.constant 0 : i32
      %dma_start3A_246 = tpu.memref_slice %arg8[%squeeze3A_238, %dma_start3A_245] : memref<1000001x1xf32, #tpu.memory_space<hbm>> -> memref<1x1xf32, #tpu.memory_space<hbm>>
      tpu.enqueue_dma source(%dma_start3A_246 : memref<1x1xf32, #tpu.memory_space<hbm>>) target(%dma_start3A_244 : memref<1x1xf32, #tpu.memory_space<vmem>>) target_semaphore(%arg21 : memref<!tpu.dma_semaphore, #tpu.memory_space<semaphore_mem>>)
      %mul3A_247 = arith.constant 16 : i32
      %mul3A_248 = arith.muli %scan3A_131, %mul3A_247 : i32
      %add3A_249 = arith.constant 8 : i32
      %add3A_250 = arith.addi %mul3A_248, %add3A_249 : i32
      %slice3A_251 = vector.extract_strided_slice %get3A_137 {offsets = [8], sizes = [1], strides = [1]} : vector<16xi32> to vector<1xi32>
      %squeeze3A_252 = vector.extract %slice3A_251[0] : i32 from vector<1xi32>
      %dma_start3A_253 = arith.constant 0 : i32
      %dma_start3A_254 = tpu.memref_slice %arg20[%add3A_250, %dma_start3A_253] : memref<256x1xf32, #tpu.memory_space<vmem>> -> memref<1x1xf32, #tpu.memory_space<vmem>>
      %dma_start3A_255 = arith.constant 0 : i32
      %dma_start3A_256 = tpu.memref_slice %arg8[%squeeze3A_252, %dma_start3A_255] : memref<1000001x1xf32, #tpu.memory_space<hbm>> -> memref<1x1xf32, #tpu.memory_space<hbm>>
      %dma_start3A_257 = arith.constant 0 : i32
      %dma_start3A_258 = tpu.memref_slice %arg20[%add3A_250, %dma_start3A_257] : memref<256x1xf32, #tpu.memory_space<vmem>> -> memref<1x1xf32, #tpu.memory_space<vmem>>
      %dma_start3A_259 = arith.constant 0 : i32
      %dma_start3A_260 = tpu.memref_slice %arg8[%squeeze3A_252, %dma_start3A_259] : memref<1000001x1xf32, #tpu.memory_space<hbm>> -> memref<1x1xf32, #tpu.memory_space<hbm>>
      tpu.enqueue_dma source(%dma_start3A_260 : memref<1x1xf32, #tpu.memory_space<hbm>>) target(%dma_start3A_258 : memref<1x1xf32, #tpu.memory_space<vmem>>) target_semaphore(%arg21 : memref<!tpu.dma_semaphore, #tpu.memory_space<semaphore_mem>>)
      %mul3A_261 = arith.constant 16 : i32
      %mul3A_262 = arith.muli %scan3A_131, %mul3A_261 : i32
      %add3A_263 = arith.constant 9 : i32
      %add3A_264 = arith.addi %mul3A_262, %add3A_263 : i32
      %slice3A_265 = vector.extract_strided_slice %get3A_137 {offsets = [9], sizes = [1], strides = [1]} : vector<16xi32> to vector<1xi32>
      %squeeze3A_266 = vector.extract %slice3A_265[0] : i32 from vector<1xi32>
      %dma_start3A_267 = arith.constant 0 : i32
      %dma_start3A_268 = tpu.memref_slice %arg20[%add3A_264, %dma_start3A_267] : memref<256x1xf32, #tpu.memory_space<vmem>> -> memref<1x1xf32, #tpu.memory_space<vmem>>
      %dma_start3A_269 = arith.constant 0 : i32
      %dma_start3A_270 = tpu.memref_slice %arg8[%squeeze3A_266, %dma_start3A_269] : memref<1000001x1xf32, #tpu.memory_space<hbm>> -> memref<1x1xf32, #tpu.memory_space<hbm>>
      %dma_start3A_271 = arith.constant 0 : i32
      %dma_start3A_272 = tpu.memref_slice %arg20[%add3A_264, %dma_start3A_271] : memref<256x1xf32, #tpu.memory_space<vmem>> -> memref<1x1xf32, #tpu.memory_space<vmem>>
      %dma_start3A_273 = arith.constant 0 : i32
      %dma_start3A_274 = tpu.memref_slice %arg8[%squeeze3A_266, %dma_start3A_273] : memref<1000001x1xf32, #tpu.memory_space<hbm>> -> memref<1x1xf32, #tpu.memory_space<hbm>>
      tpu.enqueue_dma source(%dma_start3A_274 : memref<1x1xf32, #tpu.memory_space<hbm>>) target(%dma_start3A_272 : memref<1x1xf32, #tpu.memory_space<vmem>>) target_semaphore(%arg21 : memref<!tpu.dma_semaphore, #tpu.memory_space<semaphore_mem>>)
      %mul3A_275 = arith.constant 16 : i32
      %mul3A_276 = arith.muli %scan3A_131, %mul3A_275 : i32
      %add3A_277 = arith.constant 10 : i32
      %add3A_278 = arith.addi %mul3A_276, %add3A_277 : i32
      %slice3A_279 = vector.extract_strided_slice %get3A_137 {offsets = [10], sizes = [1], strides = [1]} : vector<16xi32> to vector<1xi32>
      %squeeze3A_280 = vector.extract %slice3A_279[0] : i32 from vector<1xi32>
      %dma_start3A_281 = arith.constant 0 : i32
      %dma_start3A_282 = tpu.memref_slice %arg20[%add3A_278, %dma_start3A_281] : memref<256x1xf32, #tpu.memory_space<vmem>> -> memref<1x1xf32, #tpu.memory_space<vmem>>
      %dma_start3A_283 = arith.constant 0 : i32
      %dma_start3A_284 = tpu.memref_slice %arg8[%squeeze3A_280, %dma_start3A_283] : memref<1000001x1xf32, #tpu.memory_space<hbm>> -> memref<1x1xf32, #tpu.memory_space<hbm>>
      %dma_start3A_285 = arith.constant 0 : i32
      %dma_start3A_286 = tpu.memref_slice %arg20[%add3A_278, %dma_start3A_285] : memref<256x1xf32, #tpu.memory_space<vmem>> -> memref<1x1xf32, #tpu.memory_space<vmem>>
      %dma_start3A_287 = arith.constant 0 : i32
      %dma_start3A_288 = tpu.memref_slice %arg8[%squeeze3A_280, %dma_start3A_287] : memref<1000001x1xf32, #tpu.memory_space<hbm>> -> memref<1x1xf32, #tpu.memory_space<hbm>>
      tpu.enqueue_dma source(%dma_start3A_288 : memref<1x1xf32, #tpu.memory_space<hbm>>) target(%dma_start3A_286 : memref<1x1xf32, #tpu.memory_space<vmem>>) target_semaphore(%arg21 : memref<!tpu.dma_semaphore, #tpu.memory_space<semaphore_mem>>)
      %mul3A_289 = arith.constant 16 : i32
      %mul3A_290 = arith.muli %scan3A_131, %mul3A_289 : i32
      %add3A_291 = arith.constant 11 : i32
      %add3A_292 = arith.addi %mul3A_290, %add3A_291 : i32
      %slice3A_293 = vector.extract_strided_slice %get3A_137 {offsets = [11], sizes = [1], strides = [1]} : vector<16xi32> to vector<1xi32>
      %squeeze3A_294 = vector.extract %slice3A_293[0] : i32 from vector<1xi32>
      %dma_start3A_295 = arith.constant 0 : i32
      %dma_start3A_296 = tpu.memref_slice %arg20[%add3A_292, %dma_start3A_295] : memref<256x1xf32, #tpu.memory_space<vmem>> -> memref<1x1xf32, #tpu.memory_space<vmem>>
      %dma_start3A_297 = arith.constant 0 : i32
      %dma_start3A_298 = tpu.memref_slice %arg8[%squeeze3A_294, %dma_start3A_297] : memref<1000001x1xf32, #tpu.memory_space<hbm>> -> memref<1x1xf32, #tpu.memory_space<hbm>>
      %dma_start3A_299 = arith.constant 0 : i32
      %dma_start3A_300 = tpu.memref_slice %arg20[%add3A_292, %dma_start3A_299] : memref<256x1xf32, #tpu.memory_space<vmem>> -> memref<1x1xf32, #tpu.memory_space<vmem>>
      %dma_start3A_301 = arith.constant 0 : i32
      %dma_start3A_302 = tpu.memref_slice %arg8[%squeeze3A_294, %dma_start3A_301] : memref<1000001x1xf32, #tpu.memory_space<hbm>> -> memref<1x1xf32, #tpu.memory_space<hbm>>
      tpu.enqueue_dma source(%dma_start3A_302 : memref<1x1xf32, #tpu.memory_space<hbm>>) target(%dma_start3A_300 : memref<1x1xf32, #tpu.memory_space<vmem>>) target_semaphore(%arg21 : memref<!tpu.dma_semaphore, #tpu.memory_space<semaphore_mem>>)
      %mul3A_303 = arith.constant 16 : i32
      %mul3A_304 = arith.muli %scan3A_131, %mul3A_303 : i32
      %add3A_305 = arith.constant 12 : i32
      %add3A_306 = arith.addi %mul3A_304, %add3A_305 : i32
      %slice3A_307 = vector.extract_strided_slice %get3A_137 {offsets = [12], sizes = [1], strides = [1]} : vector<16xi32> to vector<1xi32>
      %squeeze3A_308 = vector.extract %slice3A_307[0] : i32 from vector<1xi32>
      %dma_start3A_309 = arith.constant 0 : i32
      %dma_start3A_310 = tpu.memref_slice %arg20[%add3A_306, %dma_start3A_309] : memref<256x1xf32, #tpu.memory_space<vmem>> -> memref<1x1xf32, #tpu.memory_space<vmem>>
      %dma_start3A_311 = arith.constant 0 : i32
      %dma_start3A_312 = tpu.memref_slice %arg8[%squeeze3A_308, %dma_start3A_311] : memref<1000001x1xf32, #tpu.memory_space<hbm>> -> memref<1x1xf32, #tpu.memory_space<hbm>>
      %dma_start3A_313 = arith.constant 0 : i32
      %dma_start3A_314 = tpu.memref_slice %arg20[%add3A_306, %dma_start3A_313] : memref<256x1xf32, #tpu.memory_space<vmem>> -> memref<1x1xf32, #tpu.memory_space<vmem>>
      %dma_start3A_315 = arith.constant 0 : i32
      %dma_start3A_316 = tpu.memref_slice %arg8[%squeeze3A_308, %dma_start3A_315] : memref<1000001x1xf32, #tpu.memory_space<hbm>> -> memref<1x1xf32, #tpu.memory_space<hbm>>
      tpu.enqueue_dma source(%dma_start3A_316 : memref<1x1xf32, #tpu.memory_space<hbm>>) target(%dma_start3A_314 : memref<1x1xf32, #tpu.memory_space<vmem>>) target_semaphore(%arg21 : memref<!tpu.dma_semaphore, #tpu.memory_space<semaphore_mem>>)
      %mul3A_317 = arith.constant 16 : i32
      %mul3A_318 = arith.muli %scan3A_131, %mul3A_317 : i32
      %add3A_319 = arith.constant 13 : i32
      %add3A_320 = arith.addi %mul3A_318, %add3A_319 : i32
      %slice3A_321 = vector.extract_strided_slice %get3A_137 {offsets = [13], sizes = [1], strides = [1]} : vector<16xi32> to vector<1xi32>
      %squeeze3A_322 = vector.extract %slice3A_321[0] : i32 from vector<1xi32>
      %dma_start3A_323 = arith.constant 0 : i32
      %dma_start3A_324 = tpu.memref_slice %arg20[%add3A_320, %dma_start3A_323] : memref<256x1xf32, #tpu.memory_space<vmem>> -> memref<1x1xf32, #tpu.memory_space<vmem>>
      %dma_start3A_325 = arith.constant 0 : i32
      %dma_start3A_326 = tpu.memref_slice %arg8[%squeeze3A_322, %dma_start3A_325] : memref<1000001x1xf32, #tpu.memory_space<hbm>> -> memref<1x1xf32, #tpu.memory_space<hbm>>
      %dma_start3A_327 = arith.constant 0 : i32
      %dma_start3A_328 = tpu.memref_slice %arg20[%add3A_320, %dma_start3A_327] : memref<256x1xf32, #tpu.memory_space<vmem>> -> memref<1x1xf32, #tpu.memory_space<vmem>>
      %dma_start3A_329 = arith.constant 0 : i32
      %dma_start3A_330 = tpu.memref_slice %arg8[%squeeze3A_322, %dma_start3A_329] : memref<1000001x1xf32, #tpu.memory_space<hbm>> -> memref<1x1xf32, #tpu.memory_space<hbm>>
      tpu.enqueue_dma source(%dma_start3A_330 : memref<1x1xf32, #tpu.memory_space<hbm>>) target(%dma_start3A_328 : memref<1x1xf32, #tpu.memory_space<vmem>>) target_semaphore(%arg21 : memref<!tpu.dma_semaphore, #tpu.memory_space<semaphore_mem>>)
      %mul3A_331 = arith.constant 16 : i32
      %mul3A_332 = arith.muli %scan3A_131, %mul3A_331 : i32
      %add3A_333 = arith.constant 14 : i32
      %add3A_334 = arith.addi %mul3A_332, %add3A_333 : i32
      %slice3A_335 = vector.extract_strided_slice %get3A_137 {offsets = [14], sizes = [1], strides = [1]} : vector<16xi32> to vector<1xi32>
      %squeeze3A_336 = vector.extract %slice3A_335[0] : i32 from vector<1xi32>
      %dma_start3A_337 = arith.constant 0 : i32
      %dma_start3A_338 = tpu.memref_slice %arg20[%add3A_334, %dma_start3A_337] : memref<256x1xf32, #tpu.memory_space<vmem>> -> memref<1x1xf32, #tpu.memory_space<vmem>>
      %dma_start3A_339 = arith.constant 0 : i32
      %dma_start3A_340 = tpu.memref_slice %arg8[%squeeze3A_336, %dma_start3A_339] : memref<1000001x1xf32, #tpu.memory_space<hbm>> -> memref<1x1xf32, #tpu.memory_space<hbm>>
      %dma_start3A_341 = arith.constant 0 : i32
      %dma_start3A_342 = tpu.memref_slice %arg20[%add3A_334, %dma_start3A_341] : memref<256x1xf32, #tpu.memory_space<vmem>> -> memref<1x1xf32, #tpu.memory_space<vmem>>
      %dma_start3A_343 = arith.constant 0 : i32
      %dma_start3A_344 = tpu.memref_slice %arg8[%squeeze3A_336, %dma_start3A_343] : memref<1000001x1xf32, #tpu.memory_space<hbm>> -> memref<1x1xf32, #tpu.memory_space<hbm>>
      tpu.enqueue_dma source(%dma_start3A_344 : memref<1x1xf32, #tpu.memory_space<hbm>>) target(%dma_start3A_342 : memref<1x1xf32, #tpu.memory_space<vmem>>) target_semaphore(%arg21 : memref<!tpu.dma_semaphore, #tpu.memory_space<semaphore_mem>>)
      %mul3A_345 = arith.constant 16 : i32
      %mul3A_346 = arith.muli %scan3A_131, %mul3A_345 : i32
      %add3A_347 = arith.constant 15 : i32
      %add3A_348 = arith.addi %mul3A_346, %add3A_347 : i32
      %slice3A_349 = vector.extract_strided_slice %get3A_137 {offsets = [15], sizes = [1], strides = [1]} : vector<16xi32> to vector<1xi32>
      %squeeze3A_350 = vector.extract %slice3A_349[0] : i32 from vector<1xi32>
      %dma_start3A_351 = arith.constant 0 : i32
      %dma_start3A_352 = tpu.memref_slice %arg20[%add3A_348, %dma_start3A_351] : memref<256x1xf32, #tpu.memory_space<vmem>> -> memref<1x1xf32, #tpu.memory_space<vmem>>
      %dma_start3A_353 = arith.constant 0 : i32
      %dma_start3A_354 = tpu.memref_slice %arg8[%squeeze3A_350, %dma_start3A_353] : memref<1000001x1xf32, #tpu.memory_space<hbm>> -> memref<1x1xf32, #tpu.memory_space<hbm>>
      %dma_start3A_355 = arith.constant 0 : i32
      %dma_start3A_356 = tpu.memref_slice %arg20[%add3A_348, %dma_start3A_355] : memref<256x1xf32, #tpu.memory_space<vmem>> -> memref<1x1xf32, #tpu.memory_space<vmem>>
      %dma_start3A_357 = arith.constant 0 : i32
      %dma_start3A_358 = tpu.memref_slice %arg8[%squeeze3A_350, %dma_start3A_357] : memref<1000001x1xf32, #tpu.memory_space<hbm>> -> memref<1x1xf32, #tpu.memory_space<hbm>>
      tpu.enqueue_dma source(%dma_start3A_358 : memref<1x1xf32, #tpu.memory_space<hbm>>) target(%dma_start3A_356 : memref<1x1xf32, #tpu.memory_space<vmem>>) target_semaphore(%arg21 : memref<!tpu.dma_semaphore, #tpu.memory_space<semaphore_mem>>)
    }
    %scan3A_96 = arith.constant 16 : i32
    %dma_wait3A_97 = arith.constant 0 : i32
    %dma_wait3A_98 = arith.constant 0 : i32
    %dma_wait3A_99 = tpu.memref_slice %arg8[%dma_wait3A_97, %dma_wait3A_98] : memref<1000001x1xf32, #tpu.memory_space<hbm>> -> memref<256x1xf32, #tpu.memory_space<hbm>>
    %dma_wait3A_100 = arith.constant 0 : i32
    %dma_wait3A_101 = arith.constant 0 : i32
    %dma_wait3A_102 = tpu.memref_slice %arg8[%dma_wait3A_100, %dma_wait3A_101] : memref<1000001x1xf32, #tpu.memory_space<hbm>> -> memref<256x1xf32, #tpu.memory_space<hbm>>
    tpu.wait_dma2 semaphore(%arg21 : memref<!tpu.dma_semaphore, #tpu.memory_space<semaphore_mem>>) src(%dma_wait3A_102 : memref<256x1xf32, #tpu.memory_space<hbm>>) dst(%arg20 : memref<256x1xf32, #tpu.memory_space<vmem>>)
    %add3A_103 = arith.constant 256 : i32
    %add3A_104 = arith.addi %mul3A_2, %add3A_103 : i32
    "tpu.region"() ({
      %run_scoped3A = tpu.sem_alloc : memref<!tpu.dma_semaphore, #tpu.memory_space<semaphore_mem>>
      %dma_start3A = arith.constant 0 : i32
      %dma_start3A_131 = tpu.memref_slice %arg13[%add3A_104, %dma_start3A] : memref<16384x1xf32, #tpu.memory_space<hbm>> -> memref<256x1xf32, #tpu.memory_space<hbm>>
      %dma_start3A_132 = arith.constant 0 : i32
      %dma_start3A_133 = tpu.memref_slice %arg13[%add3A_104, %dma_start3A_132] : memref<16384x1xf32, #tpu.memory_space<hbm>> -> memref<256x1xf32, #tpu.memory_space<hbm>>
      tpu.enqueue_dma source(%arg20 : memref<256x1xf32, #tpu.memory_space<vmem>>) target(%dma_start3A_133 : memref<256x1xf32, #tpu.memory_space<hbm>>) target_semaphore(%run_scoped3A : memref<!tpu.dma_semaphore, #tpu.memory_space<semaphore_mem>>)
      %dma_wait3A_134 = arith.constant 0 : i32
      %dma_wait3A_135 = tpu.memref_slice %arg13[%add3A_104, %dma_wait3A_134] : memref<16384x1xf32, #tpu.memory_space<hbm>> -> memref<256x1xf32, #tpu.memory_space<hbm>>
      %dma_wait3A_136 = arith.constant 0 : i32
      %dma_wait3A_137 = tpu.memref_slice %arg13[%add3A_104, %dma_wait3A_136] : memref<16384x1xf32, #tpu.memory_space<hbm>> -> memref<256x1xf32, #tpu.memory_space<hbm>>
      tpu.wait_dma2 semaphore(%run_scoped3A : memref<!tpu.dma_semaphore, #tpu.memory_space<semaphore_mem>>) src(%arg20 : memref<256x1xf32, #tpu.memory_space<vmem>>) dst(%dma_wait3A_137 : memref<256x1xf32, #tpu.memory_space<hbm>>)
      tpu.yield
    }) : () -> ()
    %scan3A_105 = arith.constant 0 : i32
    %scan3A_106 = arith.constant 16 : i32
    %scan3A_107 = arith.addi %scan3A_105, %scan3A_106 : i32
    %scan3A_108 = arith.constant 1 : i32
    scf.for %scan3A_131 = %scan3A_105 to %scan3A_107 step %scan3A_108  : i32 {
      %mul3A_132 = arith.constant 16 : i32
      %mul3A_133 = arith.muli %scan3A_131, %mul3A_132 : i32
      %add3A_134 = arith.constant 0 : i32
      %add3A_135 = arith.addi %add3A_134, %mul3A_133 : i32
      %multiple_of3A = tpu.assume_multiple %add3A_135, 16 : i32
      %get3A = arith.index_cast %multiple_of3A : i32 to index
      %get3A_136 = tpu.vector_load %arg16[%get3A] {strides = array<i32>} : memref<512xi32, #tpu.memory_space<vmem>>, vector<16xi32>,
      %get3A_137 = vector.shape_cast %get3A_136 : vector<16xi32> to vector<16xi32>
      %mul3A_138 = arith.constant 16 : i32
      %mul3A_139 = arith.muli %scan3A_131, %mul3A_138 : i32
      %add3A_140 = arith.constant 0 : i32
      %add3A_141 = arith.addi %mul3A_139, %add3A_140 : i32
      %slice3A = vector.extract_strided_slice %get3A_137 {offsets = [0], sizes = [1], strides = [1]} : vector<16xi32> to vector<1xi32>
      %squeeze3A = vector.extract %slice3A[0] : i32 from vector<1xi32>
      %dma_start3A = arith.constant 0 : i32
      %dma_start3A_142 = tpu.memref_slice %arg20[%add3A_141, %dma_start3A] : memref<256x1xf32, #tpu.memory_space<vmem>> -> memref<1x1xf32, #tpu.memory_space<vmem>>
      %dma_start3A_143 = arith.constant 0 : i32
      %dma_start3A_144 = tpu.memref_slice %arg9[%squeeze3A, %dma_start3A_143] : memref<1000001x1xf32, #tpu.memory_space<hbm>> -> memref<1x1xf32, #tpu.memory_space<hbm>>
      %dma_start3A_145 = arith.constant 0 : i32
      %dma_start3A_146 = tpu.memref_slice %arg20[%add3A_141, %dma_start3A_145] : memref<256x1xf32, #tpu.memory_space<vmem>> -> memref<1x1xf32, #tpu.memory_space<vmem>>
      %dma_start3A_147 = arith.constant 0 : i32
      %dma_start3A_148 = tpu.memref_slice %arg9[%squeeze3A, %dma_start3A_147] : memref<1000001x1xf32, #tpu.memory_space<hbm>> -> memref<1x1xf32, #tpu.memory_space<hbm>>
      tpu.enqueue_dma source(%dma_start3A_148 : memref<1x1xf32, #tpu.memory_space<hbm>>) target(%dma_start3A_146 : memref<1x1xf32, #tpu.memory_space<vmem>>) target_semaphore(%arg21 : memref<!tpu.dma_semaphore, #tpu.memory_space<semaphore_mem>>)
      %mul3A_149 = arith.constant 16 : i32
      %mul3A_150 = arith.muli %scan3A_131, %mul3A_149 : i32
      %add3A_151 = arith.constant 1 : i32
      %add3A_152 = arith.addi %mul3A_150, %add3A_151 : i32
      %slice3A_153 = vector.extract_strided_slice %get3A_137 {offsets = [1], sizes = [1], strides = [1]} : vector<16xi32> to vector<1xi32>
      %squeeze3A_154 = vector.extract %slice3A_153[0] : i32 from vector<1xi32>
      %dma_start3A_155 = arith.constant 0 : i32
      %dma_start3A_156 = tpu.memref_slice %arg20[%add3A_152, %dma_start3A_155] : memref<256x1xf32, #tpu.memory_space<vmem>> -> memref<1x1xf32, #tpu.memory_space<vmem>>
      %dma_start3A_157 = arith.constant 0 : i32
      %dma_start3A_158 = tpu.memref_slice %arg9[%squeeze3A_154, %dma_start3A_157] : memref<1000001x1xf32, #tpu.memory_space<hbm>> -> memref<1x1xf32, #tpu.memory_space<hbm>>
      %dma_start3A_159 = arith.constant 0 : i32
      %dma_start3A_160 = tpu.memref_slice %arg20[%add3A_152, %dma_start3A_159] : memref<256x1xf32, #tpu.memory_space<vmem>> -> memref<1x1xf32, #tpu.memory_space<vmem>>
      %dma_start3A_161 = arith.constant 0 : i32
      %dma_start3A_162 = tpu.memref_slice %arg9[%squeeze3A_154, %dma_start3A_161] : memref<1000001x1xf32, #tpu.memory_space<hbm>> -> memref<1x1xf32, #tpu.memory_space<hbm>>
      tpu.enqueue_dma source(%dma_start3A_162 : memref<1x1xf32, #tpu.memory_space<hbm>>) target(%dma_start3A_160 : memref<1x1xf32, #tpu.memory_space<vmem>>) target_semaphore(%arg21 : memref<!tpu.dma_semaphore, #tpu.memory_space<semaphore_mem>>)
      %mul3A_163 = arith.constant 16 : i32
      %mul3A_164 = arith.muli %scan3A_131, %mul3A_163 : i32
      %add3A_165 = arith.constant 2 : i32
      %add3A_166 = arith.addi %mul3A_164, %add3A_165 : i32
      %slice3A_167 = vector.extract_strided_slice %get3A_137 {offsets = [2], sizes = [1], strides = [1]} : vector<16xi32> to vector<1xi32>
      %squeeze3A_168 = vector.extract %slice3A_167[0] : i32 from vector<1xi32>
      %dma_start3A_169 = arith.constant 0 : i32
      %dma_start3A_170 = tpu.memref_slice %arg20[%add3A_166, %dma_start3A_169] : memref<256x1xf32, #tpu.memory_space<vmem>> -> memref<1x1xf32, #tpu.memory_space<vmem>>
      %dma_start3A_171 = arith.constant 0 : i32
      %dma_start3A_172 = tpu.memref_slice %arg9[%squeeze3A_168, %dma_start3A_171] : memref<1000001x1xf32, #tpu.memory_space<hbm>> -> memref<1x1xf32, #tpu.memory_space<hbm>>
      %dma_start3A_173 = arith.constant 0 : i32
      %dma_start3A_174 = tpu.memref_slice %arg20[%add3A_166, %dma_start3A_173] : memref<256x1xf32, #tpu.memory_space<vmem>> -> memref<1x1xf32, #tpu.memory_space<vmem>>
      %dma_start3A_175 = arith.constant 0 : i32
      %dma_start3A_176 = tpu.memref_slice %arg9[%squeeze3A_168, %dma_start3A_175] : memref<1000001x1xf32, #tpu.memory_space<hbm>> -> memref<1x1xf32, #tpu.memory_space<hbm>>
      tpu.enqueue_dma source(%dma_start3A_176 : memref<1x1xf32, #tpu.memory_space<hbm>>) target(%dma_start3A_174 : memref<1x1xf32, #tpu.memory_space<vmem>>) target_semaphore(%arg21 : memref<!tpu.dma_semaphore, #tpu.memory_space<semaphore_mem>>)
      %mul3A_177 = arith.constant 16 : i32
      %mul3A_178 = arith.muli %scan3A_131, %mul3A_177 : i32
      %add3A_179 = arith.constant 3 : i32
      %add3A_180 = arith.addi %mul3A_178, %add3A_179 : i32
      %slice3A_181 = vector.extract_strided_slice %get3A_137 {offsets = [3], sizes = [1], strides = [1]} : vector<16xi32> to vector<1xi32>
      %squeeze3A_182 = vector.extract %slice3A_181[0] : i32 from vector<1xi32>
      %dma_start3A_183 = arith.constant 0 : i32
      %dma_start3A_184 = tpu.memref_slice %arg20[%add3A_180, %dma_start3A_183] : memref<256x1xf32, #tpu.memory_space<vmem>> -> memref<1x1xf32, #tpu.memory_space<vmem>>
      %dma_start3A_185 = arith.constant 0 : i32
      %dma_start3A_186 = tpu.memref_slice %arg9[%squeeze3A_182, %dma_start3A_185] : memref<1000001x1xf32, #tpu.memory_space<hbm>> -> memref<1x1xf32, #tpu.memory_space<hbm>>
      %dma_start3A_187 = arith.constant 0 : i32
      %dma_start3A_188 = tpu.memref_slice %arg20[%add3A_180, %dma_start3A_187] : memref<256x1xf32, #tpu.memory_space<vmem>> -> memref<1x1xf32, #tpu.memory_space<vmem>>
      %dma_start3A_189 = arith.constant 0 : i32
      %dma_start3A_190 = tpu.memref_slice %arg9[%squeeze3A_182, %dma_start3A_189] : memref<1000001x1xf32, #tpu.memory_space<hbm>> -> memref<1x1xf32, #tpu.memory_space<hbm>>
      tpu.enqueue_dma source(%dma_start3A_190 : memref<1x1xf32, #tpu.memory_space<hbm>>) target(%dma_start3A_188 : memref<1x1xf32, #tpu.memory_space<vmem>>) target_semaphore(%arg21 : memref<!tpu.dma_semaphore, #tpu.memory_space<semaphore_mem>>)
      %mul3A_191 = arith.constant 16 : i32
      %mul3A_192 = arith.muli %scan3A_131, %mul3A_191 : i32
      %add3A_193 = arith.constant 4 : i32
      %add3A_194 = arith.addi %mul3A_192, %add3A_193 : i32
      %slice3A_195 = vector.extract_strided_slice %get3A_137 {offsets = [4], sizes = [1], strides = [1]} : vector<16xi32> to vector<1xi32>
      %squeeze3A_196 = vector.extract %slice3A_195[0] : i32 from vector<1xi32>
      %dma_start3A_197 = arith.constant 0 : i32
      %dma_start3A_198 = tpu.memref_slice %arg20[%add3A_194, %dma_start3A_197] : memref<256x1xf32, #tpu.memory_space<vmem>> -> memref<1x1xf32, #tpu.memory_space<vmem>>
      %dma_start3A_199 = arith.constant 0 : i32
      %dma_start3A_200 = tpu.memref_slice %arg9[%squeeze3A_196, %dma_start3A_199] : memref<1000001x1xf32, #tpu.memory_space<hbm>> -> memref<1x1xf32, #tpu.memory_space<hbm>>
      %dma_start3A_201 = arith.constant 0 : i32
      %dma_start3A_202 = tpu.memref_slice %arg20[%add3A_194, %dma_start3A_201] : memref<256x1xf32, #tpu.memory_space<vmem>> -> memref<1x1xf32, #tpu.memory_space<vmem>>
      %dma_start3A_203 = arith.constant 0 : i32
      %dma_start3A_204 = tpu.memref_slice %arg9[%squeeze3A_196, %dma_start3A_203] : memref<1000001x1xf32, #tpu.memory_space<hbm>> -> memref<1x1xf32, #tpu.memory_space<hbm>>
      tpu.enqueue_dma source(%dma_start3A_204 : memref<1x1xf32, #tpu.memory_space<hbm>>) target(%dma_start3A_202 : memref<1x1xf32, #tpu.memory_space<vmem>>) target_semaphore(%arg21 : memref<!tpu.dma_semaphore, #tpu.memory_space<semaphore_mem>>)
      %mul3A_205 = arith.constant 16 : i32
      %mul3A_206 = arith.muli %scan3A_131, %mul3A_205 : i32
      %add3A_207 = arith.constant 5 : i32
      %add3A_208 = arith.addi %mul3A_206, %add3A_207 : i32
      %slice3A_209 = vector.extract_strided_slice %get3A_137 {offsets = [5], sizes = [1], strides = [1]} : vector<16xi32> to vector<1xi32>
      %squeeze3A_210 = vector.extract %slice3A_209[0] : i32 from vector<1xi32>
      %dma_start3A_211 = arith.constant 0 : i32
      %dma_start3A_212 = tpu.memref_slice %arg20[%add3A_208, %dma_start3A_211] : memref<256x1xf32, #tpu.memory_space<vmem>> -> memref<1x1xf32, #tpu.memory_space<vmem>>
      %dma_start3A_213 = arith.constant 0 : i32
      %dma_start3A_214 = tpu.memref_slice %arg9[%squeeze3A_210, %dma_start3A_213] : memref<1000001x1xf32, #tpu.memory_space<hbm>> -> memref<1x1xf32, #tpu.memory_space<hbm>>
      %dma_start3A_215 = arith.constant 0 : i32
      %dma_start3A_216 = tpu.memref_slice %arg20[%add3A_208, %dma_start3A_215] : memref<256x1xf32, #tpu.memory_space<vmem>> -> memref<1x1xf32, #tpu.memory_space<vmem>>
      %dma_start3A_217 = arith.constant 0 : i32
      %dma_start3A_218 = tpu.memref_slice %arg9[%squeeze3A_210, %dma_start3A_217] : memref<1000001x1xf32, #tpu.memory_space<hbm>> -> memref<1x1xf32, #tpu.memory_space<hbm>>
      tpu.enqueue_dma source(%dma_start3A_218 : memref<1x1xf32, #tpu.memory_space<hbm>>) target(%dma_start3A_216 : memref<1x1xf32, #tpu.memory_space<vmem>>) target_semaphore(%arg21 : memref<!tpu.dma_semaphore, #tpu.memory_space<semaphore_mem>>)
      %mul3A_219 = arith.constant 16 : i32
      %mul3A_220 = arith.muli %scan3A_131, %mul3A_219 : i32
      %add3A_221 = arith.constant 6 : i32
      %add3A_222 = arith.addi %mul3A_220, %add3A_221 : i32
      %slice3A_223 = vector.extract_strided_slice %get3A_137 {offsets = [6], sizes = [1], strides = [1]} : vector<16xi32> to vector<1xi32>
      %squeeze3A_224 = vector.extract %slice3A_223[0] : i32 from vector<1xi32>
      %dma_start3A_225 = arith.constant 0 : i32
      %dma_start3A_226 = tpu.memref_slice %arg20[%add3A_222, %dma_start3A_225] : memref<256x1xf32, #tpu.memory_space<vmem>> -> memref<1x1xf32, #tpu.memory_space<vmem>>
      %dma_start3A_227 = arith.constant 0 : i32
      %dma_start3A_228 = tpu.memref_slice %arg9[%squeeze3A_224, %dma_start3A_227] : memref<1000001x1xf32, #tpu.memory_space<hbm>> -> memref<1x1xf32, #tpu.memory_space<hbm>>
      %dma_start3A_229 = arith.constant 0 : i32
      %dma_start3A_230 = tpu.memref_slice %arg20[%add3A_222, %dma_start3A_229] : memref<256x1xf32, #tpu.memory_space<vmem>> -> memref<1x1xf32, #tpu.memory_space<vmem>>
      %dma_start3A_231 = arith.constant 0 : i32
      %dma_start3A_232 = tpu.memref_slice %arg9[%squeeze3A_224, %dma_start3A_231] : memref<1000001x1xf32, #tpu.memory_space<hbm>> -> memref<1x1xf32, #tpu.memory_space<hbm>>
      tpu.enqueue_dma source(%dma_start3A_232 : memref<1x1xf32, #tpu.memory_space<hbm>>) target(%dma_start3A_230 : memref<1x1xf32, #tpu.memory_space<vmem>>) target_semaphore(%arg21 : memref<!tpu.dma_semaphore, #tpu.memory_space<semaphore_mem>>)
      %mul3A_233 = arith.constant 16 : i32
      %mul3A_234 = arith.muli %scan3A_131, %mul3A_233 : i32
      %add3A_235 = arith.constant 7 : i32
      %add3A_236 = arith.addi %mul3A_234, %add3A_235 : i32
      %slice3A_237 = vector.extract_strided_slice %get3A_137 {offsets = [7], sizes = [1], strides = [1]} : vector<16xi32> to vector<1xi32>
      %squeeze3A_238 = vector.extract %slice3A_237[0] : i32 from vector<1xi32>
      %dma_start3A_239 = arith.constant 0 : i32
      %dma_start3A_240 = tpu.memref_slice %arg20[%add3A_236, %dma_start3A_239] : memref<256x1xf32, #tpu.memory_space<vmem>> -> memref<1x1xf32, #tpu.memory_space<vmem>>
      %dma_start3A_241 = arith.constant 0 : i32
      %dma_start3A_242 = tpu.memref_slice %arg9[%squeeze3A_238, %dma_start3A_241] : memref<1000001x1xf32, #tpu.memory_space<hbm>> -> memref<1x1xf32, #tpu.memory_space<hbm>>
      %dma_start3A_243 = arith.constant 0 : i32
      %dma_start3A_244 = tpu.memref_slice %arg20[%add3A_236, %dma_start3A_243] : memref<256x1xf32, #tpu.memory_space<vmem>> -> memref<1x1xf32, #tpu.memory_space<vmem>>
      %dma_start3A_245 = arith.constant 0 : i32
      %dma_start3A_246 = tpu.memref_slice %arg9[%squeeze3A_238, %dma_start3A_245] : memref<1000001x1xf32, #tpu.memory_space<hbm>> -> memref<1x1xf32, #tpu.memory_space<hbm>>
      tpu.enqueue_dma source(%dma_start3A_246 : memref<1x1xf32, #tpu.memory_space<hbm>>) target(%dma_start3A_244 : memref<1x1xf32, #tpu.memory_space<vmem>>) target_semaphore(%arg21 : memref<!tpu.dma_semaphore, #tpu.memory_space<semaphore_mem>>)
      %mul3A_247 = arith.constant 16 : i32
      %mul3A_248 = arith.muli %scan3A_131, %mul3A_247 : i32
      %add3A_249 = arith.constant 8 : i32
      %add3A_250 = arith.addi %mul3A_248, %add3A_249 : i32
      %slice3A_251 = vector.extract_strided_slice %get3A_137 {offsets = [8], sizes = [1], strides = [1]} : vector<16xi32> to vector<1xi32>
      %squeeze3A_252 = vector.extract %slice3A_251[0] : i32 from vector<1xi32>
      %dma_start3A_253 = arith.constant 0 : i32
      %dma_start3A_254 = tpu.memref_slice %arg20[%add3A_250, %dma_start3A_253] : memref<256x1xf32, #tpu.memory_space<vmem>> -> memref<1x1xf32, #tpu.memory_space<vmem>>
      %dma_start3A_255 = arith.constant 0 : i32
      %dma_start3A_256 = tpu.memref_slice %arg9[%squeeze3A_252, %dma_start3A_255] : memref<1000001x1xf32, #tpu.memory_space<hbm>> -> memref<1x1xf32, #tpu.memory_space<hbm>>
      %dma_start3A_257 = arith.constant 0 : i32
      %dma_start3A_258 = tpu.memref_slice %arg20[%add3A_250, %dma_start3A_257] : memref<256x1xf32, #tpu.memory_space<vmem>> -> memref<1x1xf32, #tpu.memory_space<vmem>>
      %dma_start3A_259 = arith.constant 0 : i32
      %dma_start3A_260 = tpu.memref_slice %arg9[%squeeze3A_252, %dma_start3A_259] : memref<1000001x1xf32, #tpu.memory_space<hbm>> -> memref<1x1xf32, #tpu.memory_space<hbm>>
      tpu.enqueue_dma source(%dma_start3A_260 : memref<1x1xf32, #tpu.memory_space<hbm>>) target(%dma_start3A_258 : memref<1x1xf32, #tpu.memory_space<vmem>>) target_semaphore(%arg21 : memref<!tpu.dma_semaphore, #tpu.memory_space<semaphore_mem>>)
      %mul3A_261 = arith.constant 16 : i32
      %mul3A_262 = arith.muli %scan3A_131, %mul3A_261 : i32
      %add3A_263 = arith.constant 9 : i32
      %add3A_264 = arith.addi %mul3A_262, %add3A_263 : i32
      %slice3A_265 = vector.extract_strided_slice %get3A_137 {offsets = [9], sizes = [1], strides = [1]} : vector<16xi32> to vector<1xi32>
      %squeeze3A_266 = vector.extract %slice3A_265[0] : i32 from vector<1xi32>
      %dma_start3A_267 = arith.constant 0 : i32
      %dma_start3A_268 = tpu.memref_slice %arg20[%add3A_264, %dma_start3A_267] : memref<256x1xf32, #tpu.memory_space<vmem>> -> memref<1x1xf32, #tpu.memory_space<vmem>>
      %dma_start3A_269 = arith.constant 0 : i32
      %dma_start3A_270 = tpu.memref_slice %arg9[%squeeze3A_266, %dma_start3A_269] : memref<1000001x1xf32, #tpu.memory_space<hbm>> -> memref<1x1xf32, #tpu.memory_space<hbm>>
      %dma_start3A_271 = arith.constant 0 : i32
      %dma_start3A_272 = tpu.memref_slice %arg20[%add3A_264, %dma_start3A_271] : memref<256x1xf32, #tpu.memory_space<vmem>> -> memref<1x1xf32, #tpu.memory_space<vmem>>
      %dma_start3A_273 = arith.constant 0 : i32
      %dma_start3A_274 = tpu.memref_slice %arg9[%squeeze3A_266, %dma_start3A_273] : memref<1000001x1xf32, #tpu.memory_space<hbm>> -> memref<1x1xf32, #tpu.memory_space<hbm>>
      tpu.enqueue_dma source(%dma_start3A_274 : memref<1x1xf32, #tpu.memory_space<hbm>>) target(%dma_start3A_272 : memref<1x1xf32, #tpu.memory_space<vmem>>) target_semaphore(%arg21 : memref<!tpu.dma_semaphore, #tpu.memory_space<semaphore_mem>>)
      %mul3A_275 = arith.constant 16 : i32
      %mul3A_276 = arith.muli %scan3A_131, %mul3A_275 : i32
      %add3A_277 = arith.constant 10 : i32
      %add3A_278 = arith.addi %mul3A_276, %add3A_277 : i32
      %slice3A_279 = vector.extract_strided_slice %get3A_137 {offsets = [10], sizes = [1], strides = [1]} : vector<16xi32> to vector<1xi32>
      %squeeze3A_280 = vector.extract %slice3A_279[0] : i32 from vector<1xi32>
      %dma_start3A_281 = arith.constant 0 : i32
      %dma_start3A_282 = tpu.memref_slice %arg20[%add3A_278, %dma_start3A_281] : memref<256x1xf32, #tpu.memory_space<vmem>> -> memref<1x1xf32, #tpu.memory_space<vmem>>
      %dma_start3A_283 = arith.constant 0 : i32
      %dma_start3A_284 = tpu.memref_slice %arg9[%squeeze3A_280, %dma_start3A_283] : memref<1000001x1xf32, #tpu.memory_space<hbm>> -> memref<1x1xf32, #tpu.memory_space<hbm>>
      %dma_start3A_285 = arith.constant 0 : i32
      %dma_start3A_286 = tpu.memref_slice %arg20[%add3A_278, %dma_start3A_285] : memref<256x1xf32, #tpu.memory_space<vmem>> -> memref<1x1xf32, #tpu.memory_space<vmem>>
      %dma_start3A_287 = arith.constant 0 : i32
      %dma_start3A_288 = tpu.memref_slice %arg9[%squeeze3A_280, %dma_start3A_287] : memref<1000001x1xf32, #tpu.memory_space<hbm>> -> memref<1x1xf32, #tpu.memory_space<hbm>>
      tpu.enqueue_dma source(%dma_start3A_288 : memref<1x1xf32, #tpu.memory_space<hbm>>) target(%dma_start3A_286 : memref<1x1xf32, #tpu.memory_space<vmem>>) target_semaphore(%arg21 : memref<!tpu.dma_semaphore, #tpu.memory_space<semaphore_mem>>)
      %mul3A_289 = arith.constant 16 : i32
      %mul3A_290 = arith.muli %scan3A_131, %mul3A_289 : i32
      %add3A_291 = arith.constant 11 : i32
      %add3A_292 = arith.addi %mul3A_290, %add3A_291 : i32
      %slice3A_293 = vector.extract_strided_slice %get3A_137 {offsets = [11], sizes = [1], strides = [1]} : vector<16xi32> to vector<1xi32>
      %squeeze3A_294 = vector.extract %slice3A_293[0] : i32 from vector<1xi32>
      %dma_start3A_295 = arith.constant 0 : i32
      %dma_start3A_296 = tpu.memref_slice %arg20[%add3A_292, %dma_start3A_295] : memref<256x1xf32, #tpu.memory_space<vmem>> -> memref<1x1xf32, #tpu.memory_space<vmem>>
      %dma_start3A_297 = arith.constant 0 : i32
      %dma_start3A_298 = tpu.memref_slice %arg9[%squeeze3A_294, %dma_start3A_297] : memref<1000001x1xf32, #tpu.memory_space<hbm>> -> memref<1x1xf32, #tpu.memory_space<hbm>>
      %dma_start3A_299 = arith.constant 0 : i32
      %dma_start3A_300 = tpu.memref_slice %arg20[%add3A_292, %dma_start3A_299] : memref<256x1xf32, #tpu.memory_space<vmem>> -> memref<1x1xf32, #tpu.memory_space<vmem>>
      %dma_start3A_301 = arith.constant 0 : i32
      %dma_start3A_302 = tpu.memref_slice %arg9[%squeeze3A_294, %dma_start3A_301] : memref<1000001x1xf32, #tpu.memory_space<hbm>> -> memref<1x1xf32, #tpu.memory_space<hbm>>
      tpu.enqueue_dma source(%dma_start3A_302 : memref<1x1xf32, #tpu.memory_space<hbm>>) target(%dma_start3A_300 : memref<1x1xf32, #tpu.memory_space<vmem>>) target_semaphore(%arg21 : memref<!tpu.dma_semaphore, #tpu.memory_space<semaphore_mem>>)
      %mul3A_303 = arith.constant 16 : i32
      %mul3A_304 = arith.muli %scan3A_131, %mul3A_303 : i32
      %add3A_305 = arith.constant 12 : i32
      %add3A_306 = arith.addi %mul3A_304, %add3A_305 : i32
      %slice3A_307 = vector.extract_strided_slice %get3A_137 {offsets = [12], sizes = [1], strides = [1]} : vector<16xi32> to vector<1xi32>
      %squeeze3A_308 = vector.extract %slice3A_307[0] : i32 from vector<1xi32>
      %dma_start3A_309 = arith.constant 0 : i32
      %dma_start3A_310 = tpu.memref_slice %arg20[%add3A_306, %dma_start3A_309] : memref<256x1xf32, #tpu.memory_space<vmem>> -> memref<1x1xf32, #tpu.memory_space<vmem>>
      %dma_start3A_311 = arith.constant 0 : i32
      %dma_start3A_312 = tpu.memref_slice %arg9[%squeeze3A_308, %dma_start3A_311] : memref<1000001x1xf32, #tpu.memory_space<hbm>> -> memref<1x1xf32, #tpu.memory_space<hbm>>
      %dma_start3A_313 = arith.constant 0 : i32
      %dma_start3A_314 = tpu.memref_slice %arg20[%add3A_306, %dma_start3A_313] : memref<256x1xf32, #tpu.memory_space<vmem>> -> memref<1x1xf32, #tpu.memory_space<vmem>>
      %dma_start3A_315 = arith.constant 0 : i32
      %dma_start3A_316 = tpu.memref_slice %arg9[%squeeze3A_308, %dma_start3A_315] : memref<1000001x1xf32, #tpu.memory_space<hbm>> -> memref<1x1xf32, #tpu.memory_space<hbm>>
      tpu.enqueue_dma source(%dma_start3A_316 : memref<1x1xf32, #tpu.memory_space<hbm>>) target(%dma_start3A_314 : memref<1x1xf32, #tpu.memory_space<vmem>>) target_semaphore(%arg21 : memref<!tpu.dma_semaphore, #tpu.memory_space<semaphore_mem>>)
      %mul3A_317 = arith.constant 16 : i32
      %mul3A_318 = arith.muli %scan3A_131, %mul3A_317 : i32
      %add3A_319 = arith.constant 13 : i32
      %add3A_320 = arith.addi %mul3A_318, %add3A_319 : i32
      %slice3A_321 = vector.extract_strided_slice %get3A_137 {offsets = [13], sizes = [1], strides = [1]} : vector<16xi32> to vector<1xi32>
      %squeeze3A_322 = vector.extract %slice3A_321[0] : i32 from vector<1xi32>
      %dma_start3A_323 = arith.constant 0 : i32
      %dma_start3A_324 = tpu.memref_slice %arg20[%add3A_320, %dma_start3A_323] : memref<256x1xf32, #tpu.memory_space<vmem>> -> memref<1x1xf32, #tpu.memory_space<vmem>>
      %dma_start3A_325 = arith.constant 0 : i32
      %dma_start3A_326 = tpu.memref_slice %arg9[%squeeze3A_322, %dma_start3A_325] : memref<1000001x1xf32, #tpu.memory_space<hbm>> -> memref<1x1xf32, #tpu.memory_space<hbm>>
      %dma_start3A_327 = arith.constant 0 : i32
      %dma_start3A_328 = tpu.memref_slice %arg20[%add3A_320, %dma_start3A_327] : memref<256x1xf32, #tpu.memory_space<vmem>> -> memref<1x1xf32, #tpu.memory_space<vmem>>
      %dma_start3A_329 = arith.constant 0 : i32
      %dma_start3A_330 = tpu.memref_slice %arg9[%squeeze3A_322, %dma_start3A_329] : memref<1000001x1xf32, #tpu.memory_space<hbm>> -> memref<1x1xf32, #tpu.memory_space<hbm>>
      tpu.enqueue_dma source(%dma_start3A_330 : memref<1x1xf32, #tpu.memory_space<hbm>>) target(%dma_start3A_328 : memref<1x1xf32, #tpu.memory_space<vmem>>) target_semaphore(%arg21 : memref<!tpu.dma_semaphore, #tpu.memory_space<semaphore_mem>>)
      %mul3A_331 = arith.constant 16 : i32
      %mul3A_332 = arith.muli %scan3A_131, %mul3A_331 : i32
      %add3A_333 = arith.constant 14 : i32
      %add3A_334 = arith.addi %mul3A_332, %add3A_333 : i32
      %slice3A_335 = vector.extract_strided_slice %get3A_137 {offsets = [14], sizes = [1], strides = [1]} : vector<16xi32> to vector<1xi32>
      %squeeze3A_336 = vector.extract %slice3A_335[0] : i32 from vector<1xi32>
      %dma_start3A_337 = arith.constant 0 : i32
      %dma_start3A_338 = tpu.memref_slice %arg20[%add3A_334, %dma_start3A_337] : memref<256x1xf32, #tpu.memory_space<vmem>> -> memref<1x1xf32, #tpu.memory_space<vmem>>
      %dma_start3A_339 = arith.constant 0 : i32
      %dma_start3A_340 = tpu.memref_slice %arg9[%squeeze3A_336, %dma_start3A_339] : memref<1000001x1xf32, #tpu.memory_space<hbm>> -> memref<1x1xf32, #tpu.memory_space<hbm>>
      %dma_start3A_341 = arith.constant 0 : i32
      %dma_start3A_342 = tpu.memref_slice %arg20[%add3A_334, %dma_start3A_341] : memref<256x1xf32, #tpu.memory_space<vmem>> -> memref<1x1xf32, #tpu.memory_space<vmem>>
      %dma_start3A_343 = arith.constant 0 : i32
      %dma_start3A_344 = tpu.memref_slice %arg9[%squeeze3A_336, %dma_start3A_343] : memref<1000001x1xf32, #tpu.memory_space<hbm>> -> memref<1x1xf32, #tpu.memory_space<hbm>>
      tpu.enqueue_dma source(%dma_start3A_344 : memref<1x1xf32, #tpu.memory_space<hbm>>) target(%dma_start3A_342 : memref<1x1xf32, #tpu.memory_space<vmem>>) target_semaphore(%arg21 : memref<!tpu.dma_semaphore, #tpu.memory_space<semaphore_mem>>)
      %mul3A_345 = arith.constant 16 : i32
      %mul3A_346 = arith.muli %scan3A_131, %mul3A_345 : i32
      %add3A_347 = arith.constant 15 : i32
      %add3A_348 = arith.addi %mul3A_346, %add3A_347 : i32
      %slice3A_349 = vector.extract_strided_slice %get3A_137 {offsets = [15], sizes = [1], strides = [1]} : vector<16xi32> to vector<1xi32>
      %squeeze3A_350 = vector.extract %slice3A_349[0] : i32 from vector<1xi32>
      %dma_start3A_351 = arith.constant 0 : i32
      %dma_start3A_352 = tpu.memref_slice %arg20[%add3A_348, %dma_start3A_351] : memref<256x1xf32, #tpu.memory_space<vmem>> -> memref<1x1xf32, #tpu.memory_space<vmem>>
      %dma_start3A_353 = arith.constant 0 : i32
      %dma_start3A_354 = tpu.memref_slice %arg9[%squeeze3A_350, %dma_start3A_353] : memref<1000001x1xf32, #tpu.memory_space<hbm>> -> memref<1x1xf32, #tpu.memory_space<hbm>>
      %dma_start3A_355 = arith.constant 0 : i32
      %dma_start3A_356 = tpu.memref_slice %arg20[%add3A_348, %dma_start3A_355] : memref<256x1xf32, #tpu.memory_space<vmem>> -> memref<1x1xf32, #tpu.memory_space<vmem>>
      %dma_start3A_357 = arith.constant 0 : i32
      %dma_start3A_358 = tpu.memref_slice %arg9[%squeeze3A_350, %dma_start3A_357] : memref<1000001x1xf32, #tpu.memory_space<hbm>> -> memref<1x1xf32, #tpu.memory_space<hbm>>
      tpu.enqueue_dma source(%dma_start3A_358 : memref<1x1xf32, #tpu.memory_space<hbm>>) target(%dma_start3A_356 : memref<1x1xf32, #tpu.memory_space<vmem>>) target_semaphore(%arg21 : memref<!tpu.dma_semaphore, #tpu.memory_space<semaphore_mem>>)
    }
    %scan3A_109 = arith.constant 16 : i32
    %dma_wait3A_110 = arith.constant 0 : i32
    %dma_wait3A_111 = arith.constant 0 : i32
    %dma_wait3A_112 = tpu.memref_slice %arg9[%dma_wait3A_110, %dma_wait3A_111] : memref<1000001x1xf32, #tpu.memory_space<hbm>> -> memref<256x1xf32, #tpu.memory_space<hbm>>
    %dma_wait3A_113 = arith.constant 0 : i32
    %dma_wait3A_114 = arith.constant 0 : i32
    %dma_wait3A_115 = tpu.memref_slice %arg9[%dma_wait3A_113, %dma_wait3A_114] : memref<1000001x1xf32, #tpu.memory_space<hbm>> -> memref<256x1xf32, #tpu.memory_space<hbm>>
    tpu.wait_dma2 semaphore(%arg21 : memref<!tpu.dma_semaphore, #tpu.memory_space<semaphore_mem>>) src(%dma_wait3A_115 : memref<256x1xf32, #tpu.memory_space<hbm>>) dst(%arg20 : memref<256x1xf32, #tpu.memory_space<vmem>>)
    %add3A_116 = arith.constant 0 : i32
    %add3A_117 = arith.addi %mul3A_2, %add3A_116 : i32
    "tpu.region"() ({
      %run_scoped3A = tpu.sem_alloc : memref<!tpu.dma_semaphore, #tpu.memory_space<semaphore_mem>>
      %dma_start3A = arith.constant 0 : i32
      %dma_start3A_131 = tpu.memref_slice %arg14[%add3A_117, %dma_start3A] : memref<16384x1xf32, #tpu.memory_space<hbm>> -> memref<256x1xf32, #tpu.memory_space<hbm>>
      %dma_start3A_132 = arith.constant 0 : i32
      %dma_start3A_133 = tpu.memref_slice %arg14[%add3A_117, %dma_start3A_132] : memref<16384x1xf32, #tpu.memory_space<hbm>> -> memref<256x1xf32, #tpu.memory_space<hbm>>
      tpu.enqueue_dma source(%arg20 : memref<256x1xf32, #tpu.memory_space<vmem>>) target(%dma_start3A_133 : memref<256x1xf32, #tpu.memory_space<hbm>>) target_semaphore(%run_scoped3A : memref<!tpu.dma_semaphore, #tpu.memory_space<semaphore_mem>>)
      %dma_wait3A_134 = arith.constant 0 : i32
      %dma_wait3A_135 = tpu.memref_slice %arg14[%add3A_117, %dma_wait3A_134] : memref<16384x1xf32, #tpu.memory_space<hbm>> -> memref<256x1xf32, #tpu.memory_space<hbm>>
      %dma_wait3A_136 = arith.constant 0 : i32
      %dma_wait3A_137 = tpu.memref_slice %arg14[%add3A_117, %dma_wait3A_136] : memref<16384x1xf32, #tpu.memory_space<hbm>> -> memref<256x1xf32, #tpu.memory_space<hbm>>
      tpu.wait_dma2 semaphore(%run_scoped3A : memref<!tpu.dma_semaphore, #tpu.memory_space<semaphore_mem>>) src(%arg20 : memref<256x1xf32, #tpu.memory_space<vmem>>) dst(%dma_wait3A_137 : memref<256x1xf32, #tpu.memory_space<hbm>>)
      tpu.yield
    }) : () -> ()
    %scan3A_118 = arith.constant 0 : i32
    %scan3A_119 = arith.constant 16 : i32
    %scan3A_120 = arith.addi %scan3A_118, %scan3A_119 : i32
    %scan3A_121 = arith.constant 1 : i32
    scf.for %scan3A_131 = %scan3A_118 to %scan3A_120 step %scan3A_121  : i32 {
      %mul3A_132 = arith.constant 16 : i32
      %mul3A_133 = arith.muli %scan3A_131, %mul3A_132 : i32
      %add3A_134 = arith.constant 256 : i32
      %add3A_135 = arith.addi %add3A_134, %mul3A_133 : i32
      %multiple_of3A = tpu.assume_multiple %add3A_135, 16 : i32
      %get3A = arith.index_cast %multiple_of3A : i32 to index
      %get3A_136 = tpu.vector_load %arg16[%get3A] {strides = array<i32>} : memref<512xi32, #tpu.memory_space<vmem>>, vector<16xi32>,
      %get3A_137 = vector.shape_cast %get3A_136 : vector<16xi32> to vector<16xi32>
      %mul3A_138 = arith.constant 16 : i32
      %mul3A_139 = arith.muli %scan3A_131, %mul3A_138 : i32
      %add3A_140 = arith.constant 0 : i32
      %add3A_141 = arith.addi %mul3A_139, %add3A_140 : i32
      %slice3A = vector.extract_strided_slice %get3A_137 {offsets = [0], sizes = [1], strides = [1]} : vector<16xi32> to vector<1xi32>
      %squeeze3A = vector.extract %slice3A[0] : i32 from vector<1xi32>
      %dma_start3A = arith.constant 0 : i32
      %dma_start3A_142 = tpu.memref_slice %arg20[%add3A_141, %dma_start3A] : memref<256x1xf32, #tpu.memory_space<vmem>> -> memref<1x1xf32, #tpu.memory_space<vmem>>
      %dma_start3A_143 = arith.constant 0 : i32
      %dma_start3A_144 = tpu.memref_slice %arg9[%squeeze3A, %dma_start3A_143] : memref<1000001x1xf32, #tpu.memory_space<hbm>> -> memref<1x1xf32, #tpu.memory_space<hbm>>
      %dma_start3A_145 = arith.constant 0 : i32
      %dma_start3A_146 = tpu.memref_slice %arg20[%add3A_141, %dma_start3A_145] : memref<256x1xf32, #tpu.memory_space<vmem>> -> memref<1x1xf32, #tpu.memory_space<vmem>>
      %dma_start3A_147 = arith.constant 0 : i32
      %dma_start3A_148 = tpu.memref_slice %arg9[%squeeze3A, %dma_start3A_147] : memref<1000001x1xf32, #tpu.memory_space<hbm>> -> memref<1x1xf32, #tpu.memory_space<hbm>>
      tpu.enqueue_dma source(%dma_start3A_148 : memref<1x1xf32, #tpu.memory_space<hbm>>) target(%dma_start3A_146 : memref<1x1xf32, #tpu.memory_space<vmem>>) target_semaphore(%arg21 : memref<!tpu.dma_semaphore, #tpu.memory_space<semaphore_mem>>)
      %mul3A_149 = arith.constant 16 : i32
      %mul3A_150 = arith.muli %scan3A_131, %mul3A_149 : i32
      %add3A_151 = arith.constant 1 : i32
      %add3A_152 = arith.addi %mul3A_150, %add3A_151 : i32
      %slice3A_153 = vector.extract_strided_slice %get3A_137 {offsets = [1], sizes = [1], strides = [1]} : vector<16xi32> to vector<1xi32>
      %squeeze3A_154 = vector.extract %slice3A_153[0] : i32 from vector<1xi32>
      %dma_start3A_155 = arith.constant 0 : i32
      %dma_start3A_156 = tpu.memref_slice %arg20[%add3A_152, %dma_start3A_155] : memref<256x1xf32, #tpu.memory_space<vmem>> -> memref<1x1xf32, #tpu.memory_space<vmem>>
      %dma_start3A_157 = arith.constant 0 : i32
      %dma_start3A_158 = tpu.memref_slice %arg9[%squeeze3A_154, %dma_start3A_157] : memref<1000001x1xf32, #tpu.memory_space<hbm>> -> memref<1x1xf32, #tpu.memory_space<hbm>>
      %dma_start3A_159 = arith.constant 0 : i32
      %dma_start3A_160 = tpu.memref_slice %arg20[%add3A_152, %dma_start3A_159] : memref<256x1xf32, #tpu.memory_space<vmem>> -> memref<1x1xf32, #tpu.memory_space<vmem>>
      %dma_start3A_161 = arith.constant 0 : i32
      %dma_start3A_162 = tpu.memref_slice %arg9[%squeeze3A_154, %dma_start3A_161] : memref<1000001x1xf32, #tpu.memory_space<hbm>> -> memref<1x1xf32, #tpu.memory_space<hbm>>
      tpu.enqueue_dma source(%dma_start3A_162 : memref<1x1xf32, #tpu.memory_space<hbm>>) target(%dma_start3A_160 : memref<1x1xf32, #tpu.memory_space<vmem>>) target_semaphore(%arg21 : memref<!tpu.dma_semaphore, #tpu.memory_space<semaphore_mem>>)
      %mul3A_163 = arith.constant 16 : i32
      %mul3A_164 = arith.muli %scan3A_131, %mul3A_163 : i32
      %add3A_165 = arith.constant 2 : i32
      %add3A_166 = arith.addi %mul3A_164, %add3A_165 : i32
      %slice3A_167 = vector.extract_strided_slice %get3A_137 {offsets = [2], sizes = [1], strides = [1]} : vector<16xi32> to vector<1xi32>
      %squeeze3A_168 = vector.extract %slice3A_167[0] : i32 from vector<1xi32>
      %dma_start3A_169 = arith.constant 0 : i32
      %dma_start3A_170 = tpu.memref_slice %arg20[%add3A_166, %dma_start3A_169] : memref<256x1xf32, #tpu.memory_space<vmem>> -> memref<1x1xf32, #tpu.memory_space<vmem>>
      %dma_start3A_171 = arith.constant 0 : i32
      %dma_start3A_172 = tpu.memref_slice %arg9[%squeeze3A_168, %dma_start3A_171] : memref<1000001x1xf32, #tpu.memory_space<hbm>> -> memref<1x1xf32, #tpu.memory_space<hbm>>
      %dma_start3A_173 = arith.constant 0 : i32
      %dma_start3A_174 = tpu.memref_slice %arg20[%add3A_166, %dma_start3A_173] : memref<256x1xf32, #tpu.memory_space<vmem>> -> memref<1x1xf32, #tpu.memory_space<vmem>>
      %dma_start3A_175 = arith.constant 0 : i32
      %dma_start3A_176 = tpu.memref_slice %arg9[%squeeze3A_168, %dma_start3A_175] : memref<1000001x1xf32, #tpu.memory_space<hbm>> -> memref<1x1xf32, #tpu.memory_space<hbm>>
      tpu.enqueue_dma source(%dma_start3A_176 : memref<1x1xf32, #tpu.memory_space<hbm>>) target(%dma_start3A_174 : memref<1x1xf32, #tpu.memory_space<vmem>>) target_semaphore(%arg21 : memref<!tpu.dma_semaphore, #tpu.memory_space<semaphore_mem>>)
      %mul3A_177 = arith.constant 16 : i32
      %mul3A_178 = arith.muli %scan3A_131, %mul3A_177 : i32
      %add3A_179 = arith.constant 3 : i32
      %add3A_180 = arith.addi %mul3A_178, %add3A_179 : i32
      %slice3A_181 = vector.extract_strided_slice %get3A_137 {offsets = [3], sizes = [1], strides = [1]} : vector<16xi32> to vector<1xi32>
      %squeeze3A_182 = vector.extract %slice3A_181[0] : i32 from vector<1xi32>
      %dma_start3A_183 = arith.constant 0 : i32
      %dma_start3A_184 = tpu.memref_slice %arg20[%add3A_180, %dma_start3A_183] : memref<256x1xf32, #tpu.memory_space<vmem>> -> memref<1x1xf32, #tpu.memory_space<vmem>>
      %dma_start3A_185 = arith.constant 0 : i32
      %dma_start3A_186 = tpu.memref_slice %arg9[%squeeze3A_182, %dma_start3A_185] : memref<1000001x1xf32, #tpu.memory_space<hbm>> -> memref<1x1xf32, #tpu.memory_space<hbm>>
      %dma_start3A_187 = arith.constant 0 : i32
      %dma_start3A_188 = tpu.memref_slice %arg20[%add3A_180, %dma_start3A_187] : memref<256x1xf32, #tpu.memory_space<vmem>> -> memref<1x1xf32, #tpu.memory_space<vmem>>
      %dma_start3A_189 = arith.constant 0 : i32
      %dma_start3A_190 = tpu.memref_slice %arg9[%squeeze3A_182, %dma_start3A_189] : memref<1000001x1xf32, #tpu.memory_space<hbm>> -> memref<1x1xf32, #tpu.memory_space<hbm>>
      tpu.enqueue_dma source(%dma_start3A_190 : memref<1x1xf32, #tpu.memory_space<hbm>>) target(%dma_start3A_188 : memref<1x1xf32, #tpu.memory_space<vmem>>) target_semaphore(%arg21 : memref<!tpu.dma_semaphore, #tpu.memory_space<semaphore_mem>>)
      %mul3A_191 = arith.constant 16 : i32
      %mul3A_192 = arith.muli %scan3A_131, %mul3A_191 : i32
      %add3A_193 = arith.constant 4 : i32
      %add3A_194 = arith.addi %mul3A_192, %add3A_193 : i32
      %slice3A_195 = vector.extract_strided_slice %get3A_137 {offsets = [4], sizes = [1], strides = [1]} : vector<16xi32> to vector<1xi32>
      %squeeze3A_196 = vector.extract %slice3A_195[0] : i32 from vector<1xi32>
      %dma_start3A_197 = arith.constant 0 : i32
      %dma_start3A_198 = tpu.memref_slice %arg20[%add3A_194, %dma_start3A_197] : memref<256x1xf32, #tpu.memory_space<vmem>> -> memref<1x1xf32, #tpu.memory_space<vmem>>
      %dma_start3A_199 = arith.constant 0 : i32
      %dma_start3A_200 = tpu.memref_slice %arg9[%squeeze3A_196, %dma_start3A_199] : memref<1000001x1xf32, #tpu.memory_space<hbm>> -> memref<1x1xf32, #tpu.memory_space<hbm>>
      %dma_start3A_201 = arith.constant 0 : i32
      %dma_start3A_202 = tpu.memref_slice %arg20[%add3A_194, %dma_start3A_201] : memref<256x1xf32, #tpu.memory_space<vmem>> -> memref<1x1xf32, #tpu.memory_space<vmem>>
      %dma_start3A_203 = arith.constant 0 : i32
      %dma_start3A_204 = tpu.memref_slice %arg9[%squeeze3A_196, %dma_start3A_203] : memref<1000001x1xf32, #tpu.memory_space<hbm>> -> memref<1x1xf32, #tpu.memory_space<hbm>>
      tpu.enqueue_dma source(%dma_start3A_204 : memref<1x1xf32, #tpu.memory_space<hbm>>) target(%dma_start3A_202 : memref<1x1xf32, #tpu.memory_space<vmem>>) target_semaphore(%arg21 : memref<!tpu.dma_semaphore, #tpu.memory_space<semaphore_mem>>)
      %mul3A_205 = arith.constant 16 : i32
      %mul3A_206 = arith.muli %scan3A_131, %mul3A_205 : i32
      %add3A_207 = arith.constant 5 : i32
      %add3A_208 = arith.addi %mul3A_206, %add3A_207 : i32
      %slice3A_209 = vector.extract_strided_slice %get3A_137 {offsets = [5], sizes = [1], strides = [1]} : vector<16xi32> to vector<1xi32>
      %squeeze3A_210 = vector.extract %slice3A_209[0] : i32 from vector<1xi32>
      %dma_start3A_211 = arith.constant 0 : i32
      %dma_start3A_212 = tpu.memref_slice %arg20[%add3A_208, %dma_start3A_211] : memref<256x1xf32, #tpu.memory_space<vmem>> -> memref<1x1xf32, #tpu.memory_space<vmem>>
      %dma_start3A_213 = arith.constant 0 : i32
      %dma_start3A_214 = tpu.memref_slice %arg9[%squeeze3A_210, %dma_start3A_213] : memref<1000001x1xf32, #tpu.memory_space<hbm>> -> memref<1x1xf32, #tpu.memory_space<hbm>>
      %dma_start3A_215 = arith.constant 0 : i32
      %dma_start3A_216 = tpu.memref_slice %arg20[%add3A_208, %dma_start3A_215] : memref<256x1xf32, #tpu.memory_space<vmem>> -> memref<1x1xf32, #tpu.memory_space<vmem>>
      %dma_start3A_217 = arith.constant 0 : i32
      %dma_start3A_218 = tpu.memref_slice %arg9[%squeeze3A_210, %dma_start3A_217] : memref<1000001x1xf32, #tpu.memory_space<hbm>> -> memref<1x1xf32, #tpu.memory_space<hbm>>
      tpu.enqueue_dma source(%dma_start3A_218 : memref<1x1xf32, #tpu.memory_space<hbm>>) target(%dma_start3A_216 : memref<1x1xf32, #tpu.memory_space<vmem>>) target_semaphore(%arg21 : memref<!tpu.dma_semaphore, #tpu.memory_space<semaphore_mem>>)
      %mul3A_219 = arith.constant 16 : i32
      %mul3A_220 = arith.muli %scan3A_131, %mul3A_219 : i32
      %add3A_221 = arith.constant 6 : i32
      %add3A_222 = arith.addi %mul3A_220, %add3A_221 : i32
      %slice3A_223 = vector.extract_strided_slice %get3A_137 {offsets = [6], sizes = [1], strides = [1]} : vector<16xi32> to vector<1xi32>
      %squeeze3A_224 = vector.extract %slice3A_223[0] : i32 from vector<1xi32>
      %dma_start3A_225 = arith.constant 0 : i32
      %dma_start3A_226 = tpu.memref_slice %arg20[%add3A_222, %dma_start3A_225] : memref<256x1xf32, #tpu.memory_space<vmem>> -> memref<1x1xf32, #tpu.memory_space<vmem>>
      %dma_start3A_227 = arith.constant 0 : i32
      %dma_start3A_228 = tpu.memref_slice %arg9[%squeeze3A_224, %dma_start3A_227] : memref<1000001x1xf32, #tpu.memory_space<hbm>> -> memref<1x1xf32, #tpu.memory_space<hbm>>
      %dma_start3A_229 = arith.constant 0 : i32
      %dma_start3A_230 = tpu.memref_slice %arg20[%add3A_222, %dma_start3A_229] : memref<256x1xf32, #tpu.memory_space<vmem>> -> memref<1x1xf32, #tpu.memory_space<vmem>>
      %dma_start3A_231 = arith.constant 0 : i32
      %dma_start3A_232 = tpu.memref_slice %arg9[%squeeze3A_224, %dma_start3A_231] : memref<1000001x1xf32, #tpu.memory_space<hbm>> -> memref<1x1xf32, #tpu.memory_space<hbm>>
      tpu.enqueue_dma source(%dma_start3A_232 : memref<1x1xf32, #tpu.memory_space<hbm>>) target(%dma_start3A_230 : memref<1x1xf32, #tpu.memory_space<vmem>>) target_semaphore(%arg21 : memref<!tpu.dma_semaphore, #tpu.memory_space<semaphore_mem>>)
      %mul3A_233 = arith.constant 16 : i32
      %mul3A_234 = arith.muli %scan3A_131, %mul3A_233 : i32
      %add3A_235 = arith.constant 7 : i32
      %add3A_236 = arith.addi %mul3A_234, %add3A_235 : i32
      %slice3A_237 = vector.extract_strided_slice %get3A_137 {offsets = [7], sizes = [1], strides = [1]} : vector<16xi32> to vector<1xi32>
      %squeeze3A_238 = vector.extract %slice3A_237[0] : i32 from vector<1xi32>
      %dma_start3A_239 = arith.constant 0 : i32
      %dma_start3A_240 = tpu.memref_slice %arg20[%add3A_236, %dma_start3A_239] : memref<256x1xf32, #tpu.memory_space<vmem>> -> memref<1x1xf32, #tpu.memory_space<vmem>>
      %dma_start3A_241 = arith.constant 0 : i32
      %dma_start3A_242 = tpu.memref_slice %arg9[%squeeze3A_238, %dma_start3A_241] : memref<1000001x1xf32, #tpu.memory_space<hbm>> -> memref<1x1xf32, #tpu.memory_space<hbm>>
      %dma_start3A_243 = arith.constant 0 : i32
      %dma_start3A_244 = tpu.memref_slice %arg20[%add3A_236, %dma_start3A_243] : memref<256x1xf32, #tpu.memory_space<vmem>> -> memref<1x1xf32, #tpu.memory_space<vmem>>
      %dma_start3A_245 = arith.constant 0 : i32
      %dma_start3A_246 = tpu.memref_slice %arg9[%squeeze3A_238, %dma_start3A_245] : memref<1000001x1xf32, #tpu.memory_space<hbm>> -> memref<1x1xf32, #tpu.memory_space<hbm>>
      tpu.enqueue_dma source(%dma_start3A_246 : memref<1x1xf32, #tpu.memory_space<hbm>>) target(%dma_start3A_244 : memref<1x1xf32, #tpu.memory_space<vmem>>) target_semaphore(%arg21 : memref<!tpu.dma_semaphore, #tpu.memory_space<semaphore_mem>>)
      %mul3A_247 = arith.constant 16 : i32
      %mul3A_248 = arith.muli %scan3A_131, %mul3A_247 : i32
      %add3A_249 = arith.constant 8 : i32
      %add3A_250 = arith.addi %mul3A_248, %add3A_249 : i32
      %slice3A_251 = vector.extract_strided_slice %get3A_137 {offsets = [8], sizes = [1], strides = [1]} : vector<16xi32> to vector<1xi32>
      %squeeze3A_252 = vector.extract %slice3A_251[0] : i32 from vector<1xi32>
      %dma_start3A_253 = arith.constant 0 : i32
      %dma_start3A_254 = tpu.memref_slice %arg20[%add3A_250, %dma_start3A_253] : memref<256x1xf32, #tpu.memory_space<vmem>> -> memref<1x1xf32, #tpu.memory_space<vmem>>
      %dma_start3A_255 = arith.constant 0 : i32
      %dma_start3A_256 = tpu.memref_slice %arg9[%squeeze3A_252, %dma_start3A_255] : memref<1000001x1xf32, #tpu.memory_space<hbm>> -> memref<1x1xf32, #tpu.memory_space<hbm>>
      %dma_start3A_257 = arith.constant 0 : i32
      %dma_start3A_258 = tpu.memref_slice %arg20[%add3A_250, %dma_start3A_257] : memref<256x1xf32, #tpu.memory_space<vmem>> -> memref<1x1xf32, #tpu.memory_space<vmem>>
      %dma_start3A_259 = arith.constant 0 : i32
      %dma_start3A_260 = tpu.memref_slice %arg9[%squeeze3A_252, %dma_start3A_259] : memref<1000001x1xf32, #tpu.memory_space<hbm>> -> memref<1x1xf32, #tpu.memory_space<hbm>>
      tpu.enqueue_dma source(%dma_start3A_260 : memref<1x1xf32, #tpu.memory_space<hbm>>) target(%dma_start3A_258 : memref<1x1xf32, #tpu.memory_space<vmem>>) target_semaphore(%arg21 : memref<!tpu.dma_semaphore, #tpu.memory_space<semaphore_mem>>)
      %mul3A_261 = arith.constant 16 : i32
      %mul3A_262 = arith.muli %scan3A_131, %mul3A_261 : i32
      %add3A_263 = arith.constant 9 : i32
      %add3A_264 = arith.addi %mul3A_262, %add3A_263 : i32
      %slice3A_265 = vector.extract_strided_slice %get3A_137 {offsets = [9], sizes = [1], strides = [1]} : vector<16xi32> to vector<1xi32>
      %squeeze3A_266 = vector.extract %slice3A_265[0] : i32 from vector<1xi32>
      %dma_start3A_267 = arith.constant 0 : i32
      %dma_start3A_268 = tpu.memref_slice %arg20[%add3A_264, %dma_start3A_267] : memref<256x1xf32, #tpu.memory_space<vmem>> -> memref<1x1xf32, #tpu.memory_space<vmem>>
      %dma_start3A_269 = arith.constant 0 : i32
      %dma_start3A_270 = tpu.memref_slice %arg9[%squeeze3A_266, %dma_start3A_269] : memref<1000001x1xf32, #tpu.memory_space<hbm>> -> memref<1x1xf32, #tpu.memory_space<hbm>>
      %dma_start3A_271 = arith.constant 0 : i32
      %dma_start3A_272 = tpu.memref_slice %arg20[%add3A_264, %dma_start3A_271] : memref<256x1xf32, #tpu.memory_space<vmem>> -> memref<1x1xf32, #tpu.memory_space<vmem>>
      %dma_start3A_273 = arith.constant 0 : i32
      %dma_start3A_274 = tpu.memref_slice %arg9[%squeeze3A_266, %dma_start3A_273] : memref<1000001x1xf32, #tpu.memory_space<hbm>> -> memref<1x1xf32, #tpu.memory_space<hbm>>
      tpu.enqueue_dma source(%dma_start3A_274 : memref<1x1xf32, #tpu.memory_space<hbm>>) target(%dma_start3A_272 : memref<1x1xf32, #tpu.memory_space<vmem>>) target_semaphore(%arg21 : memref<!tpu.dma_semaphore, #tpu.memory_space<semaphore_mem>>)
      %mul3A_275 = arith.constant 16 : i32
      %mul3A_276 = arith.muli %scan3A_131, %mul3A_275 : i32
      %add3A_277 = arith.constant 10 : i32
      %add3A_278 = arith.addi %mul3A_276, %add3A_277 : i32
      %slice3A_279 = vector.extract_strided_slice %get3A_137 {offsets = [10], sizes = [1], strides = [1]} : vector<16xi32> to vector<1xi32>
      %squeeze3A_280 = vector.extract %slice3A_279[0] : i32 from vector<1xi32>
      %dma_start3A_281 = arith.constant 0 : i32
      %dma_start3A_282 = tpu.memref_slice %arg20[%add3A_278, %dma_start3A_281] : memref<256x1xf32, #tpu.memory_space<vmem>> -> memref<1x1xf32, #tpu.memory_space<vmem>>
      %dma_start3A_283 = arith.constant 0 : i32
      %dma_start3A_284 = tpu.memref_slice %arg9[%squeeze3A_280, %dma_start3A_283] : memref<1000001x1xf32, #tpu.memory_space<hbm>> -> memref<1x1xf32, #tpu.memory_space<hbm>>
      %dma_start3A_285 = arith.constant 0 : i32
      %dma_start3A_286 = tpu.memref_slice %arg20[%add3A_278, %dma_start3A_285] : memref<256x1xf32, #tpu.memory_space<vmem>> -> memref<1x1xf32, #tpu.memory_space<vmem>>
      %dma_start3A_287 = arith.constant 0 : i32
      %dma_start3A_288 = tpu.memref_slice %arg9[%squeeze3A_280, %dma_start3A_287] : memref<1000001x1xf32, #tpu.memory_space<hbm>> -> memref<1x1xf32, #tpu.memory_space<hbm>>
      tpu.enqueue_dma source(%dma_start3A_288 : memref<1x1xf32, #tpu.memory_space<hbm>>) target(%dma_start3A_286 : memref<1x1xf32, #tpu.memory_space<vmem>>) target_semaphore(%arg21 : memref<!tpu.dma_semaphore, #tpu.memory_space<semaphore_mem>>)
      %mul3A_289 = arith.constant 16 : i32
      %mul3A_290 = arith.muli %scan3A_131, %mul3A_289 : i32
      %add3A_291 = arith.constant 11 : i32
      %add3A_292 = arith.addi %mul3A_290, %add3A_291 : i32
      %slice3A_293 = vector.extract_strided_slice %get3A_137 {offsets = [11], sizes = [1], strides = [1]} : vector<16xi32> to vector<1xi32>
      %squeeze3A_294 = vector.extract %slice3A_293[0] : i32 from vector<1xi32>
      %dma_start3A_295 = arith.constant 0 : i32
      %dma_start3A_296 = tpu.memref_slice %arg20[%add3A_292, %dma_start3A_295] : memref<256x1xf32, #tpu.memory_space<vmem>> -> memref<1x1xf32, #tpu.memory_space<vmem>>
      %dma_start3A_297 = arith.constant 0 : i32
      %dma_start3A_298 = tpu.memref_slice %arg9[%squeeze3A_294, %dma_start3A_297] : memref<1000001x1xf32, #tpu.memory_space<hbm>> -> memref<1x1xf32, #tpu.memory_space<hbm>>
      %dma_start3A_299 = arith.constant 0 : i32
      %dma_start3A_300 = tpu.memref_slice %arg20[%add3A_292, %dma_start3A_299] : memref<256x1xf32, #tpu.memory_space<vmem>> -> memref<1x1xf32, #tpu.memory_space<vmem>>
      %dma_start3A_301 = arith.constant 0 : i32
      %dma_start3A_302 = tpu.memref_slice %arg9[%squeeze3A_294, %dma_start3A_301] : memref<1000001x1xf32, #tpu.memory_space<hbm>> -> memref<1x1xf32, #tpu.memory_space<hbm>>
      tpu.enqueue_dma source(%dma_start3A_302 : memref<1x1xf32, #tpu.memory_space<hbm>>) target(%dma_start3A_300 : memref<1x1xf32, #tpu.memory_space<vmem>>) target_semaphore(%arg21 : memref<!tpu.dma_semaphore, #tpu.memory_space<semaphore_mem>>)
      %mul3A_303 = arith.constant 16 : i32
      %mul3A_304 = arith.muli %scan3A_131, %mul3A_303 : i32
      %add3A_305 = arith.constant 12 : i32
      %add3A_306 = arith.addi %mul3A_304, %add3A_305 : i32
      %slice3A_307 = vector.extract_strided_slice %get3A_137 {offsets = [12], sizes = [1], strides = [1]} : vector<16xi32> to vector<1xi32>
      %squeeze3A_308 = vector.extract %slice3A_307[0] : i32 from vector<1xi32>
      %dma_start3A_309 = arith.constant 0 : i32
      %dma_start3A_310 = tpu.memref_slice %arg20[%add3A_306, %dma_start3A_309] : memref<256x1xf32, #tpu.memory_space<vmem>> -> memref<1x1xf32, #tpu.memory_space<vmem>>
      %dma_start3A_311 = arith.constant 0 : i32
      %dma_start3A_312 = tpu.memref_slice %arg9[%squeeze3A_308, %dma_start3A_311] : memref<1000001x1xf32, #tpu.memory_space<hbm>> -> memref<1x1xf32, #tpu.memory_space<hbm>>
      %dma_start3A_313 = arith.constant 0 : i32
      %dma_start3A_314 = tpu.memref_slice %arg20[%add3A_306, %dma_start3A_313] : memref<256x1xf32, #tpu.memory_space<vmem>> -> memref<1x1xf32, #tpu.memory_space<vmem>>
      %dma_start3A_315 = arith.constant 0 : i32
      %dma_start3A_316 = tpu.memref_slice %arg9[%squeeze3A_308, %dma_start3A_315] : memref<1000001x1xf32, #tpu.memory_space<hbm>> -> memref<1x1xf32, #tpu.memory_space<hbm>>
      tpu.enqueue_dma source(%dma_start3A_316 : memref<1x1xf32, #tpu.memory_space<hbm>>) target(%dma_start3A_314 : memref<1x1xf32, #tpu.memory_space<vmem>>) target_semaphore(%arg21 : memref<!tpu.dma_semaphore, #tpu.memory_space<semaphore_mem>>)
      %mul3A_317 = arith.constant 16 : i32
      %mul3A_318 = arith.muli %scan3A_131, %mul3A_317 : i32
      %add3A_319 = arith.constant 13 : i32
      %add3A_320 = arith.addi %mul3A_318, %add3A_319 : i32
      %slice3A_321 = vector.extract_strided_slice %get3A_137 {offsets = [13], sizes = [1], strides = [1]} : vector<16xi32> to vector<1xi32>
      %squeeze3A_322 = vector.extract %slice3A_321[0] : i32 from vector<1xi32>
      %dma_start3A_323 = arith.constant 0 : i32
      %dma_start3A_324 = tpu.memref_slice %arg20[%add3A_320, %dma_start3A_323] : memref<256x1xf32, #tpu.memory_space<vmem>> -> memref<1x1xf32, #tpu.memory_space<vmem>>
      %dma_start3A_325 = arith.constant 0 : i32
      %dma_start3A_326 = tpu.memref_slice %arg9[%squeeze3A_322, %dma_start3A_325] : memref<1000001x1xf32, #tpu.memory_space<hbm>> -> memref<1x1xf32, #tpu.memory_space<hbm>>
      %dma_start3A_327 = arith.constant 0 : i32
      %dma_start3A_328 = tpu.memref_slice %arg20[%add3A_320, %dma_start3A_327] : memref<256x1xf32, #tpu.memory_space<vmem>> -> memref<1x1xf32, #tpu.memory_space<vmem>>
      %dma_start3A_329 = arith.constant 0 : i32
      %dma_start3A_330 = tpu.memref_slice %arg9[%squeeze3A_322, %dma_start3A_329] : memref<1000001x1xf32, #tpu.memory_space<hbm>> -> memref<1x1xf32, #tpu.memory_space<hbm>>
      tpu.enqueue_dma source(%dma_start3A_330 : memref<1x1xf32, #tpu.memory_space<hbm>>) target(%dma_start3A_328 : memref<1x1xf32, #tpu.memory_space<vmem>>) target_semaphore(%arg21 : memref<!tpu.dma_semaphore, #tpu.memory_space<semaphore_mem>>)
      %mul3A_331 = arith.constant 16 : i32
      %mul3A_332 = arith.muli %scan3A_131, %mul3A_331 : i32
      %add3A_333 = arith.constant 14 : i32
      %add3A_334 = arith.addi %mul3A_332, %add3A_333 : i32
      %slice3A_335 = vector.extract_strided_slice %get3A_137 {offsets = [14], sizes = [1], strides = [1]} : vector<16xi32> to vector<1xi32>
      %squeeze3A_336 = vector.extract %slice3A_335[0] : i32 from vector<1xi32>
      %dma_start3A_337 = arith.constant 0 : i32
      %dma_start3A_338 = tpu.memref_slice %arg20[%add3A_334, %dma_start3A_337] : memref<256x1xf32, #tpu.memory_space<vmem>> -> memref<1x1xf32, #tpu.memory_space<vmem>>
      %dma_start3A_339 = arith.constant 0 : i32
      %dma_start3A_340 = tpu.memref_slice %arg9[%squeeze3A_336, %dma_start3A_339] : memref<1000001x1xf32, #tpu.memory_space<hbm>> -> memref<1x1xf32, #tpu.memory_space<hbm>>
      %dma_start3A_341 = arith.constant 0 : i32
      %dma_start3A_342 = tpu.memref_slice %arg20[%add3A_334, %dma_start3A_341] : memref<256x1xf32, #tpu.memory_space<vmem>> -> memref<1x1xf32, #tpu.memory_space<vmem>>
      %dma_start3A_343 = arith.constant 0 : i32
      %dma_start3A_344 = tpu.memref_slice %arg9[%squeeze3A_336, %dma_start3A_343] : memref<1000001x1xf32, #tpu.memory_space<hbm>> -> memref<1x1xf32, #tpu.memory_space<hbm>>
      tpu.enqueue_dma source(%dma_start3A_344 : memref<1x1xf32, #tpu.memory_space<hbm>>) target(%dma_start3A_342 : memref<1x1xf32, #tpu.memory_space<vmem>>) target_semaphore(%arg21 : memref<!tpu.dma_semaphore, #tpu.memory_space<semaphore_mem>>)
      %mul3A_345 = arith.constant 16 : i32
      %mul3A_346 = arith.muli %scan3A_131, %mul3A_345 : i32
      %add3A_347 = arith.constant 15 : i32
      %add3A_348 = arith.addi %mul3A_346, %add3A_347 : i32
      %slice3A_349 = vector.extract_strided_slice %get3A_137 {offsets = [15], sizes = [1], strides = [1]} : vector<16xi32> to vector<1xi32>
      %squeeze3A_350 = vector.extract %slice3A_349[0] : i32 from vector<1xi32>
      %dma_start3A_351 = arith.constant 0 : i32
      %dma_start3A_352 = tpu.memref_slice %arg20[%add3A_348, %dma_start3A_351] : memref<256x1xf32, #tpu.memory_space<vmem>> -> memref<1x1xf32, #tpu.memory_space<vmem>>
      %dma_start3A_353 = arith.constant 0 : i32
      %dma_start3A_354 = tpu.memref_slice %arg9[%squeeze3A_350, %dma_start3A_353] : memref<1000001x1xf32, #tpu.memory_space<hbm>> -> memref<1x1xf32, #tpu.memory_space<hbm>>
      %dma_start3A_355 = arith.constant 0 : i32
      %dma_start3A_356 = tpu.memref_slice %arg20[%add3A_348, %dma_start3A_355] : memref<256x1xf32, #tpu.memory_space<vmem>> -> memref<1x1xf32, #tpu.memory_space<vmem>>
      %dma_start3A_357 = arith.constant 0 : i32
      %dma_start3A_358 = tpu.memref_slice %arg9[%squeeze3A_350, %dma_start3A_357] : memref<1000001x1xf32, #tpu.memory_space<hbm>> -> memref<1x1xf32, #tpu.memory_space<hbm>>
      tpu.enqueue_dma source(%dma_start3A_358 : memref<1x1xf32, #tpu.memory_space<hbm>>) target(%dma_start3A_356 : memref<1x1xf32, #tpu.memory_space<vmem>>) target_semaphore(%arg21 : memref<!tpu.dma_semaphore, #tpu.memory_space<semaphore_mem>>)
    }
    %scan3A_122 = arith.constant 16 : i32
    %dma_wait3A_123 = arith.constant 0 : i32
    %dma_wait3A_124 = arith.constant 0 : i32
    %dma_wait3A_125 = tpu.memref_slice %arg9[%dma_wait3A_123, %dma_wait3A_124] : memref<1000001x1xf32, #tpu.memory_space<hbm>> -> memref<256x1xf32, #tpu.memory_space<hbm>>
    %dma_wait3A_126 = arith.constant 0 : i32
    %dma_wait3A_127 = arith.constant 0 : i32
    %dma_wait3A_128 = tpu.memref_slice %arg9[%dma_wait3A_126, %dma_wait3A_127] : memref<1000001x1xf32, #tpu.memory_space<hbm>> -> memref<256x1xf32, #tpu.memory_space<hbm>>
    tpu.wait_dma2 semaphore(%arg21 : memref<!tpu.dma_semaphore, #tpu.memory_space<semaphore_mem>>) src(%dma_wait3A_128 : memref<256x1xf32, #tpu.memory_space<hbm>>) dst(%arg20 : memref<256x1xf32, #tpu.memory_space<vmem>>)
    %add3A_129 = arith.constant 256 : i32
    %add3A_130 = arith.addi %mul3A_2, %add3A_129 : i32
    "tpu.region"() ({
      %run_scoped3A = tpu.sem_alloc : memref<!tpu.dma_semaphore, #tpu.memory_space<semaphore_mem>>
      %dma_start3A = arith.constant 0 : i32
      %dma_start3A_131 = tpu.memref_slice %arg14[%add3A_130, %dma_start3A] : memref<16384x1xf32, #tpu.memory_space<hbm>> -> memref<256x1xf32, #tpu.memory_space<hbm>>
      %dma_start3A_132 = arith.constant 0 : i32
      %dma_start3A_133 = tpu.memref_slice %arg14[%add3A_130, %dma_start3A_132] : memref<16384x1xf32, #tpu.memory_space<hbm>> -> memref<256x1xf32, #tpu.memory_space<hbm>>
      tpu.enqueue_dma source(%arg20 : memref<256x1xf32, #tpu.memory_space<vmem>>) target(%dma_start3A_133 : memref<256x1xf32, #tpu.memory_space<hbm>>) target_semaphore(%run_scoped3A : memref<!tpu.dma_semaphore, #tpu.memory_space<semaphore_mem>>)
      %dma_wait3A_134 = arith.constant 0 : i32
      %dma_wait3A_135 = tpu.memref_slice %arg14[%add3A_130, %dma_wait3A_134] : memref<16384x1xf32, #tpu.memory_space<hbm>> -> memref<256x1xf32, #tpu.memory_space<hbm>>
      %dma_wait3A_136 = arith.constant 0 : i32
      %dma_wait3A_137 = tpu.memref_slice %arg14[%add3A_130, %dma_wait3A_136] : memref<16384x1xf32, #tpu.memory_space<hbm>> -> memref<256x1xf32, #tpu.memory_space<hbm>>
      tpu.wait_dma2 semaphore(%run_scoped3A : memref<!tpu.dma_semaphore, #tpu.memory_space<semaphore_mem>>) src(%arg20 : memref<256x1xf32, #tpu.memory_space<vmem>>) dst(%dma_wait3A_137 : memref<256x1xf32, #tpu.memory_space<hbm>>)
      tpu.yield
    }) : () -> ()
    return
  }
}

module attributes {stable_mosaic.version = 14 : i64} {
  func.func @_mlp_body(%arg0: memref<16384x75xf32, #tpu.memory_space<vmem>>, %arg1: memref<1x1xf32, #tpu.memory_space<vmem>>, %arg2: memref<75x128xf32, #tpu.memory_space<vmem>>, %arg3: memref<1x128xf32, #tpu.memory_space<vmem>>, %arg4: memref<1x128xf32, #tpu.memory_space<vmem>>, %arg5: memref<1x128xf32, #tpu.memory_space<vmem>>, %arg6: memref<128x64xf32, #tpu.memory_space<vmem>>, %arg7: memref<1x64xf32, #tpu.memory_space<vmem>>, %arg8: memref<1x64xf32, #tpu.memory_space<vmem>>, %arg9: memref<1x64xf32, #tpu.memory_space<vmem>>, %arg10: memref<64x32xf32, #tpu.memory_space<vmem>>, %arg11: memref<1x32xf32, #tpu.memory_space<vmem>>, %arg12: memref<1x32xf32, #tpu.memory_space<vmem>>, %arg13: memref<1x32xf32, #tpu.memory_space<vmem>>, %arg14: memref<32x1xf32, #tpu.memory_space<vmem>>, %arg15: memref<1x1xf32, #tpu.memory_space<vmem>>, %arg16: memref<16384x1xf32, #tpu.memory_space<vmem>>) attributes {dimension_semantics = [], scalar_prefetch = 0 : i64, scratch_operands = 0 : i64, tpu.core_type = #tpu.core_type<tc>} {
    %get3A = arith.constant 0 : index
    %get3A_0 = arith.constant 0 : index
    %get3A_1 = vector.load %arg0[%get3A, %get3A_0] : memref<16384x75xf32, #tpu.memory_space<vmem>>, vector<16384x75xf32>
    %get3A_2 = arith.constant 0 : index
    %get3A_3 = arith.constant 0 : index
    %get3A_4 = vector.load %arg2[%get3A_2, %get3A_3] : memref<75x128xf32, #tpu.memory_space<vmem>>, vector<75x128xf32>
    %dot_general3A = arith.constant dense<0.000000e+00> : vector<16384x128xf32>
    %dot_general3A_5 = tpu.matmul %get3A_1, %get3A_4, %dot_general3A {dimension_numbers = #tpu.dot_dimension_numbers<[1], [0], [0], [1], [0, 0, 1, 1], [], []>, transpose_lhs_hint = false} : vector<16384x75xf32>, vector<75x128xf32>, vector<16384x128xf32> -> vector<16384x128xf32>
    %get3A_6 = arith.constant 0 : index
    %get3A_7 = arith.constant 0 : index
    %get3A_8 = vector.load %arg3[%get3A_6, %get3A_7] : memref<1x128xf32, #tpu.memory_space<vmem>>, vector<1x128xf32>
    %add3A = vector.broadcast %get3A_8 : vector<1x128xf32> to vector<16384x128xf32>
    %add3A_9 = arith.addf %dot_general3A_5, %add3A : vector<16384x128xf32>
    %max3A = arith.constant 0.000000e+00 : f32
    %max3A_10 = vector.broadcast %max3A : f32 to vector<16384x128xf32>
    %max3A_11 = arith.maximumf %add3A_9, %max3A_10 : vector<16384x128xf32>
    %get3A_12 = arith.constant 0 : index
    %get3A_13 = arith.constant 0 : index
    %get3A_14 = vector.load %arg4[%get3A_12, %get3A_13] : memref<1x128xf32, #tpu.memory_space<vmem>>, vector<1x128xf32>
    %get3A_15 = arith.constant 0 : index
    %get3A_16 = arith.constant 0 : index
    %get3A_17 = vector.load %arg5[%get3A_15, %get3A_16] : memref<1x128xf32, #tpu.memory_space<vmem>>, vector<1x128xf32>
    %reduce_sum3A = arith.constant dense<0.000000e+00> : vector<128xf32>
    %reduce_sum3A_18 = vector.multi_reduction <add>, %max3A_11, %reduce_sum3A [0] : vector<16384x128xf32> to vector<128xf32>
    %broadcast_in_dim3A = vector.shape_cast %reduce_sum3A_18 : vector<128xf32> to vector<1x128xf32>
    %div3A = arith.constant 1.638400e+04 : f32
    %div3A_19 = vector.broadcast %div3A : f32 to vector<1x128xf32>
    %div3A_20 = arith.divf %broadcast_in_dim3A, %div3A_19 : vector<1x128xf32>
    %sub3A = vector.broadcast %div3A_20 : vector<1x128xf32> to vector<16384x128xf32>
    %sub3A_21 = arith.subf %max3A_11, %sub3A : vector<16384x128xf32>
    %integer_pow3A = arith.mulf %sub3A_21, %sub3A_21 : vector<16384x128xf32>
    %reduce_sum3A_22 = arith.constant dense<0.000000e+00> : vector<128xf32>
    %reduce_sum3A_23 = vector.multi_reduction <add>, %integer_pow3A, %reduce_sum3A_22 [0] : vector<16384x128xf32> to vector<128xf32>
    %broadcast_in_dim3A_24 = vector.shape_cast %reduce_sum3A_23 : vector<128xf32> to vector<1x128xf32>
    %div3A_25 = arith.constant 1.638400e+04 : f32
    %div3A_26 = vector.broadcast %div3A_25 : f32 to vector<1x128xf32>
    %div3A_27 = arith.divf %broadcast_in_dim3A_24, %div3A_26 : vector<1x128xf32>
    %sub3A_28 = vector.broadcast %div3A_20 : vector<1x128xf32> to vector<16384x128xf32>
    %sub3A_29 = arith.subf %max3A_11, %sub3A_28 : vector<16384x128xf32>
    %add3A_30 = arith.constant 9.99999974E-6 : f32
    %add3A_31 = vector.broadcast %add3A_30 : f32 to vector<1x128xf32>
    %add3A_32 = arith.addf %div3A_27, %add3A_31 : vector<1x128xf32>
    %rsqrt3A = math.rsqrt %add3A_32 : vector<1x128xf32>
    %mul3A = vector.broadcast %rsqrt3A : vector<1x128xf32> to vector<16384x128xf32>
    %mul3A_33 = arith.mulf %sub3A_29, %mul3A : vector<16384x128xf32>
    %mul3A_34 = vector.broadcast %get3A_14 : vector<1x128xf32> to vector<16384x128xf32>
    %mul3A_35 = arith.mulf %mul3A_33, %mul3A_34 : vector<16384x128xf32>
    %add3A_36 = vector.broadcast %get3A_17 : vector<1x128xf32> to vector<16384x128xf32>
    %add3A_37 = arith.addf %mul3A_35, %add3A_36 : vector<16384x128xf32>
    %get3A_38 = arith.constant 0 : index
    %get3A_39 = arith.constant 0 : index
    %get3A_40 = vector.load %arg6[%get3A_38, %get3A_39] : memref<128x64xf32, #tpu.memory_space<vmem>>, vector<128x64xf32>
    %dot_general3A_41 = arith.constant dense<0.000000e+00> : vector<16384x64xf32>
    %dot_general3A_42 = tpu.matmul %add3A_37, %get3A_40, %dot_general3A_41 {dimension_numbers = #tpu.dot_dimension_numbers<[1], [0], [0], [1], [0, 0, 1, 1], [], []>, transpose_lhs_hint = false} : vector<16384x128xf32>, vector<128x64xf32>, vector<16384x64xf32> -> vector<16384x64xf32>
    %get3A_43 = arith.constant 0 : index
    %get3A_44 = arith.constant 0 : index
    %get3A_45 = vector.load %arg7[%get3A_43, %get3A_44] : memref<1x64xf32, #tpu.memory_space<vmem>>, vector<1x64xf32>
    %add3A_46 = vector.broadcast %get3A_45 : vector<1x64xf32> to vector<16384x64xf32>
    %add3A_47 = arith.addf %dot_general3A_42, %add3A_46 : vector<16384x64xf32>
    %max3A_48 = arith.constant 0.000000e+00 : f32
    %max3A_49 = vector.broadcast %max3A_48 : f32 to vector<16384x64xf32>
    %max3A_50 = arith.maximumf %add3A_47, %max3A_49 : vector<16384x64xf32>
    %get3A_51 = arith.constant 0 : index
    %get3A_52 = arith.constant 0 : index
    %get3A_53 = vector.load %arg8[%get3A_51, %get3A_52] : memref<1x64xf32, #tpu.memory_space<vmem>>, vector<1x64xf32>
    %get3A_54 = arith.constant 0 : index
    %get3A_55 = arith.constant 0 : index
    %get3A_56 = vector.load %arg9[%get3A_54, %get3A_55] : memref<1x64xf32, #tpu.memory_space<vmem>>, vector<1x64xf32>
    %reduce_sum3A_57 = arith.constant dense<0.000000e+00> : vector<64xf32>
    %reduce_sum3A_58 = vector.multi_reduction <add>, %max3A_50, %reduce_sum3A_57 [0] : vector<16384x64xf32> to vector<64xf32>
    %broadcast_in_dim3A_59 = vector.shape_cast %reduce_sum3A_58 : vector<64xf32> to vector<1x64xf32>
    %div3A_60 = arith.constant 1.638400e+04 : f32
    %div3A_61 = vector.broadcast %div3A_60 : f32 to vector<1x64xf32>
    %div3A_62 = arith.divf %broadcast_in_dim3A_59, %div3A_61 : vector<1x64xf32>
    %sub3A_63 = vector.broadcast %div3A_62 : vector<1x64xf32> to vector<16384x64xf32>
    %sub3A_64 = arith.subf %max3A_50, %sub3A_63 : vector<16384x64xf32>
    %integer_pow3A_65 = arith.mulf %sub3A_64, %sub3A_64 : vector<16384x64xf32>
    %reduce_sum3A_66 = arith.constant dense<0.000000e+00> : vector<64xf32>
    %reduce_sum3A_67 = vector.multi_reduction <add>, %integer_pow3A_65, %reduce_sum3A_66 [0] : vector<16384x64xf32> to vector<64xf32>
    %broadcast_in_dim3A_68 = vector.shape_cast %reduce_sum3A_67 : vector<64xf32> to vector<1x64xf32>
    %div3A_69 = arith.constant 1.638400e+04 : f32
    %div3A_70 = vector.broadcast %div3A_69 : f32 to vector<1x64xf32>
    %div3A_71 = arith.divf %broadcast_in_dim3A_68, %div3A_70 : vector<1x64xf32>
    %sub3A_72 = vector.broadcast %div3A_62 : vector<1x64xf32> to vector<16384x64xf32>
    %sub3A_73 = arith.subf %max3A_50, %sub3A_72 : vector<16384x64xf32>
    %add3A_74 = arith.constant 9.99999974E-6 : f32
    %add3A_75 = vector.broadcast %add3A_74 : f32 to vector<1x64xf32>
    %add3A_76 = arith.addf %div3A_71, %add3A_75 : vector<1x64xf32>
    %rsqrt3A_77 = math.rsqrt %add3A_76 : vector<1x64xf32>
    %mul3A_78 = vector.broadcast %rsqrt3A_77 : vector<1x64xf32> to vector<16384x64xf32>
    %mul3A_79 = arith.mulf %sub3A_73, %mul3A_78 : vector<16384x64xf32>
    %mul3A_80 = vector.broadcast %get3A_53 : vector<1x64xf32> to vector<16384x64xf32>
    %mul3A_81 = arith.mulf %mul3A_79, %mul3A_80 : vector<16384x64xf32>
    %add3A_82 = vector.broadcast %get3A_56 : vector<1x64xf32> to vector<16384x64xf32>
    %add3A_83 = arith.addf %mul3A_81, %add3A_82 : vector<16384x64xf32>
    %get3A_84 = arith.constant 0 : index
    %get3A_85 = arith.constant 0 : index
    %get3A_86 = vector.load %arg10[%get3A_84, %get3A_85] : memref<64x32xf32, #tpu.memory_space<vmem>>, vector<64x32xf32>
    %dot_general3A_87 = arith.constant dense<0.000000e+00> : vector<16384x32xf32>
    %dot_general3A_88 = tpu.matmul %add3A_83, %get3A_86, %dot_general3A_87 {dimension_numbers = #tpu.dot_dimension_numbers<[1], [0], [0], [1], [0, 0, 1, 1], [], []>, transpose_lhs_hint = false} : vector<16384x64xf32>, vector<64x32xf32>, vector<16384x32xf32> -> vector<16384x32xf32>
    %get3A_89 = arith.constant 0 : index
    %get3A_90 = arith.constant 0 : index
    %get3A_91 = vector.load %arg11[%get3A_89, %get3A_90] : memref<1x32xf32, #tpu.memory_space<vmem>>, vector<1x32xf32>
    %add3A_92 = vector.broadcast %get3A_91 : vector<1x32xf32> to vector<16384x32xf32>
    %add3A_93 = arith.addf %dot_general3A_88, %add3A_92 : vector<16384x32xf32>
    %max3A_94 = arith.constant 0.000000e+00 : f32
    %max3A_95 = vector.broadcast %max3A_94 : f32 to vector<16384x32xf32>
    %max3A_96 = arith.maximumf %add3A_93, %max3A_95 : vector<16384x32xf32>
    %get3A_97 = arith.constant 0 : index
    %get3A_98 = arith.constant 0 : index
    %get3A_99 = vector.load %arg12[%get3A_97, %get3A_98] : memref<1x32xf32, #tpu.memory_space<vmem>>, vector<1x32xf32>
    %get3A_100 = arith.constant 0 : index
    %get3A_101 = arith.constant 0 : index
    %get3A_102 = vector.load %arg13[%get3A_100, %get3A_101] : memref<1x32xf32, #tpu.memory_space<vmem>>, vector<1x32xf32>
    %reduce_sum3A_103 = arith.constant dense<0.000000e+00> : vector<32xf32>
    %reduce_sum3A_104 = vector.multi_reduction <add>, %max3A_96, %reduce_sum3A_103 [0] : vector<16384x32xf32> to vector<32xf32>
    %broadcast_in_dim3A_105 = vector.shape_cast %reduce_sum3A_104 : vector<32xf32> to vector<1x32xf32>
    %div3A_106 = arith.constant 1.638400e+04 : f32
    %div3A_107 = vector.broadcast %div3A_106 : f32 to vector<1x32xf32>
    %div3A_108 = arith.divf %broadcast_in_dim3A_105, %div3A_107 : vector<1x32xf32>
    %sub3A_109 = vector.broadcast %div3A_108 : vector<1x32xf32> to vector<16384x32xf32>
    %sub3A_110 = arith.subf %max3A_96, %sub3A_109 : vector<16384x32xf32>
    %integer_pow3A_111 = arith.mulf %sub3A_110, %sub3A_110 : vector<16384x32xf32>
    %reduce_sum3A_112 = arith.constant dense<0.000000e+00> : vector<32xf32>
    %reduce_sum3A_113 = vector.multi_reduction <add>, %integer_pow3A_111, %reduce_sum3A_112 [0] : vector<16384x32xf32> to vector<32xf32>
    %broadcast_in_dim3A_114 = vector.shape_cast %reduce_sum3A_113 : vector<32xf32> to vector<1x32xf32>
    %div3A_115 = arith.constant 1.638400e+04 : f32
    %div3A_116 = vector.broadcast %div3A_115 : f32 to vector<1x32xf32>
    %div3A_117 = arith.divf %broadcast_in_dim3A_114, %div3A_116 : vector<1x32xf32>
    %sub3A_118 = vector.broadcast %div3A_108 : vector<1x32xf32> to vector<16384x32xf32>
    %sub3A_119 = arith.subf %max3A_96, %sub3A_118 : vector<16384x32xf32>
    %add3A_120 = arith.constant 9.99999974E-6 : f32
    %add3A_121 = vector.broadcast %add3A_120 : f32 to vector<1x32xf32>
    %add3A_122 = arith.addf %div3A_117, %add3A_121 : vector<1x32xf32>
    %rsqrt3A_123 = math.rsqrt %add3A_122 : vector<1x32xf32>
    %mul3A_124 = vector.broadcast %rsqrt3A_123 : vector<1x32xf32> to vector<16384x32xf32>
    %mul3A_125 = arith.mulf %sub3A_119, %mul3A_124 : vector<16384x32xf32>
    %mul3A_126 = vector.broadcast %get3A_99 : vector<1x32xf32> to vector<16384x32xf32>
    %mul3A_127 = arith.mulf %mul3A_125, %mul3A_126 : vector<16384x32xf32>
    %add3A_128 = vector.broadcast %get3A_102 : vector<1x32xf32> to vector<16384x32xf32>
    %add3A_129 = arith.addf %mul3A_127, %add3A_128 : vector<16384x32xf32>
    %get3A_130 = arith.constant 0 : index
    %get3A_131 = arith.constant 0 : index
    %get3A_132 = vector.load %arg14[%get3A_130, %get3A_131] : memref<32x1xf32, #tpu.memory_space<vmem>>, vector<32x1xf32>
    %dot_general3A_133 = arith.constant dense<0.000000e+00> : vector<16384x1xf32>
    %dot_general3A_134 = tpu.matmul %add3A_129, %get3A_132, %dot_general3A_133 {dimension_numbers = #tpu.dot_dimension_numbers<[1], [0], [0], [1], [0, 0, 1, 1], [], []>, transpose_lhs_hint = false} : vector<16384x32xf32>, vector<32x1xf32>, vector<16384x1xf32> -> vector<16384x1xf32>
    %get3A_135 = arith.constant 0 : index
    %get3A_136 = arith.constant 0 : index
    %get3A_137 = vector.load %arg15[%get3A_135, %get3A_136] : memref<1x1xf32, #tpu.memory_space<vmem>>, vector<1x1xf32>
    %add3A_138 = vector.broadcast %get3A_137 : vector<1x1xf32> to vector<16384x1xf32>
    %add3A_139 = arith.addf %dot_general3A_134, %add3A_138 : vector<16384x1xf32>
    %slice3A = vector.extract_strided_slice %get3A_1 {offsets = [0, 73], sizes = [16384, 1], strides = [1, 1]} : vector<16384x75xf32> to vector<16384x1xf32>
    %add3A_140 = arith.addf %add3A_139, %slice3A : vector<16384x1xf32>
    %slice3A_141 = vector.extract_strided_slice %get3A_1 {offsets = [0, 74], sizes = [16384, 1], strides = [1, 1]} : vector<16384x75xf32> to vector<16384x1xf32>
    %add3A_142 = arith.addf %add3A_140, %slice3A_141 : vector<16384x1xf32>
    %get3A_143 = arith.constant 0 : index
    %get3A_144 = arith.constant 0 : index
    %get3A_145 = vector.load %arg1[%get3A_143, %get3A_144] : memref<1x1xf32, #tpu.memory_space<vmem>>, vector<1x1xf32>
    %add3A_146 = vector.broadcast %get3A_145 : vector<1x1xf32> to vector<16384x1xf32>
    %add3A_147 = arith.addf %add3A_142, %add3A_146 : vector<16384x1xf32>
    %logistic3A = arith.negf %add3A_147 : vector<16384x1xf32>
    %logistic3A_148 = math.exp %logistic3A : vector<16384x1xf32>
    %logistic3A_149 = arith.constant 1.000000e+00 : f32
    %logistic3A_150 = vector.broadcast %logistic3A_149 : f32 to vector<16384x1xf32>
    %logistic3A_151 = arith.addf %logistic3A_150, %logistic3A_148 : vector<16384x1xf32>
    %logistic3A_152 = arith.divf %logistic3A_150, %logistic3A_151 : vector<16384x1xf32>
    %swap3A = arith.constant 0 : index
    %swap3A_153 = arith.constant 0 : index
    %swap3A_154 = vector.load %arg16[%swap3A, %swap3A_153] : memref<16384x1xf32, #tpu.memory_space<vmem>>, vector<16384x1xf32>
    tpu.vector_store %arg16[%swap3A, %swap3A_153], %logistic3A_152 {strides = array<i32>} : memref<16384x1xf32, #tpu.memory_space<vmem>>, vector<16384x1xf32>,
    return
  }
}

</mosaic_0001>

<sc_bundles>
// kernel: kernel.4.cloned.1.call-start
scs
__scs_entry_jumppad:
0x0: {  	(pc) =	sbr.rel $0x88, $3  }
0x1: {  	(tag) =	ssettag $0x0;
	lr =	simm.s32 $0x1  }
0x2: {  	[smem:$0x3F89] =	sst lr;
	_ =	strace $0xD0000000  }
0x3: {  	_ = 	snop  }
0x4: {  	_ = 	snop  }
0x5: {  	_ = 	snop  }
0x6: {  	_ = 	snop  }
0x7: {  	_ = 	snop  }
__scs_overlays_trampoline_lowered:
0x8: {  	[smem:$0x3F98] =	sst s0  }
0x9: {  	[smem:$0x3F99] =	sst s1  }
0xa: {  	[smem:$0x3F9A] =	sst s2  }
0xb: {  	[smem:$0x3F9B] =	sst s3  }
0xc: {  	[smem:$0x3F9C] =	sst s4  }
0xd: {  	[smem:$0x3F9D] =	sst s5  }
0xe: {  	[smem:$0x3F9E] =	sst s6  }
0xf: {  	[smem:$0x3F9F] =	sst s7  }
0x10: {  	[smem:$0x3FA0] =	sst s8  }
0x11: {  	[smem:$0x3FA1] =	sst s9;
	s0 =	simm.s32 @!p0 $0x0  }
0x12: {  	s1 =	sld [smem:$0x3F87];
	s0 =	simm.s32 @p0 $0x1  }
0x13: {  	[smem:$0x3FA2] =	sst s0;
	s0 =	simm.s32 @!p1 $0x0  }
0x14: {  	s2 =	sld [smem:$0x3F86];
	s0 =	simm.s32 @p1 $0x1  }
0x15: {  	[smem:$0x3FA3] =	sst s0;
	s0 =	simm.s32 @!p2 $0x0  }
0x16: {  	s3 =	sld [smem:$0x3FDB];
	s0 =	simm.s32 @p2 $0x1  }
0x17: {  	s4 =	simm.s32 $0x1BF5;
	[smem:$0x3FA5] =	sst s0  }
0x18: {  	s0 =	sld [smem:$0x3F88];
	_ =	swait.ge [sflag:s4], $0x0  }
0x19: {  	s7 =	sld [smem:$0x3F89]  }
0x1a: {  	s8 =	sadd.s32 $0xFFFFE003, lr  }
0x1b: {  	s9 =	sadd.s32 $0xFFFFFEF7, lr;
	s5 =	simm.s32 $0xFFFFFFFF;
	p2 =	slt.u32 s8, $0xFFFFF086  }
0x1c: {  	p1 =	slt.u32 s9, $0xF7A;
	s5 =	simm.s32 @!p2 $0x0  }
0x1d: {  	s5 =	simm.s32 @p1 $0x1;
	p0 =	seq.s32 s7, s2  }
0x1e: {  	s7 =	smul.u32 @!p0 $0xF7A, s2;
	p2 =	seq.s32 @!p0 s5, $0x0  }
0x1f: {  	s9 =	smul.u32 $0xF7A, s1;
	s8 =	simm.s32 @!p0 $0x1BF5;
	p2 =	por !p2, p0  }
0x20: {  	[sflag:s8] =	ssyncset.s32 @!p0 $0xFFFFF086;
	s6 =	sadd.s32 @!p0 s3, s7;
	s7 =	simm.s32 @!p0 $0x108  }
0x21: {  	s3 =	sadd.s32 s3, s9;
	s6 =	sadd.s32 @!p0 $0x88, s6;
	s7 =	simm.s32 @p2 $0x1082  }
0x22: {  	[simem:s7], [sflag:s8] =	dma.local @!p0 [hbm:s6], $0xF7A  }
0x23: {  	s9 =	sor.u32 $0xD0000000, s2;
	s6 =	simm.s32 $0x108;
	_ =	swait.ge @!p0 [sflag:s8], $0x0  }
0x24: {  	s3 =	sadd.s32 $0x88, s3;
	s6 =	simm.s32 @!p1 $0x1082;
	[sflag:s4] =	ssyncset.s32 $0xFFFFF086  }
0x25: {  	[simem:s6], [sflag:s4] =	dma.local [hbm:s3], $0xF7A  }
0x26: {  	[smem:$0x3F89] =	sst s1;
	(tag) =	ssettag s2;
	_ =	strace s9  }
0x27: {  	s1 =	sld [smem:$0x3F99]  }
0x28: {  	s2 =	sld [smem:$0x3F9A]  }
0x29: {  	s4 =	sld [smem:$0x3F9C]  }
0x2a: {  	p0 =	seq.s32 s5, $0x0;
	s5 =	sld [smem:$0x3F9D]  }
0x2b: {  	s6 =	sld [smem:$0x3F9E]  }
0x2c: {  	s7 =	sld [smem:$0x3F9F]  }
0x2d: {  	s3 =	simm.s32 $0x108;
	s8 =	sld [smem:$0x3FA0]  }
0x2e: {  	s3 =	simm.s32 @!p0 $0x1082;
	s9 =	sld [smem:$0x3FA1]  }
0x2f: {  	lr =	sadd.s32 s0, s3;
	s0 =	sld [smem:$0x3F98]  }
0x30: {  	s3 =	sld [smem:$0x3F9B]  }
0x31: {  	[smem:$0x3FA4] =	sst s10  }
0x32: {  	s10 =	sld [smem:$0x3FA2];
	_ =	sdelay $0x3  }
0x33: {  	p0 =	seq.s32 s10, $0x1;
	s10 =	sld [smem:$0x3FA4];
	_ =	sdelay $0x3  }
0x34: {  	[smem:$0x3FA4] =	sst s10  }
0x35: {  	s10 =	sld [smem:$0x3FA3];
	_ =	sdelay $0x3  }
0x36: {  	p1 =	seq.s32 s10, $0x1;
	s10 =	sld [smem:$0x3FA4];
	_ =	sdelay $0x3  }
0x37: {  	[smem:$0x3FA4] =	sst s10  }
0x38: {  	s10 =	sld [smem:$0x3FA5]  }
0x39: {  	_ = 	snop;
	(pc) =	sbr.ind lr, $3  }
0x3a: {  	_ = 	snop  }
0x3b: {  	_ = 	snop  }
0x3c: {  	p2 =	seq.s32 s10, $0x1;
	s10 =	sld [smem:$0x3FA4]  }
0x3d: {  	_ =	shalt  }
0x3e: {  	_ =	shalt  }
0x3f: {  	_ =	shalt  }
0x40: {  	_ =	shalt  }
0x41: {  	_ =	shalt  }
0x42: {  	_ =	shalt  }
0x43: {  	_ =	shalt  }
0x44: {  	_ =	shalt  }
0x45: {  	_ =	shalt  }
0x46: {  	_ =	shalt  }
0x47: {  	_ =	shalt  }
0x48: {  	_ =	shalt  }
0x49: {  	_ =	shalt  }
0x4a: {  	_ =	shalt  }
0x4b: {  	_ =	shalt  }
0x4c: {  	_ =	shalt  }
0x4d: {  	_ =	shalt  }
0x4e: {  	_ =	shalt  }
0x4f: {  	_ =	shalt  }
0x50: {  	_ =	shalt  }
0x51: {  	_ =	shalt  }
0x52: {  	_ =	shalt  }
0x53: {  	_ =	shalt  }
0x54: {  	_ =	shalt  }
0x55: {  	_ =	shalt  }
0x56: {  	_ =	shalt  }
0x57: {  	_ =	shalt  }
0x58: {  	_ =	shalt  }
0x59: {  	_ =	shalt  }
0x5a: {  	_ =	shalt  }
0x5b: {  	_ =	shalt  }
0x5c: {  	_ =	shalt  }
0x5d: {  	_ =	shalt  }
0x5e: {  	_ =	shalt  }
0x5f: {  	_ =	shalt  }
0x60: {  	_ =	shalt  }
0x61: {  	_ =	shalt  }
0x62: {  	_ =	shalt  }
0x63: {  	_ =	shalt  }
0x64: {  	_ =	shalt  }
0x65: {  	_ =	shalt  }
0x66: {  	_ =	shalt  }
0x67: {  	_ =	shalt  }
0x68: {  	_ =	shalt  }
0x69: {  	_ =	shalt  }
0x6a: {  	_ =	shalt  }
0x6b: {  	_ =	shalt  }
0x6c: {  	_ =	shalt  }
0x6d: {  	_ =	shalt  }
0x6e: {  	_ =	shalt  }
0x6f: {  	_ =	shalt  }
0x70: {  	_ =	shalt  }
0x71: {  	_ =	shalt  }
0x72: {  	_ =	shalt  }
0x73: {  	_ =	shalt  }
0x74: {  	_ =	shalt  }
0x75: {  	_ =	shalt  }
0x76: {  	_ =	shalt  }
0x77: {  	_ =	shalt  }
0x78: {  	_ =	shalt  }
0x79: {  	_ =	shalt  }
0x7a: {  	_ =	shalt  }
0x7b: {  	_ =	shalt  }
0x7c: {  	_ =	shalt  }
0x7d: {  	_ =	shalt  }
0x7e: {  	_ =	shalt  }
0x7f: {  	_ =	shalt  }
0x80: {  	_ =	shalt  }
0x81: {  	_ =	shalt  }
0x82: {  	_ =	shalt  }
0x83: {  	_ =	shalt  }
0x84: {  	_ =	shalt  }
0x85: {  	_ =	shalt  }
0x86: {  	_ =	shalt  }
0x87: {  	_ =	shalt  }
.Lfunc_end0:
.L_simem_size_0:
called_computation_lowered:
.L_overlay_start_0:
0x88: {  	s2 =	sld [smem:$0x3FD9]  }
0x89: {  	s3 =	sld [smem:$0x3FFE];
	_ =	sdelay $0x1  }
0x8a: {  	s1 =	srdreg.scid  }
0x8b: {  	s0 =	sand.u32 $0x1, s1  }
0x8c: {  	s17 =	sshll.u32 s0, $0xA;
	s2 =	sadd.s32 s3, s2  }
0x8d: {  	s2 =	sadd.s32 s2, s17  }
0x8e: {  	[smem:$0x3FB0] =	sst s2  }
0x8f: {  	_ = 	snop  }
0x90: {  	s2 =	sld [smem:$0x3FC9]  }
0x91: {  	s18 =	sld [smem:$0x3FC8]  }
0x92: {  	s4 =	sld [smem:$0x3FC7];
	(tm) =	ssettm $0x1  }
0x93: {  	s5 =	sld [smem:$0x3FFB];
	_ =	sdelay $0x3  }
0x94: {  	_ =	strace s5  }
0x95: {  	s5 =	sld [smem:$0x3FFC];
	_ =	sdelay $0x3  }
0x96: {  	_ =	strace s5  }
0x97: {  	s5 =	sld [smem:$0x3FFD];
	_ =	sdelay $0x3  }
0x98: {  	_ =	strace s5  }
0x99: {  	_ =	strace $0x8FFFFFFF  }
0x9a: {  	s19 =	sld [smem:$0x3FDB];
	_ =	sdelay $0x1  }
0x9b: {  	s6 =	simm.s32 $_scs_section_size  }
0x9c: {  	s7 =	simm.s32 $_size__tile_overlayer_lowered;
	s8 =	simm.s32 $_tile_overlayer_lowered  }
0x9d: {  	s22 =	simm.s32 $0x1BFF;
	s21 =	sshll.u32 s8, $0x1;
	s5 =	sadd.s32 s6, s19  }
0x9e: {  	s9 =	simm.s32 $0x0;
	s20 =	sshll.u32 s7, $0x1;
	s7 =	sadd.s32 s21, s5  }
0x9f: {  	[timem:s9], [sflag:s22] =	dma.local [hbm:s7], s20  }
0xa0: {  	_ =	swait.ge [sflag:s22], s20  }
0xa1: {  	s6 =	ssub.s32 $0x0, s20;
	[sflag:s22] =	ssyncset.done $0x0  }
0xa2: {  	[sflag:s22] =	ssyncadd.s32 s6;
	_ =	sdelay $0x1  }
0xa3: {  	s23 =	simm.s32 $0x1B8B  }
0xa4: {  	_ =	swait.ge [sflag:s23], $0x1  }
0xa5: {  	[sflag:s23] =	ssyncset.done $0x0  }
0xa6: {  	s25 =	simm.s32 $0x1B8E;
	s24 =	sld [smem:$0x3FFE];
	[sflag:s23] =	ssyncadd.s32 $0xFFFFFFFF  }
0xa7: {  	s26 =	simm.s32 $execute0_lowered;
	[smem:$0x3FD2] =	sst s25  }
0xa8: {  	s7 =	sshll.u32 s26, $0x1;
	_ =	strace $0x80000046;
	[dreg:$0x1] =	wrdreg $0xFFFFFFFF  }
0xa9: {  	s28 =	simm.s32 $_size_execute0_lowered;
	s5 =	sadd.s32 s5, s7;
	[dreg:$0x0] =	wrdreg $0x0  }
0xaa: {  	s7 =	sshll.u32 s28, $0x1;
	[dreg:$0x2] =	wrdreg s5  }
0xab: {  	[dreg:$0x3] =	wrdreg s7  }
0xac: {  	[dreg:$0x4] =	wrdreg $0xC0  }
0xad: {  	_ =	task [dreg:s9], $0x5FFFF  }
0xae: {  	[dreg:$0x1] =	wrdreg $0xFFFFFFFF  }
0xaf: {  	[dreg:$0x0] =	wrdreg $0x60  }
0xb0: {  	[dreg:$0x2] =	wrdreg s2  }
0xb1: {  	[dreg:$0x3] =	wrdreg s18  }
0xb2: {  	[dreg:$0x4] =	wrdreg s4  }
0xb3: {  	[dreg:$0x5] =	wrdreg s24  }
0xb4: {  	[dreg:$0x6] =	wrdreg $0x9  }
0xb5: {  	_ =	task.clear_ibuf [dreg:s9], $0x7FFFF;
	_ =	strace $0x90000046  }
0xb6: {  	s29 =	simm.s32 $0x9;
	_ =	strace $0x80000048  }
0xb7: {  	_ =	swait.ge [sflag:s29], $0x1  }
0xb8: {  	[sflag:s29] =	ssyncadd.s32 $0xFFFFFFFF  }
0xb9: {  	_ =	strace $0x90000048  }
0xba: {  	_ =	sfence  }
0xbb: {  	s30 =	sld [smem:$0x0];
	_ =	sdelay $0x2  }
0xbc: {  	s31 =	sshll.u32 s1, $0xD;
	s1 =	sshrl.u32 s1, $0x2  }
0xbd: {  	s3 =	sand.u32 $0x4000, s31;
	s1 =	sadd.s32 s1, s30  }
0xbe: {  	s0 =	sor.u32 s3, s0;
	s1 =	sshll.u32 s1, $0x11  }
0xbf: {  	s0 =	sor.u32 s1, s0  }
0xc0: {  	s0 =	sadd.s32 $0x8F2B, s0  }
0xc1: {  	[sflag:s0] =	ssyncadd.remote.s32 $0x1  }
0xc2: {  	_ =	sfence.sel $0xFFFF  }
0xc3: {  	[dreg:$0x0] =	wrdreg $0xFFFFFFFF;
	(pc) =	sbr.abs _section_cstart, $3  }
0xc4: {  	[dreg:$0x1] =	wrdreg $0xFFFFFFFF  }
0xc5: {  	_ =	task.clear_ibuf [dreg:s9], $0x2FFFF;
	_ =	strace $0x9FFFFFFF  }
0xc6: {  	(tm) =	ssettm $0x7FFFFFFF  }
0xc7: {  	_ =	shalt  }
tec
execute0_lowered:
.L_overlay_start_1:
0x0: {  	(tag) =	ssettag $0x1  }
0x1: {  	s0 =	rddreg [dreg:$0x0]  }
0x2: {  	s7 =	rddreg [dreg:$0x1]  }
0x3: {  	s8 =	rddreg [dreg:$0x2]  }
0x4: {  	s9 =	rddreg [dreg:$0x3];
	s12 =	srdreg.scid  }
0x5: {  	s1 =	simm.s32 $0x0;
	s15 =	stileid.u32;
	s12 =	sand.u32 $0x1, s12  }
0x6: {  	s15 =	sshll.u32 s15, $0xA;
	s14 =	ssub.s32 $0x2, s12;
	s12 =	sshll.u32 s12, $0x9  }
0x7: {  	s29 =	simm.s32 $0x10600;
	[smem:$0x7FF] =	sst s1;
	s12 =	sor.u32 s12, s15  }
0x8: {  	s2 =	sadd.s32 $0x2DC9600, s9;
	s10 =	sadd.s32 $0x3D0FC00, s9;
	s31 =	sshrl.u32 s12, $0x3  }
0x9: {  	s11 =	sadd.s32 $0x3D4FC00, s9;
	_ =	strace $0x80000047;
	s0 =	sadd.s32 s0, s31  }
0xa: {  	s16 =	sshrl.u32 s14, $0x1;
	s7 =	sadd.s32 s7, s31;
	[dreg:$0x5] =	wrdreg s0  }
0xb: {  	s12 =	sshll.u32 s12, $0x4;
	s15 =	sadd.s32 s8, s31;
	[dreg:$0x6] =	wrdreg s7  }
0xc: {  	s21 =	ssub.s32 s14, s16;
	s16 =	sadd.s32 s10, s12;
	[dreg:$0x7] =	wrdreg s15  }
0xd: {  	s13 =	sadd.s32 $0x3D8FC00, s9;
	s20 =	sadd.s32 s11, s12;
	[dreg:$0x8] =	wrdreg s16  }
0xe: {  	s18 =	sadd.s32 $0x3DCFC00, s9;
	s23 =	sadd.s32 s13, s12;
	[dreg:$0xa] =	wrdreg s20  }
0xf: {  	s3 =	sadd.s32 $0x3D0BC00, s9;
	s25 =	sadd.s32 s18, s12;
	[dreg:$0xc] =	wrdreg s23  }
0x10: {  	s17 =	sor.u32 $0x1000, s12;
	s31 =	smax.u32 s21, $0x1;
	[dreg:$0xe] =	wrdreg s25  }
0x11: {  	s4 =	sadd.s32 $0x1E87000, s9;
	s19 =	sadd.s32 s10, s17;
	[dreg:$0x12] =	wrdreg s31  }
0x12: {  	s5 =	sadd.s32 $0x2400, s9;
	s22 =	sadd.s32 s11, s17;
	[dreg:$0x9] =	wrdreg s19  }
0x13: {  	s6 =	sadd.s32 $0xF44A00, s9;
	s24 =	sadd.s32 s13, s17;
	[dreg:$0xb] =	wrdreg s22  }
0x14: {  	s9 =	sadd.s32 $0x3E0FC00, s9;
	s26 =	sadd.s32 s18, s17;
	[dreg:$0xd] =	wrdreg s24  }
0x15: {  	s30 =	simm.s32 $0x0;
	s0 =	sadd.s32 s9, s12;
	[dreg:$0xf] =	wrdreg s26  }
0x16: {  	s28 =	sadd.s32 s9, s17;
	s25 =	simm.s32 $0x1;
	[dreg:$0x10] =	wrdreg s0  }
0x17: {  	[dreg:$0x11] =	wrdreg s28;
	s22 =	simm.s32 $0x2;
	s26 =	simm.s32 $0x600  }
.LBB2_1:
0x18: {  	s0 =	rddreg [dreg:$0x5]  }
0x19: {  	[tilespmem:s1], [sflag:$0x2] =	stream.linear.gather [hbm4b:s0+s1], $0x200, $0x38;
	[tilespmem:$0x18600] =	vst v63  }
0x1a: {  	_ =	swait.ge [sflag:s22], $0x200  }
0x1b: {  	[sflag:s22] =	ssyncset.done $0x0  }
0x1c: {  	s7 =	simm.s32 $0x200;
	s23 =	rddreg [dreg:$0x6];
	[sflag:s22] =	ssyncadd.s32 $0xFFFFFE00  }
0x1d: {  	[tilespmem:s7], [sflag:$0x2] =	stream.linear.gather [hbm4b:s23+s1], $0x200, $0x38;
	[tilespmem:$0x18600] =	vst v63  }
0x1e: {  	_ =	swait.ge [sflag:s22], $0x200  }
0x1f: {  	[sflag:s22] =	ssyncset.done $0x0  }
0x20: {  	s28 =	simm.s32 $0x400;
	s24 =	rddreg [dreg:$0x7];
	[sflag:s22] =	ssyncadd.s32 $0xFFFFFE00  }
0x21: {  	[tilespmem:s28], [sflag:$0x2] =	stream.linear.gather [hbm4b:s24+s1], $0x200, $0x38;
	[tilespmem:$0x18600] =	vst v63  }
0x22: {  	_ =	swait.ge [sflag:s22], $0x200  }
0x23: {  	[sflag:s22] =	ssyncset.done $0x0  }
0x24: {  	[sflag:s22] =	ssyncadd.s32 $0xFFFFFE00  }
0x25: {  	v0 =	vld [tilespmem:s1+$0x0];
	_ =	sdelay $0x4  }
0x26: {  	v0 =	vshll.u32 v0, $0x4  }
0x27: {  	(v2sf) =	vpush v0, $0x0  }
0x28: {  	(v2sf) =	vpush v0, $0x1  }
0x29: {  	(v2sf) =	vpush v0, $0x2;
	_ =	sdelay $0x1  }
0x2a: {  	(v2sf) =	vpush v0, $0x4;
	_ =	sdelay $0x1  }
0x2b: {  	(v2sf) =	vpush v0, $0x3  }
0x2c: {  	(v2sf) =	vpush v0, $0x5  }
0x2d: {  	s31 =	simm.s32 $0x0;
	s0 =	simm.s32 $0x2000;
	s7 =	simm.s32 $0x0;
	(v2sf) =	vpush v0, $0x6  }
.LBB2_2:
0x2e: {  	p0 =	sne.s32 s0, $0x1E000  }
0x2f: {  	s14 =	sadd.s32 $0x680, s31;
	s8 =	sadd.s32 $0xB80, s31;
	s23 =	smov.u32 s0  }
0x30: {  	s0 =	sadd.s32 $0x2000, s0;
	s11 =	sadd.s32 $0x980, s31;
	s24 =	sadd.s32 $0xC00, s31;
	(v2sf) =	vpush v0, $0x7  }
0x31: {  	s13 =	sadd.s32 $0x880, s31;
	s10 =	sadd.s32 $0xA00, s31;
	s28 =	sadd.s32 $0xC80, s31  }
0x32: {  	s15 =	sadd.s32 $0x600, s31;
	s16 =	sadd.s32 $0x800, s31;
	(v2sf) =	vpush v0, $0x8  }
0x33: {  	s17 =	sadd.s32 $0x900, s31;
	s7 =	sadd.s32 $0x10, s7  }
0x34: {  	s18 =	sadd.s32 $0x700, s31;
	s9 =	sadd.s32 $0xB00, s31;
	s12 =	spop (v2sf);
	(v2sf) =	vpush v0, $0x9  }
0x35: {  	s19 =	sand.u32 $0x1FFFFFF0, s12;
	s12 =	sadd.s32 $0xA80, s31;
	s20 =	spop (v2sf)  }
0x36: {  	s19 =	sadd.s32 s4, s19;
	s20 =	sand.u32 $0x1FFFFFF0, s20;
	s21 =	spop (v2sf);
	(v2sf) =	vpush v0, $0xA  }
0x37: {  	[tilespmem:s15], [sflag:$0x1] =	stream.linear.gather [hbm4b:s19+s1], $0x80, $0x38;
	[tilespmem:$0x18600] =	vst v63  }
0x38: {  	s15 =	sadd.s32 s4, s20;
	s19 =	sadd.s32 $0x780, s31;
	s20 =	spop (v2sf);
	(v2sf) =	vpush v0, $0xB  }
0x39: {  	[tilespmem:s14], [sflag:$0x1] =	stream.linear.gather [hbm4b:s15+s1], $0x80, $0x38;
	[tilespmem:$0x18600] =	vst v63  }
0x3a: {  	s14 =	sand.u32 $0x1FFFFFF0, s21;
	s15 =	sand.u32 $0x1FFFFFF0, s20;
	s20 =	spop (v2sf);
	(v2sf) =	vpush v0, $0xC  }
0x3b: {  	s14 =	sadd.s32 s4, s14;
	s20 =	sand.u32 $0x1FFFFFF0, s20;
	s21 =	spop (v2sf)  }
0x3c: {  	[tilespmem:s18], [sflag:$0x1] =	stream.linear.gather [hbm4b:s14+s1], $0x80, $0x38;
	(v2sf) =	vpush v0, $0xD;
	[tilespmem:$0x18600] =	vst v63  }
0x3d: {  	s14 =	sadd.s32 s4, s20;
	s18 =	sand.u32 $0x1FFFFFF0, s21;
	s20 =	spop (v2sf)  }
0x3e: {  	[tilespmem:s19], [sflag:$0x1] =	stream.linear.gather [hbm4b:s14+s1], $0x80, $0x38;
	(v2sf) =	vpush v0, $0xE;
	[tilespmem:$0x18600] =	vst v63  }
0x3f: {  	s14 =	sadd.s32 s4, s15;
	s15 =	sand.u32 $0x1FFFFFF0, s20;
	s19 =	spop (v2sf)  }
0x40: {  	[tilespmem:s16], [sflag:$0x1] =	stream.linear.gather [hbm4b:s14+s1], $0x80, $0x38;
	(v2sf) =	vpush v0, $0xF;
	[tilespmem:$0x18600] =	vst v63  }
0x41: {  	s14 =	sadd.s32 s4, s18;
	s16 =	sand.u32 $0x1FFFFFF0, s19;
	s18 =	spop (v2sf)  }
0x42: {  	[tilespmem:s13], [sflag:$0x1] =	stream.linear.gather [hbm4b:s14+s1], $0x80, $0x38;
	[tilespmem:$0x18600] =	vst v63  }
0x43: {  	s13 =	sadd.s32 s4, s15;
	s14 =	sand.u32 $0x1FFFFFF0, s18;
	s15 =	spop (v2sf)  }
0x44: {  	[tilespmem:s17], [sflag:$0x1] =	stream.linear.gather [hbm4b:s13+s1], $0x80, $0x38;
	[tilespmem:$0x18600] =	vst v63  }
0x45: {  	s13 =	sadd.s32 s4, s16;
	s15 =	sand.u32 $0x1FFFFFF0, s15;
	s16 =	spop (v2sf)  }
0x46: {  	[tilespmem:s11], [sflag:$0x1] =	stream.linear.gather [hbm4b:s13+s1], $0x80, $0x38;
	[tilespmem:$0x18600] =	vst v63  }
0x47: {  	s11 =	sadd.s32 s4, s14;
	s13 =	sand.u32 $0x1FFFFFF0, s16;
	s14 =	spop (v2sf)  }
0x48: {  	[tilespmem:s10], [sflag:$0x1] =	stream.linear.gather [hbm4b:s11+s1], $0x80, $0x38;
	[tilespmem:$0x18600] =	vst v63  }
0x49: {  	s10 =	sadd.s32 s4, s15;
	s11 =	sand.u32 $0x1FFFFFF0, s14;
	s14 =	spop (v2sf)  }
0x4a: {  	[tilespmem:s12], [sflag:$0x1] =	stream.linear.gather [hbm4b:s10+s1], $0x80, $0x38;
	[tilespmem:$0x18600] =	vst v63  }
0x4b: {  	s10 =	sadd.s32 s4, s13;
	s12 =	sand.u32 $0x1FFFFFF0, s14;
	s13 =	spop (v2sf)  }
0x4c: {  	[tilespmem:s9], [sflag:$0x1] =	stream.linear.gather [hbm4b:s10+s1], $0x80, $0x38;
	[tilespmem:$0x18600] =	vst v63  }
0x4d: {  	s9 =	sadd.s32 s4, s11;
	s10 =	sand.u32 $0x1FFFFFF0, s13;
	s11 =	spop (v2sf)  }
0x4e: {  	[tilespmem:s8], [sflag:$0x1] =	stream.linear.gather [hbm4b:s9+s1], $0x80, $0x38;
	[tilespmem:$0x18600] =	vst v63  }
0x4f: {  	s8 =	sadd.s32 s4, s12;
	s9 =	sand.u32 $0x1FFFFFF0, s11;
	s11 =	spop (v2sf)  }
0x50: {  	[tilespmem:s24], [sflag:$0x1] =	stream.linear.gather [hbm4b:s8+s1], $0x80, $0x38;
	[tilespmem:$0x18600] =	vst v63  }
0x51: {  	s8 =	sadd.s32 s4, s10;
	s10 =	sand.u32 $0x1FFFFFF0, s11  }
0x52: {  	[tilespmem:s28], [sflag:$0x1] =	stream.linear.gather [hbm4b:s8+s1], $0x80, $0x38;
	[tilespmem:$0x18600] =	vst v63  }
0x53: {  	s9 =	sadd.s32 s4, s9;
	s8 =	sadd.s32 $0xD00, s31  }
0x54: {  	[tilespmem:s8], [sflag:$0x1] =	stream.linear.gather [hbm4b:s9+s1], $0x80, $0x38;
	[tilespmem:$0x18600] =	vst v63  }
0x55: {  	s8 =	sadd.s32 $0xD80, s31;
	s9 =	sadd.s32 s4, s10  }
0x56: {  	[tilespmem:s8], [sflag:$0x1] =	stream.linear.gather [hbm4b:s9+s1], $0x80, $0x38;
	[tilespmem:$0x18600] =	vst v63  }
0x57: {  	v0 =	vld [tilespmem:s7+$0x0];
	_ =	sdelay $0x4  }
0x58: {  	v0 =	vshll.u32 v0, $0x4  }
0x59: {  	(v2sf) =	vpush v0, $0x0  }
0x5a: {  	(v2sf) =	vpush v0, $0x1  }
0x5b: {  	(v2sf) =	vpush v0, $0x2;
	_ =	sdelay $0x1  }
0x5c: {  	(v2sf) =	vpush v0, $0x4  }
.Ltmp0:
0x5d: {  	(pc) =	sbr.rel @p0 .LBB2_2-.Ltmp0, $3  }
0x5e: {  	(v2sf) =	vpush v0, $0x3  }
0x5f: {  	(v2sf) =	vpush v0, $0x5;
	_ =	sdelay $0x1  }
0x60: {  	s31 =	sshra.s32 s23, $0x2;
	(v2sf) =	vpush v0, $0x6  }
0x61: {  	_ =	sdelay $0x1  }
0x62: {  	s9 =	sadd.s32 $0x680, s31;
	s8 =	sadd.s32 $0xB80, s31  }
0x63: {  	s10 =	sadd.s32 $0x980, s31;
	s0 =	sadd.s32 $0xC00, s31;
	(v2sf) =	vpush v0, $0x7;
	s11 =	sadd.s32 $0x880, s31  }
0x64: {  	s12 =	sadd.s32 $0xA00, s31;
	s7 =	sadd.s32 $0xC80, s31;
	s13 =	sadd.s32 $0x600, s31  }
0x65: {  	s14 =	sadd.s32 $0x800, s31;
	s15 =	sadd.s32 $0x900, s31;
	(v2sf) =	vpush v0, $0x8;
	s16 =	spop (v2sf)  }
0x66: {  	s17 =	sadd.s32 $0x700, s31;
	s16 =	sand.u32 $0x1FFFFFF0, s16;
	s18 =	spop (v2sf)  }
0x67: {  	(v2sf) =	vpush v0, $0x9;
	s16 =	sadd.s32 s4, s16;
	s18 =	sand.u32 $0x1FFFFFF0, s18;
	s19 =	spop (v2sf)  }
0x68: {  	[tilespmem:s13], [sflag:$0x1] =	stream.linear.gather [hbm4b:s16+s1], $0x80, $0x38;
	[tilespmem:$0x18600] =	vst v63  }
0x69: {  	s20 =	sadd.s32 $0x780, s31;
	(v2sf) =	vpush v0, $0xA;
	s24 =	sadd.s32 s4, s18;
	s28 =	spop (v2sf)  }
0x6a: {  	[tilespmem:s9], [sflag:$0x1] =	stream.linear.gather [hbm4b:s24+s1], $0x80, $0x38;
	[tilespmem:$0x18600] =	vst v63  }
0x6b: {  	s13 =	sadd.s32 $0xB00, s31;
	s21 =	sand.u32 $0x1FFFFFF0, s19;
	(v2sf) =	vpush v0, $0xB;
	s23 =	spop (v2sf)  }
0x6c: {  	s16 =	sadd.s32 s4, s21;
	s9 =	sadd.s32 $0xA80, s31;
	s19 =	sand.u32 $0x1FFFFFF0, s23  }
0x6d: {  	(v2sf) =	vpush v0, $0xC;
	[tilespmem:s17], [sflag:$0x1] =	stream.linear.gather [hbm4b:s16+s1], $0x80, $0x38;
	[tilespmem:$0x18600] =	vst v63  }
0x6e: {  	s24 =	sand.u32 $0x1FFFFFF0, s28;
	s28 =	spop (v2sf);
	s21 =	sadd.s32 s4, s19  }
0x6f: {  	(v2sf) =	vpush v0, $0xD;
	[tilespmem:s20], [sflag:$0x1] =	stream.linear.gather [hbm4b:s21+s1], $0x80, $0x38;
	[tilespmem:$0x18600] =	vst v63  }
0x70: {  	s16 =	sadd.s32 s4, s24;
	s17 =	sand.u32 $0x1FFFFFF0, s28;
	s23 =	spop (v2sf)  }
0x71: {  	(v2sf) =	vpush v0, $0xE;
	[tilespmem:s14], [sflag:$0x1] =	stream.linear.gather [hbm4b:s16+s1], $0x80, $0x38;
	[tilespmem:$0x18600] =	vst v63  }
0x72: {  	s17 =	sadd.s32 s4, s17;
	s24 =	sand.u32 $0x1FFFFFF0, s23;
	s28 =	spop (v2sf)  }
0x73: {  	(v2sf) =	vpush v0, $0xF;
	[tilespmem:s11], [sflag:$0x1] =	stream.linear.gather [hbm4b:s17+s1], $0x80, $0x38;
	[tilespmem:$0x18600] =	vst v63  }
0x74: {  	s18 =	sand.u32 $0x1FFFFFF0, s28;
	s19 =	spop (v2sf);
	s14 =	sadd.s32 s4, s24  }
0x75: {  	[tilespmem:s15], [sflag:$0x1] =	stream.linear.gather [hbm4b:s14+s1], $0x80, $0x38;
	[tilespmem:$0x18600] =	vst v63  }
0x76: {  	s20 =	sand.u32 $0x1FFFFFF0, s19;
	s11 =	sadd.s32 s4, s18;
	s21 =	spop (v2sf)  }
0x77: {  	[tilespmem:s10], [sflag:$0x1] =	stream.linear.gather [hbm4b:s11+s1], $0x80, $0x38;
	[tilespmem:$0x18600] =	vst v63  }
0x78: {  	s14 =	sadd.s32 s4, s20;
	s23 =	sand.u32 $0x1FFFFFF0, s21;
	s24 =	spop (v2sf)  }
0x79: {  	[tilespmem:s12], [sflag:$0x1] =	stream.linear.gather [hbm4b:s14+s1], $0x80, $0x38;
	[tilespmem:$0x18600] =	vst v63  }
0x7a: {  	s11 =	sand.u32 $0x1FFFFFF0, s24;
	s10 =	sadd.s32 s4, s23;
	s28 =	spop (v2sf)  }
0x7b: {  	[tilespmem:s9], [sflag:$0x1] =	stream.linear.gather [hbm4b:s10+s1], $0x80, $0x38;
	[tilespmem:$0x18600] =	vst v63  }
0x7c: {  	s11 =	sadd.s32 s4, s11;
	s12 =	sand.u32 $0x1FFFFFF0, s28;
	s14 =	spop (v2sf)  }
0x7d: {  	[tilespmem:s13], [sflag:$0x1] =	stream.linear.gather [hbm4b:s11+s1], $0x80, $0x38;
	[tilespmem:$0x18600] =	vst v63  }
0x7e: {  	s9 =	sadd.s32 s4, s12;
	s10 =	sand.u32 $0x1FFFFFF0, s14;
	s15 =	spop (v2sf)  }
0x7f: {  	[tilespmem:s8], [sflag:$0x1] =	stream.linear.gather [hbm4b:s9+s1], $0x80, $0x38;
	[tilespmem:$0x18600] =	vst v63  }
0x80: {  	s16 =	sand.u32 $0x1FFFFFF0, s15;
	s10 =	sadd.s32 s4, s10;
	s17 =	spop (v2sf)  }
0x81: {  	[tilespmem:s0], [sflag:$0x1] =	stream.linear.gather [hbm4b:s10+s1], $0x80, $0x38;
	[tilespmem:$0x18600] =	vst v63  }
0x82: {  	s18 =	sand.u32 $0x1FFFFFF0, s17;
	s19 =	spop (v2sf);
	s8 =	sadd.s32 s4, s16  }
0x83: {  	[tilespmem:s7], [sflag:$0x1] =	stream.linear.gather [hbm4b:s8+s1], $0x80, $0x38;
	[tilespmem:$0x18600] =	vst v63  }
0x84: {  	s21 =	sadd.s32 $0xD00, s31;
	s20 =	sand.u32 $0x1FFFFFF0, s19;
	s0 =	sadd.s32 s4, s18  }
0x85: {  	[tilespmem:s21], [sflag:$0x1] =	stream.linear.gather [hbm4b:s0+s1], $0x80, $0x38;
	[tilespmem:$0x18600] =	vst v63  }
0x86: {  	s23 =	sadd.s32 $0xD80, s31;
	s7 =	sadd.s32 s4, s20  }
0x87: {  	[tilespmem:s23], [sflag:$0x1] =	stream.linear.gather [hbm4b:s7+s1], $0x80, $0x38;
	[tilespmem:$0x18600] =	vst v63  }
0x88: {  	_ =	swait.ge [sflag:s25], $0x8000  }
0x89: {  	[sflag:s25] =	ssyncset.done $0x0  }
0x8a: {  	s31 =	simm.s32 $0x0;
	s24 =	rddreg [dreg:$0x8];
	[sflag:s25] =	ssyncadd.s32 $0xFFFF8000  }
0x8b: {  	[hbm4b:s24+s31] =	stream.linear.scatter [tilespmem:s26], [sflag:$0x2], $0x8000, $0x38;
	[tilespmem:$0x18600] =	vst v63  }
0x8c: {  	_ =	swait.ge [sflag:s22], $0x8000  }
0x8d: {  	[sflag:s22] =	ssyncset.done $0x0  }
0x8e: {  	s28 =	sand.u32 $0xF0, s31;
	[sflag:s22] =	ssyncadd.s32 $0xFFFF8000  }
0x8f: {  	v0 =	vld [tilespmem:s28+$0x100];
	_ =	sdelay $0x4  }
0x90: {  	v0 =	vshll.u32 v0, $0x4  }
0x91: {  	(v2sf) =	vpush v0, $0x0  }
0x92: {  	(v2sf) =	vpush v0, $0x2  }
0x93: {  	(v2sf) =	vpush v0, $0x1;
	_ =	sdelay $0x1  }
0x94: {  	(v2sf) =	vpush v0, $0x3  }
0x95: {  	(v2sf) =	vpush v0, $0x4;
	_ =	sdelay $0x2  }
0x96: {  	s0 =	simm.s32 $0x2000;
	s7 =	simm.s32 $0x10  }
.LBB2_4:
0x97: {  	p0 =	sne.s32 s0, $0x1E000;
	(v2sf) =	vpush v0, $0x5;
	s8 =	smov.u32 s0;
	s0 =	sadd.s32 $0x2000, s0  }
0x98: {  	s23 =	sshra.s32 s31, $0x2;
	s31 =	smov.u32 s8  }
0x99: {  	s13 =	sadd.s32 $0x680, s23;
	(v2sf) =	vpush v0, $0x6  }
0x9a: {  	s14 =	sadd.s32 $0x600, s23  }
0x9b: {  	s28 =	sadd.s32 $0xB80, s23;
	s8 =	sadd.s32 $0xC00, s23;
	s24 =	sadd.s32 $0xC80, s23;
	(v2sf) =	vpush v0, $0x7  }
0x9c: {  	s11 =	sadd.s32 $0xA00, s23;
	s10 =	sadd.s32 $0xA80, s23;
	s9 =	sadd.s32 $0xB00, s23  }
0x9d: {  	s15 =	sadd.s32 $0x900, s23;
	s12 =	sadd.s32 $0x980, s23;
	s16 =	spop (v2sf);
	(v2sf) =	vpush v0, $0x8  }
0x9e: {  	s17 =	sadd.s32 $0x700, s23;
	s16 =	sand.u32 $0x1FFFFFF0, s16;
	s18 =	spop (v2sf)  }
0x9f: {  	s19 =	sadd.s32 $0x880, s23;
	s16 =	sadd.s32 s4, s16;
	s20 =	spop (v2sf);
	(v2sf) =	vpush v0, $0x9  }
0xa0: {  	[tilespmem:s14], [sflag:$0x1] =	stream.linear.gather [hbm4b:s16+s1], $0x80, $0x38;
	[tilespmem:$0x18600] =	vst v63  }
0xa1: {  	s14 =	sand.u32 $0x1FFFFFF0, s20;
	s16 =	sand.u32 $0x1FFFFFF0, s18;
	s18 =	spop (v2sf);
	(v2sf) =	vpush v0, $0xA  }
0xa2: {  	s20 =	sadd.s32 $0x800, s23;
	s14 =	sadd.s32 s4, s14;
	s21 =	spop (v2sf)  }
0xa3: {  	[tilespmem:s13], [sflag:$0x1] =	stream.linear.gather [hbm4b:s14+s1], $0x80, $0x38;
	(v2sf) =	vpush v0, $0xB;
	[tilespmem:$0x18600] =	vst v63  }
0xa4: {  	s13 =	sadd.s32 s4, s16;
	s14 =	sand.u32 $0x1FFFFFF0, s18;
	s16 =	sand.u32 $0x1FFFFFF0, s21  }
0xa5: {  	[tilespmem:s17], [sflag:$0x1] =	stream.linear.gather [hbm4b:s13+s1], $0x80, $0x38;
	(v2sf) =	vpush v0, $0xC;
	[tilespmem:$0x18600] =	vst v63  }
0xa6: {  	s14 =	sadd.s32 s4, s14;
	s13 =	sadd.s32 $0x780, s23;
	s17 =	spop (v2sf)  }
0xa7: {  	[tilespmem:s13], [sflag:$0x1] =	stream.linear.gather [hbm4b:s14+s1], $0x80, $0x38;
	(v2sf) =	vpush v0, $0xD;
	[tilespmem:$0x18600] =	vst v63  }
0xa8: {  	s13 =	sadd.s32 s4, s16;
	s14 =	sand.u32 $0x1FFFFFF0, s17;
	s16 =	spop (v2sf)  }
0xa9: {  	[tilespmem:s20], [sflag:$0x1] =	stream.linear.gather [hbm4b:s13+s1], $0x80, $0x38;
	(v2sf) =	vpush v0, $0xE;
	[tilespmem:$0x18600] =	vst v63  }
0xaa: {  	s13 =	sadd.s32 s4, s14;
	s14 =	sand.u32 $0x1FFFFFF0, s16;
	s16 =	spop (v2sf)  }
0xab: {  	[tilespmem:s19], [sflag:$0x1] =	stream.linear.gather [hbm4b:s13+s1], $0x80, $0x38;
	(v2sf) =	vpush v0, $0xF;
	[tilespmem:$0x18600] =	vst v63  }
0xac: {  	s13 =	sadd.s32 s4, s14;
	s14 =	sand.u32 $0x1FFFFFF0, s16;
	s16 =	spop (v2sf)  }
0xad: {  	[tilespmem:s15], [sflag:$0x1] =	stream.linear.gather [hbm4b:s13+s1], $0x80, $0x38;
	[tilespmem:$0x18600] =	vst v63  }
0xae: {  	s13 =	sadd.s32 s4, s14;
	s14 =	sand.u32 $0x1FFFFFF0, s16;
	s15 =	spop (v2sf)  }
0xaf: {  	[tilespmem:s12], [sflag:$0x1] =	stream.linear.gather [hbm4b:s13+s1], $0x80, $0x38;
	[tilespmem:$0x18600] =	vst v63  }
0xb0: {  	s12 =	sadd.s32 s4, s14;
	s13 =	sand.u32 $0x1FFFFFF0, s15;
	s14 =	spop (v2sf)  }
0xb1: {  	[tilespmem:s11], [sflag:$0x1] =	stream.linear.gather [hbm4b:s12+s1], $0x80, $0x38;
	[tilespmem:$0x18600] =	vst v63  }
0xb2: {  	s11 =	sadd.s32 s4, s13;
	s12 =	sand.u32 $0x1FFFFFF0, s14;
	s13 =	spop (v2sf)  }
0xb3: {  	[tilespmem:s10], [sflag:$0x1] =	stream.linear.gather [hbm4b:s11+s1], $0x80, $0x38;
	[tilespmem:$0x18600] =	vst v63  }
0xb4: {  	s10 =	sadd.s32 s4, s12;
	s11 =	sand.u32 $0x1FFFFFF0, s13;
	s12 =	spop (v2sf)  }
0xb5: {  	[tilespmem:s9], [sflag:$0x1] =	stream.linear.gather [hbm4b:s10+s1], $0x80, $0x38;
	[tilespmem:$0x18600] =	vst v63  }
0xb6: {  	s9 =	sadd.s32 s4, s11;
	s10 =	sand.u32 $0x1FFFFFF0, s12;
	s11 =	spop (v2sf)  }
0xb7: {  	[tilespmem:s28], [sflag:$0x1] =	stream.linear.gather [hbm4b:s9+s1], $0x80, $0x38;
	[tilespmem:$0x18600] =	vst v63  }
0xb8: {  	s9 =	sadd.s32 s4, s10;
	s10 =	sand.u32 $0x1FFFFFF0, s11;
	s11 =	spop (v2sf)  }
0xb9: {  	[tilespmem:s8], [sflag:$0x1] =	stream.linear.gather [hbm4b:s9+s1], $0x80, $0x38;
	[tilespmem:$0x18600] =	vst v63  }
0xba: {  	s8 =	sadd.s32 s4, s10;
	s9 =	sand.u32 $0x1FFFFFF0, s11;
	s10 =	spop (v2sf)  }
0xbb: {  	[tilespmem:s24], [sflag:$0x1] =	stream.linear.gather [hbm4b:s8+s1], $0x80, $0x38;
	[tilespmem:$0x18600] =	vst v63  }
0xbc: {  	s9 =	sadd.s32 s4, s9;
	s8 =	sadd.s32 $0xD00, s23;
	s10 =	sand.u32 $0x1FFFFFF0, s10  }
0xbd: {  	[tilespmem:s8], [sflag:$0x1] =	stream.linear.gather [hbm4b:s9+s1], $0x80, $0x38;
	[tilespmem:$0x18600] =	vst v63  }
0xbe: {  	s10 =	sadd.s32 s4, s10;
	s8 =	sand.u32 $0xF0, s7;
	s9 =	sadd.s32 $0xD80, s23  }
0xbf: {  	[tilespmem:s9], [sflag:$0x1] =	stream.linear.gather [hbm4b:s10+s1], $0x80, $0x38;
	[tilespmem:$0x18600] =	vst v63  }
0xc0: {  	v0 =	vld [tilespmem:s8+$0x100];
	_ =	sdelay $0x4  }
0xc1: {  	v0 =	vshll.u32 v0, $0x4  }
0xc2: {  	(v2sf) =	vpush v0, $0x0  }
0xc3: {  	(v2sf) =	vpush v0, $0x2  }
0xc4: {  	(v2sf) =	vpush v0, $0x1;
	_ =	sdelay $0x1  }
.Ltmp1:
0xc5: {  	(v2sf) =	vpush v0, $0x3;
	(pc) =	sbr.rel @p0 .LBB2_4-.Ltmp1, $2  }
0xc6: {  	(v2sf) =	vpush v0, $0x4;
	_ =	sdelay $0x2  }
0xc7: {  	s7 =	sadd.s32 $0x10, s7  }
0xc8: {  	(v2sf) =	vpush v0, $0x5;
	_ =	sdelay $0x1  }
0xc9: {  	s0 =	sshra.s32 s31, $0x2;
	(v2sf) =	vpush v0, $0x6  }
0xca: {  	s10 =	sadd.s32 $0x680, s0;
	s11 =	sadd.s32 $0x600, s0  }
0xcb: {  	s9 =	sadd.s32 $0xB80, s0;
	s8 =	sadd.s32 $0xC00, s0;
	s7 =	sadd.s32 $0xC80, s0;
	(v2sf) =	vpush v0, $0x7  }
0xcc: {  	s12 =	sadd.s32 $0xA00, s0;
	s13 =	sadd.s32 $0xA80, s0;
	s14 =	sadd.s32 $0xB00, s0  }
0xcd: {  	s15 =	sadd.s32 $0x900, s0;
	s16 =	sadd.s32 $0x980, s0;
	s17 =	spop (v2sf);
	(v2sf) =	vpush v0, $0x8  }
0xce: {  	s18 =	sadd.s32 $0x700, s0;
	s17 =	sand.u32 $0x1FFFFFF0, s17;
	s19 =	spop (v2sf)  }
0xcf: {  	s20 =	sadd.s32 $0x880, s0;
	s17 =	sadd.s32 s4, s17;
	s21 =	spop (v2sf);
	(v2sf) =	vpush v0, $0x9  }
0xd0: {  	[tilespmem:s11], [sflag:$0x1] =	stream.linear.gather [hbm4b:s17+s1], $0x80, $0x38;
	[tilespmem:$0x18600] =	vst v63  }
0xd1: {  	s24 =	sand.u32 $0x1FFFFFF0, s19;
	s23 =	sand.u32 $0x1FFFFFF0, s21;
	s28 =	spop (v2sf);
	(v2sf) =	vpush v0, $0xA  }
0xd2: {  	s21 =	sadd.s32 $0x800, s0;
	s11 =	sadd.s32 s4, s23;
	s23 =	spop (v2sf)  }
0xd3: {  	[tilespmem:s10], [sflag:$0x1] =	stream.linear.gather [hbm4b:s11+s1], $0x80, $0x38;
	(v2sf) =	vpush v0, $0xB;
	[tilespmem:$0x18600] =	vst v63  }
0xd4: {  	s17 =	sadd.s32 s4, s24;
	s24 =	sadd.s32 $0x780, s0;
	s19 =	sand.u32 $0x1FFFFFF0, s28  }
0xd5: {  	(v2sf) =	vpush v0, $0xC;
	[tilespmem:s18], [sflag:$0x1] =	stream.linear.gather [hbm4b:s17+s1], $0x80, $0x38;
	[tilespmem:$0x18600] =	vst v63  }
0xd6: {  	s23 =	sand.u32 $0x1FFFFFF0, s23;
	s11 =	sadd.s32 s4, s19;
	s28 =	spop (v2sf)  }
0xd7: {  	[tilespmem:s24], [sflag:$0x1] =	stream.linear.gather [hbm4b:s11+s1], $0x80, $0x38;
	(v2sf) =	vpush v0, $0xD;
	[tilespmem:$0x18600] =	vst v63  }
0xd8: {  	s17 =	sadd.s32 s4, s23;
	s18 =	sand.u32 $0x1FFFFFF0, s28;
	s19 =	spop (v2sf)  }
0xd9: {  	(v2sf) =	vpush v0, $0xE;
	[tilespmem:s21], [sflag:$0x1] =	stream.linear.gather [hbm4b:s17+s1], $0x80, $0x38;
	[tilespmem:$0x18600] =	vst v63  }
0xda: {  	s23 =	sadd.s32 s4, s18;
	s24 =	sand.u32 $0x1FFFFFF0, s19;
	s28 =	spop (v2sf)  }
0xdb: {  	(v2sf) =	vpush v0, $0xF;
	[tilespmem:s20], [sflag:$0x1] =	stream.linear.gather [hbm4b:s23+s1], $0x80, $0x38;
	[tilespmem:$0x18600] =	vst v63  }
0xdc: {  	s11 =	sadd.s32 s4, s24;
	s17 =	sand.u32 $0x1FFFFFF0, s28;
	s18 =	spop (v2sf)  }
0xdd: {  	[tilespmem:s15], [sflag:$0x1] =	stream.linear.gather [hbm4b:s11+s1], $0x80, $0x38;
	[tilespmem:$0x18600] =	vst v63  }
0xde: {  	s19 =	sadd.s32 s4, s17;
	s20 =	sand.u32 $0x1FFFFFF0, s18;
	s21 =	spop (v2sf)  }
0xdf: {  	[tilespmem:s16], [sflag:$0x1] =	stream.linear.gather [hbm4b:s19+s1], $0x80, $0x38;
	[tilespmem:$0x18600] =	vst v63  }
0xe0: {  	s23 =	sadd.s32 s4, s20;
	s24 =	sand.u32 $0x1FFFFFF0, s21;
	s28 =	spop (v2sf)  }
0xe1: {  	[tilespmem:s12], [sflag:$0x1] =	stream.linear.gather [hbm4b:s23+s1], $0x80, $0x38;
	[tilespmem:$0x18600] =	vst v63  }
0xe2: {  	s16 =	sadd.s32 s4, s24;
	s17 =	sand.u32 $0x1FFFFFF0, s28;
	s18 =	spop (v2sf)  }
0xe3: {  	[tilespmem:s13], [sflag:$0x1] =	stream.linear.gather [hbm4b:s16+s1], $0x80, $0x38;
	[tilespmem:$0x18600] =	vst v63  }
0xe4: {  	s19 =	sadd.s32 s4, s17;
	s20 =	sand.u32 $0x1FFFFFF0, s18;
	s21 =	spop (v2sf)  }
0xe5: {  	[tilespmem:s14], [sflag:$0x1] =	stream.linear.gather [hbm4b:s19+s1], $0x80, $0x38;
	[tilespmem:$0x18600] =	vst v63  }
0xe6: {  	s23 =	sadd.s32 s4, s20;
	s24 =	sand.u32 $0x1FFFFFF0, s21;
	s28 =	spop (v2sf)  }
0xe7: {  	[tilespmem:s9], [sflag:$0x1] =	stream.linear.gather [hbm4b:s23+s1], $0x80, $0x38;
	[tilespmem:$0x18600] =	vst v63  }
0xe8: {  	s13 =	sadd.s32 s4, s24;
	s14 =	sand.u32 $0x1FFFFFF0, s28;
	s15 =	spop (v2sf)  }
0xe9: {  	[tilespmem:s8], [sflag:$0x1] =	stream.linear.gather [hbm4b:s13+s1], $0x80, $0x38;
	[tilespmem:$0x18600] =	vst v63  }
0xea: {  	s16 =	sadd.s32 s4, s14;
	s17 =	sand.u32 $0x1FFFFFF0, s15;
	s18 =	spop (v2sf)  }
0xeb: {  	[tilespmem:s7], [sflag:$0x1] =	stream.linear.gather [hbm4b:s16+s1], $0x80, $0x38;
	[tilespmem:$0x18600] =	vst v63  }
0xec: {  	s19 =	sadd.s32 $0xD00, s0;
	s20 =	sadd.s32 s4, s17;
	s21 =	sand.u32 $0x1FFFFFF0, s18  }
0xed: {  	[tilespmem:s19], [sflag:$0x1] =	stream.linear.gather [hbm4b:s20+s1], $0x80, $0x38;
	[tilespmem:$0x18600] =	vst v63  }
0xee: {  	s0 =	sadd.s32 $0xD80, s0;
	s23 =	sadd.s32 s4, s21  }
0xef: {  	[tilespmem:s0], [sflag:$0x1] =	stream.linear.gather [hbm4b:s23+s1], $0x80, $0x38;
	[tilespmem:$0x18600] =	vst v63  }
0xf0: {  	_ =	swait.ge [sflag:s25], $0x8000  }
0xf1: {  	[sflag:s25] =	ssyncset.done $0x0  }
0xf2: {  	s24 =	simm.s32 $0x0;
	s28 =	rddreg [dreg:$0x9];
	[sflag:s25] =	ssyncadd.s32 $0xFFFF8000  }
0xf3: {  	[hbm4b:s28+s24] =	stream.linear.scatter [tilespmem:s26], [sflag:$0x2], $0x8000, $0x38;
	[tilespmem:$0x18600] =	vst v63  }
0xf4: {  	_ =	swait.ge [sflag:s22], $0x8000  }
0xf5: {  	[sflag:s22] =	ssyncset.done $0x0  }
0xf6: {  	s0 =	simm.s32 $0x200;
	[sflag:s22] =	ssyncadd.s32 $0xFFFF8000  }
0xf7: {  	v0 =	vld [tilespmem:s0+$0x0];
	_ =	sdelay $0x4  }
0xf8: {  	v0 =	vshll.u32 v0, $0x4  }
0xf9: {  	(v2sf) =	vpush v0, $0x0  }
0xfa: {  	(v2sf) =	vpush v0, $0x1  }
0xfb: {  	(v2sf) =	vpush v0, $0x2;
	_ =	sdelay $0x1  }
0xfc: {  	(v2sf) =	vpush v0, $0x4;
	_ =	sdelay $0x1  }
0xfd: {  	(v2sf) =	vpush v0, $0x3  }
0xfe: {  	(v2sf) =	vpush v0, $0x5  }
0xff: {  	s31 =	simm.s32 $0x0;
	s7 =	simm.s32 $0x2000;
	(v2sf) =	vpush v0, $0x6  }
.LBB2_6:
0x100: {  	p0 =	sne.s32 s7, $0x1E000  }
0x101: {  	s14 =	sadd.s32 $0x680, s31;
	s8 =	sadd.s32 $0xB80, s31;
	s23 =	smov.u32 s7  }
0x102: {  	s7 =	sadd.s32 $0x2000, s7;
	s11 =	sadd.s32 $0x980, s31;
	s24 =	sadd.s32 $0xC00, s31;
	(v2sf) =	vpush v0, $0x7  }
0x103: {  	s13 =	sadd.s32 $0x880, s31;
	s10 =	sadd.s32 $0xA00, s31;
	s28 =	sadd.s32 $0xC80, s31  }
0x104: {  	s15 =	sadd.s32 $0x600, s31;
	s16 =	sadd.s32 $0x800, s31;
	(v2sf) =	vpush v0, $0x8  }
0x105: {  	s17 =	sadd.s32 $0x900, s31;
	s0 =	sadd.s32 $0x10, s0  }
0x106: {  	s18 =	sadd.s32 $0x700, s31;
	s9 =	sadd.s32 $0xB00, s31;
	s12 =	spop (v2sf);
	(v2sf) =	vpush v0, $0x9  }
0x107: {  	s19 =	sand.u32 $0x1FFFFFF0, s12;
	s12 =	sadd.s32 $0xA80, s31;
	s20 =	spop (v2sf)  }
0x108: {  	s19 =	sadd.s32 s2, s19;
	s20 =	sand.u32 $0x1FFFFFF0, s20;
	s21 =	spop (v2sf);
	(v2sf) =	vpush v0, $0xA  }
0x109: {  	[tilespmem:s15], [sflag:$0x1] =	stream.linear.gather [hbm4b:s19+s1], $0x80, $0x38;
	[tilespmem:$0x18600] =	vst v63  }
0x10a: {  	s15 =	sadd.s32 s2, s20;
	s19 =	sadd.s32 $0x780, s31;
	s20 =	spop (v2sf);
	(v2sf) =	vpush v0, $0xB  }
0x10b: {  	[tilespmem:s14], [sflag:$0x1] =	stream.linear.gather [hbm4b:s15+s1], $0x80, $0x38;
	[tilespmem:$0x18600] =	vst v63  }
0x10c: {  	s14 =	sand.u32 $0x1FFFFFF0, s21;
	s15 =	sand.u32 $0x1FFFFFF0, s20;
	s20 =	spop (v2sf);
	(v2sf) =	vpush v0, $0xC  }
0x10d: {  	s14 =	sadd.s32 s2, s14;
	s20 =	sand.u32 $0x1FFFFFF0, s20;
	s21 =	spop (v2sf)  }
0x10e: {  	[tilespmem:s18], [sflag:$0x1] =	stream.linear.gather [hbm4b:s14+s1], $0x80, $0x38;
	(v2sf) =	vpush v0, $0xD;
	[tilespmem:$0x18600] =	vst v63  }
0x10f: {  	s14 =	sadd.s32 s2, s20;
	s18 =	sand.u32 $0x1FFFFFF0, s21;
	s20 =	spop (v2sf)  }
0x110: {  	[tilespmem:s19], [sflag:$0x1] =	stream.linear.gather [hbm4b:s14+s1], $0x80, $0x38;
	(v2sf) =	vpush v0, $0xE;
	[tilespmem:$0x18600] =	vst v63  }
0x111: {  	s14 =	sadd.s32 s2, s15;
	s15 =	sand.u32 $0x1FFFFFF0, s20;
	s19 =	spop (v2sf)  }
0x112: {  	[tilespmem:s16], [sflag:$0x1] =	stream.linear.gather [hbm4b:s14+s1], $0x80, $0x38;
	(v2sf) =	vpush v0, $0xF;
	[tilespmem:$0x18600] =	vst v63  }
0x113: {  	s14 =	sadd.s32 s2, s18;
	s16 =	sand.u32 $0x1FFFFFF0, s19;
	s18 =	spop (v2sf)  }
0x114: {  	[tilespmem:s13], [sflag:$0x1] =	stream.linear.gather [hbm4b:s14+s1], $0x80, $0x38;
	[tilespmem:$0x18600] =	vst v63  }
0x115: {  	s13 =	sadd.s32 s2, s15;
	s14 =	sand.u32 $0x1FFFFFF0, s18;
	s15 =	spop (v2sf)  }
0x116: {  	[tilespmem:s17], [sflag:$0x1] =	stream.linear.gather [hbm4b:s13+s1], $0x80, $0x38;
	[tilespmem:$0x18600] =	vst v63  }
0x117: {  	s13 =	sadd.s32 s2, s16;
	s15 =	sand.u32 $0x1FFFFFF0, s15;
	s16 =	spop (v2sf)  }
0x118: {  	[tilespmem:s11], [sflag:$0x1] =	stream.linear.gather [hbm4b:s13+s1], $0x80, $0x38;
	[tilespmem:$0x18600] =	vst v63  }
0x119: {  	s11 =	sadd.s32 s2, s14;
	s13 =	sand.u32 $0x1FFFFFF0, s16;
	s14 =	spop (v2sf)  }
0x11a: {  	[tilespmem:s10], [sflag:$0x1] =	stream.linear.gather [hbm4b:s11+s1], $0x80, $0x38;
	[tilespmem:$0x18600] =	vst v63  }
0x11b: {  	s10 =	sadd.s32 s2, s15;
	s11 =	sand.u32 $0x1FFFFFF0, s14;
	s14 =	spop (v2sf)  }
0x11c: {  	[tilespmem:s12], [sflag:$0x1] =	stream.linear.gather [hbm4b:s10+s1], $0x80, $0x38;
	[tilespmem:$0x18600] =	vst v63  }
0x11d: {  	s10 =	sadd.s32 s2, s13;
	s12 =	sand.u32 $0x1FFFFFF0, s14;
	s13 =	spop (v2sf)  }
0x11e: {  	[tilespmem:s9], [sflag:$0x1] =	stream.linear.gather [hbm4b:s10+s1], $0x80, $0x38;
	[tilespmem:$0x18600] =	vst v63  }
0x11f: {  	s9 =	sadd.s32 s2, s11;
	s10 =	sand.u32 $0x1FFFFFF0, s13;
	s11 =	spop (v2sf)  }
0x120: {  	[tilespmem:s8], [sflag:$0x1] =	stream.linear.gather [hbm4b:s9+s1], $0x80, $0x38;
	[tilespmem:$0x18600] =	vst v63  }
0x121: {  	s8 =	sadd.s32 s2, s12;
	s9 =	sand.u32 $0x1FFFFFF0, s11;
	s11 =	spop (v2sf)  }
0x122: {  	[tilespmem:s24], [sflag:$0x1] =	stream.linear.gather [hbm4b:s8+s1], $0x80, $0x38;
	[tilespmem:$0x18600] =	vst v63  }
0x123: {  	s8 =	sadd.s32 s2, s10;
	s10 =	sand.u32 $0x1FFFFFF0, s11  }
0x124: {  	[tilespmem:s28], [sflag:$0x1] =	stream.linear.gather [hbm4b:s8+s1], $0x80, $0x38;
	[tilespmem:$0x18600] =	vst v63  }
0x125: {  	s9 =	sadd.s32 s2, s9;
	s8 =	sadd.s32 $0xD00, s31  }
0x126: {  	[tilespmem:s8], [sflag:$0x1] =	stream.linear.gather [hbm4b:s9+s1], $0x80, $0x38;
	[tilespmem:$0x18600] =	vst v63  }
0x127: {  	s8 =	sadd.s32 $0xD80, s31;
	s9 =	sadd.s32 s2, s10  }
0x128: {  	[tilespmem:s8], [sflag:$0x1] =	stream.linear.gather [hbm4b:s9+s1], $0x80, $0x38;
	[tilespmem:$0x18600] =	vst v63  }
0x129: {  	v0 =	vld [tilespmem:s0+$0x0];
	_ =	sdelay $0x4  }
0x12a: {  	v0 =	vshll.u32 v0, $0x4  }
0x12b: {  	(v2sf) =	vpush v0, $0x0  }
0x12c: {  	(v2sf) =	vpush v0, $0x1  }
0x12d: {  	(v2sf) =	vpush v0, $0x2;
	_ =	sdelay $0x1  }
0x12e: {  	(v2sf) =	vpush v0, $0x4  }
.Ltmp2:
0x12f: {  	(pc) =	sbr.rel @p0 .LBB2_6-.Ltmp2, $3  }
0x130: {  	(v2sf) =	vpush v0, $0x3  }
0x131: {  	(v2sf) =	vpush v0, $0x5;
	_ =	sdelay $0x1  }
0x132: {  	s31 =	sshra.s32 s23, $0x2;
	(v2sf) =	vpush v0, $0x6  }
0x133: {  	_ =	sdelay $0x1  }
0x134: {  	s9 =	sadd.s32 $0x680, s31;
	s8 =	sadd.s32 $0xB80, s31  }
0x135: {  	s10 =	sadd.s32 $0x980, s31;
	s0 =	sadd.s32 $0xC00, s31;
	(v2sf) =	vpush v0, $0x7;
	s11 =	sadd.s32 $0x880, s31  }
0x136: {  	s12 =	sadd.s32 $0xA00, s31;
	s7 =	sadd.s32 $0xC80, s31;
	s13 =	sadd.s32 $0x600, s31  }
0x137: {  	s14 =	sadd.s32 $0x800, s31;
	s15 =	sadd.s32 $0x900, s31;
	(v2sf) =	vpush v0, $0x8;
	s16 =	spop (v2sf)  }
0x138: {  	s17 =	sadd.s32 $0x700, s31;
	s16 =	sand.u32 $0x1FFFFFF0, s16;
	s18 =	spop (v2sf)  }
0x139: {  	(v2sf) =	vpush v0, $0x9;
	s16 =	sadd.s32 s2, s16;
	s18 =	sand.u32 $0x1FFFFFF0, s18;
	s19 =	spop (v2sf)  }
0x13a: {  	[tilespmem:s13], [sflag:$0x1] =	stream.linear.gather [hbm4b:s16+s1], $0x80, $0x38;
	[tilespmem:$0x18600] =	vst v63  }
0x13b: {  	s20 =	sadd.s32 $0x780, s31;
	(v2sf) =	vpush v0, $0xA;
	s24 =	sadd.s32 s2, s18;
	s28 =	spop (v2sf)  }
0x13c: {  	[tilespmem:s9], [sflag:$0x1] =	stream.linear.gather [hbm4b:s24+s1], $0x80, $0x38;
	[tilespmem:$0x18600] =	vst v63  }
0x13d: {  	s13 =	sadd.s32 $0xB00, s31;
	s21 =	sand.u32 $0x1FFFFFF0, s19;
	(v2sf) =	vpush v0, $0xB;
	s23 =	spop (v2sf)  }
0x13e: {  	s16 =	sadd.s32 s2, s21;
	s9 =	sadd.s32 $0xA80, s31;
	s19 =	sand.u32 $0x1FFFFFF0, s23  }
0x13f: {  	(v2sf) =	vpush v0, $0xC;
	[tilespmem:s17], [sflag:$0x1] =	stream.linear.gather [hbm4b:s16+s1], $0x80, $0x38;
	[tilespmem:$0x18600] =	vst v63  }
0x140: {  	s24 =	sand.u32 $0x1FFFFFF0, s28;
	s28 =	spop (v2sf);
	s21 =	sadd.s32 s2, s19  }
0x141: {  	(v2sf) =	vpush v0, $0xD;
	[tilespmem:s20], [sflag:$0x1] =	stream.linear.gather [hbm4b:s21+s1], $0x80, $0x38;
	[tilespmem:$0x18600] =	vst v63  }
0x142: {  	s16 =	sadd.s32 s2, s24;
	s17 =	sand.u32 $0x1FFFFFF0, s28;
	s23 =	spop (v2sf)  }
0x143: {  	(v2sf) =	vpush v0, $0xE;
	[tilespmem:s14], [sflag:$0x1] =	stream.linear.gather [hbm4b:s16+s1], $0x80, $0x38;
	[tilespmem:$0x18600] =	vst v63  }
0x144: {  	s17 =	sadd.s32 s2, s17;
	s24 =	sand.u32 $0x1FFFFFF0, s23;
	s28 =	spop (v2sf)  }
0x145: {  	(v2sf) =	vpush v0, $0xF;
	[tilespmem:s11], [sflag:$0x1] =	stream.linear.gather [hbm4b:s17+s1], $0x80, $0x38;
	[tilespmem:$0x18600] =	vst v63  }
0x146: {  	s18 =	sand.u32 $0x1FFFFFF0, s28;
	s19 =	spop (v2sf);
	s14 =	sadd.s32 s2, s24  }
0x147: {  	[tilespmem:s15], [sflag:$0x1] =	stream.linear.gather [hbm4b:s14+s1], $0x80, $0x38;
	[tilespmem:$0x18600] =	vst v63  }
0x148: {  	s20 =	sand.u32 $0x1FFFFFF0, s19;
	s11 =	sadd.s32 s2, s18;
	s21 =	spop (v2sf)  }
0x149: {  	[tilespmem:s10], [sflag:$0x1] =	stream.linear.gather [hbm4b:s11+s1], $0x80, $0x38;
	[tilespmem:$0x18600] =	vst v63  }
0x14a: {  	s14 =	sadd.s32 s2, s20;
	s23 =	sand.u32 $0x1FFFFFF0, s21;
	s24 =	spop (v2sf)  }
0x14b: {  	[tilespmem:s12], [sflag:$0x1] =	stream.linear.gather [hbm4b:s14+s1], $0x80, $0x38;
	[tilespmem:$0x18600] =	vst v63  }
0x14c: {  	s11 =	sand.u32 $0x1FFFFFF0, s24;
	s10 =	sadd.s32 s2, s23;
	s28 =	spop (v2sf)  }
0x14d: {  	[tilespmem:s9], [sflag:$0x1] =	stream.linear.gather [hbm4b:s10+s1], $0x80, $0x38;
	[tilespmem:$0x18600] =	vst v63  }
0x14e: {  	s11 =	sadd.s32 s2, s11;
	s12 =	sand.u32 $0x1FFFFFF0, s28;
	s14 =	spop (v2sf)  }
0x14f: {  	[tilespmem:s13], [sflag:$0x1] =	stream.linear.gather [hbm4b:s11+s1], $0x80, $0x38;
	[tilespmem:$0x18600] =	vst v63  }
0x150: {  	s9 =	sadd.s32 s2, s12;
	s10 =	sand.u32 $0x1FFFFFF0, s14;
	s15 =	spop (v2sf)  }
0x151: {  	[tilespmem:s8], [sflag:$0x1] =	stream.linear.gather [hbm4b:s9+s1], $0x80, $0x38;
	[tilespmem:$0x18600] =	vst v63  }
0x152: {  	s16 =	sand.u32 $0x1FFFFFF0, s15;
	s10 =	sadd.s32 s2, s10;
	s17 =	spop (v2sf)  }
0x153: {  	[tilespmem:s0], [sflag:$0x1] =	stream.linear.gather [hbm4b:s10+s1], $0x80, $0x38;
	[tilespmem:$0x18600] =	vst v63  }
0x154: {  	s18 =	sand.u32 $0x1FFFFFF0, s17;
	s19 =	spop (v2sf);
	s8 =	sadd.s32 s2, s16  }
0x155: {  	[tilespmem:s7], [sflag:$0x1] =	stream.linear.gather [hbm4b:s8+s1], $0x80, $0x38;
	[tilespmem:$0x18600] =	vst v63  }
0x156: {  	s21 =	sadd.s32 $0xD00, s31;
	s20 =	sand.u32 $0x1FFFFFF0, s19;
	s0 =	sadd.s32 s2, s18  }
0x157: {  	[tilespmem:s21], [sflag:$0x1] =	stream.linear.gather [hbm4b:s0+s1], $0x80, $0x38;
	[tilespmem:$0x18600] =	vst v63  }
0x158: {  	s23 =	sadd.s32 $0xD80, s31;
	s7 =	sadd.s32 s2, s20  }
0x159: {  	[tilespmem:s23], [sflag:$0x1] =	stream.linear.gather [hbm4b:s7+s1], $0x80, $0x38;
	[tilespmem:$0x18600] =	vst v63  }
0x15a: {  	_ =	swait.ge [sflag:s25], $0x8000  }
0x15b: {  	[sflag:s25] =	ssyncset.done $0x0  }
0x15c: {  	s31 =	simm.s32 $0x0;
	s24 =	rddreg [dreg:$0xa];
	[sflag:s25] =	ssyncadd.s32 $0xFFFF8000  }
0x15d: {  	[hbm4b:s24+s31] =	stream.linear.scatter [tilespmem:s26], [sflag:$0x2], $0x8000, $0x38;
	[tilespmem:$0x18600] =	vst v63  }
0x15e: {  	_ =	swait.ge [sflag:s22], $0x8000  }
0x15f: {  	[sflag:s22] =	ssyncset.done $0x0  }
0x160: {  	s28 =	sand.u32 $0xF0, s31;
	[sflag:s22] =	ssyncadd.s32 $0xFFFF8000  }
0x161: {  	v0 =	vld [tilespmem:s28+$0x300];
	_ =	sdelay $0x4  }
0x162: {  	v0 =	vshll.u32 v0, $0x4  }
0x163: {  	(v2sf) =	vpush v0, $0x0  }
0x164: {  	(v2sf) =	vpush v0, $0x2  }
0x165: {  	(v2sf) =	vpush v0, $0x1;
	_ =	sdelay $0x1  }
0x166: {  	(v2sf) =	vpush v0, $0x3  }
0x167: {  	(v2sf) =	vpush v0, $0x4;
	_ =	sdelay $0x2  }
0x168: {  	s0 =	simm.s32 $0x2000;
	s7 =	simm.s32 $0x10  }
.LBB2_8:
0x169: {  	p0 =	sne.s32 s0, $0x1E000;
	(v2sf) =	vpush v0, $0x5;
	s8 =	smov.u32 s0;
	s0 =	sadd.s32 $0x2000, s0  }
0x16a: {  	s23 =	sshra.s32 s31, $0x2;
	s31 =	smov.u32 s8  }
0x16b: {  	s13 =	sadd.s32 $0x680, s23;
	(v2sf) =	vpush v0, $0x6  }
0x16c: {  	s14 =	sadd.s32 $0x600, s23  }
0x16d: {  	s28 =	sadd.s32 $0xB80, s23;
	s8 =	sadd.s32 $0xC00, s23;
	s24 =	sadd.s32 $0xC80, s23;
	(v2sf) =	vpush v0, $0x7  }
0x16e: {  	s11 =	sadd.s32 $0xA00, s23;
	s10 =	sadd.s32 $0xA80, s23;
	s9 =	sadd.s32 $0xB00, s23  }
0x16f: {  	s15 =	sadd.s32 $0x900, s23;
	s12 =	sadd.s32 $0x980, s23;
	s16 =	spop (v2sf);
	(v2sf) =	vpush v0, $0x8  }
0x170: {  	s17 =	sadd.s32 $0x700, s23;
	s16 =	sand.u32 $0x1FFFFFF0, s16;
	s18 =	spop (v2sf)  }
0x171: {  	s19 =	sadd.s32 $0x880, s23;
	s16 =	sadd.s32 s2, s16;
	s20 =	spop (v2sf);
	(v2sf) =	vpush v0, $0x9  }
0x172: {  	[tilespmem:s14], [sflag:$0x1] =	stream.linear.gather [hbm4b:s16+s1], $0x80, $0x38;
	[tilespmem:$0x18600] =	vst v63  }
0x173: {  	s14 =	sand.u32 $0x1FFFFFF0, s20;
	s16 =	sand.u32 $0x1FFFFFF0, s18;
	s18 =	spop (v2sf);
	(v2sf) =	vpush v0, $0xA  }
0x174: {  	s20 =	sadd.s32 $0x800, s23;
	s14 =	sadd.s32 s2, s14;
	s21 =	spop (v2sf)  }
0x175: {  	[tilespmem:s13], [sflag:$0x1] =	stream.linear.gather [hbm4b:s14+s1], $0x80, $0x38;
	(v2sf) =	vpush v0, $0xB;
	[tilespmem:$0x18600] =	vst v63  }
0x176: {  	s13 =	sadd.s32 s2, s16;
	s14 =	sand.u32 $0x1FFFFFF0, s18;
	s16 =	sand.u32 $0x1FFFFFF0, s21  }
0x177: {  	[tilespmem:s17], [sflag:$0x1] =	stream.linear.gather [hbm4b:s13+s1], $0x80, $0x38;
	(v2sf) =	vpush v0, $0xC;
	[tilespmem:$0x18600] =	vst v63  }
0x178: {  	s14 =	sadd.s32 s2, s14;
	s13 =	sadd.s32 $0x780, s23;
	s17 =	spop (v2sf)  }
0x179: {  	[tilespmem:s13], [sflag:$0x1] =	stream.linear.gather [hbm4b:s14+s1], $0x80, $0x38;
	(v2sf) =	vpush v0, $0xD;
	[tilespmem:$0x18600] =	vst v63  }
0x17a: {  	s13 =	sadd.s32 s2, s16;
	s14 =	sand.u32 $0x1FFFFFF0, s17;
	s16 =	spop (v2sf)  }
0x17b: {  	[tilespmem:s20], [sflag:$0x1] =	stream.linear.gather [hbm4b:s13+s1], $0x80, $0x38;
	(v2sf) =	vpush v0, $0xE;
	[tilespmem:$0x18600] =	vst v63  }
0x17c: {  	s13 =	sadd.s32 s2, s14;
	s14 =	sand.u32 $0x1FFFFFF0, s16;
	s16 =	spop (v2sf)  }
0x17d: {  	[tilespmem:s19], [sflag:$0x1] =	stream.linear.gather [hbm4b:s13+s1], $0x80, $0x38;
	(v2sf) =	vpush v0, $0xF;
	[tilespmem:$0x18600] =	vst v63  }
0x17e: {  	s13 =	sadd.s32 s2, s14;
	s14 =	sand.u32 $0x1FFFFFF0, s16;
	s16 =	spop (v2sf)  }
0x17f: {  	[tilespmem:s15], [sflag:$0x1] =	stream.linear.gather [hbm4b:s13+s1], $0x80, $0x38;
	[tilespmem:$0x18600] =	vst v63  }
0x180: {  	s13 =	sadd.s32 s2, s14;
	s14 =	sand.u32 $0x1FFFFFF0, s16;
	s15 =	spop (v2sf)  }
0x181: {  	[tilespmem:s12], [sflag:$0x1] =	stream.linear.gather [hbm4b:s13+s1], $0x80, $0x38;
	[tilespmem:$0x18600] =	vst v63  }
0x182: {  	s12 =	sadd.s32 s2, s14;
	s13 =	sand.u32 $0x1FFFFFF0, s15;
	s14 =	spop (v2sf)  }
0x183: {  	[tilespmem:s11], [sflag:$0x1] =	stream.linear.gather [hbm4b:s12+s1], $0x80, $0x38;
	[tilespmem:$0x18600] =	vst v63  }
0x184: {  	s11 =	sadd.s32 s2, s13;
	s12 =	sand.u32 $0x1FFFFFF0, s14;
	s13 =	spop (v2sf)  }
0x185: {  	[tilespmem:s10], [sflag:$0x1] =	stream.linear.gather [hbm4b:s11+s1], $0x80, $0x38;
	[tilespmem:$0x18600] =	vst v63  }
0x186: {  	s10 =	sadd.s32 s2, s12;
	s11 =	sand.u32 $0x1FFFFFF0, s13;
	s12 =	spop (v2sf)  }
0x187: {  	[tilespmem:s9], [sflag:$0x1] =	stream.linear.gather [hbm4b:s10+s1], $0x80, $0x38;
	[tilespmem:$0x18600] =	vst v63  }
0x188: {  	s9 =	sadd.s32 s2, s11;
	s10 =	sand.u32 $0x1FFFFFF0, s12;
	s11 =	spop (v2sf)  }
0x189: {  	[tilespmem:s28], [sflag:$0x1] =	stream.linear.gather [hbm4b:s9+s1], $0x80, $0x38;
	[tilespmem:$0x18600] =	vst v63  }
0x18a: {  	s9 =	sadd.s32 s2, s10;
	s10 =	sand.u32 $0x1FFFFFF0, s11;
	s11 =	spop (v2sf)  }
0x18b: {  	[tilespmem:s8], [sflag:$0x1] =	stream.linear.gather [hbm4b:s9+s1], $0x80, $0x38;
	[tilespmem:$0x18600] =	vst v63  }
0x18c: {  	s8 =	sadd.s32 s2, s10;
	s9 =	sand.u32 $0x1FFFFFF0, s11;
	s10 =	spop (v2sf)  }
0x18d: {  	[tilespmem:s24], [sflag:$0x1] =	stream.linear.gather [hbm4b:s8+s1], $0x80, $0x38;
	[tilespmem:$0x18600] =	vst v63  }
0x18e: {  	s9 =	sadd.s32 s2, s9;
	s8 =	sadd.s32 $0xD00, s23;
	s10 =	sand.u32 $0x1FFFFFF0, s10  }
0x18f: {  	[tilespmem:s8], [sflag:$0x1] =	stream.linear.gather [hbm4b:s9+s1], $0x80, $0x38;
	[tilespmem:$0x18600] =	vst v63  }
0x190: {  	s10 =	sadd.s32 s2, s10;
	s8 =	sand.u32 $0xF0, s7;
	s9 =	sadd.s32 $0xD80, s23  }
0x191: {  	[tilespmem:s9], [sflag:$0x1] =	stream.linear.gather [hbm4b:s10+s1], $0x80, $0x38;
	[tilespmem:$0x18600] =	vst v63  }
0x192: {  	v0 =	vld [tilespmem:s8+$0x300];
	_ =	sdelay $0x4  }
0x193: {  	v0 =	vshll.u32 v0, $0x4  }
0x194: {  	(v2sf) =	vpush v0, $0x0  }
0x195: {  	(v2sf) =	vpush v0, $0x2  }
0x196: {  	(v2sf) =	vpush v0, $0x1;
	_ =	sdelay $0x1  }
.Ltmp3:
0x197: {  	(v2sf) =	vpush v0, $0x3;
	(pc) =	sbr.rel @p0 .LBB2_8-.Ltmp3, $2  }
0x198: {  	(v2sf) =	vpush v0, $0x4;
	_ =	sdelay $0x2  }
0x199: {  	s7 =	sadd.s32 $0x10, s7  }
0x19a: {  	(v2sf) =	vpush v0, $0x5;
	_ =	sdelay $0x1  }
0x19b: {  	s0 =	sshra.s32 s31, $0x2;
	(v2sf) =	vpush v0, $0x6  }
0x19c: {  	s10 =	sadd.s32 $0x680, s0;
	s11 =	sadd.s32 $0x600, s0  }
0x19d: {  	s9 =	sadd.s32 $0xB80, s0;
	s8 =	sadd.s32 $0xC00, s0;
	s7 =	sadd.s32 $0xC80, s0;
	(v2sf) =	vpush v0, $0x7  }
0x19e: {  	s12 =	sadd.s32 $0xA00, s0;
	s13 =	sadd.s32 $0xA80, s0;
	s14 =	sadd.s32 $0xB00, s0  }
0x19f: {  	s15 =	sadd.s32 $0x900, s0;
	s16 =	sadd.s32 $0x980, s0;
	s17 =	spop (v2sf);
	(v2sf) =	vpush v0, $0x8  }
0x1a0: {  	s18 =	sadd.s32 $0x700, s0;
	s17 =	sand.u32 $0x1FFFFFF0, s17;
	s19 =	spop (v2sf)  }
0x1a1: {  	s20 =	sadd.s32 $0x880, s0;
	s17 =	sadd.s32 s2, s17;
	s21 =	spop (v2sf);
	(v2sf) =	vpush v0, $0x9  }
0x1a2: {  	[tilespmem:s11], [sflag:$0x1] =	stream.linear.gather [hbm4b:s17+s1], $0x80, $0x38;
	[tilespmem:$0x18600] =	vst v63  }
0x1a3: {  	s24 =	sand.u32 $0x1FFFFFF0, s19;
	s23 =	sand.u32 $0x1FFFFFF0, s21;
	s28 =	spop (v2sf);
	(v2sf) =	vpush v0, $0xA  }
0x1a4: {  	s21 =	sadd.s32 $0x800, s0;
	s11 =	sadd.s32 s2, s23;
	s23 =	spop (v2sf)  }
0x1a5: {  	[tilespmem:s10], [sflag:$0x1] =	stream.linear.gather [hbm4b:s11+s1], $0x80, $0x38;
	(v2sf) =	vpush v0, $0xB;
	[tilespmem:$0x18600] =	vst v63  }
0x1a6: {  	s17 =	sadd.s32 s2, s24;
	s24 =	sadd.s32 $0x780, s0;
	s19 =	sand.u32 $0x1FFFFFF0, s28  }
0x1a7: {  	(v2sf) =	vpush v0, $0xC;
	[tilespmem:s18], [sflag:$0x1] =	stream.linear.gather [hbm4b:s17+s1], $0x80, $0x38;
	[tilespmem:$0x18600] =	vst v63  }
0x1a8: {  	s23 =	sand.u32 $0x1FFFFFF0, s23;
	s11 =	sadd.s32 s2, s19;
	s28 =	spop (v2sf)  }
0x1a9: {  	[tilespmem:s24], [sflag:$0x1] =	stream.linear.gather [hbm4b:s11+s1], $0x80, $0x38;
	(v2sf) =	vpush v0, $0xD;
	[tilespmem:$0x18600] =	vst v63  }
0x1aa: {  	s17 =	sadd.s32 s2, s23;
	s18 =	sand.u32 $0x1FFFFFF0, s28;
	s19 =	spop (v2sf)  }
0x1ab: {  	(v2sf) =	vpush v0, $0xE;
	[tilespmem:s21], [sflag:$0x1] =	stream.linear.gather [hbm4b:s17+s1], $0x80, $0x38;
	[tilespmem:$0x18600] =	vst v63  }
0x1ac: {  	s23 =	sadd.s32 s2, s18;
	s24 =	sand.u32 $0x1FFFFFF0, s19;
	s28 =	spop (v2sf)  }
0x1ad: {  	(v2sf) =	vpush v0, $0xF;
	[tilespmem:s20], [sflag:$0x1] =	stream.linear.gather [hbm4b:s23+s1], $0x80, $0x38;
	[tilespmem:$0x18600] =	vst v63  }
0x1ae: {  	s11 =	sadd.s32 s2, s24;
	s17 =	sand.u32 $0x1FFFFFF0, s28;
	s18 =	spop (v2sf)  }
0x1af: {  	[tilespmem:s15], [sflag:$0x1] =	stream.linear.gather [hbm4b:s11+s1], $0x80, $0x38;
	[tilespmem:$0x18600] =	vst v63  }
0x1b0: {  	s19 =	sadd.s32 s2, s17;
	s20 =	sand.u32 $0x1FFFFFF0, s18;
	s21 =	spop (v2sf)  }
0x1b1: {  	[tilespmem:s16], [sflag:$0x1] =	stream.linear.gather [hbm4b:s19+s1], $0x80, $0x38;
	[tilespmem:$0x18600] =	vst v63  }
0x1b2: {  	s23 =	sadd.s32 s2, s20;
	s24 =	sand.u32 $0x1FFFFFF0, s21;
	s28 =	spop (v2sf)  }
0x1b3: {  	[tilespmem:s12], [sflag:$0x1] =	stream.linear.gather [hbm4b:s23+s1], $0x80, $0x38;
	[tilespmem:$0x18600] =	vst v63  }
0x1b4: {  	s16 =	sadd.s32 s2, s24;
	s17 =	sand.u32 $0x1FFFFFF0, s28;
	s18 =	spop (v2sf)  }
0x1b5: {  	[tilespmem:s13], [sflag:$0x1] =	stream.linear.gather [hbm4b:s16+s1], $0x80, $0x38;
	[tilespmem:$0x18600] =	vst v63  }
0x1b6: {  	s19 =	sadd.s32 s2, s17;
	s20 =	sand.u32 $0x1FFFFFF0, s18;
	s21 =	spop (v2sf)  }
0x1b7: {  	[tilespmem:s14], [sflag:$0x1] =	stream.linear.gather [hbm4b:s19+s1], $0x80, $0x38;
	[tilespmem:$0x18600] =	vst v63  }
0x1b8: {  	s23 =	sadd.s32 s2, s20;
	s24 =	sand.u32 $0x1FFFFFF0, s21;
	s28 =	spop (v2sf)  }
0x1b9: {  	[tilespmem:s9], [sflag:$0x1] =	stream.linear.gather [hbm4b:s23+s1], $0x80, $0x38;
	[tilespmem:$0x18600] =	vst v63  }
0x1ba: {  	s13 =	sadd.s32 s2, s24;
	s14 =	sand.u32 $0x1FFFFFF0, s28;
	s15 =	spop (v2sf)  }
0x1bb: {  	[tilespmem:s8], [sflag:$0x1] =	stream.linear.gather [hbm4b:s13+s1], $0x80, $0x38;
	[tilespmem:$0x18600] =	vst v63  }
0x1bc: {  	s16 =	sadd.s32 s2, s14;
	s17 =	sand.u32 $0x1FFFFFF0, s15;
	s18 =	spop (v2sf)  }
0x1bd: {  	[tilespmem:s7], [sflag:$0x1] =	stream.linear.gather [hbm4b:s16+s1], $0x80, $0x38;
	[tilespmem:$0x18600] =	vst v63  }
0x1be: {  	s19 =	sadd.s32 $0xD00, s0;
	s20 =	sadd.s32 s2, s17;
	s21 =	sand.u32 $0x1FFFFFF0, s18  }
0x1bf: {  	[tilespmem:s19], [sflag:$0x1] =	stream.linear.gather [hbm4b:s20+s1], $0x80, $0x38;
	[tilespmem:$0x18600] =	vst v63  }
0x1c0: {  	s0 =	sadd.s32 $0xD80, s0;
	s23 =	sadd.s32 s2, s21  }
0x1c1: {  	[tilespmem:s0], [sflag:$0x1] =	stream.linear.gather [hbm4b:s23+s1], $0x80, $0x38;
	[tilespmem:$0x18600] =	vst v63  }
0x1c2: {  	_ =	swait.ge [sflag:s25], $0x8000  }
0x1c3: {  	[sflag:s25] =	ssyncset.done $0x0  }
0x1c4: {  	s24 =	simm.s32 $0x0;
	s28 =	rddreg [dreg:$0xb];
	[sflag:s25] =	ssyncadd.s32 $0xFFFF8000  }
0x1c5: {  	[hbm4b:s28+s24] =	stream.linear.scatter [tilespmem:s26], [sflag:$0x2], $0x8000, $0x38;
	[tilespmem:$0x18600] =	vst v63  }
0x1c6: {  	_ =	swait.ge [sflag:s22], $0x8000  }
0x1c7: {  	[sflag:s22] =	ssyncset.done $0x0  }
0x1c8: {  	s0 =	simm.s32 $0x400;
	[sflag:s22] =	ssyncadd.s32 $0xFFFF8000  }
0x1c9: {  	v0 =	vld [tilespmem:s0+$0x0];
	_ =	sdelay $0x4  }
0x1ca: {  	v0 =	vshll.u32 v0, $0x4  }
0x1cb: {  	(v2sf) =	vpush v0, $0x0  }
0x1cc: {  	(v2sf) =	vpush v0, $0x1  }
0x1cd: {  	(v2sf) =	vpush v0, $0x2;
	_ =	sdelay $0x1  }
0x1ce: {  	(v2sf) =	vpush v0, $0x4;
	_ =	sdelay $0x1  }
0x1cf: {  	(v2sf) =	vpush v0, $0x3  }
0x1d0: {  	(v2sf) =	vpush v0, $0x5  }
0x1d1: {  	s31 =	simm.s32 $0x0;
	s7 =	simm.s32 $0x2000;
	(v2sf) =	vpush v0, $0x6  }
.LBB2_10:
0x1d2: {  	p0 =	sne.s32 s7, $0x1E000  }
0x1d3: {  	s14 =	sadd.s32 $0x8680, s31;
	s8 =	sadd.s32 $0x8B80, s31;
	s23 =	smov.u32 s7  }
0x1d4: {  	s7 =	sadd.s32 $0x2000, s7;
	s11 =	sadd.s32 $0x8980, s31;
	s24 =	sadd.s32 $0x8C00, s31;
	(v2sf) =	vpush v0, $0x7  }
0x1d5: {  	s13 =	sadd.s32 $0x8880, s31;
	s10 =	sadd.s32 $0x8A00, s31;
	s28 =	sadd.s32 $0x8C80, s31  }
0x1d6: {  	s15 =	sadd.s32 $0x8600, s31;
	s16 =	sadd.s32 $0x8800, s31;
	(v2sf) =	vpush v0, $0x8  }
0x1d7: {  	s17 =	sadd.s32 $0x8900, s31;
	s0 =	sadd.s32 $0x10, s0  }
0x1d8: {  	s18 =	sadd.s32 $0x8700, s31;
	s9 =	sadd.s32 $0x8B00, s31;
	s12 =	spop (v2sf);
	(v2sf) =	vpush v0, $0x9  }
0x1d9: {  	s19 =	sand.u32 $0x1FFFFFF0, s12;
	s12 =	sadd.s32 $0x8A80, s31;
	s20 =	spop (v2sf)  }
0x1da: {  	s19 =	sadd.s32 s3, s19;
	s20 =	sand.u32 $0x1FFFFFF0, s20;
	s21 =	spop (v2sf);
	(v2sf) =	vpush v0, $0xA  }
0x1db: {  	[tilespmem:s15], [sflag:$0x1] =	stream.linear.gather [hbm4b:s19+s1], $0x80, $0x38;
	[tilespmem:$0x18600] =	vst v63  }
0x1dc: {  	s15 =	sadd.s32 s3, s20;
	s19 =	sadd.s32 $0x8780, s31;
	s20 =	spop (v2sf);
	(v2sf) =	vpush v0, $0xB  }
0x1dd: {  	[tilespmem:s14], [sflag:$0x1] =	stream.linear.gather [hbm4b:s15+s1], $0x80, $0x38;
	[tilespmem:$0x18600] =	vst v63  }
0x1de: {  	s14 =	sand.u32 $0x1FFFFFF0, s21;
	s15 =	sand.u32 $0x1FFFFFF0, s20;
	s20 =	spop (v2sf);
	(v2sf) =	vpush v0, $0xC  }
0x1df: {  	s14 =	sadd.s32 s3, s14;
	s20 =	sand.u32 $0x1FFFFFF0, s20;
	s21 =	spop (v2sf)  }
0x1e0: {  	[tilespmem:s18], [sflag:$0x1] =	stream.linear.gather [hbm4b:s14+s1], $0x80, $0x38;
	(v2sf) =	vpush v0, $0xD;
	[tilespmem:$0x18600] =	vst v63  }
0x1e1: {  	s14 =	sadd.s32 s3, s20;
	s18 =	sand.u32 $0x1FFFFFF0, s21;
	s20 =	spop (v2sf)  }
0x1e2: {  	[tilespmem:s19], [sflag:$0x1] =	stream.linear.gather [hbm4b:s14+s1], $0x80, $0x38;
	(v2sf) =	vpush v0, $0xE;
	[tilespmem:$0x18600] =	vst v63  }
0x1e3: {  	s14 =	sadd.s32 s3, s15;
	s15 =	sand.u32 $0x1FFFFFF0, s20;
	s19 =	spop (v2sf)  }
0x1e4: {  	[tilespmem:s16], [sflag:$0x1] =	stream.linear.gather [hbm4b:s14+s1], $0x80, $0x38;
	(v2sf) =	vpush v0, $0xF;
	[tilespmem:$0x18600] =	vst v63  }
0x1e5: {  	s14 =	sadd.s32 s3, s18;
	s16 =	sand.u32 $0x1FFFFFF0, s19;
	s18 =	spop (v2sf)  }
0x1e6: {  	[tilespmem:s13], [sflag:$0x1] =	stream.linear.gather [hbm4b:s14+s1], $0x80, $0x38;
	[tilespmem:$0x18600] =	vst v63  }
0x1e7: {  	s13 =	sadd.s32 s3, s15;
	s14 =	sand.u32 $0x1FFFFFF0, s18;
	s15 =	spop (v2sf)  }
0x1e8: {  	[tilespmem:s17], [sflag:$0x1] =	stream.linear.gather [hbm4b:s13+s1], $0x80, $0x38;
	[tilespmem:$0x18600] =	vst v63  }
0x1e9: {  	s13 =	sadd.s32 s3, s16;
	s15 =	sand.u32 $0x1FFFFFF0, s15;
	s16 =	spop (v2sf)  }
0x1ea: {  	[tilespmem:s11], [sflag:$0x1] =	stream.linear.gather [hbm4b:s13+s1], $0x80, $0x38;
	[tilespmem:$0x18600] =	vst v63  }
0x1eb: {  	s11 =	sadd.s32 s3, s14;
	s13 =	sand.u32 $0x1FFFFFF0, s16;
	s14 =	spop (v2sf)  }
0x1ec: {  	[tilespmem:s10], [sflag:$0x1] =	stream.linear.gather [hbm4b:s11+s1], $0x80, $0x38;
	[tilespmem:$0x18600] =	vst v63  }
0x1ed: {  	s10 =	sadd.s32 s3, s15;
	s11 =	sand.u32 $0x1FFFFFF0, s14;
	s14 =	spop (v2sf)  }
0x1ee: {  	[tilespmem:s12], [sflag:$0x1] =	stream.linear.gather [hbm4b:s10+s1], $0x80, $0x38;
	[tilespmem:$0x18600] =	vst v63  }
0x1ef: {  	s10 =	sadd.s32 s3, s13;
	s12 =	sand.u32 $0x1FFFFFF0, s14;
	s13 =	spop (v2sf)  }
0x1f0: {  	[tilespmem:s9], [sflag:$0x1] =	stream.linear.gather [hbm4b:s10+s1], $0x80, $0x38;
	[tilespmem:$0x18600] =	vst v63  }
0x1f1: {  	s9 =	sadd.s32 s3, s11;
	s10 =	sand.u32 $0x1FFFFFF0, s13;
	s11 =	spop (v2sf)  }
0x1f2: {  	[tilespmem:s8], [sflag:$0x1] =	stream.linear.gather [hbm4b:s9+s1], $0x80, $0x38;
	[tilespmem:$0x18600] =	vst v63  }
0x1f3: {  	s8 =	sadd.s32 s3, s12;
	s9 =	sand.u32 $0x1FFFFFF0, s11;
	s11 =	spop (v2sf)  }
0x1f4: {  	[tilespmem:s24], [sflag:$0x1] =	stream.linear.gather [hbm4b:s8+s1], $0x80, $0x38;
	[tilespmem:$0x18600] =	vst v63  }
0x1f5: {  	s8 =	sadd.s32 s3, s10;
	s10 =	sand.u32 $0x1FFFFFF0, s11  }
0x1f6: {  	[tilespmem:s28], [sflag:$0x1] =	stream.linear.gather [hbm4b:s8+s1], $0x80, $0x38;
	[tilespmem:$0x18600] =	vst v63  }
0x1f7: {  	s9 =	sadd.s32 s3, s9;
	s8 =	sadd.s32 $0x8D00, s31  }
0x1f8: {  	[tilespmem:s8], [sflag:$0x1] =	stream.linear.gather [hbm4b:s9+s1], $0x80, $0x38;
	[tilespmem:$0x18600] =	vst v63  }
0x1f9: {  	s8 =	sadd.s32 $0x8D80, s31;
	s9 =	sadd.s32 s3, s10  }
0x1fa: {  	[tilespmem:s8], [sflag:$0x1] =	stream.linear.gather [hbm4b:s9+s1], $0x80, $0x38;
	[tilespmem:$0x18600] =	vst v63  }
0x1fb: {  	v0 =	vld [tilespmem:s0+$0x0];
	_ =	sdelay $0x4  }
0x1fc: {  	v0 =	vshll.u32 v0, $0x4  }
0x1fd: {  	(v2sf) =	vpush v0, $0x0  }
0x1fe: {  	(v2sf) =	vpush v0, $0x1  }
0x1ff: {  	(v2sf) =	vpush v0, $0x2;
	_ =	sdelay $0x1  }
0x200: {  	(v2sf) =	vpush v0, $0x4  }
.Ltmp4:
0x201: {  	(pc) =	sbr.rel @p0 .LBB2_10-.Ltmp4, $3  }
0x202: {  	(v2sf) =	vpush v0, $0x3  }
0x203: {  	(v2sf) =	vpush v0, $0x5;
	_ =	sdelay $0x1  }
0x204: {  	s31 =	sshra.s32 s23, $0x2;
	(v2sf) =	vpush v0, $0x6  }
0x205: {  	_ =	sdelay $0x1  }
0x206: {  	s9 =	sadd.s32 $0x8680, s31;
	s8 =	sadd.s32 $0x8B80, s31  }
0x207: {  	s10 =	sadd.s32 $0x8980, s31;
	s0 =	sadd.s32 $0x8C00, s31;
	(v2sf) =	vpush v0, $0x7;
	s11 =	sadd.s32 $0x8880, s31  }
0x208: {  	s12 =	sadd.s32 $0x8A00, s31;
	s7 =	sadd.s32 $0x8C80, s31;
	s13 =	sadd.s32 $0x8600, s31  }
0x209: {  	s14 =	sadd.s32 $0x8800, s31;
	s15 =	sadd.s32 $0x8900, s31;
	(v2sf) =	vpush v0, $0x8;
	s16 =	spop (v2sf)  }
0x20a: {  	s17 =	sadd.s32 $0x8700, s31;
	s16 =	sand.u32 $0x1FFFFFF0, s16;
	s18 =	spop (v2sf)  }
0x20b: {  	(v2sf) =	vpush v0, $0x9;
	s16 =	sadd.s32 s3, s16;
	s18 =	sand.u32 $0x1FFFFFF0, s18;
	s19 =	spop (v2sf)  }
0x20c: {  	[tilespmem:s13], [sflag:$0x1] =	stream.linear.gather [hbm4b:s16+s1], $0x80, $0x38;
	[tilespmem:$0x18600] =	vst v63  }
0x20d: {  	s20 =	sadd.s32 $0x8780, s31;
	(v2sf) =	vpush v0, $0xA;
	s24 =	sadd.s32 s3, s18;
	s28 =	spop (v2sf)  }
0x20e: {  	[tilespmem:s9], [sflag:$0x1] =	stream.linear.gather [hbm4b:s24+s1], $0x80, $0x38;
	[tilespmem:$0x18600] =	vst v63  }
0x20f: {  	s13 =	sadd.s32 $0x8B00, s31;
	s21 =	sand.u32 $0x1FFFFFF0, s19;
	(v2sf) =	vpush v0, $0xB;
	s23 =	spop (v2sf)  }
0x210: {  	s16 =	sadd.s32 s3, s21;
	s9 =	sadd.s32 $0x8A80, s31;
	s19 =	sand.u32 $0x1FFFFFF0, s23  }
0x211: {  	(v2sf) =	vpush v0, $0xC;
	[tilespmem:s17], [sflag:$0x1] =	stream.linear.gather [hbm4b:s16+s1], $0x80, $0x38;
	[tilespmem:$0x18600] =	vst v63  }
0x212: {  	s24 =	sand.u32 $0x1FFFFFF0, s28;
	s28 =	spop (v2sf);
	s21 =	sadd.s32 s3, s19  }
0x213: {  	(v2sf) =	vpush v0, $0xD;
	[tilespmem:s20], [sflag:$0x1] =	stream.linear.gather [hbm4b:s21+s1], $0x80, $0x38;
	[tilespmem:$0x18600] =	vst v63  }
0x214: {  	s16 =	sadd.s32 s3, s24;
	s17 =	sand.u32 $0x1FFFFFF0, s28;
	s23 =	spop (v2sf)  }
0x215: {  	(v2sf) =	vpush v0, $0xE;
	[tilespmem:s14], [sflag:$0x1] =	stream.linear.gather [hbm4b:s16+s1], $0x80, $0x38;
	[tilespmem:$0x18600] =	vst v63  }
0x216: {  	s17 =	sadd.s32 s3, s17;
	s24 =	sand.u32 $0x1FFFFFF0, s23;
	s28 =	spop (v2sf)  }
0x217: {  	(v2sf) =	vpush v0, $0xF;
	[tilespmem:s11], [sflag:$0x1] =	stream.linear.gather [hbm4b:s17+s1], $0x80, $0x38;
	[tilespmem:$0x18600] =	vst v63  }
0x218: {  	s18 =	spop (v2sf);
	s14 =	sadd.s32 s3, s24;
	s17 =	sand.u32 $0x1FFFFFF0, s28  }
0x219: {  	[tilespmem:s15], [sflag:$0x1] =	stream.linear.gather [hbm4b:s14+s1], $0x80, $0x38;
	[tilespmem:$0x18600] =	vst v63  }
0x21a: {  	s19 =	sand.u32 $0x1FFFFFF0, s18;
	s11 =	sadd.s32 s3, s17;
	s20 =	spop (v2sf)  }
0x21b: {  	[tilespmem:s10], [sflag:$0x1] =	stream.linear.gather [hbm4b:s11+s1], $0x80, $0x38;
	[tilespmem:$0x18600] =	vst v63  }
0x21c: {  	s14 =	sadd.s32 s3, s19;
	s21 =	sand.u32 $0x1FFFFFF0, s20;
	s23 =	spop (v2sf)  }
0x21d: {  	[tilespmem:s12], [sflag:$0x1] =	stream.linear.gather [hbm4b:s14+s1], $0x80, $0x38;
	[tilespmem:$0x18600] =	vst v63  }
0x21e: {  	s11 =	sand.u32 $0x1FFFFFF0, s23;
	s10 =	sadd.s32 s3, s21;
	s24 =	spop (v2sf)  }
0x21f: {  	[tilespmem:s9], [sflag:$0x1] =	stream.linear.gather [hbm4b:s10+s1], $0x80, $0x38;
	[tilespmem:$0x18600] =	vst v63  }
0x220: {  	s11 =	sadd.s32 s3, s11;
	s28 =	sand.u32 $0x1FFFFFF0, s24;
	s12 =	spop (v2sf)  }
0x221: {  	[tilespmem:s13], [sflag:$0x1] =	stream.linear.gather [hbm4b:s11+s1], $0x80, $0x38;
	[tilespmem:$0x18600] =	vst v63  }
0x222: {  	s9 =	sadd.s32 s3, s28;
	s10 =	sand.u32 $0x1FFFFFF0, s12;
	s14 =	spop (v2sf)  }
0x223: {  	[tilespmem:s8], [sflag:$0x1] =	stream.linear.gather [hbm4b:s9+s1], $0x80, $0x38;
	[tilespmem:$0x18600] =	vst v63  }
0x224: {  	s15 =	sand.u32 $0x1FFFFFF0, s14;
	s10 =	sadd.s32 s3, s10;
	s16 =	spop (v2sf)  }
0x225: {  	[tilespmem:s0], [sflag:$0x1] =	stream.linear.gather [hbm4b:s10+s1], $0x80, $0x38;
	[tilespmem:$0x18600] =	vst v63  }
0x226: {  	s17 =	sand.u32 $0x1FFFFFF0, s16;
	s18 =	spop (v2sf);
	s8 =	sadd.s32 s3, s15  }
0x227: {  	[tilespmem:s7], [sflag:$0x1] =	stream.linear.gather [hbm4b:s8+s1], $0x80, $0x38;
	[tilespmem:$0x18600] =	vst v63  }
0x228: {  	s20 =	sadd.s32 $0x8D00, s31;
	s19 =	sand.u32 $0x1FFFFFF0, s18;
	s0 =	sadd.s32 s3, s17  }
0x229: {  	[tilespmem:s20], [sflag:$0x1] =	stream.linear.gather [hbm4b:s0+s1], $0x80, $0x38;
	[tilespmem:$0x18600] =	vst v63  }
0x22a: {  	s21 =	sadd.s32 $0x8D80, s31;
	s7 =	sadd.s32 s3, s19  }
0x22b: {  	[tilespmem:s21], [sflag:$0x1] =	stream.linear.gather [hbm4b:s7+s1], $0x80, $0x38;
	[tilespmem:$0x18600] =	vst v63  }
0x22c: {  	_ =	swait.ge [sflag:s25], $0x8000  }
0x22d: {  	s31 =	simm.s32 $0x0;
	[sflag:s25] =	ssyncset.done $0x0  }
0x22e: {  	s24 =	simm.s32 $0x8600;
	s23 =	rddreg [dreg:$0xc];
	[sflag:s25] =	ssyncadd.s32 $0xFFFF8000  }
0x22f: {  	[hbm4b:s23+s31] =	stream.linear.scatter [tilespmem:s24], [sflag:$0x2], $0x8000, $0x38;
	[tilespmem:$0x18600] =	vst v63  }
0x230: {  	_ =	swait.ge [sflag:s22], $0x8000  }
0x231: {  	[sflag:s22] =	ssyncset.done $0x0  }
0x232: {  	s28 =	sand.u32 $0xF0, s31;
	[sflag:s22] =	ssyncadd.s32 $0xFFFF8000  }
0x233: {  	v0 =	vld [tilespmem:s28+$0x500];
	_ =	sdelay $0x4  }
0x234: {  	v0 =	vshll.u32 v0, $0x4  }
0x235: {  	(v2sf) =	vpush v0, $0x0  }
0x236: {  	(v2sf) =	vpush v0, $0x2  }
0x237: {  	(v2sf) =	vpush v0, $0x1;
	_ =	sdelay $0x1  }
0x238: {  	(v2sf) =	vpush v0, $0x3  }
0x239: {  	(v2sf) =	vpush v0, $0x4;
	_ =	sdelay $0x2  }
0x23a: {  	s0 =	simm.s32 $0x2000;
	s7 =	simm.s32 $0x10  }
.LBB2_12:
0x23b: {  	p0 =	sne.s32 s0, $0x1E000;
	(v2sf) =	vpush v0, $0x5;
	s8 =	smov.u32 s0;
	s0 =	sadd.s32 $0x2000, s0  }
0x23c: {  	s23 =	sshra.s32 s31, $0x2;
	s31 =	smov.u32 s8  }
0x23d: {  	s13 =	sadd.s32 $0x8680, s23;
	(v2sf) =	vpush v0, $0x6  }
0x23e: {  	s14 =	sadd.s32 $0x8600, s23  }
0x23f: {  	s28 =	sadd.s32 $0x8B80, s23;
	s8 =	sadd.s32 $0x8C00, s23;
	s24 =	sadd.s32 $0x8C80, s23;
	(v2sf) =	vpush v0, $0x7  }
0x240: {  	s11 =	sadd.s32 $0x8A00, s23;
	s10 =	sadd.s32 $0x8A80, s23;
	s9 =	sadd.s32 $0x8B00, s23  }
0x241: {  	s15 =	sadd.s32 $0x8900, s23;
	s12 =	sadd.s32 $0x8980, s23;
	s16 =	spop (v2sf);
	(v2sf) =	vpush v0, $0x8  }
0x242: {  	s17 =	sadd.s32 $0x8700, s23;
	s16 =	sand.u32 $0x1FFFFFF0, s16;
	s18 =	spop (v2sf)  }
0x243: {  	s19 =	sadd.s32 $0x8880, s23;
	s16 =	sadd.s32 s3, s16;
	s20 =	spop (v2sf);
	(v2sf) =	vpush v0, $0x9  }
0x244: {  	[tilespmem:s14], [sflag:$0x1] =	stream.linear.gather [hbm4b:s16+s1], $0x80, $0x38;
	[tilespmem:$0x18600] =	vst v63  }
0x245: {  	s14 =	sand.u32 $0x1FFFFFF0, s20;
	s16 =	sand.u32 $0x1FFFFFF0, s18;
	s18 =	spop (v2sf);
	(v2sf) =	vpush v0, $0xA  }
0x246: {  	s20 =	sadd.s32 $0x8800, s23;
	s14 =	sadd.s32 s3, s14;
	s21 =	spop (v2sf)  }
0x247: {  	[tilespmem:s13], [sflag:$0x1] =	stream.linear.gather [hbm4b:s14+s1], $0x80, $0x38;
	(v2sf) =	vpush v0, $0xB;
	[tilespmem:$0x18600] =	vst v63  }
0x248: {  	s13 =	sadd.s32 s3, s16;
	s14 =	sand.u32 $0x1FFFFFF0, s18;
	s16 =	sand.u32 $0x1FFFFFF0, s21  }
0x249: {  	[tilespmem:s17], [sflag:$0x1] =	stream.linear.gather [hbm4b:s13+s1], $0x80, $0x38;
	(v2sf) =	vpush v0, $0xC;
	[tilespmem:$0x18600] =	vst v63  }
0x24a: {  	s14 =	sadd.s32 s3, s14;
	s13 =	sadd.s32 $0x8780, s23;
	s17 =	spop (v2sf)  }
0x24b: {  	[tilespmem:s13], [sflag:$0x1] =	stream.linear.gather [hbm4b:s14+s1], $0x80, $0x38;
	(v2sf) =	vpush v0, $0xD;
	[tilespmem:$0x18600] =	vst v63  }
0x24c: {  	s13 =	sadd.s32 s3, s16;
	s14 =	sand.u32 $0x1FFFFFF0, s17;
	s16 =	spop (v2sf)  }
0x24d: {  	[tilespmem:s20], [sflag:$0x1] =	stream.linear.gather [hbm4b:s13+s1], $0x80, $0x38;
	(v2sf) =	vpush v0, $0xE;
	[tilespmem:$0x18600] =	vst v63  }
0x24e: {  	s13 =	sadd.s32 s3, s14;
	s14 =	sand.u32 $0x1FFFFFF0, s16;
	s16 =	spop (v2sf)  }
0x24f: {  	[tilespmem:s19], [sflag:$0x1] =	stream.linear.gather [hbm4b:s13+s1], $0x80, $0x38;
	(v2sf) =	vpush v0, $0xF;
	[tilespmem:$0x18600] =	vst v63  }
0x250: {  	s13 =	sadd.s32 s3, s14;
	s14 =	sand.u32 $0x1FFFFFF0, s16;
	s16 =	spop (v2sf)  }
0x251: {  	[tilespmem:s15], [sflag:$0x1] =	stream.linear.gather [hbm4b:s13+s1], $0x80, $0x38;
	[tilespmem:$0x18600] =	vst v63  }
0x252: {  	s13 =	sadd.s32 s3, s14;
	s14 =	sand.u32 $0x1FFFFFF0, s16;
	s15 =	spop (v2sf)  }
0x253: {  	[tilespmem:s12], [sflag:$0x1] =	stream.linear.gather [hbm4b:s13+s1], $0x80, $0x38;
	[tilespmem:$0x18600] =	vst v63  }
0x254: {  	s12 =	sadd.s32 s3, s14;
	s13 =	sand.u32 $0x1FFFFFF0, s15;
	s14 =	spop (v2sf)  }
0x255: {  	[tilespmem:s11], [sflag:$0x1] =	stream.linear.gather [hbm4b:s12+s1], $0x80, $0x38;
	[tilespmem:$0x18600] =	vst v63  }
0x256: {  	s11 =	sadd.s32 s3, s13;
	s12 =	sand.u32 $0x1FFFFFF0, s14;
	s13 =	spop (v2sf)  }
0x257: {  	[tilespmem:s10], [sflag:$0x1] =	stream.linear.gather [hbm4b:s11+s1], $0x80, $0x38;
	[tilespmem:$0x18600] =	vst v63  }
0x258: {  	s10 =	sadd.s32 s3, s12;
	s11 =	sand.u32 $0x1FFFFFF0, s13;
	s12 =	spop (v2sf)  }
0x259: {  	[tilespmem:s9], [sflag:$0x1] =	stream.linear.gather [hbm4b:s10+s1], $0x80, $0x38;
	[tilespmem:$0x18600] =	vst v63  }
0x25a: {  	s9 =	sadd.s32 s3, s11;
	s10 =	sand.u32 $0x1FFFFFF0, s12;
	s11 =	spop (v2sf)  }
0x25b: {  	[tilespmem:s28], [sflag:$0x1] =	stream.linear.gather [hbm4b:s9+s1], $0x80, $0x38;
	[tilespmem:$0x18600] =	vst v63  }
0x25c: {  	s9 =	sadd.s32 s3, s10;
	s10 =	sand.u32 $0x1FFFFFF0, s11;
	s11 =	spop (v2sf)  }
0x25d: {  	[tilespmem:s8], [sflag:$0x1] =	stream.linear.gather [hbm4b:s9+s1], $0x80, $0x38;
	[tilespmem:$0x18600] =	vst v63  }
0x25e: {  	s8 =	sadd.s32 s3, s10;
	s9 =	sand.u32 $0x1FFFFFF0, s11;
	s10 =	spop (v2sf)  }
0x25f: {  	[tilespmem:s24], [sflag:$0x1] =	stream.linear.gather [hbm4b:s8+s1], $0x80, $0x38;
	[tilespmem:$0x18600] =	vst v63  }
0x260: {  	s9 =	sadd.s32 s3, s9;
	s8 =	sadd.s32 $0x8D00, s23;
	s10 =	sand.u32 $0x1FFFFFF0, s10  }
0x261: {  	[tilespmem:s8], [sflag:$0x1] =	stream.linear.gather [hbm4b:s9+s1], $0x80, $0x38;
	[tilespmem:$0x18600] =	vst v63  }
0x262: {  	s10 =	sadd.s32 s3, s10;
	s8 =	sand.u32 $0xF0, s7;
	s9 =	sadd.s32 $0x8D80, s23  }
0x263: {  	[tilespmem:s9], [sflag:$0x1] =	stream.linear.gather [hbm4b:s10+s1], $0x80, $0x38;
	[tilespmem:$0x18600] =	vst v63  }
0x264: {  	v0 =	vld [tilespmem:s8+$0x500];
	_ =	sdelay $0x4  }
0x265: {  	v0 =	vshll.u32 v0, $0x4  }
0x266: {  	(v2sf) =	vpush v0, $0x0  }
0x267: {  	(v2sf) =	vpush v0, $0x2  }
0x268: {  	(v2sf) =	vpush v0, $0x1;
	_ =	sdelay $0x1  }
.Ltmp5:
0x269: {  	(v2sf) =	vpush v0, $0x3;
	(pc) =	sbr.rel @p0 .LBB2_12-.Ltmp5, $2  }
0x26a: {  	(v2sf) =	vpush v0, $0x4;
	_ =	sdelay $0x2  }
0x26b: {  	s7 =	sadd.s32 $0x10, s7  }
0x26c: {  	(v2sf) =	vpush v0, $0x5;
	_ =	sdelay $0x1  }
0x26d: {  	s0 =	sshra.s32 s31, $0x2;
	(v2sf) =	vpush v0, $0x6  }
0x26e: {  	s10 =	sadd.s32 $0x8680, s0;
	s11 =	sadd.s32 $0x8600, s0  }
0x26f: {  	s9 =	sadd.s32 $0x8B80, s0;
	s8 =	sadd.s32 $0x8C00, s0;
	s7 =	sadd.s32 $0x8C80, s0;
	(v2sf) =	vpush v0, $0x7  }
0x270: {  	s12 =	sadd.s32 $0x8A00, s0;
	s13 =	sadd.s32 $0x8A80, s0;
	s14 =	sadd.s32 $0x8B00, s0  }
0x271: {  	s15 =	sadd.s32 $0x8900, s0;
	s16 =	sadd.s32 $0x8980, s0;
	s17 =	spop (v2sf);
	(v2sf) =	vpush v0, $0x8  }
0x272: {  	s18 =	sadd.s32 $0x8700, s0;
	s17 =	sand.u32 $0x1FFFFFF0, s17;
	s19 =	spop (v2sf)  }
0x273: {  	s20 =	sadd.s32 $0x8880, s0;
	s17 =	sadd.s32 s3, s17;
	s21 =	spop (v2sf);
	(v2sf) =	vpush v0, $0x9  }
0x274: {  	[tilespmem:s11], [sflag:$0x1] =	stream.linear.gather [hbm4b:s17+s1], $0x80, $0x38;
	[tilespmem:$0x18600] =	vst v63  }
0x275: {  	s24 =	sand.u32 $0x1FFFFFF0, s19;
	s23 =	sand.u32 $0x1FFFFFF0, s21;
	s28 =	spop (v2sf);
	(v2sf) =	vpush v0, $0xA  }
0x276: {  	s21 =	sadd.s32 $0x8800, s0;
	s11 =	sadd.s32 s3, s23;
	s23 =	spop (v2sf)  }
0x277: {  	[tilespmem:s10], [sflag:$0x1] =	stream.linear.gather [hbm4b:s11+s1], $0x80, $0x38;
	(v2sf) =	vpush v0, $0xB;
	[tilespmem:$0x18600] =	vst v63  }
0x278: {  	s17 =	sadd.s32 s3, s24;
	s24 =	sadd.s32 $0x8780, s0;
	s19 =	sand.u32 $0x1FFFFFF0, s28  }
0x279: {  	(v2sf) =	vpush v0, $0xC;
	[tilespmem:s18], [sflag:$0x1] =	stream.linear.gather [hbm4b:s17+s1], $0x80, $0x38;
	[tilespmem:$0x18600] =	vst v63  }
0x27a: {  	s23 =	sand.u32 $0x1FFFFFF0, s23;
	s11 =	sadd.s32 s3, s19;
	s28 =	spop (v2sf)  }
0x27b: {  	[tilespmem:s24], [sflag:$0x1] =	stream.linear.gather [hbm4b:s11+s1], $0x80, $0x38;
	(v2sf) =	vpush v0, $0xD;
	[tilespmem:$0x18600] =	vst v63  }
0x27c: {  	s17 =	sadd.s32 s3, s23;
	s18 =	sand.u32 $0x1FFFFFF0, s28;
	s19 =	spop (v2sf)  }
0x27d: {  	(v2sf) =	vpush v0, $0xE;
	[tilespmem:s21], [sflag:$0x1] =	stream.linear.gather [hbm4b:s17+s1], $0x80, $0x38;
	[tilespmem:$0x18600] =	vst v63  }
0x27e: {  	s23 =	sadd.s32 s3, s18;
	s24 =	sand.u32 $0x1FFFFFF0, s19;
	s28 =	spop (v2sf)  }
0x27f: {  	(v2sf) =	vpush v0, $0xF;
	[tilespmem:s20], [sflag:$0x1] =	stream.linear.gather [hbm4b:s23+s1], $0x80, $0x38;
	[tilespmem:$0x18600] =	vst v63  }
0x280: {  	s11 =	sadd.s32 s3, s24;
	s17 =	sand.u32 $0x1FFFFFF0, s28;
	s18 =	spop (v2sf)  }
0x281: {  	[tilespmem:s15], [sflag:$0x1] =	stream.linear.gather [hbm4b:s11+s1], $0x80, $0x38;
	[tilespmem:$0x18600] =	vst v63  }
0x282: {  	s19 =	sadd.s32 s3, s17;
	s20 =	sand.u32 $0x1FFFFFF0, s18;
	s21 =	spop (v2sf)  }
0x283: {  	[tilespmem:s16], [sflag:$0x1] =	stream.linear.gather [hbm4b:s19+s1], $0x80, $0x38;
	[tilespmem:$0x18600] =	vst v63  }
0x284: {  	s23 =	sadd.s32 s3, s20;
	s24 =	sand.u32 $0x1FFFFFF0, s21;
	s28 =	spop (v2sf)  }
0x285: {  	[tilespmem:s12], [sflag:$0x1] =	stream.linear.gather [hbm4b:s23+s1], $0x80, $0x38;
	[tilespmem:$0x18600] =	vst v63  }
0x286: {  	s16 =	sadd.s32 s3, s24;
	s17 =	sand.u32 $0x1FFFFFF0, s28;
	s18 =	spop (v2sf)  }
0x287: {  	[tilespmem:s13], [sflag:$0x1] =	stream.linear.gather [hbm4b:s16+s1], $0x80, $0x38;
	[tilespmem:$0x18600] =	vst v63  }
0x288: {  	s19 =	sadd.s32 s3, s17;
	s20 =	sand.u32 $0x1FFFFFF0, s18;
	s21 =	spop (v2sf)  }
0x289: {  	[tilespmem:s14], [sflag:$0x1] =	stream.linear.gather [hbm4b:s19+s1], $0x80, $0x38;
	[tilespmem:$0x18600] =	vst v63  }
0x28a: {  	s23 =	sadd.s32 s3, s20;
	s24 =	sand.u32 $0x1FFFFFF0, s21;
	s28 =	spop (v2sf)  }
0x28b: {  	[tilespmem:s9], [sflag:$0x1] =	stream.linear.gather [hbm4b:s23+s1], $0x80, $0x38;
	[tilespmem:$0x18600] =	vst v63  }
0x28c: {  	s13 =	sadd.s32 s3, s24;
	s14 =	sand.u32 $0x1FFFFFF0, s28;
	s15 =	spop (v2sf)  }
0x28d: {  	[tilespmem:s8], [sflag:$0x1] =	stream.linear.gather [hbm4b:s13+s1], $0x80, $0x38;
	[tilespmem:$0x18600] =	vst v63  }
0x28e: {  	s16 =	sadd.s32 s3, s14;
	s17 =	sand.u32 $0x1FFFFFF0, s15;
	s18 =	spop (v2sf)  }
0x28f: {  	[tilespmem:s7], [sflag:$0x1] =	stream.linear.gather [hbm4b:s16+s1], $0x80, $0x38;
	[tilespmem:$0x18600] =	vst v63  }
0x290: {  	s19 =	sadd.s32 $0x8D00, s0;
	s20 =	sadd.s32 s3, s17;
	s21 =	sand.u32 $0x1FFFFFF0, s18  }
0x291: {  	[tilespmem:s19], [sflag:$0x1] =	stream.linear.gather [hbm4b:s20+s1], $0x80, $0x38;
	[tilespmem:$0x18600] =	vst v63  }
0x292: {  	s0 =	sadd.s32 $0x8D80, s0;
	s23 =	sadd.s32 s3, s21  }
0x293: {  	[tilespmem:s0], [sflag:$0x1] =	stream.linear.gather [hbm4b:s23+s1], $0x80, $0x38;
	[tilespmem:$0x18600] =	vst v63  }
0x294: {  	_ =	swait.ge [sflag:s25], $0x8000  }
0x295: {  	s28 =	simm.s32 $0x8600;
	[sflag:s25] =	ssyncset.done $0x0  }
0x296: {  	s0 =	simm.s32 $0x0;
	s24 =	rddreg [dreg:$0xd];
	[sflag:s25] =	ssyncadd.s32 $0xFFFF8000  }
0x297: {  	[hbm4b:s24+s0] =	stream.linear.scatter [tilespmem:s28], [sflag:$0x2], $0x8000, $0x38;
	[tilespmem:$0x18600] =	vst v63  }
0x298: {  	_ =	swait.ge [sflag:s22], $0x8000  }
0x299: {  	[sflag:s22] =	ssyncset.done $0x0  }
0x29a: {  	[sflag:s22] =	ssyncadd.s32 $0xFFFF8000  }
0x29b: {  	v0 =	vld [tilespmem:s0+$0x0];
	_ =	sdelay $0x4  }
0x29c: {  	v0 =	vshll.u32 v0, $0x4  }
0x29d: {  	(v2sf) =	vpush v0, $0x0  }
0x29e: {  	(v2sf) =	vpush v0, $0x1  }
0x29f: {  	(v2sf) =	vpush v0, $0x2;
	_ =	sdelay $0x1  }
0x2a0: {  	(v2sf) =	vpush v0, $0x4;
	_ =	sdelay $0x1  }
0x2a1: {  	(v2sf) =	vpush v0, $0x3  }
0x2a2: {  	(v2sf) =	vpush v0, $0x5  }
0x2a3: {  	s31 =	simm.s32 $0x0;
	s7 =	simm.s32 $0x2000;
	(v2sf) =	vpush v0, $0x6  }
.LBB2_14:
0x2a4: {  	p0 =	sne.s32 s7, $0x1E000  }
0x2a5: {  	s14 =	sadd.s32 $0x10680, s31;
	s8 =	sadd.s32 $0x10B80, s31;
	s23 =	smov.u32 s7  }
0x2a6: {  	s7 =	sadd.s32 $0x2000, s7;
	s11 =	sadd.s32 $0x10980, s31;
	s24 =	sadd.s32 $0x10C00, s31;
	(v2sf) =	vpush v0, $0x7  }
0x2a7: {  	s13 =	sadd.s32 $0x10880, s31;
	s10 =	sadd.s32 $0x10A00, s31;
	s28 =	sadd.s32 $0x10C80, s31  }
0x2a8: {  	s15 =	sadd.s32 $0x10600, s31;
	s16 =	sadd.s32 $0x10800, s31;
	(v2sf) =	vpush v0, $0x8  }
0x2a9: {  	s17 =	sadd.s32 $0x10900, s31;
	s0 =	sadd.s32 $0x10, s0  }
0x2aa: {  	s18 =	sadd.s32 $0x10700, s31;
	s9 =	sadd.s32 $0x10B00, s31;
	s12 =	spop (v2sf);
	(v2sf) =	vpush v0, $0x9  }
0x2ab: {  	s19 =	sand.u32 $0x1FFFFFF0, s12;
	s12 =	sadd.s32 $0x10A80, s31;
	s20 =	spop (v2sf)  }
0x2ac: {  	s19 =	sadd.s32 s5, s19;
	s20 =	sand.u32 $0x1FFFFFF0, s20;
	s21 =	spop (v2sf);
	(v2sf) =	vpush v0, $0xA  }
0x2ad: {  	[tilespmem:s15], [sflag:$0x1] =	stream.linear.gather [hbm4b:s19+s1], $0x80, $0x38;
	[tilespmem:$0x18600] =	vst v63  }
0x2ae: {  	s15 =	sadd.s32 s5, s20;
	s19 =	sadd.s32 $0x10780, s31;
	s20 =	spop (v2sf);
	(v2sf) =	vpush v0, $0xB  }
0x2af: {  	[tilespmem:s14], [sflag:$0x1] =	stream.linear.gather [hbm4b:s15+s1], $0x80, $0x38;
	[tilespmem:$0x18600] =	vst v63  }
0x2b0: {  	s14 =	sand.u32 $0x1FFFFFF0, s21;
	s15 =	sand.u32 $0x1FFFFFF0, s20;
	s20 =	spop (v2sf);
	(v2sf) =	vpush v0, $0xC  }
0x2b1: {  	s14 =	sadd.s32 s5, s14;
	s20 =	sand.u32 $0x1FFFFFF0, s20;
	s21 =	spop (v2sf)  }
0x2b2: {  	[tilespmem:s18], [sflag:$0x1] =	stream.linear.gather [hbm4b:s14+s1], $0x80, $0x38;
	(v2sf) =	vpush v0, $0xD;
	[tilespmem:$0x18600] =	vst v63  }
0x2b3: {  	s14 =	sadd.s32 s5, s20;
	s18 =	sand.u32 $0x1FFFFFF0, s21;
	s20 =	spop (v2sf)  }
0x2b4: {  	[tilespmem:s19], [sflag:$0x1] =	stream.linear.gather [hbm4b:s14+s1], $0x80, $0x38;
	(v2sf) =	vpush v0, $0xE;
	[tilespmem:$0x18600] =	vst v63  }
0x2b5: {  	s14 =	sadd.s32 s5, s15;
	s15 =	sand.u32 $0x1FFFFFF0, s20;
	s19 =	spop (v2sf)  }
0x2b6: {  	[tilespmem:s16], [sflag:$0x1] =	stream.linear.gather [hbm4b:s14+s1], $0x80, $0x38;
	(v2sf) =	vpush v0, $0xF;
	[tilespmem:$0x18600] =	vst v63  }
0x2b7: {  	s14 =	sadd.s32 s5, s18;
	s16 =	sand.u32 $0x1FFFFFF0, s19;
	s18 =	spop (v2sf)  }
0x2b8: {  	[tilespmem:s13], [sflag:$0x1] =	stream.linear.gather [hbm4b:s14+s1], $0x80, $0x38;
	[tilespmem:$0x18600] =	vst v63  }
0x2b9: {  	s13 =	sadd.s32 s5, s15;
	s14 =	sand.u32 $0x1FFFFFF0, s18;
	s15 =	spop (v2sf)  }
0x2ba: {  	[tilespmem:s17], [sflag:$0x1] =	stream.linear.gather [hbm4b:s13+s1], $0x80, $0x38;
	[tilespmem:$0x18600] =	vst v63  }
0x2bb: {  	s13 =	sadd.s32 s5, s16;
	s15 =	sand.u32 $0x1FFFFFF0, s15;
	s16 =	spop (v2sf)  }
0x2bc: {  	[tilespmem:s11], [sflag:$0x1] =	stream.linear.gather [hbm4b:s13+s1], $0x80, $0x38;
	[tilespmem:$0x18600] =	vst v63  }
0x2bd: {  	s11 =	sadd.s32 s5, s14;
	s13 =	sand.u32 $0x1FFFFFF0, s16;
	s14 =	spop (v2sf)  }
0x2be: {  	[tilespmem:s10], [sflag:$0x1] =	stream.linear.gather [hbm4b:s11+s1], $0x80, $0x38;
	[tilespmem:$0x18600] =	vst v63  }
0x2bf: {  	s10 =	sadd.s32 s5, s15;
	s11 =	sand.u32 $0x1FFFFFF0, s14;
	s14 =	spop (v2sf)  }
0x2c0: {  	[tilespmem:s12], [sflag:$0x1] =	stream.linear.gather [hbm4b:s10+s1], $0x80, $0x38;
	[tilespmem:$0x18600] =	vst v63  }
0x2c1: {  	s10 =	sadd.s32 s5, s13;
	s12 =	sand.u32 $0x1FFFFFF0, s14;
	s13 =	spop (v2sf)  }
0x2c2: {  	[tilespmem:s9], [sflag:$0x1] =	stream.linear.gather [hbm4b:s10+s1], $0x80, $0x38;
	[tilespmem:$0x18600] =	vst v63  }
0x2c3: {  	s9 =	sadd.s32 s5, s11;
	s10 =	sand.u32 $0x1FFFFFF0, s13;
	s11 =	spop (v2sf)  }
0x2c4: {  	[tilespmem:s8], [sflag:$0x1] =	stream.linear.gather [hbm4b:s9+s1], $0x80, $0x38;
	[tilespmem:$0x18600] =	vst v63  }
0x2c5: {  	s8 =	sadd.s32 s5, s12;
	s9 =	sand.u32 $0x1FFFFFF0, s11;
	s11 =	spop (v2sf)  }
0x2c6: {  	[tilespmem:s24], [sflag:$0x1] =	stream.linear.gather [hbm4b:s8+s1], $0x80, $0x38;
	[tilespmem:$0x18600] =	vst v63  }
0x2c7: {  	s8 =	sadd.s32 s5, s10;
	s10 =	sand.u32 $0x1FFFFFF0, s11  }
0x2c8: {  	[tilespmem:s28], [sflag:$0x1] =	stream.linear.gather [hbm4b:s8+s1], $0x80, $0x38;
	[tilespmem:$0x18600] =	vst v63  }
0x2c9: {  	s9 =	sadd.s32 s5, s9;
	s8 =	sadd.s32 $0x10D00, s31  }
0x2ca: {  	[tilespmem:s8], [sflag:$0x1] =	stream.linear.gather [hbm4b:s9+s1], $0x80, $0x38;
	[tilespmem:$0x18600] =	vst v63  }
0x2cb: {  	s8 =	sadd.s32 $0x10D80, s31;
	s9 =	sadd.s32 s5, s10  }
0x2cc: {  	[tilespmem:s8], [sflag:$0x1] =	stream.linear.gather [hbm4b:s9+s1], $0x80, $0x38;
	[tilespmem:$0x18600] =	vst v63  }
0x2cd: {  	v0 =	vld [tilespmem:s0+$0x0];
	_ =	sdelay $0x4  }
0x2ce: {  	v0 =	vshll.u32 v0, $0x4  }
0x2cf: {  	(v2sf) =	vpush v0, $0x0  }
0x2d0: {  	(v2sf) =	vpush v0, $0x1  }
0x2d1: {  	(v2sf) =	vpush v0, $0x2;
	_ =	sdelay $0x1  }
0x2d2: {  	(v2sf) =	vpush v0, $0x4  }
.Ltmp6:
0x2d3: {  	(pc) =	sbr.rel @p0 .LBB2_14-.Ltmp6, $3  }
0x2d4: {  	(v2sf) =	vpush v0, $0x3  }
0x2d5: {  	(v2sf) =	vpush v0, $0x5;
	_ =	sdelay $0x1  }
0x2d6: {  	s31 =	sshra.s32 s23, $0x2;
	(v2sf) =	vpush v0, $0x6  }
0x2d7: {  	_ =	sdelay $0x1  }
0x2d8: {  	s9 =	sadd.s32 $0x10680, s31;
	s8 =	sadd.s32 $0x10B80, s31  }
0x2d9: {  	s10 =	sadd.s32 $0x10980, s31;
	s0 =	sadd.s32 $0x10C00, s31;
	(v2sf) =	vpush v0, $0x7;
	s11 =	sadd.s32 $0x10880, s31  }
0x2da: {  	s12 =	sadd.s32 $0x10A00, s31;
	s7 =	sadd.s32 $0x10C80, s31;
	s13 =	sadd.s32 $0x10600, s31  }
0x2db: {  	s14 =	sadd.s32 $0x10800, s31;
	s15 =	sadd.s32 $0x10900, s31;
	(v2sf) =	vpush v0, $0x8;
	s16 =	spop (v2sf)  }
0x2dc: {  	s17 =	sadd.s32 $0x10700, s31;
	s16 =	sand.u32 $0x1FFFFFF0, s16;
	s18 =	spop (v2sf)  }
0x2dd: {  	(v2sf) =	vpush v0, $0x9;
	s16 =	sadd.s32 s5, s16;
	s18 =	sand.u32 $0x1FFFFFF0, s18;
	s19 =	spop (v2sf)  }
0x2de: {  	[tilespmem:s13], [sflag:$0x1] =	stream.linear.gather [hbm4b:s16+s1], $0x80, $0x38;
	[tilespmem:$0x18600] =	vst v63  }
0x2df: {  	s20 =	sadd.s32 $0x10780, s31;
	(v2sf) =	vpush v0, $0xA;
	s24 =	sadd.s32 s5, s18;
	s28 =	spop (v2sf)  }
0x2e0: {  	[tilespmem:s9], [sflag:$0x1] =	stream.linear.gather [hbm4b:s24+s1], $0x80, $0x38;
	[tilespmem:$0x18600] =	vst v63  }
0x2e1: {  	s13 =	sadd.s32 $0x10B00, s31;
	s21 =	sand.u32 $0x1FFFFFF0, s19;
	(v2sf) =	vpush v0, $0xB;
	s23 =	spop (v2sf)  }
0x2e2: {  	s16 =	sadd.s32 s5, s21;
	s9 =	sadd.s32 $0x10A80, s31;
	s19 =	sand.u32 $0x1FFFFFF0, s23  }
0x2e3: {  	(v2sf) =	vpush v0, $0xC;
	[tilespmem:s17], [sflag:$0x1] =	stream.linear.gather [hbm4b:s16+s1], $0x80, $0x38;
	[tilespmem:$0x18600] =	vst v63  }
0x2e4: {  	s24 =	sand.u32 $0x1FFFFFF0, s28;
	s28 =	spop (v2sf);
	s21 =	sadd.s32 s5, s19  }
0x2e5: {  	(v2sf) =	vpush v0, $0xD;
	[tilespmem:s20], [sflag:$0x1] =	stream.linear.gather [hbm4b:s21+s1], $0x80, $0x38;
	[tilespmem:$0x18600] =	vst v63  }
0x2e6: {  	s16 =	sadd.s32 s5, s24;
	s17 =	sand.u32 $0x1FFFFFF0, s28;
	s23 =	spop (v2sf)  }
0x2e7: {  	(v2sf) =	vpush v0, $0xE;
	[tilespmem:s14], [sflag:$0x1] =	stream.linear.gather [hbm4b:s16+s1], $0x80, $0x38;
	[tilespmem:$0x18600] =	vst v63  }
0x2e8: {  	s17 =	sadd.s32 s5, s17;
	s24 =	sand.u32 $0x1FFFFFF0, s23;
	s28 =	spop (v2sf)  }
0x2e9: {  	(v2sf) =	vpush v0, $0xF;
	[tilespmem:s11], [sflag:$0x1] =	stream.linear.gather [hbm4b:s17+s1], $0x80, $0x38;
	[tilespmem:$0x18600] =	vst v63  }
0x2ea: {  	s18 =	sand.u32 $0x1FFFFFF0, s28;
	s19 =	spop (v2sf);
	s14 =	sadd.s32 s5, s24  }
0x2eb: {  	[tilespmem:s15], [sflag:$0x1] =	stream.linear.gather [hbm4b:s14+s1], $0x80, $0x38;
	[tilespmem:$0x18600] =	vst v63  }
0x2ec: {  	s20 =	sand.u32 $0x1FFFFFF0, s19;
	s11 =	sadd.s32 s5, s18;
	s21 =	spop (v2sf)  }
0x2ed: {  	[tilespmem:s10], [sflag:$0x1] =	stream.linear.gather [hbm4b:s11+s1], $0x80, $0x38;
	[tilespmem:$0x18600] =	vst v63  }
0x2ee: {  	s14 =	sadd.s32 s5, s20;
	s23 =	sand.u32 $0x1FFFFFF0, s21;
	s24 =	spop (v2sf)  }
0x2ef: {  	[tilespmem:s12], [sflag:$0x1] =	stream.linear.gather [hbm4b:s14+s1], $0x80, $0x38;
	[tilespmem:$0x18600] =	vst v63  }
0x2f0: {  	s11 =	sand.u32 $0x1FFFFFF0, s24;
	s10 =	sadd.s32 s5, s23;
	s28 =	spop (v2sf)  }
0x2f1: {  	[tilespmem:s9], [sflag:$0x1] =	stream.linear.gather [hbm4b:s10+s1], $0x80, $0x38;
	[tilespmem:$0x18600] =	vst v63  }
0x2f2: {  	s11 =	sadd.s32 s5, s11;
	s12 =	sand.u32 $0x1FFFFFF0, s28;
	s14 =	spop (v2sf)  }
0x2f3: {  	[tilespmem:s13], [sflag:$0x1] =	stream.linear.gather [hbm4b:s11+s1], $0x80, $0x38;
	[tilespmem:$0x18600] =	vst v63  }
0x2f4: {  	s9 =	sadd.s32 s5, s12;
	s10 =	sand.u32 $0x1FFFFFF0, s14;
	s15 =	spop (v2sf)  }
0x2f5: {  	[tilespmem:s8], [sflag:$0x1] =	stream.linear.gather [hbm4b:s9+s1], $0x80, $0x38;
	[tilespmem:$0x18600] =	vst v63  }
0x2f6: {  	s16 =	sand.u32 $0x1FFFFFF0, s15;
	s10 =	sadd.s32 s5, s10;
	s17 =	spop (v2sf)  }
0x2f7: {  	[tilespmem:s0], [sflag:$0x1] =	stream.linear.gather [hbm4b:s10+s1], $0x80, $0x38;
	[tilespmem:$0x18600] =	vst v63  }
0x2f8: {  	s18 =	sand.u32 $0x1FFFFFF0, s17;
	s19 =	spop (v2sf);
	s8 =	sadd.s32 s5, s16  }
0x2f9: {  	[tilespmem:s7], [sflag:$0x1] =	stream.linear.gather [hbm4b:s8+s1], $0x80, $0x38;
	[tilespmem:$0x18600] =	vst v63  }
0x2fa: {  	s21 =	sadd.s32 $0x10D00, s31;
	s20 =	sand.u32 $0x1FFFFFF0, s19;
	s0 =	sadd.s32 s5, s18  }
0x2fb: {  	[tilespmem:s21], [sflag:$0x1] =	stream.linear.gather [hbm4b:s0+s1], $0x80, $0x38;
	[tilespmem:$0x18600] =	vst v63  }
0x2fc: {  	s23 =	sadd.s32 $0x10D80, s31;
	s7 =	sadd.s32 s5, s20  }
0x2fd: {  	[tilespmem:s23], [sflag:$0x1] =	stream.linear.gather [hbm4b:s7+s1], $0x80, $0x38;
	[tilespmem:$0x18600] =	vst v63  }
0x2fe: {  	_ =	swait.ge [sflag:s25], $0x8000  }
0x2ff: {  	[sflag:s25] =	ssyncset.done $0x0  }
0x300: {  	s31 =	simm.s32 $0x0;
	s24 =	rddreg [dreg:$0xe];
	[sflag:s25] =	ssyncadd.s32 $0xFFFF8000  }
0x301: {  	[hbm4b:s24+s31] =	stream.linear.scatter [tilespmem:s29], [sflag:$0x2], $0x8000, $0x38;
	[tilespmem:$0x18600] =	vst v63  }
0x302: {  	_ =	swait.ge [sflag:s22], $0x8000  }
0x303: {  	[sflag:s22] =	ssyncset.done $0x0  }
0x304: {  	s28 =	sand.u32 $0xF0, s31;
	[sflag:s22] =	ssyncadd.s32 $0xFFFF8000  }
0x305: {  	v0 =	vld [tilespmem:s28+$0x100];
	_ =	sdelay $0x4  }
0x306: {  	v0 =	vshll.u32 v0, $0x4  }
0x307: {  	(v2sf) =	vpush v0, $0x0  }
0x308: {  	(v2sf) =	vpush v0, $0x2  }
0x309: {  	(v2sf) =	vpush v0, $0x1;
	_ =	sdelay $0x1  }
0x30a: {  	(v2sf) =	vpush v0, $0x3  }
0x30b: {  	(v2sf) =	vpush v0, $0x4;
	_ =	sdelay $0x2  }
0x30c: {  	s0 =	simm.s32 $0x2000;
	s7 =	simm.s32 $0x10  }
.LBB2_16:
0x30d: {  	p0 =	sne.s32 s0, $0x1E000;
	(v2sf) =	vpush v0, $0x5;
	s8 =	smov.u32 s0;
	s0 =	sadd.s32 $0x2000, s0  }
0x30e: {  	s23 =	sshra.s32 s31, $0x2;
	s31 =	smov.u32 s8  }
0x30f: {  	s13 =	sadd.s32 $0x10680, s23;
	(v2sf) =	vpush v0, $0x6  }
0x310: {  	s14 =	sadd.s32 $0x10600, s23  }
0x311: {  	s28 =	sadd.s32 $0x10B80, s23;
	s8 =	sadd.s32 $0x10C00, s23;
	s24 =	sadd.s32 $0x10C80, s23;
	(v2sf) =	vpush v0, $0x7  }
0x312: {  	s11 =	sadd.s32 $0x10A00, s23;
	s10 =	sadd.s32 $0x10A80, s23;
	s9 =	sadd.s32 $0x10B00, s23  }
0x313: {  	s15 =	sadd.s32 $0x10900, s23;
	s12 =	sadd.s32 $0x10980, s23;
	s16 =	spop (v2sf);
	(v2sf) =	vpush v0, $0x8  }
0x314: {  	s17 =	sadd.s32 $0x10700, s23;
	s16 =	sand.u32 $0x1FFFFFF0, s16;
	s18 =	spop (v2sf)  }
0x315: {  	s19 =	sadd.s32 $0x10880, s23;
	s16 =	sadd.s32 s5, s16;
	s20 =	spop (v2sf);
	(v2sf) =	vpush v0, $0x9  }
0x316: {  	[tilespmem:s14], [sflag:$0x1] =	stream.linear.gather [hbm4b:s16+s1], $0x80, $0x38;
	[tilespmem:$0x18600] =	vst v63  }
0x317: {  	s14 =	sand.u32 $0x1FFFFFF0, s20;
	s16 =	sand.u32 $0x1FFFFFF0, s18;
	s18 =	spop (v2sf);
	(v2sf) =	vpush v0, $0xA  }
0x318: {  	s20 =	sadd.s32 $0x10800, s23;
	s14 =	sadd.s32 s5, s14;
	s21 =	spop (v2sf)  }
0x319: {  	[tilespmem:s13], [sflag:$0x1] =	stream.linear.gather [hbm4b:s14+s1], $0x80, $0x38;
	(v2sf) =	vpush v0, $0xB;
	[tilespmem:$0x18600] =	vst v63  }
0x31a: {  	s13 =	sadd.s32 s5, s16;
	s14 =	sand.u32 $0x1FFFFFF0, s18;
	s16 =	sand.u32 $0x1FFFFFF0, s21  }
0x31b: {  	[tilespmem:s17], [sflag:$0x1] =	stream.linear.gather [hbm4b:s13+s1], $0x80, $0x38;
	(v2sf) =	vpush v0, $0xC;
	[tilespmem:$0x18600] =	vst v63  }
0x31c: {  	s14 =	sadd.s32 s5, s14;
	s13 =	sadd.s32 $0x10780, s23;
	s17 =	spop (v2sf)  }
0x31d: {  	[tilespmem:s13], [sflag:$0x1] =	stream.linear.gather [hbm4b:s14+s1], $0x80, $0x38;
	(v2sf) =	vpush v0, $0xD;
	[tilespmem:$0x18600] =	vst v63  }
0x31e: {  	s13 =	sadd.s32 s5, s16;
	s14 =	sand.u32 $0x1FFFFFF0, s17;
	s16 =	spop (v2sf)  }
0x31f: {  	[tilespmem:s20], [sflag:$0x1] =	stream.linear.gather [hbm4b:s13+s1], $0x80, $0x38;
	(v2sf) =	vpush v0, $0xE;
	[tilespmem:$0x18600] =	vst v63  }
0x320: {  	s13 =	sadd.s32 s5, s14;
	s14 =	sand.u32 $0x1FFFFFF0, s16;
	s16 =	spop (v2sf)  }
0x321: {  	[tilespmem:s19], [sflag:$0x1] =	stream.linear.gather [hbm4b:s13+s1], $0x80, $0x38;
	(v2sf) =	vpush v0, $0xF;
	[tilespmem:$0x18600] =	vst v63  }
0x322: {  	s13 =	sadd.s32 s5, s14;
	s14 =	sand.u32 $0x1FFFFFF0, s16;
	s16 =	spop (v2sf)  }
0x323: {  	[tilespmem:s15], [sflag:$0x1] =	stream.linear.gather [hbm4b:s13+s1], $0x80, $0x38;
	[tilespmem:$0x18600] =	vst v63  }
0x324: {  	s13 =	sadd.s32 s5, s14;
	s14 =	sand.u32 $0x1FFFFFF0, s16;
	s15 =	spop (v2sf)  }
0x325: {  	[tilespmem:s12], [sflag:$0x1] =	stream.linear.gather [hbm4b:s13+s1], $0x80, $0x38;
	[tilespmem:$0x18600] =	vst v63  }
0x326: {  	s12 =	sadd.s32 s5, s14;
	s13 =	sand.u32 $0x1FFFFFF0, s15;
	s14 =	spop (v2sf)  }
0x327: {  	[tilespmem:s11], [sflag:$0x1] =	stream.linear.gather [hbm4b:s12+s1], $0x80, $0x38;
	[tilespmem:$0x18600] =	vst v63  }
0x328: {  	s11 =	sadd.s32 s5, s13;
	s12 =	sand.u32 $0x1FFFFFF0, s14;
	s13 =	spop (v2sf)  }
0x329: {  	[tilespmem:s10], [sflag:$0x1] =	stream.linear.gather [hbm4b:s11+s1], $0x80, $0x38;
	[tilespmem:$0x18600] =	vst v63  }
0x32a: {  	s10 =	sadd.s32 s5, s12;
	s11 =	sand.u32 $0x1FFFFFF0, s13;
	s12 =	spop (v2sf)  }
0x32b: {  	[tilespmem:s9], [sflag:$0x1] =	stream.linear.gather [hbm4b:s10+s1], $0x80, $0x38;
	[tilespmem:$0x18600] =	vst v63  }
0x32c: {  	s9 =	sadd.s32 s5, s11;
	s10 =	sand.u32 $0x1FFFFFF0, s12;
	s11 =	spop (v2sf)  }
0x32d: {  	[tilespmem:s28], [sflag:$0x1] =	stream.linear.gather [hbm4b:s9+s1], $0x80, $0x38;
	[tilespmem:$0x18600] =	vst v63  }
0x32e: {  	s9 =	sadd.s32 s5, s10;
	s10 =	sand.u32 $0x1FFFFFF0, s11;
	s11 =	spop (v2sf)  }
0x32f: {  	[tilespmem:s8], [sflag:$0x1] =	stream.linear.gather [hbm4b:s9+s1], $0x80, $0x38;
	[tilespmem:$0x18600] =	vst v63  }
0x330: {  	s8 =	sadd.s32 s5, s10;
	s9 =	sand.u32 $0x1FFFFFF0, s11;
	s10 =	spop (v2sf)  }
0x331: {  	[tilespmem:s24], [sflag:$0x1] =	stream.linear.gather [hbm4b:s8+s1], $0x80, $0x38;
	[tilespmem:$0x18600] =	vst v63  }
0x332: {  	s9 =	sadd.s32 s5, s9;
	s8 =	sadd.s32 $0x10D00, s23;
	s10 =	sand.u32 $0x1FFFFFF0, s10  }
0x333: {  	[tilespmem:s8], [sflag:$0x1] =	stream.linear.gather [hbm4b:s9+s1], $0x80, $0x38;
	[tilespmem:$0x18600] =	vst v63  }
0x334: {  	s10 =	sadd.s32 s5, s10;
	s8 =	sand.u32 $0xF0, s7;
	s9 =	sadd.s32 $0x10D80, s23  }
0x335: {  	[tilespmem:s9], [sflag:$0x1] =	stream.linear.gather [hbm4b:s10+s1], $0x80, $0x38;
	[tilespmem:$0x18600] =	vst v63  }
0x336: {  	v0 =	vld [tilespmem:s8+$0x100];
	_ =	sdelay $0x4  }
0x337: {  	v0 =	vshll.u32 v0, $0x4  }
0x338: {  	(v2sf) =	vpush v0, $0x0  }
0x339: {  	(v2sf) =	vpush v0, $0x2  }
0x33a: {  	(v2sf) =	vpush v0, $0x1;
	_ =	sdelay $0x1  }
.Ltmp7:
0x33b: {  	(v2sf) =	vpush v0, $0x3;
	(pc) =	sbr.rel @p0 .LBB2_16-.Ltmp7, $2  }
0x33c: {  	(v2sf) =	vpush v0, $0x4;
	_ =	sdelay $0x2  }
0x33d: {  	s7 =	sadd.s32 $0x10, s7  }
0x33e: {  	(v2sf) =	vpush v0, $0x5;
	_ =	sdelay $0x1  }
0x33f: {  	s0 =	sshra.s32 s31, $0x2;
	(v2sf) =	vpush v0, $0x6  }
0x340: {  	s10 =	sadd.s32 $0x10680, s0;
	s11 =	sadd.s32 $0x10600, s0  }
0x341: {  	s9 =	sadd.s32 $0x10B80, s0;
	s8 =	sadd.s32 $0x10C00, s0;
	s7 =	sadd.s32 $0x10C80, s0;
	(v2sf) =	vpush v0, $0x7  }
0x342: {  	s12 =	sadd.s32 $0x10A00, s0;
	s13 =	sadd.s32 $0x10A80, s0;
	s14 =	sadd.s32 $0x10B00, s0  }
0x343: {  	s15 =	sadd.s32 $0x10900, s0;
	s16 =	sadd.s32 $0x10980, s0;
	s17 =	spop (v2sf);
	(v2sf) =	vpush v0, $0x8  }
0x344: {  	s18 =	sadd.s32 $0x10700, s0;
	s17 =	sand.u32 $0x1FFFFFF0, s17;
	s19 =	spop (v2sf)  }
0x345: {  	s20 =	sadd.s32 $0x10880, s0;
	s17 =	sadd.s32 s5, s17;
	s21 =	spop (v2sf);
	(v2sf) =	vpush v0, $0x9  }
0x346: {  	[tilespmem:s11], [sflag:$0x1] =	stream.linear.gather [hbm4b:s17+s1], $0x80, $0x38;
	[tilespmem:$0x18600] =	vst v63  }
0x347: {  	s24 =	sand.u32 $0x1FFFFFF0, s19;
	s23 =	sand.u32 $0x1FFFFFF0, s21;
	s28 =	spop (v2sf);
	(v2sf) =	vpush v0, $0xA  }
0x348: {  	s21 =	sadd.s32 $0x10800, s0;
	s11 =	sadd.s32 s5, s23;
	s23 =	spop (v2sf)  }
0x349: {  	[tilespmem:s10], [sflag:$0x1] =	stream.linear.gather [hbm4b:s11+s1], $0x80, $0x38;
	(v2sf) =	vpush v0, $0xB;
	[tilespmem:$0x18600] =	vst v63  }
0x34a: {  	s17 =	sadd.s32 s5, s24;
	s24 =	sadd.s32 $0x10780, s0;
	s19 =	sand.u32 $0x1FFFFFF0, s28  }
0x34b: {  	(v2sf) =	vpush v0, $0xC;
	[tilespmem:s18], [sflag:$0x1] =	stream.linear.gather [hbm4b:s17+s1], $0x80, $0x38;
	[tilespmem:$0x18600] =	vst v63  }
0x34c: {  	s23 =	sand.u32 $0x1FFFFFF0, s23;
	s11 =	sadd.s32 s5, s19;
	s28 =	spop (v2sf)  }
0x34d: {  	[tilespmem:s24], [sflag:$0x1] =	stream.linear.gather [hbm4b:s11+s1], $0x80, $0x38;
	(v2sf) =	vpush v0, $0xD;
	[tilespmem:$0x18600] =	vst v63  }
0x34e: {  	s17 =	sadd.s32 s5, s23;
	s18 =	sand.u32 $0x1FFFFFF0, s28;
	s19 =	spop (v2sf)  }
0x34f: {  	(v2sf) =	vpush v0, $0xE;
	[tilespmem:s21], [sflag:$0x1] =	stream.linear.gather [hbm4b:s17+s1], $0x80, $0x38;
	[tilespmem:$0x18600] =	vst v63  }
0x350: {  	s23 =	sadd.s32 s5, s18;
	s24 =	sand.u32 $0x1FFFFFF0, s19;
	s28 =	spop (v2sf)  }
0x351: {  	(v2sf) =	vpush v0, $0xF;
	[tilespmem:s20], [sflag:$0x1] =	stream.linear.gather [hbm4b:s23+s1], $0x80, $0x38;
	[tilespmem:$0x18600] =	vst v63  }
0x352: {  	s11 =	sadd.s32 s5, s24;
	s17 =	sand.u32 $0x1FFFFFF0, s28;
	s18 =	spop (v2sf)  }
0x353: {  	[tilespmem:s15], [sflag:$0x1] =	stream.linear.gather [hbm4b:s11+s1], $0x80, $0x38;
	[tilespmem:$0x18600] =	vst v63  }
0x354: {  	s19 =	sadd.s32 s5, s17;
	s20 =	sand.u32 $0x1FFFFFF0, s18;
	s21 =	spop (v2sf)  }
0x355: {  	[tilespmem:s16], [sflag:$0x1] =	stream.linear.gather [hbm4b:s19+s1], $0x80, $0x38;
	[tilespmem:$0x18600] =	vst v63  }
0x356: {  	s23 =	sadd.s32 s5, s20;
	s24 =	sand.u32 $0x1FFFFFF0, s21;
	s28 =	spop (v2sf)  }
0x357: {  	[tilespmem:s12], [sflag:$0x1] =	stream.linear.gather [hbm4b:s23+s1], $0x80, $0x38;
	[tilespmem:$0x18600] =	vst v63  }
0x358: {  	s16 =	sadd.s32 s5, s24;
	s17 =	sand.u32 $0x1FFFFFF0, s28;
	s18 =	spop (v2sf)  }
0x359: {  	[tilespmem:s13], [sflag:$0x1] =	stream.linear.gather [hbm4b:s16+s1], $0x80, $0x38;
	[tilespmem:$0x18600] =	vst v63  }
0x35a: {  	s19 =	sadd.s32 s5, s17;
	s20 =	sand.u32 $0x1FFFFFF0, s18;
	s21 =	spop (v2sf)  }
0x35b: {  	[tilespmem:s14], [sflag:$0x1] =	stream.linear.gather [hbm4b:s19+s1], $0x80, $0x38;
	[tilespmem:$0x18600] =	vst v63  }
0x35c: {  	s23 =	sadd.s32 s5, s20;
	s24 =	sand.u32 $0x1FFFFFF0, s21;
	s28 =	spop (v2sf)  }
0x35d: {  	[tilespmem:s9], [sflag:$0x1] =	stream.linear.gather [hbm4b:s23+s1], $0x80, $0x38;
	[tilespmem:$0x18600] =	vst v63  }
0x35e: {  	s13 =	sadd.s32 s5, s24;
	s14 =	sand.u32 $0x1FFFFFF0, s28;
	s15 =	spop (v2sf)  }
0x35f: {  	[tilespmem:s8], [sflag:$0x1] =	stream.linear.gather [hbm4b:s13+s1], $0x80, $0x38;
	[tilespmem:$0x18600] =	vst v63  }
0x360: {  	s16 =	sadd.s32 s5, s14;
	s17 =	sand.u32 $0x1FFFFFF0, s15;
	s18 =	spop (v2sf)  }
0x361: {  	[tilespmem:s7], [sflag:$0x1] =	stream.linear.gather [hbm4b:s16+s1], $0x80, $0x38;
	[tilespmem:$0x18600] =	vst v63  }
0x362: {  	s19 =	sadd.s32 $0x10D00, s0;
	s20 =	sadd.s32 s5, s17;
	s21 =	sand.u32 $0x1FFFFFF0, s18  }
0x363: {  	[tilespmem:s19], [sflag:$0x1] =	stream.linear.gather [hbm4b:s20+s1], $0x80, $0x38;
	[tilespmem:$0x18600] =	vst v63  }
0x364: {  	s0 =	sadd.s32 $0x10D80, s0;
	s23 =	sadd.s32 s5, s21  }
0x365: {  	[tilespmem:s0], [sflag:$0x1] =	stream.linear.gather [hbm4b:s23+s1], $0x80, $0x38;
	[tilespmem:$0x18600] =	vst v63  }
0x366: {  	_ =	swait.ge [sflag:s25], $0x8000  }
0x367: {  	[sflag:s25] =	ssyncset.done $0x0  }
0x368: {  	s24 =	simm.s32 $0x0;
	s28 =	rddreg [dreg:$0xf];
	[sflag:s25] =	ssyncadd.s32 $0xFFFF8000  }
0x369: {  	[hbm4b:s28+s24] =	stream.linear.scatter [tilespmem:s29], [sflag:$0x2], $0x8000, $0x38;
	[tilespmem:$0x18600] =	vst v63  }
0x36a: {  	_ =	swait.ge [sflag:s22], $0x8000  }
0x36b: {  	[sflag:s22] =	ssyncset.done $0x0  }
0x36c: {  	s0 =	simm.s32 $0x200;
	[sflag:s22] =	ssyncadd.s32 $0xFFFF8000  }
0x36d: {  	v0 =	vld [tilespmem:s0+$0x0];
	_ =	sdelay $0x4  }
0x36e: {  	v0 =	vshll.u32 v0, $0x4  }
0x36f: {  	(v2sf) =	vpush v0, $0x0  }
0x370: {  	(v2sf) =	vpush v0, $0x1  }
0x371: {  	(v2sf) =	vpush v0, $0x2;
	_ =	sdelay $0x1  }
0x372: {  	(v2sf) =	vpush v0, $0x4;
	_ =	sdelay $0x1  }
0x373: {  	(v2sf) =	vpush v0, $0x3  }
0x374: {  	(v2sf) =	vpush v0, $0x5  }
0x375: {  	s31 =	simm.s32 $0x0;
	s7 =	simm.s32 $0x2000;
	(v2sf) =	vpush v0, $0x6  }
.LBB2_18:
0x376: {  	p0 =	sne.s32 s7, $0x1E000  }
0x377: {  	s14 =	sadd.s32 $0x10680, s31;
	s8 =	sadd.s32 $0x10B80, s31;
	s23 =	smov.u32 s7  }
0x378: {  	s7 =	sadd.s32 $0x2000, s7;
	s11 =	sadd.s32 $0x10980, s31;
	s24 =	sadd.s32 $0x10C00, s31;
	(v2sf) =	vpush v0, $0x7  }
0x379: {  	s13 =	sadd.s32 $0x10880, s31;
	s10 =	sadd.s32 $0x10A00, s31;
	s28 =	sadd.s32 $0x10C80, s31  }
0x37a: {  	s15 =	sadd.s32 $0x10600, s31;
	s16 =	sadd.s32 $0x10800, s31;
	(v2sf) =	vpush v0, $0x8  }
0x37b: {  	s17 =	sadd.s32 $0x10900, s31;
	s0 =	sadd.s32 $0x10, s0  }
0x37c: {  	s18 =	sadd.s32 $0x10700, s31;
	s9 =	sadd.s32 $0x10B00, s31;
	s12 =	spop (v2sf);
	(v2sf) =	vpush v0, $0x9  }
0x37d: {  	s19 =	sand.u32 $0x1FFFFFF0, s12;
	s12 =	sadd.s32 $0x10A80, s31;
	s20 =	spop (v2sf)  }
0x37e: {  	s19 =	sadd.s32 s6, s19;
	s20 =	sand.u32 $0x1FFFFFF0, s20;
	s21 =	spop (v2sf);
	(v2sf) =	vpush v0, $0xA  }
0x37f: {  	[tilespmem:s15], [sflag:$0x1] =	stream.linear.gather [hbm4b:s19+s1], $0x80, $0x38;
	[tilespmem:$0x18600] =	vst v63  }
0x380: {  	s15 =	sadd.s32 s6, s20;
	s19 =	sadd.s32 $0x10780, s31;
	s20 =	spop (v2sf);
	(v2sf) =	vpush v0, $0xB  }
0x381: {  	[tilespmem:s14], [sflag:$0x1] =	stream.linear.gather [hbm4b:s15+s1], $0x80, $0x38;
	[tilespmem:$0x18600] =	vst v63  }
0x382: {  	s14 =	sand.u32 $0x1FFFFFF0, s21;
	s15 =	sand.u32 $0x1FFFFFF0, s20;
	s20 =	spop (v2sf);
	(v2sf) =	vpush v0, $0xC  }
0x383: {  	s14 =	sadd.s32 s6, s14;
	s20 =	sand.u32 $0x1FFFFFF0, s20;
	s21 =	spop (v2sf)  }
0x384: {  	[tilespmem:s18], [sflag:$0x1] =	stream.linear.gather [hbm4b:s14+s1], $0x80, $0x38;
	(v2sf) =	vpush v0, $0xD;
	[tilespmem:$0x18600] =	vst v63  }
0x385: {  	s14 =	sadd.s32 s6, s20;
	s18 =	sand.u32 $0x1FFFFFF0, s21;
	s20 =	spop (v2sf)  }
0x386: {  	[tilespmem:s19], [sflag:$0x1] =	stream.linear.gather [hbm4b:s14+s1], $0x80, $0x38;
	(v2sf) =	vpush v0, $0xE;
	[tilespmem:$0x18600] =	vst v63  }
0x387: {  	s14 =	sadd.s32 s6, s15;
	s15 =	sand.u32 $0x1FFFFFF0, s20;
	s19 =	spop (v2sf)  }
0x388: {  	[tilespmem:s16], [sflag:$0x1] =	stream.linear.gather [hbm4b:s14+s1], $0x80, $0x38;
	(v2sf) =	vpush v0, $0xF;
	[tilespmem:$0x18600] =	vst v63  }
0x389: {  	s14 =	sadd.s32 s6, s18;
	s16 =	sand.u32 $0x1FFFFFF0, s19;
	s18 =	spop (v2sf)  }
0x38a: {  	[tilespmem:s13], [sflag:$0x1] =	stream.linear.gather [hbm4b:s14+s1], $0x80, $0x38;
	[tilespmem:$0x18600] =	vst v63  }
0x38b: {  	s13 =	sadd.s32 s6, s15;
	s14 =	sand.u32 $0x1FFFFFF0, s18;
	s15 =	spop (v2sf)  }
0x38c: {  	[tilespmem:s17], [sflag:$0x1] =	stream.linear.gather [hbm4b:s13+s1], $0x80, $0x38;
	[tilespmem:$0x18600] =	vst v63  }
0x38d: {  	s13 =	sadd.s32 s6, s16;
	s15 =	sand.u32 $0x1FFFFFF0, s15;
	s16 =	spop (v2sf)  }
0x38e: {  	[tilespmem:s11], [sflag:$0x1] =	stream.linear.gather [hbm4b:s13+s1], $0x80, $0x38;
	[tilespmem:$0x18600] =	vst v63  }
0x38f: {  	s11 =	sadd.s32 s6, s14;
	s13 =	sand.u32 $0x1FFFFFF0, s16;
	s14 =	spop (v2sf)  }
0x390: {  	[tilespmem:s10], [sflag:$0x1] =	stream.linear.gather [hbm4b:s11+s1], $0x80, $0x38;
	[tilespmem:$0x18600] =	vst v63  }
0x391: {  	s10 =	sadd.s32 s6, s15;
	s11 =	sand.u32 $0x1FFFFFF0, s14;
	s14 =	spop (v2sf)  }
0x392: {  	[tilespmem:s12], [sflag:$0x1] =	stream.linear.gather [hbm4b:s10+s1], $0x80, $0x38;
	[tilespmem:$0x18600] =	vst v63  }
0x393: {  	s10 =	sadd.s32 s6, s13;
	s12 =	sand.u32 $0x1FFFFFF0, s14;
	s13 =	spop (v2sf)  }
0x394: {  	[tilespmem:s9], [sflag:$0x1] =	stream.linear.gather [hbm4b:s10+s1], $0x80, $0x38;
	[tilespmem:$0x18600] =	vst v63  }
0x395: {  	s9 =	sadd.s32 s6, s11;
	s10 =	sand.u32 $0x1FFFFFF0, s13;
	s11 =	spop (v2sf)  }
0x396: {  	[tilespmem:s8], [sflag:$0x1] =	stream.linear.gather [hbm4b:s9+s1], $0x80, $0x38;
	[tilespmem:$0x18600] =	vst v63  }
0x397: {  	s8 =	sadd.s32 s6, s12;
	s9 =	sand.u32 $0x1FFFFFF0, s11;
	s11 =	spop (v2sf)  }
0x398: {  	[tilespmem:s24], [sflag:$0x1] =	stream.linear.gather [hbm4b:s8+s1], $0x80, $0x38;
	[tilespmem:$0x18600] =	vst v63  }
0x399: {  	s8 =	sadd.s32 s6, s10;
	s10 =	sand.u32 $0x1FFFFFF0, s11  }
0x39a: {  	[tilespmem:s28], [sflag:$0x1] =	stream.linear.gather [hbm4b:s8+s1], $0x80, $0x38;
	[tilespmem:$0x18600] =	vst v63  }
0x39b: {  	s9 =	sadd.s32 s6, s9;
	s8 =	sadd.s32 $0x10D00, s31  }
0x39c: {  	[tilespmem:s8], [sflag:$0x1] =	stream.linear.gather [hbm4b:s9+s1], $0x80, $0x38;
	[tilespmem:$0x18600] =	vst v63  }
0x39d: {  	s8 =	sadd.s32 $0x10D80, s31;
	s9 =	sadd.s32 s6, s10  }
0x39e: {  	[tilespmem:s8], [sflag:$0x1] =	stream.linear.gather [hbm4b:s9+s1], $0x80, $0x38;
	[tilespmem:$0x18600] =	vst v63  }
0x39f: {  	v0 =	vld [tilespmem:s0+$0x0];
	_ =	sdelay $0x4  }
0x3a0: {  	v0 =	vshll.u32 v0, $0x4  }
0x3a1: {  	(v2sf) =	vpush v0, $0x0  }
0x3a2: {  	(v2sf) =	vpush v0, $0x1  }
0x3a3: {  	(v2sf) =	vpush v0, $0x2;
	_ =	sdelay $0x1  }
0x3a4: {  	(v2sf) =	vpush v0, $0x4  }
.Ltmp8:
0x3a5: {  	(pc) =	sbr.rel @p0 .LBB2_18-.Ltmp8, $3  }
0x3a6: {  	(v2sf) =	vpush v0, $0x3  }
0x3a7: {  	(v2sf) =	vpush v0, $0x5;
	_ =	sdelay $0x1  }
0x3a8: {  	s31 =	sshra.s32 s23, $0x2;
	(v2sf) =	vpush v0, $0x6  }
0x3a9: {  	_ =	sdelay $0x1  }
0x3aa: {  	s9 =	sadd.s32 $0x10680, s31;
	s8 =	sadd.s32 $0x10B80, s31  }
0x3ab: {  	s10 =	sadd.s32 $0x10980, s31;
	s0 =	sadd.s32 $0x10C00, s31;
	(v2sf) =	vpush v0, $0x7;
	s11 =	sadd.s32 $0x10880, s31  }
0x3ac: {  	s12 =	sadd.s32 $0x10A00, s31;
	s7 =	sadd.s32 $0x10C80, s31;
	s13 =	sadd.s32 $0x10600, s31  }
0x3ad: {  	s14 =	sadd.s32 $0x10800, s31;
	s15 =	sadd.s32 $0x10900, s31;
	(v2sf) =	vpush v0, $0x8;
	s16 =	spop (v2sf)  }
0x3ae: {  	s17 =	sadd.s32 $0x10700, s31;
	s16 =	sand.u32 $0x1FFFFFF0, s16;
	s18 =	spop (v2sf)  }
0x3af: {  	(v2sf) =	vpush v0, $0x9;
	s16 =	sadd.s32 s6, s16;
	s18 =	sand.u32 $0x1FFFFFF0, s18;
	s19 =	spop (v2sf)  }
0x3b0: {  	[tilespmem:s13], [sflag:$0x1] =	stream.linear.gather [hbm4b:s16+s1], $0x80, $0x38;
	[tilespmem:$0x18600] =	vst v63  }
0x3b1: {  	s20 =	sadd.s32 $0x10780, s31;
	(v2sf) =	vpush v0, $0xA;
	s24 =	sadd.s32 s6, s18;
	s28 =	spop (v2sf)  }
0x3b2: {  	[tilespmem:s9], [sflag:$0x1] =	stream.linear.gather [hbm4b:s24+s1], $0x80, $0x38;
	[tilespmem:$0x18600] =	vst v63  }
0x3b3: {  	s13 =	sadd.s32 $0x10B00, s31;
	s21 =	sand.u32 $0x1FFFFFF0, s19;
	(v2sf) =	vpush v0, $0xB;
	s23 =	spop (v2sf)  }
0x3b4: {  	s16 =	sadd.s32 s6, s21;
	s9 =	sadd.s32 $0x10A80, s31;
	s19 =	sand.u32 $0x1FFFFFF0, s23  }
0x3b5: {  	(v2sf) =	vpush v0, $0xC;
	[tilespmem:s17], [sflag:$0x1] =	stream.linear.gather [hbm4b:s16+s1], $0x80, $0x38;
	[tilespmem:$0x18600] =	vst v63  }
0x3b6: {  	s24 =	sand.u32 $0x1FFFFFF0, s28;
	s28 =	spop (v2sf);
	s21 =	sadd.s32 s6, s19  }
0x3b7: {  	(v2sf) =	vpush v0, $0xD;
	[tilespmem:s20], [sflag:$0x1] =	stream.linear.gather [hbm4b:s21+s1], $0x80, $0x38;
	[tilespmem:$0x18600] =	vst v63  }
0x3b8: {  	s16 =	sadd.s32 s6, s24;
	s17 =	sand.u32 $0x1FFFFFF0, s28;
	s23 =	spop (v2sf)  }
0x3b9: {  	(v2sf) =	vpush v0, $0xE;
	[tilespmem:s14], [sflag:$0x1] =	stream.linear.gather [hbm4b:s16+s1], $0x80, $0x38;
	[tilespmem:$0x18600] =	vst v63  }
0x3ba: {  	s17 =	sadd.s32 s6, s17;
	s24 =	sand.u32 $0x1FFFFFF0, s23;
	s28 =	spop (v2sf)  }
0x3bb: {  	(v2sf) =	vpush v0, $0xF;
	[tilespmem:s11], [sflag:$0x1] =	stream.linear.gather [hbm4b:s17+s1], $0x80, $0x38;
	[tilespmem:$0x18600] =	vst v63  }
0x3bc: {  	s18 =	sand.u32 $0x1FFFFFF0, s28;
	s19 =	spop (v2sf);
	s14 =	sadd.s32 s6, s24  }
0x3bd: {  	[tilespmem:s15], [sflag:$0x1] =	stream.linear.gather [hbm4b:s14+s1], $0x80, $0x38;
	[tilespmem:$0x18600] =	vst v63  }
0x3be: {  	s20 =	sand.u32 $0x1FFFFFF0, s19;
	s11 =	sadd.s32 s6, s18;
	s21 =	spop (v2sf)  }
0x3bf: {  	[tilespmem:s10], [sflag:$0x1] =	stream.linear.gather [hbm4b:s11+s1], $0x80, $0x38;
	[tilespmem:$0x18600] =	vst v63  }
0x3c0: {  	s14 =	sadd.s32 s6, s20;
	s23 =	sand.u32 $0x1FFFFFF0, s21;
	s24 =	spop (v2sf)  }
0x3c1: {  	[tilespmem:s12], [sflag:$0x1] =	stream.linear.gather [hbm4b:s14+s1], $0x80, $0x38;
	[tilespmem:$0x18600] =	vst v63  }
0x3c2: {  	s11 =	sand.u32 $0x1FFFFFF0, s24;
	s10 =	sadd.s32 s6, s23;
	s28 =	spop (v2sf)  }
0x3c3: {  	[tilespmem:s9], [sflag:$0x1] =	stream.linear.gather [hbm4b:s10+s1], $0x80, $0x38;
	[tilespmem:$0x18600] =	vst v63  }
0x3c4: {  	s11 =	sadd.s32 s6, s11;
	s12 =	sand.u32 $0x1FFFFFF0, s28;
	s14 =	spop (v2sf)  }
0x3c5: {  	[tilespmem:s13], [sflag:$0x1] =	stream.linear.gather [hbm4b:s11+s1], $0x80, $0x38;
	[tilespmem:$0x18600] =	vst v63  }
0x3c6: {  	s9 =	sadd.s32 s6, s12;
	s10 =	sand.u32 $0x1FFFFFF0, s14;
	s15 =	spop (v2sf)  }
0x3c7: {  	[tilespmem:s8], [sflag:$0x1] =	stream.linear.gather [hbm4b:s9+s1], $0x80, $0x38;
	[tilespmem:$0x18600] =	vst v63  }
0x3c8: {  	s16 =	sand.u32 $0x1FFFFFF0, s15;
	s10 =	sadd.s32 s6, s10;
	s17 =	spop (v2sf)  }
0x3c9: {  	[tilespmem:s0], [sflag:$0x1] =	stream.linear.gather [hbm4b:s10+s1], $0x80, $0x38;
	[tilespmem:$0x18600] =	vst v63  }
0x3ca: {  	s18 =	sand.u32 $0x1FFFFFF0, s17;
	s19 =	spop (v2sf);
	s8 =	sadd.s32 s6, s16  }
0x3cb: {  	[tilespmem:s7], [sflag:$0x1] =	stream.linear.gather [hbm4b:s8+s1], $0x80, $0x38;
	[tilespmem:$0x18600] =	vst v63  }
0x3cc: {  	s21 =	sadd.s32 $0x10D00, s31;
	s20 =	sand.u32 $0x1FFFFFF0, s19;
	s0 =	sadd.s32 s6, s18  }
0x3cd: {  	[tilespmem:s21], [sflag:$0x1] =	stream.linear.gather [hbm4b:s0+s1], $0x80, $0x38;
	[tilespmem:$0x18600] =	vst v63  }
0x3ce: {  	s23 =	sadd.s32 $0x10D80, s31;
	s7 =	sadd.s32 s6, s20  }
0x3cf: {  	[tilespmem:s23], [sflag:$0x1] =	stream.linear.gather [hbm4b:s7+s1], $0x80, $0x38;
	[tilespmem:$0x18600] =	vst v63  }
0x3d0: {  	_ =	swait.ge [sflag:s25], $0x8000  }
0x3d1: {  	[sflag:s25] =	ssyncset.done $0x0  }
0x3d2: {  	s31 =	simm.s32 $0x0;
	s24 =	rddreg [dreg:$0x10];
	[sflag:s25] =	ssyncadd.s32 $0xFFFF8000  }
0x3d3: {  	[hbm4b:s24+s31] =	stream.linear.scatter [tilespmem:s29], [sflag:$0x2], $0x8000, $0x38;
	[tilespmem:$0x18600] =	vst v63  }
0x3d4: {  	_ =	swait.ge [sflag:s22], $0x8000  }
0x3d5: {  	[sflag:s22] =	ssyncset.done $0x0  }
0x3d6: {  	s28 =	sand.u32 $0xF0, s31;
	[sflag:s22] =	ssyncadd.s32 $0xFFFF8000  }
0x3d7: {  	v0 =	vld [tilespmem:s28+$0x300];
	_ =	sdelay $0x4  }
0x3d8: {  	v0 =	vshll.u32 v0, $0x4  }
0x3d9: {  	(v2sf) =	vpush v0, $0x0  }
0x3da: {  	(v2sf) =	vpush v0, $0x2  }
0x3db: {  	(v2sf) =	vpush v0, $0x1;
	_ =	sdelay $0x1  }
0x3dc: {  	(v2sf) =	vpush v0, $0x3  }
0x3dd: {  	(v2sf) =	vpush v0, $0x4;
	_ =	sdelay $0x2  }
0x3de: {  	s0 =	simm.s32 $0x2000;
	s7 =	simm.s32 $0x10  }
.LBB2_20:
0x3df: {  	p0 =	sne.s32 s0, $0x1E000;
	(v2sf) =	vpush v0, $0x5;
	s8 =	smov.u32 s0;
	s0 =	sadd.s32 $0x2000, s0  }
0x3e0: {  	s23 =	sshra.s32 s31, $0x2;
	s31 =	smov.u32 s8  }
0x3e1: {  	s13 =	sadd.s32 $0x10680, s23;
	(v2sf) =	vpush v0, $0x6  }
0x3e2: {  	s14 =	sadd.s32 $0x10600, s23  }
0x3e3: {  	s28 =	sadd.s32 $0x10B80, s23;
	s8 =	sadd.s32 $0x10C00, s23;
	s24 =	sadd.s32 $0x10C80, s23;
	(v2sf) =	vpush v0, $0x7  }
0x3e4: {  	s11 =	sadd.s32 $0x10A00, s23;
	s10 =	sadd.s32 $0x10A80, s23;
	s9 =	sadd.s32 $0x10B00, s23  }
0x3e5: {  	s15 =	sadd.s32 $0x10900, s23;
	s12 =	sadd.s32 $0x10980, s23;
	s16 =	spop (v2sf);
	(v2sf) =	vpush v0, $0x8  }
0x3e6: {  	s17 =	sadd.s32 $0x10700, s23;
	s16 =	sand.u32 $0x1FFFFFF0, s16;
	s18 =	spop (v2sf)  }
0x3e7: {  	s19 =	sadd.s32 $0x10880, s23;
	s16 =	sadd.s32 s6, s16;
	s20 =	spop (v2sf);
	(v2sf) =	vpush v0, $0x9  }
0x3e8: {  	[tilespmem:s14], [sflag:$0x1] =	stream.linear.gather [hbm4b:s16+s1], $0x80, $0x38;
	[tilespmem:$0x18600] =	vst v63  }
0x3e9: {  	s14 =	sand.u32 $0x1FFFFFF0, s20;
	s16 =	sand.u32 $0x1FFFFFF0, s18;
	s18 =	spop (v2sf);
	(v2sf) =	vpush v0, $0xA  }
0x3ea: {  	s20 =	sadd.s32 $0x10800, s23;
	s14 =	sadd.s32 s6, s14;
	s21 =	spop (v2sf)  }
0x3eb: {  	[tilespmem:s13], [sflag:$0x1] =	stream.linear.gather [hbm4b:s14+s1], $0x80, $0x38;
	(v2sf) =	vpush v0, $0xB;
	[tilespmem:$0x18600] =	vst v63  }
0x3ec: {  	s13 =	sadd.s32 s6, s16;
	s14 =	sand.u32 $0x1FFFFFF0, s18;
	s16 =	sand.u32 $0x1FFFFFF0, s21  }
0x3ed: {  	[tilespmem:s17], [sflag:$0x1] =	stream.linear.gather [hbm4b:s13+s1], $0x80, $0x38;
	(v2sf) =	vpush v0, $0xC;
	[tilespmem:$0x18600] =	vst v63  }
0x3ee: {  	s14 =	sadd.s32 s6, s14;
	s13 =	sadd.s32 $0x10780, s23;
	s17 =	spop (v2sf)  }
0x3ef: {  	[tilespmem:s13], [sflag:$0x1] =	stream.linear.gather [hbm4b:s14+s1], $0x80, $0x38;
	(v2sf) =	vpush v0, $0xD;
	[tilespmem:$0x18600] =	vst v63  }
0x3f0: {  	s13 =	sadd.s32 s6, s16;
	s14 =	sand.u32 $0x1FFFFFF0, s17;
	s16 =	spop (v2sf)  }
0x3f1: {  	[tilespmem:s20], [sflag:$0x1] =	stream.linear.gather [hbm4b:s13+s1], $0x80, $0x38;
	(v2sf) =	vpush v0, $0xE;
	[tilespmem:$0x18600] =	vst v63  }
0x3f2: {  	s13 =	sadd.s32 s6, s14;
	s14 =	sand.u32 $0x1FFFFFF0, s16;
	s16 =	spop (v2sf)  }
0x3f3: {  	[tilespmem:s19], [sflag:$0x1] =	stream.linear.gather [hbm4b:s13+s1], $0x80, $0x38;
	(v2sf) =	vpush v0, $0xF;
	[tilespmem:$0x18600] =	vst v63  }
0x3f4: {  	s13 =	sadd.s32 s6, s14;
	s14 =	sand.u32 $0x1FFFFFF0, s16;
	s16 =	spop (v2sf)  }
0x3f5: {  	[tilespmem:s15], [sflag:$0x1] =	stream.linear.gather [hbm4b:s13+s1], $0x80, $0x38;
	[tilespmem:$0x18600] =	vst v63  }
0x3f6: {  	s13 =	sadd.s32 s6, s14;
	s14 =	sand.u32 $0x1FFFFFF0, s16;
	s15 =	spop (v2sf)  }
0x3f7: {  	[tilespmem:s12], [sflag:$0x1] =	stream.linear.gather [hbm4b:s13+s1], $0x80, $0x38;
	[tilespmem:$0x18600] =	vst v63  }
0x3f8: {  	s12 =	sadd.s32 s6, s14;
	s13 =	sand.u32 $0x1FFFFFF0, s15;
	s14 =	spop (v2sf)  }
0x3f9: {  	[tilespmem:s11], [sflag:$0x1] =	stream.linear.gather [hbm4b:s12+s1], $0x80, $0x38;
	[tilespmem:$0x18600] =	vst v63  }
0x3fa: {  	s11 =	sadd.s32 s6, s13;
	s12 =	sand.u32 $0x1FFFFFF0, s14;
	s13 =	spop (v2sf)  }
0x3fb: {  	[tilespmem:s10], [sflag:$0x1] =	stream.linear.gather [hbm4b:s11+s1], $0x80, $0x38;
	[tilespmem:$0x18600] =	vst v63  }
0x3fc: {  	s10 =	sadd.s32 s6, s12;
	s11 =	sand.u32 $0x1FFFFFF0, s13;
	s12 =	spop (v2sf)  }
0x3fd: {  	[tilespmem:s9], [sflag:$0x1] =	stream.linear.gather [hbm4b:s10+s1], $0x80, $0x38;
	[tilespmem:$0x18600] =	vst v63  }
0x3fe: {  	s9 =	sadd.s32 s6, s11;
	s10 =	sand.u32 $0x1FFFFFF0, s12;
	s11 =	spop (v2sf)  }
0x3ff: {  	[tilespmem:s28], [sflag:$0x1] =	stream.linear.gather [hbm4b:s9+s1], $0x80, $0x38;
	[tilespmem:$0x18600] =	vst v63  }
0x400: {  	s9 =	sadd.s32 s6, s10;
	s10 =	sand.u32 $0x1FFFFFF0, s11;
	s11 =	spop (v2sf)  }
0x401: {  	[tilespmem:s8], [sflag:$0x1] =	stream.linear.gather [hbm4b:s9+s1], $0x80, $0x38;
	[tilespmem:$0x18600] =	vst v63  }
0x402: {  	s8 =	sadd.s32 s6, s10;
	s9 =	sand.u32 $0x1FFFFFF0, s11;
	s10 =	spop (v2sf)  }
0x403: {  	[tilespmem:s24], [sflag:$0x1] =	stream.linear.gather [hbm4b:s8+s1], $0x80, $0x38;
	[tilespmem:$0x18600] =	vst v63  }
0x404: {  	s9 =	sadd.s32 s6, s9;
	s8 =	sadd.s32 $0x10D00, s23;
	s10 =	sand.u32 $0x1FFFFFF0, s10  }
0x405: {  	[tilespmem:s8], [sflag:$0x1] =	stream.linear.gather [hbm4b:s9+s1], $0x80, $0x38;
	[tilespmem:$0x18600] =	vst v63  }
0x406: {  	s10 =	sadd.s32 s6, s10;
	s8 =	sand.u32 $0xF0, s7;
	s9 =	sadd.s32 $0x10D80, s23  }
0x407: {  	[tilespmem:s9], [sflag:$0x1] =	stream.linear.gather [hbm4b:s10+s1], $0x80, $0x38;
	[tilespmem:$0x18600] =	vst v63  }
0x408: {  	v0 =	vld [tilespmem:s8+$0x300];
	_ =	sdelay $0x4  }
0x409: {  	v0 =	vshll.u32 v0, $0x4  }
0x40a: {  	(v2sf) =	vpush v0, $0x0  }
0x40b: {  	(v2sf) =	vpush v0, $0x2  }
0x40c: {  	(v2sf) =	vpush v0, $0x1;
	_ =	sdelay $0x1  }
.Ltmp9:
0x40d: {  	(v2sf) =	vpush v0, $0x3;
	(pc) =	sbr.rel @p0 .LBB2_20-.Ltmp9, $2  }
0x40e: {  	(v2sf) =	vpush v0, $0x4;
	_ =	sdelay $0x2  }
0x40f: {  	s7 =	sadd.s32 $0x10, s7  }
0x410: {  	(v2sf) =	vpush v0, $0x5;
	_ =	sdelay $0x1  }
0x411: {  	s0 =	sshra.s32 s31, $0x2;
	(v2sf) =	vpush v0, $0x6  }
0x412: {  	s10 =	sadd.s32 $0x10680, s0;
	s11 =	sadd.s32 $0x10600, s0  }
0x413: {  	s9 =	sadd.s32 $0x10B80, s0;
	s8 =	sadd.s32 $0x10C00, s0;
	s7 =	sadd.s32 $0x10C80, s0;
	(v2sf) =	vpush v0, $0x7  }
0x414: {  	s12 =	sadd.s32 $0x10A00, s0;
	s13 =	sadd.s32 $0x10A80, s0;
	s14 =	sadd.s32 $0x10B00, s0  }
0x415: {  	s15 =	sadd.s32 $0x10900, s0;
	s16 =	sadd.s32 $0x10980, s0;
	s17 =	spop (v2sf);
	(v2sf) =	vpush v0, $0x8  }
0x416: {  	s18 =	sadd.s32 $0x10700, s0;
	s17 =	sand.u32 $0x1FFFFFF0, s17;
	s19 =	spop (v2sf)  }
0x417: {  	s20 =	sadd.s32 $0x10880, s0;
	s17 =	sadd.s32 s6, s17;
	s21 =	spop (v2sf);
	(v2sf) =	vpush v0, $0x9  }
0x418: {  	[tilespmem:s11], [sflag:$0x1] =	stream.linear.gather [hbm4b:s17+s1], $0x80, $0x38;
	[tilespmem:$0x18600] =	vst v63  }
0x419: {  	s28 =	sand.u32 $0x1FFFFFF0, s19;
	s24 =	sand.u32 $0x1FFFFFF0, s21;
	s31 =	spop (v2sf);
	(v2sf) =	vpush v0, $0xA  }
0x41a: {  	s19 =	sadd.s32 $0x10780, s0;
	s11 =	sadd.s32 s6, s24;
	s23 =	spop (v2sf)  }
0x41b: {  	[tilespmem:s10], [sflag:$0x1] =	stream.linear.gather [hbm4b:s11+s1], $0x80, $0x38;
	(v2sf) =	vpush v0, $0xB;
	[tilespmem:$0x18600] =	vst v63  }
0x41c: {  	s21 =	sadd.s32 $0x10800, s0;
	s24 =	sadd.s32 s6, s28;
	s28 =	sand.u32 $0x1FFFFFF0, s31  }
0x41d: {  	(v2sf) =	vpush v0, $0xC;
	[tilespmem:s18], [sflag:$0x1] =	stream.linear.gather [hbm4b:s24+s1], $0x80, $0x38;
	[tilespmem:$0x18600] =	vst v63  }
0x41e: {  	s31 =	sand.u32 $0x1FFFFFF0, s23;
	s11 =	sadd.s32 s6, s28;
	s23 =	spop (v2sf)  }
0x41f: {  	[tilespmem:s19], [sflag:$0x1] =	stream.linear.gather [hbm4b:s11+s1], $0x80, $0x38;
	(v2sf) =	vpush v0, $0xD;
	[tilespmem:$0x18600] =	vst v63  }
0x420: {  	s24 =	sadd.s32 s6, s31;
	s28 =	sand.u32 $0x1FFFFFF0, s23;
	s31 =	spop (v2sf)  }
0x421: {  	(v2sf) =	vpush v0, $0xE;
	[tilespmem:s21], [sflag:$0x1] =	stream.linear.gather [hbm4b:s24+s1], $0x80, $0x38;
	[tilespmem:$0x18600] =	vst v63  }
0x422: {  	s11 =	sadd.s32 s6, s28;
	s18 =	sand.u32 $0x1FFFFFF0, s31;
	s19 =	spop (v2sf)  }
0x423: {  	(v2sf) =	vpush v0, $0xF;
	[tilespmem:s20], [sflag:$0x1] =	stream.linear.gather [hbm4b:s11+s1], $0x80, $0x38;
	[tilespmem:$0x18600] =	vst v63  }
0x424: {  	s21 =	sand.u32 $0x1FFFFFF0, s19;
	s20 =	sadd.s32 s6, s18;
	s23 =	spop (v2sf)  }
0x425: {  	[tilespmem:s15], [sflag:$0x1] =	stream.linear.gather [hbm4b:s20+s1], $0x80, $0x38;
	[tilespmem:$0x18600] =	vst v63  }
0x426: {  	s24 =	sadd.s32 s6, s21;
	s28 =	sand.u32 $0x1FFFFFF0, s23;
	s31 =	spop (v2sf)  }
0x427: {  	[tilespmem:s16], [sflag:$0x1] =	stream.linear.gather [hbm4b:s24+s1], $0x80, $0x38;
	[tilespmem:$0x18600] =	vst v63  }
0x428: {  	s17 =	sadd.s32 s6, s28;
	s18 =	sand.u32 $0x1FFFFFF0, s31;
	s19 =	spop (v2sf)  }
0x429: {  	[tilespmem:s12], [sflag:$0x1] =	stream.linear.gather [hbm4b:s17+s1], $0x80, $0x38;
	[tilespmem:$0x18600] =	vst v63  }
0x42a: {  	s20 =	sadd.s32 s6, s18;
	s21 =	sand.u32 $0x1FFFFFF0, s19;
	s23 =	spop (v2sf)  }
0x42b: {  	[tilespmem:s13], [sflag:$0x1] =	stream.linear.gather [hbm4b:s20+s1], $0x80, $0x38;
	[tilespmem:$0x18600] =	vst v63  }
0x42c: {  	s24 =	sadd.s32 s6, s21;
	s28 =	sand.u32 $0x1FFFFFF0, s23;
	s31 =	spop (v2sf)  }
0x42d: {  	[tilespmem:s14], [sflag:$0x1] =	stream.linear.gather [hbm4b:s24+s1], $0x80, $0x38;
	[tilespmem:$0x18600] =	vst v63  }
0x42e: {  	s11 =	sadd.s32 s6, s28;
	s12 =	sand.u32 $0x1FFFFFF0, s31;
	s13 =	spop (v2sf)  }
0x42f: {  	[tilespmem:s9], [sflag:$0x1] =	stream.linear.gather [hbm4b:s11+s1], $0x80, $0x38;
	[tilespmem:$0x18600] =	vst v63  }
0x430: {  	s14 =	sadd.s32 s6, s12;
	s15 =	sand.u32 $0x1FFFFFF0, s13;
	s16 =	spop (v2sf)  }
0x431: {  	[tilespmem:s8], [sflag:$0x1] =	stream.linear.gather [hbm4b:s14+s1], $0x80, $0x38;
	[tilespmem:$0x18600] =	vst v63  }
0x432: {  	s17 =	sadd.s32 s6, s15;
	s18 =	sand.u32 $0x1FFFFFF0, s16;
	s19 =	spop (v2sf)  }
0x433: {  	[tilespmem:s7], [sflag:$0x1] =	stream.linear.gather [hbm4b:s17+s1], $0x80, $0x38;
	[tilespmem:$0x18600] =	vst v63  }
0x434: {  	s20 =	sadd.s32 $0x10D00, s0;
	s21 =	sadd.s32 s6, s18;
	s23 =	sand.u32 $0x1FFFFFF0, s19  }
0x435: {  	[tilespmem:s20], [sflag:$0x1] =	stream.linear.gather [hbm4b:s21+s1], $0x80, $0x38;
	[tilespmem:$0x18600] =	vst v63  }
0x436: {  	s0 =	sadd.s32 $0x10D80, s0;
	s24 =	sadd.s32 s6, s23  }
0x437: {  	[tilespmem:s0], [sflag:$0x1] =	stream.linear.gather [hbm4b:s24+s1], $0x80, $0x38;
	[tilespmem:$0x18600] =	vst v63  }
0x438: {  	_ =	swait.ge [sflag:s25], $0x8000  }
0x439: {  	[sflag:s25] =	ssyncset.done $0x0  }
0x43a: {  	s28 =	rddreg [dreg:$0x11];
	[sflag:s25] =	ssyncadd.s32 $0xFFFF8000  }
0x43b: {  	[hbm4b:s28+s1] =	stream.linear.scatter [tilespmem:s29], [sflag:$0x2], $0x8000, $0x38;
	[tilespmem:$0x18600] =	vst v63  }
0x43c: {  	_ =	swait.ge [sflag:s22], $0x8000  }
0x43d: {  	s30 =	sadd.s32 $0x1, s30;
	s31 =	rddreg [dreg:$0x12]  }
0x43e: {  	p0 =	sne.s32 s30, s31  }
.Ltmp10:
0x43f: {  	_ = 	snop;
	(pc) =	sbr.rel @p0 .LBB2_1-.Ltmp10, $3  }
0x440: {  	_ =	sdelay $0x1  }
0x441: {  	[sflag:s22] =	ssyncset.done $0x0  }
0x442: {  	[sflag:s22] =	ssyncadd.s32 $0xFFFF8000  }
0x443: {  	_ =	sfence.sel $0x180000  }
0x444: {  	[bflag:$0x0] =	sbarrier.arrive $0xFFFF  }
0x445: {  	_ =	strace $0x90000047  }
0x446: {  	s0 =	stileid.u32;
	[bflag:$0x2] =	sbarrier.arrive $0xFFFF  }
0x447: {  	p0 =	sne.s32 s0, $0x0;
	s0 =	rddreg [dreg:$0x4]  }
0x448: {  	s0 =	sadd.s32 @!p0 $0x100000, s0  }
0x449: {  	[sflag:s0] =	ssyncadd.tile.s32 @!p0 $0x1;
	_ =	shalt  }
.Lfunc_end2:
_tile_overlayer_lowered:
.L_overlay_start_2:
0x44a: {  	(tag) =	ssettag $0x2  }
0x44b: {  	s0 =	rddreg [dreg:$0x0];
	s2 =	stileid.u32  }
0x44c: {  	s1 =	rddreg [dreg:$0x1];
	p0 =	sne.s32 s2, $0x0  }
0x44d: {  	s3 =	rddreg [dreg:$0x2];
	[bflag:$0x3] =	sbarrier.arrive $0xFFFF;
	s2 =	simm.s32 @!p0 $0x1C02  }
0x44e: {  	[timem:s3], [sflag:s2] =	dma.local @!p0 [hbm:s0], s1  }
0x44f: {  	s0 =	simm.s32 @!p0 $0x2  }
0x450: {  	_ =	swait.ge @!p0 [sflag:s0], s1  }
0x451: {  	s1 =	ssub.s32 @!p0 $0x0, s1;
	[sflag:s0] =	ssyncset.done @!p0 $0x0  }
0x452: {  	[sflag:s0] =	ssyncadd.s32 @!p0 s1  }
0x453: {  	[bflag:$0x3] =	sbarrier.arrive $0xFFFF  }
0x454: {  	_ =	shalt  }

</sc_bundles>
